<compile_context>
chip_gen: v7x
topology: tpu7x:2x2x1
jax: 0.10.2.dev20260603
libtpu: 0.0.44.dev20260713+nightly
codegen_flags: <defaults>
</compile_context>

<pallas_src>
import functools

import jax
import jax.numpy as jnp
from jax import lax
from jax.experimental import pallas as pl
from jax.experimental.pallas import tpu as pltpu
from jax.experimental.pallas import tpu_sc as plsc

N = 100000
E = 3200000
S = 100000
OUT_CH = 32
HID = 128

NC = 2
NS = 16
NW = NC * NS
CH = 128
KB = 8

NP = 100352
RT = NP // NS
EP = NW * 98 * KB * CH
ROWS_E = EP // CH
RPT_E = ROWS_E // NW
BPT_E = RPT_E // KB
KS = 5
SP = NW * 25 * CH
ROWS_S = SP // CH
RPT_S = ROWS_S // NW

_sc_mesh = plsc.VectorSubcoreMesh(core_axis_name="c", subcore_axis_name="s")
_sc_params = pltpu.CompilerParams(use_tc_tiling_on_sc=False)


@functools.partial(
    pl.kernel,
    out_type=jax.ShapeDtypeStruct((NC, NP), jnp.float32),
    mesh=_sc_mesh,
    compiler_params=_sc_params,
    scratch_types=[
        pltpu.VMEM((2, KB, CH), jnp.int32),
        pltpu.VMEM((CH,), jnp.float32),
        pltpu.VMEM((CH,), jnp.float32),
        pltpu.VMEM_SHARED((NP,), jnp.float32),
        pltpu.SemaphoreType.DMA,
        pltpu.SemaphoreType.DMA,
    ],
)
def _deg_sc(dst_hbm, zeros_hbm, out_hbm, idx_v, ones_v, drain_v, deg_sh,
            lsem, ssem):
    cid = lax.axis_index("c")
    sid = lax.axis_index("s")
    wid = sid * NC + cid
    for i in range(CH // 16):
        ones_v[pl.ds(i * 16, 16)] = jnp.full((16,), 1.0, jnp.float32)
    pltpu.sync_copy(zeros_hbm.at[pl.ds(sid * RT, RT)],
                    deg_sh.at[pl.ds(sid * RT, RT)])
    plsc.subcore_barrier()
    base = wid * RPT_E

    pltpu.sync_copy(dst_hbm.at[pl.ds(base, KB)], idx_v.at[0])

    def body(k, carry):
        b = lax.rem(k, 2)

        @pl.when(k + 1 < BPT_E)
        def _():
            row = base + (k + 1) * KB
            pltpu.async_copy(dst_hbm.at[pl.ds(row, KB)],
                             idx_v.at[1 - b], lsem)

        for j in range(KB):
            pltpu.async_copy(ones_v, deg_sh.at[idx_v.at[b].at[j]],
                             ssem, add=True)

        @pl.when(k + 1 < BPT_E)
        def _():
            pltpu.make_async_copy(dst_hbm.at[pl.ds(base, KB)],
                                  idx_v.at[0], lsem).wait()
        for _ in range(KB):
            pltpu.make_async_copy(zeros_hbm.at[pl.ds(0, CH)],
                                  drain_v, ssem).wait()
        return carry

    lax.fori_loop(0, BPT_E, body, 0)
    plsc.subcore_barrier()
    pltpu.sync_copy(deg_sh.at[pl.ds(sid * RT, RT)],
                    out_hbm.at[cid, pl.ds(sid * RT, RT)])


@functools.partial(
    pl.kernel,
    out_type=[jax.ShapeDtypeStruct((NC, NP), jnp.float32),
              jax.ShapeDtypeStruct((NC, NP), jnp.float32)],
    mesh=_sc_mesh,
    compiler_params=_sc_params,
    scratch_types=[
        pltpu.VMEM((2, KB, CH), jnp.int32),
        pltpu.VMEM((2, KB, CH), jnp.int32),
        pltpu.VMEM((2, KB, CH), jnp.float32),
        pltpu.VMEM((2, KB, CH), jnp.float32),
        pltpu.VMEM((CH,), jnp.float32),
        pltpu.VMEM_SHARED((NP,), jnp.float32),
        pltpu.VMEM_SHARED((NP,), jnp.float32),
        pltpu.SemaphoreType.DMA,
        pltpu.SemaphoreType.DMA,
        pltpu.SemaphoreType.DMA,
    ],
)
def _edge_sc(src_hbm, dst_hbm, y0_hbm, y1_hbm, zeros_hbm, t0_out, t1_out,
             sidx_v, didx_v, v0_v, v1_v, drain_v, t0_sh, t1_sh,
             lsem, gsem, ssem):
    cid = lax.axis_index("c")
    sid = lax.axis_index("s")
    wid = sid * NC + cid
    pltpu.sync_copy(zeros_hbm.at[pl.ds(sid * RT, RT)],
                    t0_sh.at[pl.ds(sid * RT, RT)])
    pltpu.sync_copy(zeros_hbm.at[pl.ds(sid * RT, RT)],
                    t1_sh.at[pl.ds(sid * RT, RT)])
    plsc.subcore_barrier()
    base = wid * RPT_E

    def fire_gathers(b):
        for j in range(KB):
            pltpu.async_copy(y0_hbm.at[sidx_v.at[b].at[j]],
                             v0_v.at[b].at[j], gsem)
            pltpu.async_copy(y1_hbm.at[sidx_v.at[b].at[j]],
                             v1_v.at[b].at[j], gsem)

    def drain(sem, n):
        for _ in range(n):
            pltpu.make_async_copy(zeros_hbm.at[pl.ds(0, CH)],
                                  drain_v, sem).wait()

    pltpu.sync_copy(src_hbm.at[pl.ds(base, KB)], sidx_v.at[0])
    pltpu.sync_copy(dst_hbm.at[pl.ds(base, KB)], didx_v.at[0])
    fire_gathers(0)

    def body(k, carry):
        b = lax.rem(k, 2)
        nb = 1 - b

        @pl.when(k + 1 < BPT_E)
        def _():
            row = base + (k + 1) * KB
            pltpu.async_copy(src_hbm.at[pl.ds(row, KB)], sidx_v.at[nb], lsem)
            pltpu.async_copy(dst_hbm.at[pl.ds(row, KB)], didx_v.at[nb], lsem)

        drain(gsem, 2 * KB)
        for j in range(KB):
            pltpu.async_copy(v0_v.at[b].at[j], t0_sh.at[didx_v.at[b].at[j]],
                             ssem, add=True)
            pltpu.async_copy(v1_v.at[b].at[j], t1_sh.at[didx_v.at[b].at[j]],
                             ssem, add=True)

        @pl.when(k + 1 < BPT_E)
        def _():
            for _i in range(2):
                pltpu.make_async_copy(src_hbm.at[pl.ds(base, KB)],
                                      sidx_v.at[0], lsem).wait()
            fire_gathers(nb)

        drain(ssem, 2 * KB)
        return carry

    lax.fori_loop(0, BPT_E, body, 0)
    plsc.subcore_barrier()
    pltpu.sync_copy(t0_sh.at[pl.ds(sid * RT, RT)],
                    t0_out.at[cid, pl.ds(sid * RT, RT)])
    pltpu.sync_copy(t1_sh.at[pl.ds(sid * RT, RT)],
                    t1_out.at[cid, pl.ds(sid * RT, RT)])


@functools.partial(
    pl.kernel,
    out_type=[jax.ShapeDtypeStruct((2, SP), jnp.float32),
              jax.ShapeDtypeStruct((2, SP), jnp.float32)],
    mesh=_sc_mesh,
    compiler_params=_sc_params,
    scratch_types=[
        pltpu.VMEM((KS, CH), jnp.int32),
        pltpu.VMEM((KS * CH,), jnp.float32),
        pltpu.VMEM((KS * CH,), jnp.float32),
        pltpu.SemaphoreType.DMA,
    ],
)
def _sample_sc(sidx_hbm, a0_hbm, a1_hbm, o0_hbm, o1_hbm,
               idx_v, r0_v, r1_v, sem):
    cid = lax.axis_index("c")
    sid = lax.axis_index("s")
    wid = sid * NC + cid
    base = wid * RPT_S
    for col in range(2):
        def body(b, carry):
            row = base + b * KS
            pltpu.sync_copy(sidx_hbm.at[col, pl.ds(row, KS)], idx_v)
            gd = []
            for j in range(KS):
                gd.append(pltpu.async_copy(a0_hbm.at[idx_v.at[j]],
                                           r0_v.at[pl.ds(j * CH, CH)], sem))
                gd.append(pltpu.async_copy(a1_hbm.at[idx_v.at[j]],
                                           r1_v.at[pl.ds(j * CH, CH)], sem))
            for d in gd:
                d.wait()
            pltpu.sync_copy(r0_v, o0_hbm.at[col, pl.ds(row * CH, KS * CH)])
            pltpu.sync_copy(r1_v, o1_hbm.at[col, pl.ds(row * CH, KS * CH)])
            return carry

        lax.fori_loop(0, RPT_S // KS, body, 0)


_WN = NP // 4
_WS = SP // 8


def _prep_body(degp_ref, xt_ref, yd_ref):
    deg = 1.0 + degp_ref[0:1, :] + degp_ref[1:2, :]
    dinv = lax.rsqrt(deg)
    y0 = xt_ref[0:1, :] * dinv
    y1 = xt_ref[1:2, :] * dinv
    zero5 = jnp.zeros((5, deg.shape[1]), jnp.float32)
    yd_ref[...] = jnp.concatenate([y0, y1, dinv, zero5], axis=0)


def _gate_t(a0, a1, W_ref, bc_ref, WlT_ref, blc_ref):
    c = a0 * W_ref[0:1, :].T + a1 * W_ref[1:2, :].T + bc_ref[...]
    return jnp.dot(WlT_ref[...], c.astype(jnp.bfloat16),
                   preferred_element_type=jnp.float32) + blc_ref[...]


def _combine_body(t0p_ref, t1p_ref, yd_ref, Wz_ref, bzc_ref, WlzT_ref,
                  blzc_ref, Wh_ref, bhc_ref, WlhT_ref, blhc_ref,
                  outt_ref, a0_ref, a1_ref):
    dinv = yd_ref[2:3, :]
    a0 = (t0p_ref[0:1, :] + t0p_ref[1:2, :] + yd_ref[0:1, :]) * dinv
    a1 = (t1p_ref[0:1, :] + t1p_ref[1:2, :] + yd_ref[1:2, :]) * dinv
    zint = _gate_t(a0, a1, Wz_ref, bzc_ref, WlzT_ref, blzc_ref)
    hint = _gate_t(a0, a1, Wh_ref, bhc_ref, WlhT_ref, blhc_ref)
    outt_ref[...] = (1.0 - jax.nn.sigmoid(zint)) * jnp.tanh(hint)
    a0_ref[...] = a0
    a1_ref[...] = a1


def _head_body(g0_ref, g1_ref, Wz_ref, bzc_ref, WlzT_ref, blzc_ref,
               Wh_ref, bhc_ref, WlhT_ref, blhc_ref,
               Wc1T_ref, bc1c_ref, Wc2T_ref, bc2c_ref, predt_ref):
    def emb(r):
        a0 = g0_ref[r:r + 1, :]
        a1 = g1_ref[r:r + 1, :]
        zint = _gate_t(a0, a1, Wz_ref, bzc_ref, WlzT_ref, blzc_ref)
        hint = _gate_t(a0, a1, Wh_ref, bhc_ref, WlhT_ref, blhc_ref)
        return (1.0 - jax.nn.sigmoid(zint)) * jnp.tanh(hint)

    iet = emb(0) * emb(1)
    h1t = jax.nn.relu(
        jnp.dot(Wc1T_ref[...], iet.astype(jnp.bfloat16),
                preferred_element_type=jnp.float32) + bc1c_ref[...])
    predt_ref[...] = (
        jnp.dot(Wc2T_ref[...], h1t.astype(jnp.bfloat16),
                preferred_element_type=jnp.float32) + bc2c_ref[...])


def _full(shape):
    return pl.BlockSpec(shape, lambda i: (0,) * len(shape))


def _cols(shape):
    return pl.BlockSpec(shape, lambda i: (0,) * (len(shape) - 1) + (i,))


def _q(w):
    u = lax.bitcast_convert_type(w, jnp.uint32)
    r = (u + jnp.uint32(0x7FFF) + ((u >> 16) & jnp.uint32(1))) \
        & jnp.uint32(0xFFFF0000)
    return lax.bitcast_convert_type(r, jnp.float32)


def kernel(x, edge_index, samples, Wz, bz, Wr, br, Wh, bh,
           Wlz, blz, Wlr, blr, Wlh, blh, Wc1, bc1, Wc2, bc2):
    f32 = jnp.float32

    pad_idx = N + (jnp.arange(EP - E, dtype=jnp.int32) % 256)
    src = jnp.concatenate([edge_index[0], pad_idx]).reshape(ROWS_E, CH)
    dst = jnp.concatenate([edge_index[1], pad_idx]).reshape(ROWS_E, CH)
    xt = _q(jnp.concatenate([x.T, jnp.zeros((2, NP - N), f32)], axis=1))
    zeros1 = jnp.zeros((NP,), f32)

    degp = _deg_sc(dst, zeros1)

    yd = pl.pallas_call(
        _prep_body,
        grid=(NP // _WN,),
        in_specs=[_cols((NC, _WN)), _cols((2, _WN))],
        out_specs=[_cols((8, _WN))],
        out_shape=[jax.ShapeDtypeStruct((8, NP), f32)],
    )(degp, xt)[0]

    t0p, t1p = _edge_sc(src, dst, yd[0], yd[1], zeros1)

    outt, a0, a1 = pl.pallas_call(
        _combine_body,
        grid=(NP // _WN,),
        in_specs=[_cols((NC, _WN)), _cols((NC, _WN)), _cols((8, _WN)),
                  _full((2, OUT_CH)), _full((OUT_CH, 1)),
                  _full((OUT_CH, OUT_CH)), _full((OUT_CH, 1)),
                  _full((2, OUT_CH)), _full((OUT_CH, 1)),
                  _full((OUT_CH, OUT_CH)), _full((OUT_CH, 1))],
        out_specs=[_cols((OUT_CH, _WN)), _cols((1, _WN)), _cols((1, _WN))],
        out_shape=[jax.ShapeDtypeStruct((OUT_CH, NP), f32),
                   jax.ShapeDtypeStruct((1, NP), f32),
                   jax.ShapeDtypeStruct((1, NP), f32)],
    )(t0p, t1p, yd, _q(Wz), bz.reshape(OUT_CH, 1),
      Wlz[:OUT_CH].T.astype(jnp.bfloat16), blz.reshape(OUT_CH, 1),
      _q(Wh), bh.reshape(OUT_CH, 1),
      Wlh[:OUT_CH].T.astype(jnp.bfloat16), blh.reshape(OUT_CH, 1))

    sidx = jnp.concatenate(
        [samples.T, jnp.zeros((2, SP - S), jnp.int32)],
        axis=1).reshape(2, ROWS_S, CH)
    g0, g1 = _sample_sc(sidx, a0.reshape(NP), a1.reshape(NP))

    predt = pl.pallas_call(
        _head_body,
        grid=(SP // _WS,),
        in_specs=[_cols((2, _WS)), _cols((2, _WS)),
                  _full((2, OUT_CH)), _full((OUT_CH, 1)),
                  _full((OUT_CH, OUT_CH)), _full((OUT_CH, 1)),
                  _full((2, OUT_CH)), _full((OUT_CH, 1)),
                  _full((OUT_CH, OUT_CH)), _full((OUT_CH, 1)),
                  _full((HID, OUT_CH)), _full((HID, 1)),
                  _full((1, HID)), _full((1, 1))],
        out_specs=[_cols((1, _WS))],
        out_shape=[jax.ShapeDtypeStruct((1, SP), f32)],
    )(g0, g1, _q(Wz), bz.reshape(OUT_CH, 1),
      Wlz[:OUT_CH].T.astype(jnp.bfloat16), blz.reshape(OUT_CH, 1),
      _q(Wh), bh.reshape(OUT_CH, 1),
      Wlh[:OUT_CH].T.astype(jnp.bfloat16), blh.reshape(OUT_CH, 1),
      Wc1.T.astype(jnp.bfloat16), bc1.reshape(HID, 1),
      Wc2.T.astype(jnp.bfloat16), bc2.reshape(1, 1))[0]

    return (predt[0, :S].reshape(S, 1), outt.T[:N])

# --- scband reference (transcript-rebuilt; emitter-appended) ---
"""Pipeline reference for scband-recurrent-gcn-33586644255252 (READ-ONLY COPY).

The authoritative reference and input builder live on the scoring server;
editing this copy changes nothing except your own understanding.
"""

import jax, jax.numpy as jnp
import numpy as np

N = 100000
E = 3200000
S = 100000
IN_CH = 2
OUT_CH = 32
HID = 128


def setup_inputs(seed: int = 0) -> dict:
    key = jax.random.key(seed)
    ks = jax.random.split(key, 24)
    x = jax.random.normal(ks[0], (N, IN_CH), dtype=jnp.float32)
    edge_index = jax.random.randint(ks[1], (2, E), 0, N, dtype=jnp.int32)
    samples = jax.random.randint(ks[2], (S, 2), 0, N, dtype=jnp.int32)
    s = 0.1
    # TGCN gate GCN conv weights (in=2 -> out=32)
    Wz = s * jax.random.normal(ks[3], (IN_CH, OUT_CH), dtype=jnp.float32)
    bz = jnp.zeros((OUT_CH,), jnp.float32)
    Wr = s * jax.random.normal(ks[4], (IN_CH, OUT_CH), dtype=jnp.float32)
    br = jnp.zeros((OUT_CH,), jnp.float32)
    Wh = s * jax.random.normal(ks[5], (IN_CH, OUT_CH), dtype=jnp.float32)
    bh = jnp.zeros((OUT_CH,), jnp.float32)
    # TGCN gate linear layers (cat(conv, H): 64 -> 32)
    Wlz = s * jax.random.normal(ks[6], (2 * OUT_CH, OUT_CH), dtype=jnp.float32)
    blz = jnp.zeros((OUT_CH,), jnp.float32)
    Wlr = s * jax.random.normal(ks[7], (2 * OUT_CH, OUT_CH), dtype=jnp.float32)
    blr = jnp.zeros((OUT_CH,), jnp.float32)
    Wlh = s * jax.random.normal(ks[8], (2 * OUT_CH, OUT_CH), dtype=jnp.float32)
    blh = jnp.zeros((OUT_CH,), jnp.float32)
    # Classifier MLP (32 -> 128 -> 1)
    Wc1 = s * jax.random.normal(ks[9], (OUT_CH, HID), dtype=jnp.float32)
    bc1 = jnp.zeros((HID,), jnp.float32)
    Wc2 = s * jax.random.normal(ks[10], (HID, 1), dtype=jnp.float32)
    bc2 = jnp.zeros((1,), jnp.float32)
    return {"x": x, "edge_index": edge_index, "samples": samples,
            "Wz": Wz, "bz": bz, "Wr": Wr, "br": br, "Wh": Wh, "bh": bh,
            "Wlz": Wlz, "blz": blz, "Wlr": Wlr, "blr": blr, "Wlh": Wlh, "blh": blh,
            "Wc1": Wc1, "bc1": bc1, "Wc2": Wc2, "bc2": bc2}


def _gcn_conv(x, src, dst, norm, W, b, n):
    # GCNConv: D^{-1/2} (A + I) D^{-1/2} X W + b
    xw = x @ W
    msg = xw[src] * norm[:, None]
    out = jnp.zeros((n, xw.shape[1]), xw.dtype).at[dst].add(msg)
    return out + b


def reference(x, edge_index, samples, Wz, bz, Wr, br, Wh, bh,
              Wlz, blz, Wlr, blr, Wlh, blh, Wc1, bc1, Wc2, bc2):
    n = x.shape[0]
    loop = jnp.arange(n, dtype=edge_index.dtype)
    src = jnp.concatenate([edge_index[0], loop])
    dst = jnp.concatenate([edge_index[1], loop])
    deg = jnp.zeros((n,), x.dtype).at[dst].add(1.0)
    dinv = jnp.where(deg > 0, jax.lax.rsqrt(jnp.maximum(deg, 1e-12)), 0.0)
    norm = dinv[src] * dinv[dst]

    # TGCN cell, single step, H0 = 0
    H = jnp.zeros((n, OUT_CH), x.dtype)
    cz = _gcn_conv(x, src, dst, norm, Wz, bz, n)
    Z = jax.nn.sigmoid(jnp.concatenate([cz, H], axis=1) @ Wlz + blz)
    cr = _gcn_conv(x, src, dst, norm, Wr, br, n)
    R = jax.nn.sigmoid(jnp.concatenate([cr, H], axis=1) @ Wlr + blr)
    ch = _gcn_conv(x, src, dst, norm, Wh, bh, n)
    H_tilde = jnp.tanh(jnp.concatenate([ch, H * R], axis=1) @ Wlh + blh)
    out = Z * H + (1.0 - Z) * H_tilde

    # link-prediction head on sampled node pairs
    source_emb = out[samples[:, 0]]
    target_emb = out[samples[:, 1]]
    input_emb = source_emb * target_emb
    h1 = jax.nn.relu(input_emb @ Wc1 + bc1)
    pred = h1 @ Wc2 + bc2
    return (pred, out)

if __name__ == "__main__":
    import jax
    _d = setup_inputs()
    print(jax.jit(kernel)(*tuple(_d.values())))

</pallas_src>

<mosaic_0001>
#map = affine_map<(d0, d1) -> (0, 0)>
#map1 = affine_map<(d0, d1) -> (0)>
module attributes {stable_mosaic.version = 14 : i64} {
  func.func @_edge_sc(%arg0: i32, %arg1: i32, %arg2: memref<25088x128xi32, #tpu.memory_space<hbm>>, %arg3: memref<25088x128xi32, #tpu.memory_space<hbm>>, %arg4: memref<100352xf32, #tpu.memory_space<hbm>>, %arg5: memref<100352xf32, #tpu.memory_space<hbm>>, %arg6: memref<100352xf32, #tpu.memory_space<hbm>>, %arg7: memref<2x100352xf32, #tpu.memory_space<hbm>>, %arg8: memref<2x100352xf32, #tpu.memory_space<hbm>>, %arg9: memref<2x8x128xi32, #tpu.memory_space<vmem>>, %arg10: memref<2x8x128xi32, #tpu.memory_space<vmem>>, %arg11: memref<2x8x128xf32, #tpu.memory_space<vmem>>, %arg12: memref<2x8x128xf32, #tpu.memory_space<vmem>>, %arg13: memref<128xf32, #tpu.memory_space<vmem>>, %arg14: memref<100352xf32, #tpu.memory_space<vmem_shared>>, %arg15: memref<100352xf32, #tpu.memory_space<vmem_shared>>, %arg16: memref<!tpu.dma_semaphore, #tpu.memory_space<semaphore_mem>>, %arg17: memref<!tpu.dma_semaphore, #tpu.memory_space<semaphore_mem>>, %arg18: memref<!tpu.dma_semaphore, #tpu.memory_space<semaphore_mem>>) attributes {dimension_semantics = [#tpu.dimension_semantics<core_parallel>, #tpu.dimension_semantics<subcore_parallel>], iteration_bounds = array<i64: 2, 16>, scalar_prefetch = 0 : i64, scratch_operands = 10 : i64, tpu.core_type = #tpu.core_type<sc_vector_subcore>, window_params = [{transform_indices = #map}, {transform_indices = #map}, {transform_indices = #map1}, {transform_indices = #map1}, {transform_indices = #map1}, {transform_indices = #map}, {transform_indices = #map}]} {
    %mul3A = arith.constant 2 : i32
    %mul3A_0 = arith.muli %arg1, %mul3A : i32
    %add3A = arith.addi %mul3A_0, %arg0 : i32
    %mul3A_1 = arith.constant 6272 : i32
    %mul3A_2 = arith.muli %arg1, %mul3A_1 : i32
    %mul3A_3 = arith.constant 6272 : i32
    %mul3A_4 = arith.muli %arg1, %mul3A_3 : i32
    "tpu.region"() ({
      %run_scoped3A_345 = tpu.sem_alloc : memref<!tpu.dma_semaphore, #tpu.memory_space<semaphore_mem>>
      %dma_start3A_346 = tpu.memref_slice %arg14[%mul3A_4] : memref<100352xf32, #tpu.memory_space<vmem_shared>> -> memref<6272xf32, #tpu.memory_space<vmem_shared>>
      %dma_start3A_347 = tpu.memref_slice %arg6[%mul3A_2] : memref<100352xf32, #tpu.memory_space<hbm>> -> memref<6272xf32, #tpu.memory_space<hbm>>
      tpu.enqueue_dma source(%dma_start3A_347 : memref<6272xf32, #tpu.memory_space<hbm>>) target(%dma_start3A_346 : memref<6272xf32, #tpu.memory_space<vmem_shared>>) target_semaphore(%run_scoped3A_345 : memref<!tpu.dma_semaphore, #tpu.memory_space<semaphore_mem>>)
      %dma_wait3A = tpu.memref_slice %arg14[%mul3A_4] : memref<100352xf32, #tpu.memory_space<vmem_shared>> -> memref<6272xf32, #tpu.memory_space<vmem_shared>>
      %dma_wait3A_348 = tpu.memref_slice %arg6[%mul3A_2] : memref<100352xf32, #tpu.memory_space<hbm>> -> memref<6272xf32, #tpu.memory_space<hbm>>
      tpu.wait_dma2 semaphore(%run_scoped3A_345 : memref<!tpu.dma_semaphore, #tpu.memory_space<semaphore_mem>>) src(%dma_wait3A_348 : memref<6272xf32, #tpu.memory_space<hbm>>) dst(%dma_wait3A : memref<6272xf32, #tpu.memory_space<vmem_shared>>)
      tpu.yield
    }) : () -> ()
    %mul3A_5 = arith.constant 6272 : i32
    %mul3A_6 = arith.muli %arg1, %mul3A_5 : i32
    %mul3A_7 = arith.constant 6272 : i32
    %mul3A_8 = arith.muli %arg1, %mul3A_7 : i32
    "tpu.region"() ({
      %run_scoped3A_345 = tpu.sem_alloc : memref<!tpu.dma_semaphore, #tpu.memory_space<semaphore_mem>>
      %dma_start3A_346 = tpu.memref_slice %arg15[%mul3A_8] : memref<100352xf32, #tpu.memory_space<vmem_shared>> -> memref<6272xf32, #tpu.memory_space<vmem_shared>>
      %dma_start3A_347 = tpu.memref_slice %arg6[%mul3A_6] : memref<100352xf32, #tpu.memory_space<hbm>> -> memref<6272xf32, #tpu.memory_space<hbm>>
      tpu.enqueue_dma source(%dma_start3A_347 : memref<6272xf32, #tpu.memory_space<hbm>>) target(%dma_start3A_346 : memref<6272xf32, #tpu.memory_space<vmem_shared>>) target_semaphore(%run_scoped3A_345 : memref<!tpu.dma_semaphore, #tpu.memory_space<semaphore_mem>>)
      %dma_wait3A = tpu.memref_slice %arg15[%mul3A_8] : memref<100352xf32, #tpu.memory_space<vmem_shared>> -> memref<6272xf32, #tpu.memory_space<vmem_shared>>
      %dma_wait3A_348 = tpu.memref_slice %arg6[%mul3A_6] : memref<100352xf32, #tpu.memory_space<hbm>> -> memref<6272xf32, #tpu.memory_space<hbm>>
      tpu.wait_dma2 semaphore(%run_scoped3A_345 : memref<!tpu.dma_semaphore, #tpu.memory_space<semaphore_mem>>) src(%dma_wait3A_348 : memref<6272xf32, #tpu.memory_space<hbm>>) dst(%dma_wait3A : memref<6272xf32, #tpu.memory_space<vmem_shared>>)
      tpu.yield
    }) : () -> ()
    %barrier3A = arith.constant 0 : index
    tpu.barrier barrier_id(%barrier3A)
    %mul3A_9 = arith.constant 784 : i32
    %mul3A_10 = arith.muli %add3A, %mul3A_9 : i32
    %run_scoped3A = arith.constant 0 : i32
    "tpu.region"() ({
      %run_scoped3A_345 = tpu.sem_alloc : memref<!tpu.dma_semaphore, #tpu.memory_space<semaphore_mem>>
      %dma_start3A_346 = arith.constant 0 : i32
      %dma_start3A_347 = arith.constant 0 : i32
      %dma_start3A_348 = tpu.memref_slice %arg9[%run_scoped3A, %dma_start3A_346, %dma_start3A_347] : memref<2x8x128xi32, #tpu.memory_space<vmem>> -> memref<1x8x128xi32, #tpu.memory_space<vmem>>
      %dma_start3A_349 = tpu.memref_squeeze %dma_start3A_348 : memref<1x8x128xi32, #tpu.memory_space<vmem>> -> memref<8x128xi32, #tpu.memory_space<vmem>>
      %dma_start3A_350 = arith.constant 0 : i32
      %dma_start3A_351 = tpu.memref_slice %arg2[%mul3A_10, %dma_start3A_350] : memref<25088x128xi32, #tpu.memory_space<hbm>> -> memref<8x128xi32, #tpu.memory_space<hbm>>
      %dma_start3A_352 = arith.constant 0 : i32
      %dma_start3A_353 = arith.constant 0 : i32
      %dma_start3A_354 = tpu.memref_slice %arg9[%run_scoped3A, %dma_start3A_352, %dma_start3A_353] : memref<2x8x128xi32, #tpu.memory_space<vmem>> -> memref<1x8x128xi32, #tpu.memory_space<vmem>>
      %dma_start3A_355 = tpu.memref_squeeze %dma_start3A_354 : memref<1x8x128xi32, #tpu.memory_space<vmem>> -> memref<8x128xi32, #tpu.memory_space<vmem>>
      %dma_start3A_356 = arith.constant 0 : i32
      %dma_start3A_357 = tpu.memref_slice %arg2[%mul3A_10, %dma_start3A_356] : memref<25088x128xi32, #tpu.memory_space<hbm>> -> memref<8x128xi32, #tpu.memory_space<hbm>>
      tpu.enqueue_dma source(%dma_start3A_357 : memref<8x128xi32, #tpu.memory_space<hbm>>) target(%dma_start3A_355 : memref<8x128xi32, #tpu.memory_space<vmem>>) target_semaphore(%run_scoped3A_345 : memref<!tpu.dma_semaphore, #tpu.memory_space<semaphore_mem>>)
      %dma_wait3A = arith.constant 0 : i32
      %dma_wait3A_358 = arith.constant 0 : i32
      %dma_wait3A_359 = tpu.memref_slice %arg9[%run_scoped3A, %dma_wait3A, %dma_wait3A_358] : memref<2x8x128xi32, #tpu.memory_space<vmem>> -> memref<1x8x128xi32, #tpu.memory_space<vmem>>
      %dma_wait3A_360 = tpu.memref_squeeze %dma_wait3A_359 : memref<1x8x128xi32, #tpu.memory_space<vmem>> -> memref<8x128xi32, #tpu.memory_space<vmem>>
      %dma_wait3A_361 = arith.constant 0 : i32
      %dma_wait3A_362 = tpu.memref_slice %arg2[%mul3A_10, %dma_wait3A_361] : memref<25088x128xi32, #tpu.memory_space<hbm>> -> memref<8x128xi32, #tpu.memory_space<hbm>>
      %dma_wait3A_363 = arith.constant 0 : i32
      %dma_wait3A_364 = arith.constant 0 : i32
      %dma_wait3A_365 = tpu.memref_slice %arg9[%run_scoped3A, %dma_wait3A_363, %dma_wait3A_364] : memref<2x8x128xi32, #tpu.memory_space<vmem>> -> memref<1x8x128xi32, #tpu.memory_space<vmem>>
      %dma_wait3A_366 = tpu.memref_squeeze %dma_wait3A_365 : memref<1x8x128xi32, #tpu.memory_space<vmem>> -> memref<8x128xi32, #tpu.memory_space<vmem>>
      %dma_wait3A_367 = arith.constant 0 : i32
      %dma_wait3A_368 = tpu.memref_slice %arg2[%mul3A_10, %dma_wait3A_367] : memref<25088x128xi32, #tpu.memory_space<hbm>> -> memref<8x128xi32, #tpu.memory_space<hbm>>
      tpu.wait_dma2 semaphore(%run_scoped3A_345 : memref<!tpu.dma_semaphore, #tpu.memory_space<semaphore_mem>>) src(%dma_wait3A_368 : memref<8x128xi32, #tpu.memory_space<hbm>>) dst(%dma_wait3A_366 : memref<8x128xi32, #tpu.memory_space<vmem>>)
      tpu.yield
    }) : () -> ()
    %run_scoped3A_11 = arith.constant 0 : i32
    "tpu.region"() ({
      %run_scoped3A_345 = tpu.sem_alloc : memref<!tpu.dma_semaphore, #tpu.memory_space<semaphore_mem>>
      %dma_start3A_346 = arith.constant 0 : i32
      %dma_start3A_347 = arith.constant 0 : i32
      %dma_start3A_348 = tpu.memref_slice %arg10[%run_scoped3A_11, %dma_start3A_346, %dma_start3A_347] : memref<2x8x128xi32, #tpu.memory_space<vmem>> -> memref<1x8x128xi32, #tpu.memory_space<vmem>>
      %dma_start3A_349 = tpu.memref_squeeze %dma_start3A_348 : memref<1x8x128xi32, #tpu.memory_space<vmem>> -> memref<8x128xi32, #tpu.memory_space<vmem>>
      %dma_start3A_350 = arith.constant 0 : i32
      %dma_start3A_351 = tpu.memref_slice %arg3[%mul3A_10, %dma_start3A_350] : memref<25088x128xi32, #tpu.memory_space<hbm>> -> memref<8x128xi32, #tpu.memory_space<hbm>>
      %dma_start3A_352 = arith.constant 0 : i32
      %dma_start3A_353 = arith.constant 0 : i32
      %dma_start3A_354 = tpu.memref_slice %arg10[%run_scoped3A_11, %dma_start3A_352, %dma_start3A_353] : memref<2x8x128xi32, #tpu.memory_space<vmem>> -> memref<1x8x128xi32, #tpu.memory_space<vmem>>
      %dma_start3A_355 = tpu.memref_squeeze %dma_start3A_354 : memref<1x8x128xi32, #tpu.memory_space<vmem>> -> memref<8x128xi32, #tpu.memory_space<vmem>>
      %dma_start3A_356 = arith.constant 0 : i32
      %dma_start3A_357 = tpu.memref_slice %arg3[%mul3A_10, %dma_start3A_356] : memref<25088x128xi32, #tpu.memory_space<hbm>> -> memref<8x128xi32, #tpu.memory_space<hbm>>
      tpu.enqueue_dma source(%dma_start3A_357 : memref<8x128xi32, #tpu.memory_space<hbm>>) target(%dma_start3A_355 : memref<8x128xi32, #tpu.memory_space<vmem>>) target_semaphore(%run_scoped3A_345 : memref<!tpu.dma_semaphore, #tpu.memory_space<semaphore_mem>>)
      %dma_wait3A = arith.constant 0 : i32
      %dma_wait3A_358 = arith.constant 0 : i32
      %dma_wait3A_359 = tpu.memref_slice %arg10[%run_scoped3A_11, %dma_wait3A, %dma_wait3A_358] : memref<2x8x128xi32, #tpu.memory_space<vmem>> -> memref<1x8x128xi32, #tpu.memory_space<vmem>>
      %dma_wait3A_360 = tpu.memref_squeeze %dma_wait3A_359 : memref<1x8x128xi32, #tpu.memory_space<vmem>> -> memref<8x128xi32, #tpu.memory_space<vmem>>
      %dma_wait3A_361 = arith.constant 0 : i32
      %dma_wait3A_362 = tpu.memref_slice %arg3[%mul3A_10, %dma_wait3A_361] : memref<25088x128xi32, #tpu.memory_space<hbm>> -> memref<8x128xi32, #tpu.memory_space<hbm>>
      %dma_wait3A_363 = arith.constant 0 : i32
      %dma_wait3A_364 = arith.constant 0 : i32
      %dma_wait3A_365 = tpu.memref_slice %arg10[%run_scoped3A_11, %dma_wait3A_363, %dma_wait3A_364] : memref<2x8x128xi32, #tpu.memory_space<vmem>> -> memref<1x8x128xi32, #tpu.memory_space<vmem>>
      %dma_wait3A_366 = tpu.memref_squeeze %dma_wait3A_365 : memref<1x8x128xi32, #tpu.memory_space<vmem>> -> memref<8x128xi32, #tpu.memory_space<vmem>>
      %dma_wait3A_367 = arith.constant 0 : i32
      %dma_wait3A_368 = tpu.memref_slice %arg3[%mul3A_10, %dma_wait3A_367] : memref<25088x128xi32, #tpu.memory_space<hbm>> -> memref<8x128xi32, #tpu.memory_space<hbm>>
      tpu.wait_dma2 semaphore(%run_scoped3A_345 : memref<!tpu.dma_semaphore, #tpu.memory_space<semaphore_mem>>) src(%dma_wait3A_368 : memref<8x128xi32, #tpu.memory_space<hbm>>) dst(%dma_wait3A_366 : memref<8x128xi32, #tpu.memory_space<vmem>>)
      tpu.yield
    }) : () -> ()
    %dma_start3A = arith.constant 0 : i32
    %dma_start3A_12 = arith.constant 0 : i32
    %dma_start3A_13 = arith.constant 0 : i32
    %dma_start3A_14 = arith.constant 0 : i32
    %dma_start3A_15 = arith.constant 0 : i32
    %dma_start3A_16 = arith.constant 0 : i32
    %dma_start3A_17 = tpu.memref_slice %arg11[%dma_start3A_13, %dma_start3A_15, %dma_start3A_16] : memref<2x8x128xf32, #tpu.memory_space<vmem>> -> memref<1x8x128xf32, #tpu.memory_space<vmem>>
    %dma_start3A_18 = tpu.memref_squeeze %dma_start3A_17 : memref<1x8x128xf32, #tpu.memory_space<vmem>> -> memref<8x128xf32, #tpu.memory_space<vmem>>
    %dma_start3A_19 = arith.constant 0 : i32
    %dma_start3A_20 = tpu.memref_slice %dma_start3A_18[%dma_start3A_14, %dma_start3A_19] : memref<8x128xf32, #tpu.memory_space<vmem>> -> memref<1x128xf32, #tpu.memory_space<vmem>>
    %dma_start3A_21 = tpu.memref_squeeze %dma_start3A_20 : memref<1x128xf32, #tpu.memory_space<vmem>> -> memref<128xf32, #tpu.memory_space<vmem>>
    %dma_start3A_22 = arith.constant 0 : i32
    %dma_start3A_23 = arith.constant 0 : i32
    %dma_start3A_24 = tpu.memref_slice %arg9[%dma_start3A, %dma_start3A_22, %dma_start3A_23] : memref<2x8x128xi32, #tpu.memory_space<vmem>> -> memref<1x8x128xi32, #tpu.memory_space<vmem>>
    %dma_start3A_25 = tpu.memref_squeeze %dma_start3A_24 : memref<1x8x128xi32, #tpu.memory_space<vmem>> -> memref<8x128xi32, #tpu.memory_space<vmem>>
    %dma_start3A_26 = arith.constant 0 : i32
    %dma_start3A_27 = tpu.memref_slice %dma_start3A_25[%dma_start3A_12, %dma_start3A_26] : memref<8x128xi32, #tpu.memory_space<vmem>> -> memref<1x128xi32, #tpu.memory_space<vmem>>
    %dma_start3A_28 = tpu.memref_squeeze %dma_start3A_27 : memref<1x128xi32, #tpu.memory_space<vmem>> -> memref<128xi32, #tpu.memory_space<vmem>>
    %dma_start3A_29 = arith.constant 0 : i32
    %dma_start3A_30 = tpu.memref_slice %arg4[%dma_start3A_29] : memref<100352xf32, #tpu.memory_space<hbm>> -> memref<100352xf32, #tpu.memory_space<hbm>>
    tpu.enqueue_indirect_dma source(%dma_start3A_30 : memref<100352xf32, #tpu.memory_space<hbm>>) target(%dma_start3A_21 : memref<128xf32, #tpu.memory_space<vmem>>) offsets(%dma_start3A_28 : memref<128xi32, #tpu.memory_space<vmem>>) semaphore(%arg17 : memref<!tpu.dma_semaphore, #tpu.memory_space<semaphore_mem>>)
    %dma_start3A_31 = arith.constant 0 : i32
    %dma_start3A_32 = arith.constant 0 : i32
    %dma_start3A_33 = arith.constant 0 : i32
    %dma_start3A_34 = arith.constant 0 : i32
    %dma_start3A_35 = arith.constant 0 : i32
    %dma_start3A_36 = arith.constant 0 : i32
    %dma_start3A_37 = tpu.memref_slice %arg12[%dma_start3A_33, %dma_start3A_35, %dma_start3A_36] : memref<2x8x128xf32, #tpu.memory_space<vmem>> -> memref<1x8x128xf32, #tpu.memory_space<vmem>>
    %dma_start3A_38 = tpu.memref_squeeze %dma_start3A_37 : memref<1x8x128xf32, #tpu.memory_space<vmem>> -> memref<8x128xf32, #tpu.memory_space<vmem>>
    %dma_start3A_39 = arith.constant 0 : i32
    %dma_start3A_40 = tpu.memref_slice %dma_start3A_38[%dma_start3A_34, %dma_start3A_39] : memref<8x128xf32, #tpu.memory_space<vmem>> -> memref<1x128xf32, #tpu.memory_space<vmem>>
    %dma_start3A_41 = tpu.memref_squeeze %dma_start3A_40 : memref<1x128xf32, #tpu.memory_space<vmem>> -> memref<128xf32, #tpu.memory_space<vmem>>
    %dma_start3A_42 = arith.constant 0 : i32
    %dma_start3A_43 = arith.constant 0 : i32
    %dma_start3A_44 = tpu.memref_slice %arg9[%dma_start3A_31, %dma_start3A_42, %dma_start3A_43] : memref<2x8x128xi32, #tpu.memory_space<vmem>> -> memref<1x8x128xi32, #tpu.memory_space<vmem>>
    %dma_start3A_45 = tpu.memref_squeeze %dma_start3A_44 : memref<1x8x128xi32, #tpu.memory_space<vmem>> -> memref<8x128xi32, #tpu.memory_space<vmem>>
    %dma_start3A_46 = arith.constant 0 : i32
    %dma_start3A_47 = tpu.memref_slice %dma_start3A_45[%dma_start3A_32, %dma_start3A_46] : memref<8x128xi32, #tpu.memory_space<vmem>> -> memref<1x128xi32, #tpu.memory_space<vmem>>
    %dma_start3A_48 = tpu.memref_squeeze %dma_start3A_47 : memref<1x128xi32, #tpu.memory_space<vmem>> -> memref<128xi32, #tpu.memory_space<vmem>>
    %dma_start3A_49 = arith.constant 0 : i32
    %dma_start3A_50 = tpu.memref_slice %arg5[%dma_start3A_49] : memref<100352xf32, #tpu.memory_space<hbm>> -> memref<100352xf32, #tpu.memory_space<hbm>>
    tpu.enqueue_indirect_dma source(%dma_start3A_50 : memref<100352xf32, #tpu.memory_space<hbm>>) target(%dma_start3A_41 : memref<128xf32, #tpu.memory_space<vmem>>) offsets(%dma_start3A_48 : memref<128xi32, #tpu.memory_space<vmem>>) semaphore(%arg17 : memref<!tpu.dma_semaphore, #tpu.memory_space<semaphore_mem>>)
    %dma_start3A_51 = arith.constant 0 : i32
    %dma_start3A_52 = arith.constant 1 : i32
    %dma_start3A_53 = arith.constant 0 : i32
    %dma_start3A_54 = arith.constant 1 : i32
    %dma_start3A_55 = arith.constant 0 : i32
    %dma_start3A_56 = arith.constant 0 : i32
    %dma_start3A_57 = tpu.memref_slice %arg11[%dma_start3A_53, %dma_start3A_55, %dma_start3A_56] : memref<2x8x128xf32, #tpu.memory_space<vmem>> -> memref<1x8x128xf32, #tpu.memory_space<vmem>>
    %dma_start3A_58 = tpu.memref_squeeze %dma_start3A_57 : memref<1x8x128xf32, #tpu.memory_space<vmem>> -> memref<8x128xf32, #tpu.memory_space<vmem>>
    %dma_start3A_59 = arith.constant 0 : i32
    %dma_start3A_60 = tpu.memref_slice %dma_start3A_58[%dma_start3A_54, %dma_start3A_59] : memref<8x128xf32, #tpu.memory_space<vmem>> -> memref<1x128xf32, #tpu.memory_space<vmem>>
    %dma_start3A_61 = tpu.memref_squeeze %dma_start3A_60 : memref<1x128xf32, #tpu.memory_space<vmem>> -> memref<128xf32, #tpu.memory_space<vmem>>
    %dma_start3A_62 = arith.constant 0 : i32
    %dma_start3A_63 = arith.constant 0 : i32
    %dma_start3A_64 = tpu.memref_slice %arg9[%dma_start3A_51, %dma_start3A_62, %dma_start3A_63] : memref<2x8x128xi32, #tpu.memory_space<vmem>> -> memref<1x8x128xi32, #tpu.memory_space<vmem>>
    %dma_start3A_65 = tpu.memref_squeeze %dma_start3A_64 : memref<1x8x128xi32, #tpu.memory_space<vmem>> -> memref<8x128xi32, #tpu.memory_space<vmem>>
    %dma_start3A_66 = arith.constant 0 : i32
    %dma_start3A_67 = tpu.memref_slice %dma_start3A_65[%dma_start3A_52, %dma_start3A_66] : memref<8x128xi32, #tpu.memory_space<vmem>> -> memref<1x128xi32, #tpu.memory_space<vmem>>
    %dma_start3A_68 = tpu.memref_squeeze %dma_start3A_67 : memref<1x128xi32, #tpu.memory_space<vmem>> -> memref<128xi32, #tpu.memory_space<vmem>>
    %dma_start3A_69 = arith.constant 0 : i32
    %dma_start3A_70 = tpu.memref_slice %arg4[%dma_start3A_69] : memref<100352xf32, #tpu.memory_space<hbm>> -> memref<100352xf32, #tpu.memory_space<hbm>>
    tpu.enqueue_indirect_dma source(%dma_start3A_70 : memref<100352xf32, #tpu.memory_space<hbm>>) target(%dma_start3A_61 : memref<128xf32, #tpu.memory_space<vmem>>) offsets(%dma_start3A_68 : memref<128xi32, #tpu.memory_space<vmem>>) semaphore(%arg17 : memref<!tpu.dma_semaphore, #tpu.memory_space<semaphore_mem>>)
    %dma_start3A_71 = arith.constant 0 : i32
    %dma_start3A_72 = arith.constant 1 : i32
    %dma_start3A_73 = arith.constant 0 : i32
    %dma_start3A_74 = arith.constant 1 : i32
    %dma_start3A_75 = arith.constant 0 : i32
    %dma_start3A_76 = arith.constant 0 : i32
    %dma_start3A_77 = tpu.memref_slice %arg12[%dma_start3A_73, %dma_start3A_75, %dma_start3A_76] : memref<2x8x128xf32, #tpu.memory_space<vmem>> -> memref<1x8x128xf32, #tpu.memory_space<vmem>>
    %dma_start3A_78 = tpu.memref_squeeze %dma_start3A_77 : memref<1x8x128xf32, #tpu.memory_space<vmem>> -> memref<8x128xf32, #tpu.memory_space<vmem>>
    %dma_start3A_79 = arith.constant 0 : i32
    %dma_start3A_80 = tpu.memref_slice %dma_start3A_78[%dma_start3A_74, %dma_start3A_79] : memref<8x128xf32, #tpu.memory_space<vmem>> -> memref<1x128xf32, #tpu.memory_space<vmem>>
    %dma_start3A_81 = tpu.memref_squeeze %dma_start3A_80 : memref<1x128xf32, #tpu.memory_space<vmem>> -> memref<128xf32, #tpu.memory_space<vmem>>
    %dma_start3A_82 = arith.constant 0 : i32
    %dma_start3A_83 = arith.constant 0 : i32
    %dma_start3A_84 = tpu.memref_slice %arg9[%dma_start3A_71, %dma_start3A_82, %dma_start3A_83] : memref<2x8x128xi32, #tpu.memory_space<vmem>> -> memref<1x8x128xi32, #tpu.memory_space<vmem>>
    %dma_start3A_85 = tpu.memref_squeeze %dma_start3A_84 : memref<1x8x128xi32, #tpu.memory_space<vmem>> -> memref<8x128xi32, #tpu.memory_space<vmem>>
    %dma_start3A_86 = arith.constant 0 : i32
    %dma_start3A_87 = tpu.memref_slice %dma_start3A_85[%dma_start3A_72, %dma_start3A_86] : memref<8x128xi32, #tpu.memory_space<vmem>> -> memref<1x128xi32, #tpu.memory_space<vmem>>
    %dma_start3A_88 = tpu.memref_squeeze %dma_start3A_87 : memref<1x128xi32, #tpu.memory_space<vmem>> -> memref<128xi32, #tpu.memory_space<vmem>>
    %dma_start3A_89 = arith.constant 0 : i32
    %dma_start3A_90 = tpu.memref_slice %arg5[%dma_start3A_89] : memref<100352xf32, #tpu.memory_space<hbm>> -> memref<100352xf32, #tpu.memory_space<hbm>>
    tpu.enqueue_indirect_dma source(%dma_start3A_90 : memref<100352xf32, #tpu.memory_space<hbm>>) target(%dma_start3A_81 : memref<128xf32, #tpu.memory_space<vmem>>) offsets(%dma_start3A_88 : memref<128xi32, #tpu.memory_space<vmem>>) semaphore(%arg17 : memref<!tpu.dma_semaphore, #tpu.memory_space<semaphore_mem>>)
    %dma_start3A_91 = arith.constant 0 : i32
    %dma_start3A_92 = arith.constant 2 : i32
    %dma_start3A_93 = arith.constant 0 : i32
    %dma_start3A_94 = arith.constant 2 : i32
    %dma_start3A_95 = arith.constant 0 : i32
    %dma_start3A_96 = arith.constant 0 : i32
    %dma_start3A_97 = tpu.memref_slice %arg11[%dma_start3A_93, %dma_start3A_95, %dma_start3A_96] : memref<2x8x128xf32, #tpu.memory_space<vmem>> -> memref<1x8x128xf32, #tpu.memory_space<vmem>>
    %dma_start3A_98 = tpu.memref_squeeze %dma_start3A_97 : memref<1x8x128xf32, #tpu.memory_space<vmem>> -> memref<8x128xf32, #tpu.memory_space<vmem>>
    %dma_start3A_99 = arith.constant 0 : i32
    %dma_start3A_100 = tpu.memref_slice %dma_start3A_98[%dma_start3A_94, %dma_start3A_99] : memref<8x128xf32, #tpu.memory_space<vmem>> -> memref<1x128xf32, #tpu.memory_space<vmem>>
    %dma_start3A_101 = tpu.memref_squeeze %dma_start3A_100 : memref<1x128xf32, #tpu.memory_space<vmem>> -> memref<128xf32, #tpu.memory_space<vmem>>
    %dma_start3A_102 = arith.constant 0 : i32
    %dma_start3A_103 = arith.constant 0 : i32
    %dma_start3A_104 = tpu.memref_slice %arg9[%dma_start3A_91, %dma_start3A_102, %dma_start3A_103] : memref<2x8x128xi32, #tpu.memory_space<vmem>> -> memref<1x8x128xi32, #tpu.memory_space<vmem>>
    %dma_start3A_105 = tpu.memref_squeeze %dma_start3A_104 : memref<1x8x128xi32, #tpu.memory_space<vmem>> -> memref<8x128xi32, #tpu.memory_space<vmem>>
    %dma_start3A_106 = arith.constant 0 : i32
    %dma_start3A_107 = tpu.memref_slice %dma_start3A_105[%dma_start3A_92, %dma_start3A_106] : memref<8x128xi32, #tpu.memory_space<vmem>> -> memref<1x128xi32, #tpu.memory_space<vmem>>
    %dma_start3A_108 = tpu.memref_squeeze %dma_start3A_107 : memref<1x128xi32, #tpu.memory_space<vmem>> -> memref<128xi32, #tpu.memory_space<vmem>>
    %dma_start3A_109 = arith.constant 0 : i32
    %dma_start3A_110 = tpu.memref_slice %arg4[%dma_start3A_109] : memref<100352xf32, #tpu.memory_space<hbm>> -> memref<100352xf32, #tpu.memory_space<hbm>>
    tpu.enqueue_indirect_dma source(%dma_start3A_110 : memref<100352xf32, #tpu.memory_space<hbm>>) target(%dma_start3A_101 : memref<128xf32, #tpu.memory_space<vmem>>) offsets(%dma_start3A_108 : memref<128xi32, #tpu.memory_space<vmem>>) semaphore(%arg17 : memref<!tpu.dma_semaphore, #tpu.memory_space<semaphore_mem>>)
    %dma_start3A_111 = arith.constant 0 : i32
    %dma_start3A_112 = arith.constant 2 : i32
    %dma_start3A_113 = arith.constant 0 : i32
    %dma_start3A_114 = arith.constant 2 : i32
    %dma_start3A_115 = arith.constant 0 : i32
    %dma_start3A_116 = arith.constant 0 : i32
    %dma_start3A_117 = tpu.memref_slice %arg12[%dma_start3A_113, %dma_start3A_115, %dma_start3A_116] : memref<2x8x128xf32, #tpu.memory_space<vmem>> -> memref<1x8x128xf32, #tpu.memory_space<vmem>>
    %dma_start3A_118 = tpu.memref_squeeze %dma_start3A_117 : memref<1x8x128xf32, #tpu.memory_space<vmem>> -> memref<8x128xf32, #tpu.memory_space<vmem>>
    %dma_start3A_119 = arith.constant 0 : i32
    %dma_start3A_120 = tpu.memref_slice %dma_start3A_118[%dma_start3A_114, %dma_start3A_119] : memref<8x128xf32, #tpu.memory_space<vmem>> -> memref<1x128xf32, #tpu.memory_space<vmem>>
    %dma_start3A_121 = tpu.memref_squeeze %dma_start3A_120 : memref<1x128xf32, #tpu.memory_space<vmem>> -> memref<128xf32, #tpu.memory_space<vmem>>
    %dma_start3A_122 = arith.constant 0 : i32
    %dma_start3A_123 = arith.constant 0 : i32
    %dma_start3A_124 = tpu.memref_slice %arg9[%dma_start3A_111, %dma_start3A_122, %dma_start3A_123] : memref<2x8x128xi32, #tpu.memory_space<vmem>> -> memref<1x8x128xi32, #tpu.memory_space<vmem>>
    %dma_start3A_125 = tpu.memref_squeeze %dma_start3A_124 : memref<1x8x128xi32, #tpu.memory_space<vmem>> -> memref<8x128xi32, #tpu.memory_space<vmem>>
    %dma_start3A_126 = arith.constant 0 : i32
    %dma_start3A_127 = tpu.memref_slice %dma_start3A_125[%dma_start3A_112, %dma_start3A_126] : memref<8x128xi32, #tpu.memory_space<vmem>> -> memref<1x128xi32, #tpu.memory_space<vmem>>
    %dma_start3A_128 = tpu.memref_squeeze %dma_start3A_127 : memref<1x128xi32, #tpu.memory_space<vmem>> -> memref<128xi32, #tpu.memory_space<vmem>>
    %dma_start3A_129 = arith.constant 0 : i32
    %dma_start3A_130 = tpu.memref_slice %arg5[%dma_start3A_129] : memref<100352xf32, #tpu.memory_space<hbm>> -> memref<100352xf32, #tpu.memory_space<hbm>>
    tpu.enqueue_indirect_dma source(%dma_start3A_130 : memref<100352xf32, #tpu.memory_space<hbm>>) target(%dma_start3A_121 : memref<128xf32, #tpu.memory_space<vmem>>) offsets(%dma_start3A_128 : memref<128xi32, #tpu.memory_space<vmem>>) semaphore(%arg17 : memref<!tpu.dma_semaphore, #tpu.memory_space<semaphore_mem>>)
    %dma_start3A_131 = arith.constant 0 : i32
    %dma_start3A_132 = arith.constant 3 : i32
    %dma_start3A_133 = arith.constant 0 : i32
    %dma_start3A_134 = arith.constant 3 : i32
    %dma_start3A_135 = arith.constant 0 : i32
    %dma_start3A_136 = arith.constant 0 : i32
    %dma_start3A_137 = tpu.memref_slice %arg11[%dma_start3A_133, %dma_start3A_135, %dma_start3A_136] : memref<2x8x128xf32, #tpu.memory_space<vmem>> -> memref<1x8x128xf32, #tpu.memory_space<vmem>>
    %dma_start3A_138 = tpu.memref_squeeze %dma_start3A_137 : memref<1x8x128xf32, #tpu.memory_space<vmem>> -> memref<8x128xf32, #tpu.memory_space<vmem>>
    %dma_start3A_139 = arith.constant 0 : i32
    %dma_start3A_140 = tpu.memref_slice %dma_start3A_138[%dma_start3A_134, %dma_start3A_139] : memref<8x128xf32, #tpu.memory_space<vmem>> -> memref<1x128xf32, #tpu.memory_space<vmem>>
    %dma_start3A_141 = tpu.memref_squeeze %dma_start3A_140 : memref<1x128xf32, #tpu.memory_space<vmem>> -> memref<128xf32, #tpu.memory_space<vmem>>
    %dma_start3A_142 = arith.constant 0 : i32
    %dma_start3A_143 = arith.constant 0 : i32
    %dma_start3A_144 = tpu.memref_slice %arg9[%dma_start3A_131, %dma_start3A_142, %dma_start3A_143] : memref<2x8x128xi32, #tpu.memory_space<vmem>> -> memref<1x8x128xi32, #tpu.memory_space<vmem>>
    %dma_start3A_145 = tpu.memref_squeeze %dma_start3A_144 : memref<1x8x128xi32, #tpu.memory_space<vmem>> -> memref<8x128xi32, #tpu.memory_space<vmem>>
    %dma_start3A_146 = arith.constant 0 : i32
    %dma_start3A_147 = tpu.memref_slice %dma_start3A_145[%dma_start3A_132, %dma_start3A_146] : memref<8x128xi32, #tpu.memory_space<vmem>> -> memref<1x128xi32, #tpu.memory_space<vmem>>
    %dma_start3A_148 = tpu.memref_squeeze %dma_start3A_147 : memref<1x128xi32, #tpu.memory_space<vmem>> -> memref<128xi32, #tpu.memory_space<vmem>>
    %dma_start3A_149 = arith.constant 0 : i32
    %dma_start3A_150 = tpu.memref_slice %arg4[%dma_start3A_149] : memref<100352xf32, #tpu.memory_space<hbm>> -> memref<100352xf32, #tpu.memory_space<hbm>>
    tpu.enqueue_indirect_dma source(%dma_start3A_150 : memref<100352xf32, #tpu.memory_space<hbm>>) target(%dma_start3A_141 : memref<128xf32, #tpu.memory_space<vmem>>) offsets(%dma_start3A_148 : memref<128xi32, #tpu.memory_space<vmem>>) semaphore(%arg17 : memref<!tpu.dma_semaphore, #tpu.memory_space<semaphore_mem>>)
    %dma_start3A_151 = arith.constant 0 : i32
    %dma_start3A_152 = arith.constant 3 : i32
    %dma_start3A_153 = arith.constant 0 : i32
    %dma_start3A_154 = arith.constant 3 : i32
    %dma_start3A_155 = arith.constant 0 : i32
    %dma_start3A_156 = arith.constant 0 : i32
    %dma_start3A_157 = tpu.memref_slice %arg12[%dma_start3A_153, %dma_start3A_155, %dma_start3A_156] : memref<2x8x128xf32, #tpu.memory_space<vmem>> -> memref<1x8x128xf32, #tpu.memory_space<vmem>>
    %dma_start3A_158 = tpu.memref_squeeze %dma_start3A_157 : memref<1x8x128xf32, #tpu.memory_space<vmem>> -> memref<8x128xf32, #tpu.memory_space<vmem>>
    %dma_start3A_159 = arith.constant 0 : i32
    %dma_start3A_160 = tpu.memref_slice %dma_start3A_158[%dma_start3A_154, %dma_start3A_159] : memref<8x128xf32, #tpu.memory_space<vmem>> -> memref<1x128xf32, #tpu.memory_space<vmem>>
    %dma_start3A_161 = tpu.memref_squeeze %dma_start3A_160 : memref<1x128xf32, #tpu.memory_space<vmem>> -> memref<128xf32, #tpu.memory_space<vmem>>
    %dma_start3A_162 = arith.constant 0 : i32
    %dma_start3A_163 = arith.constant 0 : i32
    %dma_start3A_164 = tpu.memref_slice %arg9[%dma_start3A_151, %dma_start3A_162, %dma_start3A_163] : memref<2x8x128xi32, #tpu.memory_space<vmem>> -> memref<1x8x128xi32, #tpu.memory_space<vmem>>
    %dma_start3A_165 = tpu.memref_squeeze %dma_start3A_164 : memref<1x8x128xi32, #tpu.memory_space<vmem>> -> memref<8x128xi32, #tpu.memory_space<vmem>>
    %dma_start3A_166 = arith.constant 0 : i32
    %dma_start3A_167 = tpu.memref_slice %dma_start3A_165[%dma_start3A_152, %dma_start3A_166] : memref<8x128xi32, #tpu.memory_space<vmem>> -> memref<1x128xi32, #tpu.memory_space<vmem>>
    %dma_start3A_168 = tpu.memref_squeeze %dma_start3A_167 : memref<1x128xi32, #tpu.memory_space<vmem>> -> memref<128xi32, #tpu.memory_space<vmem>>
    %dma_start3A_169 = arith.constant 0 : i32
    %dma_start3A_170 = tpu.memref_slice %arg5[%dma_start3A_169] : memref<100352xf32, #tpu.memory_space<hbm>> -> memref<100352xf32, #tpu.memory_space<hbm>>
    tpu.enqueue_indirect_dma source(%dma_start3A_170 : memref<100352xf32, #tpu.memory_space<hbm>>) target(%dma_start3A_161 : memref<128xf32, #tpu.memory_space<vmem>>) offsets(%dma_start3A_168 : memref<128xi32, #tpu.memory_space<vmem>>) semaphore(%arg17 : memref<!tpu.dma_semaphore, #tpu.memory_space<semaphore_mem>>)
    %dma_start3A_171 = arith.constant 0 : i32
    %dma_start3A_172 = arith.constant 4 : i32
    %dma_start3A_173 = arith.constant 0 : i32
    %dma_start3A_174 = arith.constant 4 : i32
    %dma_start3A_175 = arith.constant 0 : i32
    %dma_start3A_176 = arith.constant 0 : i32
    %dma_start3A_177 = tpu.memref_slice %arg11[%dma_start3A_173, %dma_start3A_175, %dma_start3A_176] : memref<2x8x128xf32, #tpu.memory_space<vmem>> -> memref<1x8x128xf32, #tpu.memory_space<vmem>>
    %dma_start3A_178 = tpu.memref_squeeze %dma_start3A_177 : memref<1x8x128xf32, #tpu.memory_space<vmem>> -> memref<8x128xf32, #tpu.memory_space<vmem>>
    %dma_start3A_179 = arith.constant 0 : i32
    %dma_start3A_180 = tpu.memref_slice %dma_start3A_178[%dma_start3A_174, %dma_start3A_179] : memref<8x128xf32, #tpu.memory_space<vmem>> -> memref<1x128xf32, #tpu.memory_space<vmem>>
    %dma_start3A_181 = tpu.memref_squeeze %dma_start3A_180 : memref<1x128xf32, #tpu.memory_space<vmem>> -> memref<128xf32, #tpu.memory_space<vmem>>
    %dma_start3A_182 = arith.constant 0 : i32
    %dma_start3A_183 = arith.constant 0 : i32
    %dma_start3A_184 = tpu.memref_slice %arg9[%dma_start3A_171, %dma_start3A_182, %dma_start3A_183] : memref<2x8x128xi32, #tpu.memory_space<vmem>> -> memref<1x8x128xi32, #tpu.memory_space<vmem>>
    %dma_start3A_185 = tpu.memref_squeeze %dma_start3A_184 : memref<1x8x128xi32, #tpu.memory_space<vmem>> -> memref<8x128xi32, #tpu.memory_space<vmem>>
    %dma_start3A_186 = arith.constant 0 : i32
    %dma_start3A_187 = tpu.memref_slice %dma_start3A_185[%dma_start3A_172, %dma_start3A_186] : memref<8x128xi32, #tpu.memory_space<vmem>> -> memref<1x128xi32, #tpu.memory_space<vmem>>
    %dma_start3A_188 = tpu.memref_squeeze %dma_start3A_187 : memref<1x128xi32, #tpu.memory_space<vmem>> -> memref<128xi32, #tpu.memory_space<vmem>>
    %dma_start3A_189 = arith.constant 0 : i32
    %dma_start3A_190 = tpu.memref_slice %arg4[%dma_start3A_189] : memref<100352xf32, #tpu.memory_space<hbm>> -> memref<100352xf32, #tpu.memory_space<hbm>>
    tpu.enqueue_indirect_dma source(%dma_start3A_190 : memref<100352xf32, #tpu.memory_space<hbm>>) target(%dma_start3A_181 : memref<128xf32, #tpu.memory_space<vmem>>) offsets(%dma_start3A_188 : memref<128xi32, #tpu.memory_space<vmem>>) semaphore(%arg17 : memref<!tpu.dma_semaphore, #tpu.memory_space<semaphore_mem>>)
    %dma_start3A_191 = arith.constant 0 : i32
    %dma_start3A_192 = arith.constant 4 : i32
    %dma_start3A_193 = arith.constant 0 : i32
    %dma_start3A_194 = arith.constant 4 : i32
    %dma_start3A_195 = arith.constant 0 : i32
    %dma_start3A_196 = arith.constant 0 : i32
    %dma_start3A_197 = tpu.memref_slice %arg12[%dma_start3A_193, %dma_start3A_195, %dma_start3A_196] : memref<2x8x128xf32, #tpu.memory_space<vmem>> -> memref<1x8x128xf32, #tpu.memory_space<vmem>>
    %dma_start3A_198 = tpu.memref_squeeze %dma_start3A_197 : memref<1x8x128xf32, #tpu.memory_space<vmem>> -> memref<8x128xf32, #tpu.memory_space<vmem>>
    %dma_start3A_199 = arith.constant 0 : i32
    %dma_start3A_200 = tpu.memref_slice %dma_start3A_198[%dma_start3A_194, %dma_start3A_199] : memref<8x128xf32, #tpu.memory_space<vmem>> -> memref<1x128xf32, #tpu.memory_space<vmem>>
    %dma_start3A_201 = tpu.memref_squeeze %dma_start3A_200 : memref<1x128xf32, #tpu.memory_space<vmem>> -> memref<128xf32, #tpu.memory_space<vmem>>
    %dma_start3A_202 = arith.constant 0 : i32
    %dma_start3A_203 = arith.constant 0 : i32
    %dma_start3A_204 = tpu.memref_slice %arg9[%dma_start3A_191, %dma_start3A_202, %dma_start3A_203] : memref<2x8x128xi32, #tpu.memory_space<vmem>> -> memref<1x8x128xi32, #tpu.memory_space<vmem>>
    %dma_start3A_205 = tpu.memref_squeeze %dma_start3A_204 : memref<1x8x128xi32, #tpu.memory_space<vmem>> -> memref<8x128xi32, #tpu.memory_space<vmem>>
    %dma_start3A_206 = arith.constant 0 : i32
    %dma_start3A_207 = tpu.memref_slice %dma_start3A_205[%dma_start3A_192, %dma_start3A_206] : memref<8x128xi32, #tpu.memory_space<vmem>> -> memref<1x128xi32, #tpu.memory_space<vmem>>
    %dma_start3A_208 = tpu.memref_squeeze %dma_start3A_207 : memref<1x128xi32, #tpu.memory_space<vmem>> -> memref<128xi32, #tpu.memory_space<vmem>>
    %dma_start3A_209 = arith.constant 0 : i32
    %dma_start3A_210 = tpu.memref_slice %arg5[%dma_start3A_209] : memref<100352xf32, #tpu.memory_space<hbm>> -> memref<100352xf32, #tpu.memory_space<hbm>>
    tpu.enqueue_indirect_dma source(%dma_start3A_210 : memref<100352xf32, #tpu.memory_space<hbm>>) target(%dma_start3A_201 : memref<128xf32, #tpu.memory_space<vmem>>) offsets(%dma_start3A_208 : memref<128xi32, #tpu.memory_space<vmem>>) semaphore(%arg17 : memref<!tpu.dma_semaphore, #tpu.memory_space<semaphore_mem>>)
    %dma_start3A_211 = arith.constant 0 : i32
    %dma_start3A_212 = arith.constant 5 : i32
    %dma_start3A_213 = arith.constant 0 : i32
    %dma_start3A_214 = arith.constant 5 : i32
    %dma_start3A_215 = arith.constant 0 : i32
    %dma_start3A_216 = arith.constant 0 : i32
    %dma_start3A_217 = tpu.memref_slice %arg11[%dma_start3A_213, %dma_start3A_215, %dma_start3A_216] : memref<2x8x128xf32, #tpu.memory_space<vmem>> -> memref<1x8x128xf32, #tpu.memory_space<vmem>>
    %dma_start3A_218 = tpu.memref_squeeze %dma_start3A_217 : memref<1x8x128xf32, #tpu.memory_space<vmem>> -> memref<8x128xf32, #tpu.memory_space<vmem>>
    %dma_start3A_219 = arith.constant 0 : i32
    %dma_start3A_220 = tpu.memref_slice %dma_start3A_218[%dma_start3A_214, %dma_start3A_219] : memref<8x128xf32, #tpu.memory_space<vmem>> -> memref<1x128xf32, #tpu.memory_space<vmem>>
    %dma_start3A_221 = tpu.memref_squeeze %dma_start3A_220 : memref<1x128xf32, #tpu.memory_space<vmem>> -> memref<128xf32, #tpu.memory_space<vmem>>
    %dma_start3A_222 = arith.constant 0 : i32
    %dma_start3A_223 = arith.constant 0 : i32
    %dma_start3A_224 = tpu.memref_slice %arg9[%dma_start3A_211, %dma_start3A_222, %dma_start3A_223] : memref<2x8x128xi32, #tpu.memory_space<vmem>> -> memref<1x8x128xi32, #tpu.memory_space<vmem>>
    %dma_start3A_225 = tpu.memref_squeeze %dma_start3A_224 : memref<1x8x128xi32, #tpu.memory_space<vmem>> -> memref<8x128xi32, #tpu.memory_space<vmem>>
    %dma_start3A_226 = arith.constant 0 : i32
    %dma_start3A_227 = tpu.memref_slice %dma_start3A_225[%dma_start3A_212, %dma_start3A_226] : memref<8x128xi32, #tpu.memory_space<vmem>> -> memref<1x128xi32, #tpu.memory_space<vmem>>
    %dma_start3A_228 = tpu.memref_squeeze %dma_start3A_227 : memref<1x128xi32, #tpu.memory_space<vmem>> -> memref<128xi32, #tpu.memory_space<vmem>>
    %dma_start3A_229 = arith.constant 0 : i32
    %dma_start3A_230 = tpu.memref_slice %arg4[%dma_start3A_229] : memref<100352xf32, #tpu.memory_space<hbm>> -> memref<100352xf32, #tpu.memory_space<hbm>>
    tpu.enqueue_indirect_dma source(%dma_start3A_230 : memref<100352xf32, #tpu.memory_space<hbm>>) target(%dma_start3A_221 : memref<128xf32, #tpu.memory_space<vmem>>) offsets(%dma_start3A_228 : memref<128xi32, #tpu.memory_space<vmem>>) semaphore(%arg17 : memref<!tpu.dma_semaphore, #tpu.memory_space<semaphore_mem>>)
    %dma_start3A_231 = arith.constant 0 : i32
    %dma_start3A_232 = arith.constant 5 : i32
    %dma_start3A_233 = arith.constant 0 : i32
    %dma_start3A_234 = arith.constant 5 : i32
    %dma_start3A_235 = arith.constant 0 : i32
    %dma_start3A_236 = arith.constant 0 : i32
    %dma_start3A_237 = tpu.memref_slice %arg12[%dma_start3A_233, %dma_start3A_235, %dma_start3A_236] : memref<2x8x128xf32, #tpu.memory_space<vmem>> -> memref<1x8x128xf32, #tpu.memory_space<vmem>>
    %dma_start3A_238 = tpu.memref_squeeze %dma_start3A_237 : memref<1x8x128xf32, #tpu.memory_space<vmem>> -> memref<8x128xf32, #tpu.memory_space<vmem>>
    %dma_start3A_239 = arith.constant 0 : i32
    %dma_start3A_240 = tpu.memref_slice %dma_start3A_238[%dma_start3A_234, %dma_start3A_239] : memref<8x128xf32, #tpu.memory_space<vmem>> -> memref<1x128xf32, #tpu.memory_space<vmem>>
    %dma_start3A_241 = tpu.memref_squeeze %dma_start3A_240 : memref<1x128xf32, #tpu.memory_space<vmem>> -> memref<128xf32, #tpu.memory_space<vmem>>
    %dma_start3A_242 = arith.constant 0 : i32
    %dma_start3A_243 = arith.constant 0 : i32
    %dma_start3A_244 = tpu.memref_slice %arg9[%dma_start3A_231, %dma_start3A_242, %dma_start3A_243] : memref<2x8x128xi32, #tpu.memory_space<vmem>> -> memref<1x8x128xi32, #tpu.memory_space<vmem>>
    %dma_start3A_245 = tpu.memref_squeeze %dma_start3A_244 : memref<1x8x128xi32, #tpu.memory_space<vmem>> -> memref<8x128xi32, #tpu.memory_space<vmem>>
    %dma_start3A_246 = arith.constant 0 : i32
    %dma_start3A_247 = tpu.memref_slice %dma_start3A_245[%dma_start3A_232, %dma_start3A_246] : memref<8x128xi32, #tpu.memory_space<vmem>> -> memref<1x128xi32, #tpu.memory_space<vmem>>
    %dma_start3A_248 = tpu.memref_squeeze %dma_start3A_247 : memref<1x128xi32, #tpu.memory_space<vmem>> -> memref<128xi32, #tpu.memory_space<vmem>>
    %dma_start3A_249 = arith.constant 0 : i32
    %dma_start3A_250 = tpu.memref_slice %arg5[%dma_start3A_249] : memref<100352xf32, #tpu.memory_space<hbm>> -> memref<100352xf32, #tpu.memory_space<hbm>>
    tpu.enqueue_indirect_dma source(%dma_start3A_250 : memref<100352xf32, #tpu.memory_space<hbm>>) target(%dma_start3A_241 : memref<128xf32, #tpu.memory_space<vmem>>) offsets(%dma_start3A_248 : memref<128xi32, #tpu.memory_space<vmem>>) semaphore(%arg17 : memref<!tpu.dma_semaphore, #tpu.memory_space<semaphore_mem>>)
    %dma_start3A_251 = arith.constant 0 : i32
    %dma_start3A_252 = arith.constant 6 : i32
    %dma_start3A_253 = arith.constant 0 : i32
    %dma_start3A_254 = arith.constant 6 : i32
    %dma_start3A_255 = arith.constant 0 : i32
    %dma_start3A_256 = arith.constant 0 : i32
    %dma_start3A_257 = tpu.memref_slice %arg11[%dma_start3A_253, %dma_start3A_255, %dma_start3A_256] : memref<2x8x128xf32, #tpu.memory_space<vmem>> -> memref<1x8x128xf32, #tpu.memory_space<vmem>>
    %dma_start3A_258 = tpu.memref_squeeze %dma_start3A_257 : memref<1x8x128xf32, #tpu.memory_space<vmem>> -> memref<8x128xf32, #tpu.memory_space<vmem>>
    %dma_start3A_259 = arith.constant 0 : i32
    %dma_start3A_260 = tpu.memref_slice %dma_start3A_258[%dma_start3A_254, %dma_start3A_259] : memref<8x128xf32, #tpu.memory_space<vmem>> -> memref<1x128xf32, #tpu.memory_space<vmem>>
    %dma_start3A_261 = tpu.memref_squeeze %dma_start3A_260 : memref<1x128xf32, #tpu.memory_space<vmem>> -> memref<128xf32, #tpu.memory_space<vmem>>
    %dma_start3A_262 = arith.constant 0 : i32
    %dma_start3A_263 = arith.constant 0 : i32
    %dma_start3A_264 = tpu.memref_slice %arg9[%dma_start3A_251, %dma_start3A_262, %dma_start3A_263] : memref<2x8x128xi32, #tpu.memory_space<vmem>> -> memref<1x8x128xi32, #tpu.memory_space<vmem>>
    %dma_start3A_265 = tpu.memref_squeeze %dma_start3A_264 : memref<1x8x128xi32, #tpu.memory_space<vmem>> -> memref<8x128xi32, #tpu.memory_space<vmem>>
    %dma_start3A_266 = arith.constant 0 : i32
    %dma_start3A_267 = tpu.memref_slice %dma_start3A_265[%dma_start3A_252, %dma_start3A_266] : memref<8x128xi32, #tpu.memory_space<vmem>> -> memref<1x128xi32, #tpu.memory_space<vmem>>
    %dma_start3A_268 = tpu.memref_squeeze %dma_start3A_267 : memref<1x128xi32, #tpu.memory_space<vmem>> -> memref<128xi32, #tpu.memory_space<vmem>>
    %dma_start3A_269 = arith.constant 0 : i32
    %dma_start3A_270 = tpu.memref_slice %arg4[%dma_start3A_269] : memref<100352xf32, #tpu.memory_space<hbm>> -> memref<100352xf32, #tpu.memory_space<hbm>>
    tpu.enqueue_indirect_dma source(%dma_start3A_270 : memref<100352xf32, #tpu.memory_space<hbm>>) target(%dma_start3A_261 : memref<128xf32, #tpu.memory_space<vmem>>) offsets(%dma_start3A_268 : memref<128xi32, #tpu.memory_space<vmem>>) semaphore(%arg17 : memref<!tpu.dma_semaphore, #tpu.memory_space<semaphore_mem>>)
    %dma_start3A_271 = arith.constant 0 : i32
    %dma_start3A_272 = arith.constant 6 : i32
    %dma_start3A_273 = arith.constant 0 : i32
    %dma_start3A_274 = arith.constant 6 : i32
    %dma_start3A_275 = arith.constant 0 : i32
    %dma_start3A_276 = arith.constant 0 : i32
    %dma_start3A_277 = tpu.memref_slice %arg12[%dma_start3A_273, %dma_start3A_275, %dma_start3A_276] : memref<2x8x128xf32, #tpu.memory_space<vmem>> -> memref<1x8x128xf32, #tpu.memory_space<vmem>>
    %dma_start3A_278 = tpu.memref_squeeze %dma_start3A_277 : memref<1x8x128xf32, #tpu.memory_space<vmem>> -> memref<8x128xf32, #tpu.memory_space<vmem>>
    %dma_start3A_279 = arith.constant 0 : i32
    %dma_start3A_280 = tpu.memref_slice %dma_start3A_278[%dma_start3A_274, %dma_start3A_279] : memref<8x128xf32, #tpu.memory_space<vmem>> -> memref<1x128xf32, #tpu.memory_space<vmem>>
    %dma_start3A_281 = tpu.memref_squeeze %dma_start3A_280 : memref<1x128xf32, #tpu.memory_space<vmem>> -> memref<128xf32, #tpu.memory_space<vmem>>
    %dma_start3A_282 = arith.constant 0 : i32
    %dma_start3A_283 = arith.constant 0 : i32
    %dma_start3A_284 = tpu.memref_slice %arg9[%dma_start3A_271, %dma_start3A_282, %dma_start3A_283] : memref<2x8x128xi32, #tpu.memory_space<vmem>> -> memref<1x8x128xi32, #tpu.memory_space<vmem>>
    %dma_start3A_285 = tpu.memref_squeeze %dma_start3A_284 : memref<1x8x128xi32, #tpu.memory_space<vmem>> -> memref<8x128xi32, #tpu.memory_space<vmem>>
    %dma_start3A_286 = arith.constant 0 : i32
    %dma_start3A_287 = tpu.memref_slice %dma_start3A_285[%dma_start3A_272, %dma_start3A_286] : memref<8x128xi32, #tpu.memory_space<vmem>> -> memref<1x128xi32, #tpu.memory_space<vmem>>
    %dma_start3A_288 = tpu.memref_squeeze %dma_start3A_287 : memref<1x128xi32, #tpu.memory_space<vmem>> -> memref<128xi32, #tpu.memory_space<vmem>>
    %dma_start3A_289 = arith.constant 0 : i32
    %dma_start3A_290 = tpu.memref_slice %arg5[%dma_start3A_289] : memref<100352xf32, #tpu.memory_space<hbm>> -> memref<100352xf32, #tpu.memory_space<hbm>>
    tpu.enqueue_indirect_dma source(%dma_start3A_290 : memref<100352xf32, #tpu.memory_space<hbm>>) target(%dma_start3A_281 : memref<128xf32, #tpu.memory_space<vmem>>) offsets(%dma_start3A_288 : memref<128xi32, #tpu.memory_space<vmem>>) semaphore(%arg17 : memref<!tpu.dma_semaphore, #tpu.memory_space<semaphore_mem>>)
    %dma_start3A_291 = arith.constant 0 : i32
    %dma_start3A_292 = arith.constant 7 : i32
    %dma_start3A_293 = arith.constant 0 : i32
    %dma_start3A_294 = arith.constant 7 : i32
    %dma_start3A_295 = arith.constant 0 : i32
    %dma_start3A_296 = arith.constant 0 : i32
    %dma_start3A_297 = tpu.memref_slice %arg11[%dma_start3A_293, %dma_start3A_295, %dma_start3A_296] : memref<2x8x128xf32, #tpu.memory_space<vmem>> -> memref<1x8x128xf32, #tpu.memory_space<vmem>>
    %dma_start3A_298 = tpu.memref_squeeze %dma_start3A_297 : memref<1x8x128xf32, #tpu.memory_space<vmem>> -> memref<8x128xf32, #tpu.memory_space<vmem>>
    %dma_start3A_299 = arith.constant 0 : i32
    %dma_start3A_300 = tpu.memref_slice %dma_start3A_298[%dma_start3A_294, %dma_start3A_299] : memref<8x128xf32, #tpu.memory_space<vmem>> -> memref<1x128xf32, #tpu.memory_space<vmem>>
    %dma_start3A_301 = tpu.memref_squeeze %dma_start3A_300 : memref<1x128xf32, #tpu.memory_space<vmem>> -> memref<128xf32, #tpu.memory_space<vmem>>
    %dma_start3A_302 = arith.constant 0 : i32
    %dma_start3A_303 = arith.constant 0 : i32
    %dma_start3A_304 = tpu.memref_slice %arg9[%dma_start3A_291, %dma_start3A_302, %dma_start3A_303] : memref<2x8x128xi32, #tpu.memory_space<vmem>> -> memref<1x8x128xi32, #tpu.memory_space<vmem>>
    %dma_start3A_305 = tpu.memref_squeeze %dma_start3A_304 : memref<1x8x128xi32, #tpu.memory_space<vmem>> -> memref<8x128xi32, #tpu.memory_space<vmem>>
    %dma_start3A_306 = arith.constant 0 : i32
    %dma_start3A_307 = tpu.memref_slice %dma_start3A_305[%dma_start3A_292, %dma_start3A_306] : memref<8x128xi32, #tpu.memory_space<vmem>> -> memref<1x128xi32, #tpu.memory_space<vmem>>
    %dma_start3A_308 = tpu.memref_squeeze %dma_start3A_307 : memref<1x128xi32, #tpu.memory_space<vmem>> -> memref<128xi32, #tpu.memory_space<vmem>>
    %dma_start3A_309 = arith.constant 0 : i32
    %dma_start3A_310 = tpu.memref_slice %arg4[%dma_start3A_309] : memref<100352xf32, #tpu.memory_space<hbm>> -> memref<100352xf32, #tpu.memory_space<hbm>>
    tpu.enqueue_indirect_dma source(%dma_start3A_310 : memref<100352xf32, #tpu.memory_space<hbm>>) target(%dma_start3A_301 : memref<128xf32, #tpu.memory_space<vmem>>) offsets(%dma_start3A_308 : memref<128xi32, #tpu.memory_space<vmem>>) semaphore(%arg17 : memref<!tpu.dma_semaphore, #tpu.memory_space<semaphore_mem>>)
    %dma_start3A_311 = arith.constant 0 : i32
    %dma_start3A_312 = arith.constant 7 : i32
    %dma_start3A_313 = arith.constant 0 : i32
    %dma_start3A_314 = arith.constant 7 : i32
    %dma_start3A_315 = arith.constant 0 : i32
    %dma_start3A_316 = arith.constant 0 : i32
    %dma_start3A_317 = tpu.memref_slice %arg12[%dma_start3A_313, %dma_start3A_315, %dma_start3A_316] : memref<2x8x128xf32, #tpu.memory_space<vmem>> -> memref<1x8x128xf32, #tpu.memory_space<vmem>>
    %dma_start3A_318 = tpu.memref_squeeze %dma_start3A_317 : memref<1x8x128xf32, #tpu.memory_space<vmem>> -> memref<8x128xf32, #tpu.memory_space<vmem>>
    %dma_start3A_319 = arith.constant 0 : i32
    %dma_start3A_320 = tpu.memref_slice %dma_start3A_318[%dma_start3A_314, %dma_start3A_319] : memref<8x128xf32, #tpu.memory_space<vmem>> -> memref<1x128xf32, #tpu.memory_space<vmem>>
    %dma_start3A_321 = tpu.memref_squeeze %dma_start3A_320 : memref<1x128xf32, #tpu.memory_space<vmem>> -> memref<128xf32, #tpu.memory_space<vmem>>
    %dma_start3A_322 = arith.constant 0 : i32
    %dma_start3A_323 = arith.constant 0 : i32
    %dma_start3A_324 = tpu.memref_slice %arg9[%dma_start3A_311, %dma_start3A_322, %dma_start3A_323] : memref<2x8x128xi32, #tpu.memory_space<vmem>> -> memref<1x8x128xi32, #tpu.memory_space<vmem>>
    %dma_start3A_325 = tpu.memref_squeeze %dma_start3A_324 : memref<1x8x128xi32, #tpu.memory_space<vmem>> -> memref<8x128xi32, #tpu.memory_space<vmem>>
    %dma_start3A_326 = arith.constant 0 : i32
    %dma_start3A_327 = tpu.memref_slice %dma_start3A_325[%dma_start3A_312, %dma_start3A_326] : memref<8x128xi32, #tpu.memory_space<vmem>> -> memref<1x128xi32, #tpu.memory_space<vmem>>
    %dma_start3A_328 = tpu.memref_squeeze %dma_start3A_327 : memref<1x128xi32, #tpu.memory_space<vmem>> -> memref<128xi32, #tpu.memory_space<vmem>>
    %dma_start3A_329 = arith.constant 0 : i32
    %dma_start3A_330 = tpu.memref_slice %arg5[%dma_start3A_329] : memref<100352xf32, #tpu.memory_space<hbm>> -> memref<100352xf32, #tpu.memory_space<hbm>>
    tpu.enqueue_indirect_dma source(%dma_start3A_330 : memref<100352xf32, #tpu.memory_space<hbm>>) target(%dma_start3A_321 : memref<128xf32, #tpu.memory_space<vmem>>) offsets(%dma_start3A_328 : memref<128xi32, #tpu.memory_space<vmem>>) semaphore(%arg17 : memref<!tpu.dma_semaphore, #tpu.memory_space<semaphore_mem>>)
    %scan3A = arith.constant 0 : i32
    %scan3A_331 = arith.constant 0 : i32
    %scan3A_332 = arith.constant 98 : i32
    %scan3A_333 = arith.addi %scan3A_331, %scan3A_332 : i32
    %scan3A_334 = arith.constant 1 : i32
    scf.for %scan3A_345 = %scan3A_331 to %scan3A_333 step %scan3A_334  : i32 {
      %rem3A = arith.constant 2 : i32
      %rem3A_346 = arith.remsi %scan3A_345, %rem3A : i32
      %sub3A = arith.constant 1 : i32
      %sub3A_347 = arith.subi %sub3A, %rem3A_346 : i32
      %add3A_348 = arith.constant 1 : i32
      %add3A_349 = arith.addi %scan3A_345, %add3A_348 : i32
      %lt3A = arith.constant 98 : i32
      %lt3A_350 = arith.cmpi slt, %add3A_349, %lt3A : i32
      %convert_element_type3A = arith.extui %lt3A_350 : i1 to i32
      %cond3A = arith.constant 0 : i32
      %cond3A_351 = arith.cmpi ne, %convert_element_type3A, %cond3A : i32
      scf.if %cond3A_351 {
        %add3A_774 = arith.constant 1 : i32
        %add3A_775 = arith.addi %scan3A_345, %add3A_774 : i32
        %mul3A_776 = arith.constant 8 : i32
        %mul3A_777 = arith.muli %add3A_775, %mul3A_776 : i32
        %add3A_778 = arith.addi %mul3A_10, %mul3A_777 : i32
        %dma_start3A_779 = arith.constant 0 : i32
        %dma_start3A_780 = arith.constant 0 : i32
        %dma_start3A_781 = tpu.memref_slice %arg9[%sub3A_347, %dma_start3A_779, %dma_start3A_780] : memref<2x8x128xi32, #tpu.memory_space<vmem>> -> memref<1x8x128xi32, #tpu.memory_space<vmem>>
        %dma_start3A_782 = tpu.memref_squeeze %dma_start3A_781 : memref<1x8x128xi32, #tpu.memory_space<vmem>> -> memref<8x128xi32, #tpu.memory_space<vmem>>
        %dma_start3A_783 = arith.constant 0 : i32
        %dma_start3A_784 = tpu.memref_slice %arg2[%add3A_778, %dma_start3A_783] : memref<25088x128xi32, #tpu.memory_space<hbm>> -> memref<8x128xi32, #tpu.memory_space<hbm>>
        %dma_start3A_785 = arith.constant 0 : i32
        %dma_start3A_786 = arith.constant 0 : i32
        %dma_start3A_787 = tpu.memref_slice %arg9[%sub3A_347, %dma_start3A_785, %dma_start3A_786] : memref<2x8x128xi32, #tpu.memory_space<vmem>> -> memref<1x8x128xi32, #tpu.memory_space<vmem>>
        %dma_start3A_788 = tpu.memref_squeeze %dma_start3A_787 : memref<1x8x128xi32, #tpu.memory_space<vmem>> -> memref<8x128xi32, #tpu.memory_space<vmem>>
        %dma_start3A_789 = arith.constant 0 : i32
        %dma_start3A_790 = tpu.memref_slice %arg2[%add3A_778, %dma_start3A_789] : memref<25088x128xi32, #tpu.memory_space<hbm>> -> memref<8x128xi32, #tpu.memory_space<hbm>>
        tpu.enqueue_dma source(%dma_start3A_790 : memref<8x128xi32, #tpu.memory_space<hbm>>) target(%dma_start3A_788 : memref<8x128xi32, #tpu.memory_space<vmem>>) target_semaphore(%arg16 : memref<!tpu.dma_semaphore, #tpu.memory_space<semaphore_mem>>)
        %dma_start3A_791 = arith.constant 0 : i32
        %dma_start3A_792 = arith.constant 0 : i32
        %dma_start3A_793 = tpu.memref_slice %arg10[%sub3A_347, %dma_start3A_791, %dma_start3A_792] : memref<2x8x128xi32, #tpu.memory_space<vmem>> -> memref<1x8x128xi32, #tpu.memory_space<vmem>>
        %dma_start3A_794 = tpu.memref_squeeze %dma_start3A_793 : memref<1x8x128xi32, #tpu.memory_space<vmem>> -> memref<8x128xi32, #tpu.memory_space<vmem>>
        %dma_start3A_795 = arith.constant 0 : i32
        %dma_start3A_796 = tpu.memref_slice %arg3[%add3A_778, %dma_start3A_795] : memref<25088x128xi32, #tpu.memory_space<hbm>> -> memref<8x128xi32, #tpu.memory_space<hbm>>
        %dma_start3A_797 = arith.constant 0 : i32
        %dma_start3A_798 = arith.constant 0 : i32
        %dma_start3A_799 = tpu.memref_slice %arg10[%sub3A_347, %dma_start3A_797, %dma_start3A_798] : memref<2x8x128xi32, #tpu.memory_space<vmem>> -> memref<1x8x128xi32, #tpu.memory_space<vmem>>
        %dma_start3A_800 = tpu.memref_squeeze %dma_start3A_799 : memref<1x8x128xi32, #tpu.memory_space<vmem>> -> memref<8x128xi32, #tpu.memory_space<vmem>>
        %dma_start3A_801 = arith.constant 0 : i32
        %dma_start3A_802 = tpu.memref_slice %arg3[%add3A_778, %dma_start3A_801] : memref<25088x128xi32, #tpu.memory_space<hbm>> -> memref<8x128xi32, #tpu.memory_space<hbm>>
        tpu.enqueue_dma source(%dma_start3A_802 : memref<8x128xi32, #tpu.memory_space<hbm>>) target(%dma_start3A_800 : memref<8x128xi32, #tpu.memory_space<vmem>>) target_semaphore(%arg16 : memref<!tpu.dma_semaphore, #tpu.memory_space<semaphore_mem>>)
      } else {
      }
      %dma_wait3A = arith.constant 0 : i32
      %dma_wait3A_352 = tpu.memref_slice %arg6[%dma_wait3A] : memref<100352xf32, #tpu.memory_space<hbm>> -> memref<128xf32, #tpu.memory_space<hbm>>
      %dma_wait3A_353 = arith.constant 0 : i32
      %dma_wait3A_354 = tpu.memref_slice %arg6[%dma_wait3A_353] : memref<100352xf32, #tpu.memory_space<hbm>> -> memref<128xf32, #tpu.memory_space<hbm>>
      tpu.wait_dma2 semaphore(%arg17 : memref<!tpu.dma_semaphore, #tpu.memory_space<semaphore_mem>>) src(%dma_wait3A_354 : memref<128xf32, #tpu.memory_space<hbm>>) dst(%arg13 : memref<128xf32, #tpu.memory_space<vmem>>)
      %dma_wait3A_355 = arith.constant 0 : i32
      %dma_wait3A_356 = tpu.memref_slice %arg6[%dma_wait3A_355] : memref<100352xf32, #tpu.memory_space<hbm>> -> memref<128xf32, #tpu.memory_space<hbm>>
      %dma_wait3A_357 = arith.constant 0 : i32
      %dma_wait3A_358 = tpu.memref_slice %arg6[%dma_wait3A_357] : memref<100352xf32, #tpu.memory_space<hbm>> -> memref<128xf32, #tpu.memory_space<hbm>>
      tpu.wait_dma2 semaphore(%arg17 : memref<!tpu.dma_semaphore, #tpu.memory_space<semaphore_mem>>) src(%dma_wait3A_358 : memref<128xf32, #tpu.memory_space<hbm>>) dst(%arg13 : memref<128xf32, #tpu.memory_space<vmem>>)
      %dma_wait3A_359 = arith.constant 0 : i32
      %dma_wait3A_360 = tpu.memref_slice %arg6[%dma_wait3A_359] : memref<100352xf32, #tpu.memory_space<hbm>> -> memref<128xf32, #tpu.memory_space<hbm>>
      %dma_wait3A_361 = arith.constant 0 : i32
      %dma_wait3A_362 = tpu.memref_slice %arg6[%dma_wait3A_361] : memref<100352xf32, #tpu.memory_space<hbm>> -> memref<128xf32, #tpu.memory_space<hbm>>
      tpu.wait_dma2 semaphore(%arg17 : memref<!tpu.dma_semaphore, #tpu.memory_space<semaphore_mem>>) src(%dma_wait3A_362 : memref<128xf32, #tpu.memory_space<hbm>>) dst(%arg13 : memref<128xf32, #tpu.memory_space<vmem>>)
      %dma_wait3A_363 = arith.constant 0 : i32
      %dma_wait3A_364 = tpu.memref_slice %arg6[%dma_wait3A_363] : memref<100352xf32, #tpu.memory_space<hbm>> -> memref<128xf32, #tpu.memory_space<hbm>>
      %dma_wait3A_365 = arith.constant 0 : i32
      %dma_wait3A_366 = tpu.memref_slice %arg6[%dma_wait3A_365] : memref<100352xf32, #tpu.memory_space<hbm>> -> memref<128xf32, #tpu.memory_space<hbm>>
      tpu.wait_dma2 semaphore(%arg17 : memref<!tpu.dma_semaphore, #tpu.memory_space<semaphore_mem>>) src(%dma_wait3A_366 : memref<128xf32, #tpu.memory_space<hbm>>) dst(%arg13 : memref<128xf32, #tpu.memory_space<vmem>>)
      %dma_wait3A_367 = arith.constant 0 : i32
      %dma_wait3A_368 = tpu.memref_slice %arg6[%dma_wait3A_367] : memref<100352xf32, #tpu.memory_space<hbm>> -> memref<128xf32, #tpu.memory_space<hbm>>
      %dma_wait3A_369 = arith.constant 0 : i32
      %dma_wait3A_370 = tpu.memref_slice %arg6[%dma_wait3A_369] : memref<100352xf32, #tpu.memory_space<hbm>> -> memref<128xf32, #tpu.memory_space<hbm>>
      tpu.wait_dma2 semaphore(%arg17 : memref<!tpu.dma_semaphore, #tpu.memory_space<semaphore_mem>>) src(%dma_wait3A_370 : memref<128xf32, #tpu.memory_space<hbm>>) dst(%arg13 : memref<128xf32, #tpu.memory_space<vmem>>)
      %dma_wait3A_371 = arith.constant 0 : i32
      %dma_wait3A_372 = tpu.memref_slice %arg6[%dma_wait3A_371] : memref<100352xf32, #tpu.memory_space<hbm>> -> memref<128xf32, #tpu.memory_space<hbm>>
      %dma_wait3A_373 = arith.constant 0 : i32
      %dma_wait3A_374 = tpu.memref_slice %arg6[%dma_wait3A_373] : memref<100352xf32, #tpu.memory_space<hbm>> -> memref<128xf32, #tpu.memory_space<hbm>>
      tpu.wait_dma2 semaphore(%arg17 : memref<!tpu.dma_semaphore, #tpu.memory_space<semaphore_mem>>) src(%dma_wait3A_374 : memref<128xf32, #tpu.memory_space<hbm>>) dst(%arg13 : memref<128xf32, #tpu.memory_space<vmem>>)
      %dma_wait3A_375 = arith.constant 0 : i32
      %dma_wait3A_376 = tpu.memref_slice %arg6[%dma_wait3A_375] : memref<100352xf32, #tpu.memory_space<hbm>> -> memref<128xf32, #tpu.memory_space<hbm>>
      %dma_wait3A_377 = arith.constant 0 : i32
      %dma_wait3A_378 = tpu.memref_slice %arg6[%dma_wait3A_377] : memref<100352xf32, #tpu.memory_space<hbm>> -> memref<128xf32, #tpu.memory_space<hbm>>
      tpu.wait_dma2 semaphore(%arg17 : memref<!tpu.dma_semaphore, #tpu.memory_space<semaphore_mem>>) src(%dma_wait3A_378 : memref<128xf32, #tpu.memory_space<hbm>>) dst(%arg13 : memref<128xf32, #tpu.memory_space<vmem>>)
      %dma_wait3A_379 = arith.constant 0 : i32
      %dma_wait3A_380 = tpu.memref_slice %arg6[%dma_wait3A_379] : memref<100352xf32, #tpu.memory_space<hbm>> -> memref<128xf32, #tpu.memory_space<hbm>>
      %dma_wait3A_381 = arith.constant 0 : i32
      %dma_wait3A_382 = tpu.memref_slice %arg6[%dma_wait3A_381] : memref<100352xf32, #tpu.memory_space<hbm>> -> memref<128xf32, #tpu.memory_space<hbm>>
      tpu.wait_dma2 semaphore(%arg17 : memref<!tpu.dma_semaphore, #tpu.memory_space<semaphore_mem>>) src(%dma_wait3A_382 : memref<128xf32, #tpu.memory_space<hbm>>) dst(%arg13 : memref<128xf32, #tpu.memory_space<vmem>>)
      %dma_wait3A_383 = arith.constant 0 : i32
      %dma_wait3A_384 = tpu.memref_slice %arg6[%dma_wait3A_383] : memref<100352xf32, #tpu.memory_space<hbm>> -> memref<128xf32, #tpu.memory_space<hbm>>
      %dma_wait3A_385 = arith.constant 0 : i32
      %dma_wait3A_386 = tpu.memref_slice %arg6[%dma_wait3A_385] : memref<100352xf32, #tpu.memory_space<hbm>> -> memref<128xf32, #tpu.memory_space<hbm>>
      tpu.wait_dma2 semaphore(%arg17 : memref<!tpu.dma_semaphore, #tpu.memory_space<semaphore_mem>>) src(%dma_wait3A_386 : memref<128xf32, #tpu.memory_space<hbm>>) dst(%arg13 : memref<128xf32, #tpu.memory_space<vmem>>)
      %dma_wait3A_387 = arith.constant 0 : i32
      %dma_wait3A_388 = tpu.memref_slice %arg6[%dma_wait3A_387] : memref<100352xf32, #tpu.memory_space<hbm>> -> memref<128xf32, #tpu.memory_space<hbm>>
      %dma_wait3A_389 = arith.constant 0 : i32
      %dma_wait3A_390 = tpu.memref_slice %arg6[%dma_wait3A_389] : memref<100352xf32, #tpu.memory_space<hbm>> -> memref<128xf32, #tpu.memory_space<hbm>>
      tpu.wait_dma2 semaphore(%arg17 : memref<!tpu.dma_semaphore, #tpu.memory_space<semaphore_mem>>) src(%dma_wait3A_390 : memref<128xf32, #tpu.memory_space<hbm>>) dst(%arg13 : memref<128xf32, #tpu.memory_space<vmem>>)
      %dma_wait3A_391 = arith.constant 0 : i32
      %dma_wait3A_392 = tpu.memref_slice %arg6[%dma_wait3A_391] : memref<100352xf32, #tpu.memory_space<hbm>> -> memref<128xf32, #tpu.memory_space<hbm>>
      %dma_wait3A_393 = arith.constant 0 : i32
      %dma_wait3A_394 = tpu.memref_slice %arg6[%dma_wait3A_393] : memref<100352xf32, #tpu.memory_space<hbm>> -> memref<128xf32, #tpu.memory_space<hbm>>
      tpu.wait_dma2 semaphore(%arg17 : memref<!tpu.dma_semaphore, #tpu.memory_space<semaphore_mem>>) src(%dma_wait3A_394 : memref<128xf32, #tpu.memory_space<hbm>>) dst(%arg13 : memref<128xf32, #tpu.memory_space<vmem>>)
      %dma_wait3A_395 = arith.constant 0 : i32
      %dma_wait3A_396 = tpu.memref_slice %arg6[%dma_wait3A_395] : memref<100352xf32, #tpu.memory_space<hbm>> -> memref<128xf32, #tpu.memory_space<hbm>>
      %dma_wait3A_397 = arith.constant 0 : i32
      %dma_wait3A_398 = tpu.memref_slice %arg6[%dma_wait3A_397] : memref<100352xf32, #tpu.memory_space<hbm>> -> memref<128xf32, #tpu.memory_space<hbm>>
      tpu.wait_dma2 semaphore(%arg17 : memref<!tpu.dma_semaphore, #tpu.memory_space<semaphore_mem>>) src(%dma_wait3A_398 : memref<128xf32, #tpu.memory_space<hbm>>) dst(%arg13 : memref<128xf32, #tpu.memory_space<vmem>>)
      %dma_wait3A_399 = arith.constant 0 : i32
      %dma_wait3A_400 = tpu.memref_slice %arg6[%dma_wait3A_399] : memref<100352xf32, #tpu.memory_space<hbm>> -> memref<128xf32, #tpu.memory_space<hbm>>
      %dma_wait3A_401 = arith.constant 0 : i32
      %dma_wait3A_402 = tpu.memref_slice %arg6[%dma_wait3A_401] : memref<100352xf32, #tpu.memory_space<hbm>> -> memref<128xf32, #tpu.memory_space<hbm>>
      tpu.wait_dma2 semaphore(%arg17 : memref<!tpu.dma_semaphore, #tpu.memory_space<semaphore_mem>>) src(%dma_wait3A_402 : memref<128xf32, #tpu.memory_space<hbm>>) dst(%arg13 : memref<128xf32, #tpu.memory_space<vmem>>)
      %dma_wait3A_403 = arith.constant 0 : i32
      %dma_wait3A_404 = tpu.memref_slice %arg6[%dma_wait3A_403] : memref<100352xf32, #tpu.memory_space<hbm>> -> memref<128xf32, #tpu.memory_space<hbm>>
      %dma_wait3A_405 = arith.constant 0 : i32
      %dma_wait3A_406 = tpu.memref_slice %arg6[%dma_wait3A_405] : memref<100352xf32, #tpu.memory_space<hbm>> -> memref<128xf32, #tpu.memory_space<hbm>>
      tpu.wait_dma2 semaphore(%arg17 : memref<!tpu.dma_semaphore, #tpu.memory_space<semaphore_mem>>) src(%dma_wait3A_406 : memref<128xf32, #tpu.memory_space<hbm>>) dst(%arg13 : memref<128xf32, #tpu.memory_space<vmem>>)
      %dma_wait3A_407 = arith.constant 0 : i32
      %dma_wait3A_408 = tpu.memref_slice %arg6[%dma_wait3A_407] : memref<100352xf32, #tpu.memory_space<hbm>> -> memref<128xf32, #tpu.memory_space<hbm>>
      %dma_wait3A_409 = arith.constant 0 : i32
      %dma_wait3A_410 = tpu.memref_slice %arg6[%dma_wait3A_409] : memref<100352xf32, #tpu.memory_space<hbm>> -> memref<128xf32, #tpu.memory_space<hbm>>
      tpu.wait_dma2 semaphore(%arg17 : memref<!tpu.dma_semaphore, #tpu.memory_space<semaphore_mem>>) src(%dma_wait3A_410 : memref<128xf32, #tpu.memory_space<hbm>>) dst(%arg13 : memref<128xf32, #tpu.memory_space<vmem>>)
      %dma_wait3A_411 = arith.constant 0 : i32
      %dma_wait3A_412 = tpu.memref_slice %arg6[%dma_wait3A_411] : memref<100352xf32, #tpu.memory_space<hbm>> -> memref<128xf32, #tpu.memory_space<hbm>>
      %dma_wait3A_413 = arith.constant 0 : i32
      %dma_wait3A_414 = tpu.memref_slice %arg6[%dma_wait3A_413] : memref<100352xf32, #tpu.memory_space<hbm>> -> memref<128xf32, #tpu.memory_space<hbm>>
      tpu.wait_dma2 semaphore(%arg17 : memref<!tpu.dma_semaphore, #tpu.memory_space<semaphore_mem>>) src(%dma_wait3A_414 : memref<128xf32, #tpu.memory_space<hbm>>) dst(%arg13 : memref<128xf32, #tpu.memory_space<vmem>>)
      %dma_start3A_415 = arith.constant 0 : i32
      %dma_start3A_416 = arith.constant 0 : i32
      %dma_start3A_417 = arith.constant 0 : i32
      %dma_start3A_418 = arith.constant 0 : i32
      %dma_start3A_419 = tpu.memref_slice %arg11[%rem3A_346, %dma_start3A_417, %dma_start3A_418] : memref<2x8x128xf32, #tpu.memory_space<vmem>> -> memref<1x8x128xf32, #tpu.memory_space<vmem>>
      %dma_start3A_420 = tpu.memref_squeeze %dma_start3A_419 : memref<1x8x128xf32, #tpu.memory_space<vmem>> -> memref<8x128xf32, #tpu.memory_space<vmem>>
      %dma_start3A_421 = arith.constant 0 : i32
      %dma_start3A_422 = tpu.memref_slice %dma_start3A_420[%dma_start3A_415, %dma_start3A_421] : memref<8x128xf32, #tpu.memory_space<vmem>> -> memref<1x128xf32, #tpu.memory_space<vmem>>
      %dma_start3A_423 = tpu.memref_squeeze %dma_start3A_422 : memref<1x128xf32, #tpu.memory_space<vmem>> -> memref<128xf32, #tpu.memory_space<vmem>>
      %dma_start3A_424 = arith.constant 0 : i32
      %dma_start3A_425 = arith.constant 0 : i32
      %dma_start3A_426 = tpu.memref_slice %arg10[%rem3A_346, %dma_start3A_424, %dma_start3A_425] : memref<2x8x128xi32, #tpu.memory_space<vmem>> -> memref<1x8x128xi32, #tpu.memory_space<vmem>>
      %dma_start3A_427 = tpu.memref_squeeze %dma_start3A_426 : memref<1x8x128xi32, #tpu.memory_space<vmem>> -> memref<8x128xi32, #tpu.memory_space<vmem>>
      %dma_start3A_428 = arith.constant 0 : i32
      %dma_start3A_429 = tpu.memref_slice %dma_start3A_427[%dma_start3A_416, %dma_start3A_428] : memref<8x128xi32, #tpu.memory_space<vmem>> -> memref<1x128xi32, #tpu.memory_space<vmem>>
      %dma_start3A_430 = tpu.memref_squeeze %dma_start3A_429 : memref<1x128xi32, #tpu.memory_space<vmem>> -> memref<128xi32, #tpu.memory_space<vmem>>
      %dma_start3A_431 = arith.constant 0 : i32
      %dma_start3A_432 = tpu.memref_slice %arg14[%dma_start3A_431] : memref<100352xf32, #tpu.memory_space<vmem_shared>> -> memref<100352xf32, #tpu.memory_space<vmem_shared>>
      tpu.enqueue_indirect_dma source(%dma_start3A_423 : memref<128xf32, #tpu.memory_space<vmem>>) target(%dma_start3A_432 : memref<100352xf32, #tpu.memory_space<vmem_shared>>) offsets(%dma_start3A_430 : memref<128xi32, #tpu.memory_space<vmem>>) semaphore(%arg18 : memref<!tpu.dma_semaphore, #tpu.memory_space<semaphore_mem>>) {add = true}
      %dma_start3A_433 = arith.constant 0 : i32
      %dma_start3A_434 = arith.constant 0 : i32
      %dma_start3A_435 = arith.constant 0 : i32
      %dma_start3A_436 = arith.constant 0 : i32
      %dma_start3A_437 = tpu.memref_slice %arg12[%rem3A_346, %dma_start3A_435, %dma_start3A_436] : memref<2x8x128xf32, #tpu.memory_space<vmem>> -> memref<1x8x128xf32, #tpu.memory_space<vmem>>
      %dma_start3A_438 = tpu.memref_squeeze %dma_start3A_437 : memref<1x8x128xf32, #tpu.memory_space<vmem>> -> memref<8x128xf32, #tpu.memory_space<vmem>>
      %dma_start3A_439 = arith.constant 0 : i32
      %dma_start3A_440 = tpu.memref_slice %dma_start3A_438[%dma_start3A_433, %dma_start3A_439] : memref<8x128xf32, #tpu.memory_space<vmem>> -> memref<1x128xf32, #tpu.memory_space<vmem>>
      %dma_start3A_441 = tpu.memref_squeeze %dma_start3A_440 : memref<1x128xf32, #tpu.memory_space<vmem>> -> memref<128xf32, #tpu.memory_space<vmem>>
      %dma_start3A_442 = arith.constant 0 : i32
      %dma_start3A_443 = arith.constant 0 : i32
      %dma_start3A_444 = tpu.memref_slice %arg10[%rem3A_346, %dma_start3A_442, %dma_start3A_443] : memref<2x8x128xi32, #tpu.memory_space<vmem>> -> memref<1x8x128xi32, #tpu.memory_space<vmem>>
      %dma_start3A_445 = tpu.memref_squeeze %dma_start3A_444 : memref<1x8x128xi32, #tpu.memory_space<vmem>> -> memref<8x128xi32, #tpu.memory_space<vmem>>
      %dma_start3A_446 = arith.constant 0 : i32
      %dma_start3A_447 = tpu.memref_slice %dma_start3A_445[%dma_start3A_434, %dma_start3A_446] : memref<8x128xi32, #tpu.memory_space<vmem>> -> memref<1x128xi32, #tpu.memory_space<vmem>>
      %dma_start3A_448 = tpu.memref_squeeze %dma_start3A_447 : memref<1x128xi32, #tpu.memory_space<vmem>> -> memref<128xi32, #tpu.memory_space<vmem>>
      %dma_start3A_449 = arith.constant 0 : i32
      %dma_start3A_450 = tpu.memref_slice %arg15[%dma_start3A_449] : memref<100352xf32, #tpu.memory_space<vmem_shared>> -> memref<100352xf32, #tpu.memory_space<vmem_shared>>
      tpu.enqueue_indirect_dma source(%dma_start3A_441 : memref<128xf32, #tpu.memory_space<vmem>>) target(%dma_start3A_450 : memref<100352xf32, #tpu.memory_space<vmem_shared>>) offsets(%dma_start3A_448 : memref<128xi32, #tpu.memory_space<vmem>>) semaphore(%arg18 : memref<!tpu.dma_semaphore, #tpu.memory_space<semaphore_mem>>) {add = true}
      %dma_start3A_451 = arith.constant 1 : i32
      %dma_start3A_452 = arith.constant 1 : i32
      %dma_start3A_453 = arith.constant 0 : i32
      %dma_start3A_454 = arith.constant 0 : i32
      %dma_start3A_455 = tpu.memref_slice %arg11[%rem3A_346, %dma_start3A_453, %dma_start3A_454] : memref<2x8x128xf32, #tpu.memory_space<vmem>> -> memref<1x8x128xf32, #tpu.memory_space<vmem>>
      %dma_start3A_456 = tpu.memref_squeeze %dma_start3A_455 : memref<1x8x128xf32, #tpu.memory_space<vmem>> -> memref<8x128xf32, #tpu.memory_space<vmem>>
      %dma_start3A_457 = arith.constant 0 : i32
      %dma_start3A_458 = tpu.memref_slice %dma_start3A_456[%dma_start3A_451, %dma_start3A_457] : memref<8x128xf32, #tpu.memory_space<vmem>> -> memref<1x128xf32, #tpu.memory_space<vmem>>
      %dma_start3A_459 = tpu.memref_squeeze %dma_start3A_458 : memref<1x128xf32, #tpu.memory_space<vmem>> -> memref<128xf32, #tpu.memory_space<vmem>>
      %dma_start3A_460 = arith.constant 0 : i32
      %dma_start3A_461 = arith.constant 0 : i32
      %dma_start3A_462 = tpu.memref_slice %arg10[%rem3A_346, %dma_start3A_460, %dma_start3A_461] : memref<2x8x128xi32, #tpu.memory_space<vmem>> -> memref<1x8x128xi32, #tpu.memory_space<vmem>>
      %dma_start3A_463 = tpu.memref_squeeze %dma_start3A_462 : memref<1x8x128xi32, #tpu.memory_space<vmem>> -> memref<8x128xi32, #tpu.memory_space<vmem>>
      %dma_start3A_464 = arith.constant 0 : i32
      %dma_start3A_465 = tpu.memref_slice %dma_start3A_463[%dma_start3A_452, %dma_start3A_464] : memref<8x128xi32, #tpu.memory_space<vmem>> -> memref<1x128xi32, #tpu.memory_space<vmem>>
      %dma_start3A_466 = tpu.memref_squeeze %dma_start3A_465 : memref<1x128xi32, #tpu.memory_space<vmem>> -> memref<128xi32, #tpu.memory_space<vmem>>
      %dma_start3A_467 = arith.constant 0 : i32
      %dma_start3A_468 = tpu.memref_slice %arg14[%dma_start3A_467] : memref<100352xf32, #tpu.memory_space<vmem_shared>> -> memref<100352xf32, #tpu.memory_space<vmem_shared>>
      tpu.enqueue_indirect_dma source(%dma_start3A_459 : memref<128xf32, #tpu.memory_space<vmem>>) target(%dma_start3A_468 : memref<100352xf32, #tpu.memory_space<vmem_shared>>) offsets(%dma_start3A_466 : memref<128xi32, #tpu.memory_space<vmem>>) semaphore(%arg18 : memref<!tpu.dma_semaphore, #tpu.memory_space<semaphore_mem>>) {add = true}
      %dma_start3A_469 = arith.constant 1 : i32
      %dma_start3A_470 = arith.constant 1 : i32
      %dma_start3A_471 = arith.constant 0 : i32
      %dma_start3A_472 = arith.constant 0 : i32
      %dma_start3A_473 = tpu.memref_slice %arg12[%rem3A_346, %dma_start3A_471, %dma_start3A_472] : memref<2x8x128xf32, #tpu.memory_space<vmem>> -> memref<1x8x128xf32, #tpu.memory_space<vmem>>
      %dma_start3A_474 = tpu.memref_squeeze %dma_start3A_473 : memref<1x8x128xf32, #tpu.memory_space<vmem>> -> memref<8x128xf32, #tpu.memory_space<vmem>>
      %dma_start3A_475 = arith.constant 0 : i32
      %dma_start3A_476 = tpu.memref_slice %dma_start3A_474[%dma_start3A_469, %dma_start3A_475] : memref<8x128xf32, #tpu.memory_space<vmem>> -> memref<1x128xf32, #tpu.memory_space<vmem>>
      %dma_start3A_477 = tpu.memref_squeeze %dma_start3A_476 : memref<1x128xf32, #tpu.memory_space<vmem>> -> memref<128xf32, #tpu.memory_space<vmem>>
      %dma_start3A_478 = arith.constant 0 : i32
      %dma_start3A_479 = arith.constant 0 : i32
      %dma_start3A_480 = tpu.memref_slice %arg10[%rem3A_346, %dma_start3A_478, %dma_start3A_479] : memref<2x8x128xi32, #tpu.memory_space<vmem>> -> memref<1x8x128xi32, #tpu.memory_space<vmem>>
      %dma_start3A_481 = tpu.memref_squeeze %dma_start3A_480 : memref<1x8x128xi32, #tpu.memory_space<vmem>> -> memref<8x128xi32, #tpu.memory_space<vmem>>
      %dma_start3A_482 = arith.constant 0 : i32
      %dma_start3A_483 = tpu.memref_slice %dma_start3A_481[%dma_start3A_470, %dma_start3A_482] : memref<8x128xi32, #tpu.memory_space<vmem>> -> memref<1x128xi32, #tpu.memory_space<vmem>>
      %dma_start3A_484 = tpu.memref_squeeze %dma_start3A_483 : memref<1x128xi32, #tpu.memory_space<vmem>> -> memref<128xi32, #tpu.memory_space<vmem>>
      %dma_start3A_485 = arith.constant 0 : i32
      %dma_start3A_486 = tpu.memref_slice %arg15[%dma_start3A_485] : memref<100352xf32, #tpu.memory_space<vmem_shared>> -> memref<100352xf32, #tpu.memory_space<vmem_shared>>
      tpu.enqueue_indirect_dma source(%dma_start3A_477 : memref<128xf32, #tpu.memory_space<vmem>>) target(%dma_start3A_486 : memref<100352xf32, #tpu.memory_space<vmem_shared>>) offsets(%dma_start3A_484 : memref<128xi32, #tpu.memory_space<vmem>>) semaphore(%arg18 : memref<!tpu.dma_semaphore, #tpu.memory_space<semaphore_mem>>) {add = true}
      %dma_start3A_487 = arith.constant 2 : i32
      %dma_start3A_488 = arith.constant 2 : i32
      %dma_start3A_489 = arith.constant 0 : i32
      %dma_start3A_490 = arith.constant 0 : i32
      %dma_start3A_491 = tpu.memref_slice %arg11[%rem3A_346, %dma_start3A_489, %dma_start3A_490] : memref<2x8x128xf32, #tpu.memory_space<vmem>> -> memref<1x8x128xf32, #tpu.memory_space<vmem>>
      %dma_start3A_492 = tpu.memref_squeeze %dma_start3A_491 : memref<1x8x128xf32, #tpu.memory_space<vmem>> -> memref<8x128xf32, #tpu.memory_space<vmem>>
      %dma_start3A_493 = arith.constant 0 : i32
      %dma_start3A_494 = tpu.memref_slice %dma_start3A_492[%dma_start3A_487, %dma_start3A_493] : memref<8x128xf32, #tpu.memory_space<vmem>> -> memref<1x128xf32, #tpu.memory_space<vmem>>
      %dma_start3A_495 = tpu.memref_squeeze %dma_start3A_494 : memref<1x128xf32, #tpu.memory_space<vmem>> -> memref<128xf32, #tpu.memory_space<vmem>>
      %dma_start3A_496 = arith.constant 0 : i32
      %dma_start3A_497 = arith.constant 0 : i32
      %dma_start3A_498 = tpu.memref_slice %arg10[%rem3A_346, %dma_start3A_496, %dma_start3A_497] : memref<2x8x128xi32, #tpu.memory_space<vmem>> -> memref<1x8x128xi32, #tpu.memory_space<vmem>>
      %dma_start3A_499 = tpu.memref_squeeze %dma_start3A_498 : memref<1x8x128xi32, #tpu.memory_space<vmem>> -> memref<8x128xi32, #tpu.memory_space<vmem>>
      %dma_start3A_500 = arith.constant 0 : i32
      %dma_start3A_501 = tpu.memref_slice %dma_start3A_499[%dma_start3A_488, %dma_start3A_500] : memref<8x128xi32, #tpu.memory_space<vmem>> -> memref<1x128xi32, #tpu.memory_space<vmem>>
      %dma_start3A_502 = tpu.memref_squeeze %dma_start3A_501 : memref<1x128xi32, #tpu.memory_space<vmem>> -> memref<128xi32, #tpu.memory_space<vmem>>
      %dma_start3A_503 = arith.constant 0 : i32
      %dma_start3A_504 = tpu.memref_slice %arg14[%dma_start3A_503] : memref<100352xf32, #tpu.memory_space<vmem_shared>> -> memref<100352xf32, #tpu.memory_space<vmem_shared>>
      tpu.enqueue_indirect_dma source(%dma_start3A_495 : memref<128xf32, #tpu.memory_space<vmem>>) target(%dma_start3A_504 : memref<100352xf32, #tpu.memory_space<vmem_shared>>) offsets(%dma_start3A_502 : memref<128xi32, #tpu.memory_space<vmem>>) semaphore(%arg18 : memref<!tpu.dma_semaphore, #tpu.memory_space<semaphore_mem>>) {add = true}
      %dma_start3A_505 = arith.constant 2 : i32
      %dma_start3A_506 = arith.constant 2 : i32
      %dma_start3A_507 = arith.constant 0 : i32
      %dma_start3A_508 = arith.constant 0 : i32
      %dma_start3A_509 = tpu.memref_slice %arg12[%rem3A_346, %dma_start3A_507, %dma_start3A_508] : memref<2x8x128xf32, #tpu.memory_space<vmem>> -> memref<1x8x128xf32, #tpu.memory_space<vmem>>
      %dma_start3A_510 = tpu.memref_squeeze %dma_start3A_509 : memref<1x8x128xf32, #tpu.memory_space<vmem>> -> memref<8x128xf32, #tpu.memory_space<vmem>>
      %dma_start3A_511 = arith.constant 0 : i32
      %dma_start3A_512 = tpu.memref_slice %dma_start3A_510[%dma_start3A_505, %dma_start3A_511] : memref<8x128xf32, #tpu.memory_space<vmem>> -> memref<1x128xf32, #tpu.memory_space<vmem>>
      %dma_start3A_513 = tpu.memref_squeeze %dma_start3A_512 : memref<1x128xf32, #tpu.memory_space<vmem>> -> memref<128xf32, #tpu.memory_space<vmem>>
      %dma_start3A_514 = arith.constant 0 : i32
      %dma_start3A_515 = arith.constant 0 : i32
      %dma_start3A_516 = tpu.memref_slice %arg10[%rem3A_346, %dma_start3A_514, %dma_start3A_515] : memref<2x8x128xi32, #tpu.memory_space<vmem>> -> memref<1x8x128xi32, #tpu.memory_space<vmem>>
      %dma_start3A_517 = tpu.memref_squeeze %dma_start3A_516 : memref<1x8x128xi32, #tpu.memory_space<vmem>> -> memref<8x128xi32, #tpu.memory_space<vmem>>
      %dma_start3A_518 = arith.constant 0 : i32
      %dma_start3A_519 = tpu.memref_slice %dma_start3A_517[%dma_start3A_506, %dma_start3A_518] : memref<8x128xi32, #tpu.memory_space<vmem>> -> memref<1x128xi32, #tpu.memory_space<vmem>>
      %dma_start3A_520 = tpu.memref_squeeze %dma_start3A_519 : memref<1x128xi32, #tpu.memory_space<vmem>> -> memref<128xi32, #tpu.memory_space<vmem>>
      %dma_start3A_521 = arith.constant 0 : i32
      %dma_start3A_522 = tpu.memref_slice %arg15[%dma_start3A_521] : memref<100352xf32, #tpu.memory_space<vmem_shared>> -> memref<100352xf32, #tpu.memory_space<vmem_shared>>
      tpu.enqueue_indirect_dma source(%dma_start3A_513 : memref<128xf32, #tpu.memory_space<vmem>>) target(%dma_start3A_522 : memref<100352xf32, #tpu.memory_space<vmem_shared>>) offsets(%dma_start3A_520 : memref<128xi32, #tpu.memory_space<vmem>>) semaphore(%arg18 : memref<!tpu.dma_semaphore, #tpu.memory_space<semaphore_mem>>) {add = true}
      %dma_start3A_523 = arith.constant 3 : i32
      %dma_start3A_524 = arith.constant 3 : i32
      %dma_start3A_525 = arith.constant 0 : i32
      %dma_start3A_526 = arith.constant 0 : i32
      %dma_start3A_527 = tpu.memref_slice %arg11[%rem3A_346, %dma_start3A_525, %dma_start3A_526] : memref<2x8x128xf32, #tpu.memory_space<vmem>> -> memref<1x8x128xf32, #tpu.memory_space<vmem>>
      %dma_start3A_528 = tpu.memref_squeeze %dma_start3A_527 : memref<1x8x128xf32, #tpu.memory_space<vmem>> -> memref<8x128xf32, #tpu.memory_space<vmem>>
      %dma_start3A_529 = arith.constant 0 : i32
      %dma_start3A_530 = tpu.memref_slice %dma_start3A_528[%dma_start3A_523, %dma_start3A_529] : memref<8x128xf32, #tpu.memory_space<vmem>> -> memref<1x128xf32, #tpu.memory_space<vmem>>
      %dma_start3A_531 = tpu.memref_squeeze %dma_start3A_530 : memref<1x128xf32, #tpu.memory_space<vmem>> -> memref<128xf32, #tpu.memory_space<vmem>>
      %dma_start3A_532 = arith.constant 0 : i32
      %dma_start3A_533 = arith.constant 0 : i32
      %dma_start3A_534 = tpu.memref_slice %arg10[%rem3A_346, %dma_start3A_532, %dma_start3A_533] : memref<2x8x128xi32, #tpu.memory_space<vmem>> -> memref<1x8x128xi32, #tpu.memory_space<vmem>>
      %dma_start3A_535 = tpu.memref_squeeze %dma_start3A_534 : memref<1x8x128xi32, #tpu.memory_space<vmem>> -> memref<8x128xi32, #tpu.memory_space<vmem>>
      %dma_start3A_536 = arith.constant 0 : i32
      %dma_start3A_537 = tpu.memref_slice %dma_start3A_535[%dma_start3A_524, %dma_start3A_536] : memref<8x128xi32, #tpu.memory_space<vmem>> -> memref<1x128xi32, #tpu.memory_space<vmem>>
      %dma_start3A_538 = tpu.memref_squeeze %dma_start3A_537 : memref<1x128xi32, #tpu.memory_space<vmem>> -> memref<128xi32, #tpu.memory_space<vmem>>
      %dma_start3A_539 = arith.constant 0 : i32
      %dma_start3A_540 = tpu.memref_slice %arg14[%dma_start3A_539] : memref<100352xf32, #tpu.memory_space<vmem_shared>> -> memref<100352xf32, #tpu.memory_space<vmem_shared>>
      tpu.enqueue_indirect_dma source(%dma_start3A_531 : memref<128xf32, #tpu.memory_space<vmem>>) target(%dma_start3A_540 : memref<100352xf32, #tpu.memory_space<vmem_shared>>) offsets(%dma_start3A_538 : memref<128xi32, #tpu.memory_space<vmem>>) semaphore(%arg18 : memref<!tpu.dma_semaphore, #tpu.memory_space<semaphore_mem>>) {add = true}
      %dma_start3A_541 = arith.constant 3 : i32
      %dma_start3A_542 = arith.constant 3 : i32
      %dma_start3A_543 = arith.constant 0 : i32
      %dma_start3A_544 = arith.constant 0 : i32
      %dma_start3A_545 = tpu.memref_slice %arg12[%rem3A_346, %dma_start3A_543, %dma_start3A_544] : memref<2x8x128xf32, #tpu.memory_space<vmem>> -> memref<1x8x128xf32, #tpu.memory_space<vmem>>
      %dma_start3A_546 = tpu.memref_squeeze %dma_start3A_545 : memref<1x8x128xf32, #tpu.memory_space<vmem>> -> memref<8x128xf32, #tpu.memory_space<vmem>>
      %dma_start3A_547 = arith.constant 0 : i32
      %dma_start3A_548 = tpu.memref_slice %dma_start3A_546[%dma_start3A_541, %dma_start3A_547] : memref<8x128xf32, #tpu.memory_space<vmem>> -> memref<1x128xf32, #tpu.memory_space<vmem>>
      %dma_start3A_549 = tpu.memref_squeeze %dma_start3A_548 : memref<1x128xf32, #tpu.memory_space<vmem>> -> memref<128xf32, #tpu.memory_space<vmem>>
      %dma_start3A_550 = arith.constant 0 : i32
      %dma_start3A_551 = arith.constant 0 : i32
      %dma_start3A_552 = tpu.memref_slice %arg10[%rem3A_346, %dma_start3A_550, %dma_start3A_551] : memref<2x8x128xi32, #tpu.memory_space<vmem>> -> memref<1x8x128xi32, #tpu.memory_space<vmem>>
      %dma_start3A_553 = tpu.memref_squeeze %dma_start3A_552 : memref<1x8x128xi32, #tpu.memory_space<vmem>> -> memref<8x128xi32, #tpu.memory_space<vmem>>
      %dma_start3A_554 = arith.constant 0 : i32
      %dma_start3A_555 = tpu.memref_slice %dma_start3A_553[%dma_start3A_542, %dma_start3A_554] : memref<8x128xi32, #tpu.memory_space<vmem>> -> memref<1x128xi32, #tpu.memory_space<vmem>>
      %dma_start3A_556 = tpu.memref_squeeze %dma_start3A_555 : memref<1x128xi32, #tpu.memory_space<vmem>> -> memref<128xi32, #tpu.memory_space<vmem>>
      %dma_start3A_557 = arith.constant 0 : i32
      %dma_start3A_558 = tpu.memref_slice %arg15[%dma_start3A_557] : memref<100352xf32, #tpu.memory_space<vmem_shared>> -> memref<100352xf32, #tpu.memory_space<vmem_shared>>
      tpu.enqueue_indirect_dma source(%dma_start3A_549 : memref<128xf32, #tpu.memory_space<vmem>>) target(%dma_start3A_558 : memref<100352xf32, #tpu.memory_space<vmem_shared>>) offsets(%dma_start3A_556 : memref<128xi32, #tpu.memory_space<vmem>>) semaphore(%arg18 : memref<!tpu.dma_semaphore, #tpu.memory_space<semaphore_mem>>) {add = true}
      %dma_start3A_559 = arith.constant 4 : i32
      %dma_start3A_560 = arith.constant 4 : i32
      %dma_start3A_561 = arith.constant 0 : i32
      %dma_start3A_562 = arith.constant 0 : i32
      %dma_start3A_563 = tpu.memref_slice %arg11[%rem3A_346, %dma_start3A_561, %dma_start3A_562] : memref<2x8x128xf32, #tpu.memory_space<vmem>> -> memref<1x8x128xf32, #tpu.memory_space<vmem>>
      %dma_start3A_564 = tpu.memref_squeeze %dma_start3A_563 : memref<1x8x128xf32, #tpu.memory_space<vmem>> -> memref<8x128xf32, #tpu.memory_space<vmem>>
      %dma_start3A_565 = arith.constant 0 : i32
      %dma_start3A_566 = tpu.memref_slice %dma_start3A_564[%dma_start3A_559, %dma_start3A_565] : memref<8x128xf32, #tpu.memory_space<vmem>> -> memref<1x128xf32, #tpu.memory_space<vmem>>
      %dma_start3A_567 = tpu.memref_squeeze %dma_start3A_566 : memref<1x128xf32, #tpu.memory_space<vmem>> -> memref<128xf32, #tpu.memory_space<vmem>>
      %dma_start3A_568 = arith.constant 0 : i32
      %dma_start3A_569 = arith.constant 0 : i32
      %dma_start3A_570 = tpu.memref_slice %arg10[%rem3A_346, %dma_start3A_568, %dma_start3A_569] : memref<2x8x128xi32, #tpu.memory_space<vmem>> -> memref<1x8x128xi32, #tpu.memory_space<vmem>>
      %dma_start3A_571 = tpu.memref_squeeze %dma_start3A_570 : memref<1x8x128xi32, #tpu.memory_space<vmem>> -> memref<8x128xi32, #tpu.memory_space<vmem>>
      %dma_start3A_572 = arith.constant 0 : i32
      %dma_start3A_573 = tpu.memref_slice %dma_start3A_571[%dma_start3A_560, %dma_start3A_572] : memref<8x128xi32, #tpu.memory_space<vmem>> -> memref<1x128xi32, #tpu.memory_space<vmem>>
      %dma_start3A_574 = tpu.memref_squeeze %dma_start3A_573 : memref<1x128xi32, #tpu.memory_space<vmem>> -> memref<128xi32, #tpu.memory_space<vmem>>
      %dma_start3A_575 = arith.constant 0 : i32
      %dma_start3A_576 = tpu.memref_slice %arg14[%dma_start3A_575] : memref<100352xf32, #tpu.memory_space<vmem_shared>> -> memref<100352xf32, #tpu.memory_space<vmem_shared>>
      tpu.enqueue_indirect_dma source(%dma_start3A_567 : memref<128xf32, #tpu.memory_space<vmem>>) target(%dma_start3A_576 : memref<100352xf32, #tpu.memory_space<vmem_shared>>) offsets(%dma_start3A_574 : memref<128xi32, #tpu.memory_space<vmem>>) semaphore(%arg18 : memref<!tpu.dma_semaphore, #tpu.memory_space<semaphore_mem>>) {add = true}
      %dma_start3A_577 = arith.constant 4 : i32
      %dma_start3A_578 = arith.constant 4 : i32
      %dma_start3A_579 = arith.constant 0 : i32
      %dma_start3A_580 = arith.constant 0 : i32
      %dma_start3A_581 = tpu.memref_slice %arg12[%rem3A_346, %dma_start3A_579, %dma_start3A_580] : memref<2x8x128xf32, #tpu.memory_space<vmem>> -> memref<1x8x128xf32, #tpu.memory_space<vmem>>
      %dma_start3A_582 = tpu.memref_squeeze %dma_start3A_581 : memref<1x8x128xf32, #tpu.memory_space<vmem>> -> memref<8x128xf32, #tpu.memory_space<vmem>>
      %dma_start3A_583 = arith.constant 0 : i32
      %dma_start3A_584 = tpu.memref_slice %dma_start3A_582[%dma_start3A_577, %dma_start3A_583] : memref<8x128xf32, #tpu.memory_space<vmem>> -> memref<1x128xf32, #tpu.memory_space<vmem>>
      %dma_start3A_585 = tpu.memref_squeeze %dma_start3A_584 : memref<1x128xf32, #tpu.memory_space<vmem>> -> memref<128xf32, #tpu.memory_space<vmem>>
      %dma_start3A_586 = arith.constant 0 : i32
      %dma_start3A_587 = arith.constant 0 : i32
      %dma_start3A_588 = tpu.memref_slice %arg10[%rem3A_346, %dma_start3A_586, %dma_start3A_587] : memref<2x8x128xi32, #tpu.memory_space<vmem>> -> memref<1x8x128xi32, #tpu.memory_space<vmem>>
      %dma_start3A_589 = tpu.memref_squeeze %dma_start3A_588 : memref<1x8x128xi32, #tpu.memory_space<vmem>> -> memref<8x128xi32, #tpu.memory_space<vmem>>
      %dma_start3A_590 = arith.constant 0 : i32
      %dma_start3A_591 = tpu.memref_slice %dma_start3A_589[%dma_start3A_578, %dma_start3A_590] : memref<8x128xi32, #tpu.memory_space<vmem>> -> memref<1x128xi32, #tpu.memory_space<vmem>>
      %dma_start3A_592 = tpu.memref_squeeze %dma_start3A_591 : memref<1x128xi32, #tpu.memory_space<vmem>> -> memref<128xi32, #tpu.memory_space<vmem>>
      %dma_start3A_593 = arith.constant 0 : i32
      %dma_start3A_594 = tpu.memref_slice %arg15[%dma_start3A_593] : memref<100352xf32, #tpu.memory_space<vmem_shared>> -> memref<100352xf32, #tpu.memory_space<vmem_shared>>
      tpu.enqueue_indirect_dma source(%dma_start3A_585 : memref<128xf32, #tpu.memory_space<vmem>>) target(%dma_start3A_594 : memref<100352xf32, #tpu.memory_space<vmem_shared>>) offsets(%dma_start3A_592 : memref<128xi32, #tpu.memory_space<vmem>>) semaphore(%arg18 : memref<!tpu.dma_semaphore, #tpu.memory_space<semaphore_mem>>) {add = true}
      %dma_start3A_595 = arith.constant 5 : i32
      %dma_start3A_596 = arith.constant 5 : i32
      %dma_start3A_597 = arith.constant 0 : i32
      %dma_start3A_598 = arith.constant 0 : i32
      %dma_start3A_599 = tpu.memref_slice %arg11[%rem3A_346, %dma_start3A_597, %dma_start3A_598] : memref<2x8x128xf32, #tpu.memory_space<vmem>> -> memref<1x8x128xf32, #tpu.memory_space<vmem>>
      %dma_start3A_600 = tpu.memref_squeeze %dma_start3A_599 : memref<1x8x128xf32, #tpu.memory_space<vmem>> -> memref<8x128xf32, #tpu.memory_space<vmem>>
      %dma_start3A_601 = arith.constant 0 : i32
      %dma_start3A_602 = tpu.memref_slice %dma_start3A_600[%dma_start3A_595, %dma_start3A_601] : memref<8x128xf32, #tpu.memory_space<vmem>> -> memref<1x128xf32, #tpu.memory_space<vmem>>
      %dma_start3A_603 = tpu.memref_squeeze %dma_start3A_602 : memref<1x128xf32, #tpu.memory_space<vmem>> -> memref<128xf32, #tpu.memory_space<vmem>>
      %dma_start3A_604 = arith.constant 0 : i32
      %dma_start3A_605 = arith.constant 0 : i32
      %dma_start3A_606 = tpu.memref_slice %arg10[%rem3A_346, %dma_start3A_604, %dma_start3A_605] : memref<2x8x128xi32, #tpu.memory_space<vmem>> -> memref<1x8x128xi32, #tpu.memory_space<vmem>>
      %dma_start3A_607 = tpu.memref_squeeze %dma_start3A_606 : memref<1x8x128xi32, #tpu.memory_space<vmem>> -> memref<8x128xi32, #tpu.memory_space<vmem>>
      %dma_start3A_608 = arith.constant 0 : i32
      %dma_start3A_609 = tpu.memref_slice %dma_start3A_607[%dma_start3A_596, %dma_start3A_608] : memref<8x128xi32, #tpu.memory_space<vmem>> -> memref<1x128xi32, #tpu.memory_space<vmem>>
      %dma_start3A_610 = tpu.memref_squeeze %dma_start3A_609 : memref<1x128xi32, #tpu.memory_space<vmem>> -> memref<128xi32, #tpu.memory_space<vmem>>
      %dma_start3A_611 = arith.constant 0 : i32
      %dma_start3A_612 = tpu.memref_slice %arg14[%dma_start3A_611] : memref<100352xf32, #tpu.memory_space<vmem_shared>> -> memref<100352xf32, #tpu.memory_space<vmem_shared>>
      tpu.enqueue_indirect_dma source(%dma_start3A_603 : memref<128xf32, #tpu.memory_space<vmem>>) target(%dma_start3A_612 : memref<100352xf32, #tpu.memory_space<vmem_shared>>) offsets(%dma_start3A_610 : memref<128xi32, #tpu.memory_space<vmem>>) semaphore(%arg18 : memref<!tpu.dma_semaphore, #tpu.memory_space<semaphore_mem>>) {add = true}
      %dma_start3A_613 = arith.constant 5 : i32
      %dma_start3A_614 = arith.constant 5 : i32
      %dma_start3A_615 = arith.constant 0 : i32
      %dma_start3A_616 = arith.constant 0 : i32
      %dma_start3A_617 = tpu.memref_slice %arg12[%rem3A_346, %dma_start3A_615, %dma_start3A_616] : memref<2x8x128xf32, #tpu.memory_space<vmem>> -> memref<1x8x128xf32, #tpu.memory_space<vmem>>
      %dma_start3A_618 = tpu.memref_squeeze %dma_start3A_617 : memref<1x8x128xf32, #tpu.memory_space<vmem>> -> memref<8x128xf32, #tpu.memory_space<vmem>>
      %dma_start3A_619 = arith.constant 0 : i32
      %dma_start3A_620 = tpu.memref_slice %dma_start3A_618[%dma_start3A_613, %dma_start3A_619] : memref<8x128xf32, #tpu.memory_space<vmem>> -> memref<1x128xf32, #tpu.memory_space<vmem>>
      %dma_start3A_621 = tpu.memref_squeeze %dma_start3A_620 : memref<1x128xf32, #tpu.memory_space<vmem>> -> memref<128xf32, #tpu.memory_space<vmem>>
      %dma_start3A_622 = arith.constant 0 : i32
      %dma_start3A_623 = arith.constant 0 : i32
      %dma_start3A_624 = tpu.memref_slice %arg10[%rem3A_346, %dma_start3A_622, %dma_start3A_623] : memref<2x8x128xi32, #tpu.memory_space<vmem>> -> memref<1x8x128xi32, #tpu.memory_space<vmem>>
      %dma_start3A_625 = tpu.memref_squeeze %dma_start3A_624 : memref<1x8x128xi32, #tpu.memory_space<vmem>> -> memref<8x128xi32, #tpu.memory_space<vmem>>
      %dma_start3A_626 = arith.constant 0 : i32
      %dma_start3A_627 = tpu.memref_slice %dma_start3A_625[%dma_start3A_614, %dma_start3A_626] : memref<8x128xi32, #tpu.memory_space<vmem>> -> memref<1x128xi32, #tpu.memory_space<vmem>>
      %dma_start3A_628 = tpu.memref_squeeze %dma_start3A_627 : memref<1x128xi32, #tpu.memory_space<vmem>> -> memref<128xi32, #tpu.memory_space<vmem>>
      %dma_start3A_629 = arith.constant 0 : i32
      %dma_start3A_630 = tpu.memref_slice %arg15[%dma_start3A_629] : memref<100352xf32, #tpu.memory_space<vmem_shared>> -> memref<100352xf32, #tpu.memory_space<vmem_shared>>
      tpu.enqueue_indirect_dma source(%dma_start3A_621 : memref<128xf32, #tpu.memory_space<vmem>>) target(%dma_start3A_630 : memref<100352xf32, #tpu.memory_space<vmem_shared>>) offsets(%dma_start3A_628 : memref<128xi32, #tpu.memory_space<vmem>>) semaphore(%arg18 : memref<!tpu.dma_semaphore, #tpu.memory_space<semaphore_mem>>) {add = true}
      %dma_start3A_631 = arith.constant 6 : i32
      %dma_start3A_632 = arith.constant 6 : i32
      %dma_start3A_633 = arith.constant 0 : i32
      %dma_start3A_634 = arith.constant 0 : i32
      %dma_start3A_635 = tpu.memref_slice %arg11[%rem3A_346, %dma_start3A_633, %dma_start3A_634] : memref<2x8x128xf32, #tpu.memory_space<vmem>> -> memref<1x8x128xf32, #tpu.memory_space<vmem>>
      %dma_start3A_636 = tpu.memref_squeeze %dma_start3A_635 : memref<1x8x128xf32, #tpu.memory_space<vmem>> -> memref<8x128xf32, #tpu.memory_space<vmem>>
      %dma_start3A_637 = arith.constant 0 : i32
      %dma_start3A_638 = tpu.memref_slice %dma_start3A_636[%dma_start3A_631, %dma_start3A_637] : memref<8x128xf32, #tpu.memory_space<vmem>> -> memref<1x128xf32, #tpu.memory_space<vmem>>
      %dma_start3A_639 = tpu.memref_squeeze %dma_start3A_638 : memref<1x128xf32, #tpu.memory_space<vmem>> -> memref<128xf32, #tpu.memory_space<vmem>>
      %dma_start3A_640 = arith.constant 0 : i32
      %dma_start3A_641 = arith.constant 0 : i32
      %dma_start3A_642 = tpu.memref_slice %arg10[%rem3A_346, %dma_start3A_640, %dma_start3A_641] : memref<2x8x128xi32, #tpu.memory_space<vmem>> -> memref<1x8x128xi32, #tpu.memory_space<vmem>>
      %dma_start3A_643 = tpu.memref_squeeze %dma_start3A_642 : memref<1x8x128xi32, #tpu.memory_space<vmem>> -> memref<8x128xi32, #tpu.memory_space<vmem>>
      %dma_start3A_644 = arith.constant 0 : i32
      %dma_start3A_645 = tpu.memref_slice %dma_start3A_643[%dma_start3A_632, %dma_start3A_644] : memref<8x128xi32, #tpu.memory_space<vmem>> -> memref<1x128xi32, #tpu.memory_space<vmem>>
      %dma_start3A_646 = tpu.memref_squeeze %dma_start3A_645 : memref<1x128xi32, #tpu.memory_space<vmem>> -> memref<128xi32, #tpu.memory_space<vmem>>
      %dma_start3A_647 = arith.constant 0 : i32
      %dma_start3A_648 = tpu.memref_slice %arg14[%dma_start3A_647] : memref<100352xf32, #tpu.memory_space<vmem_shared>> -> memref<100352xf32, #tpu.memory_space<vmem_shared>>
      tpu.enqueue_indirect_dma source(%dma_start3A_639 : memref<128xf32, #tpu.memory_space<vmem>>) target(%dma_start3A_648 : memref<100352xf32, #tpu.memory_space<vmem_shared>>) offsets(%dma_start3A_646 : memref<128xi32, #tpu.memory_space<vmem>>) semaphore(%arg18 : memref<!tpu.dma_semaphore, #tpu.memory_space<semaphore_mem>>) {add = true}
      %dma_start3A_649 = arith.constant 6 : i32
      %dma_start3A_650 = arith.constant 6 : i32
      %dma_start3A_651 = arith.constant 0 : i32
      %dma_start3A_652 = arith.constant 0 : i32
      %dma_start3A_653 = tpu.memref_slice %arg12[%rem3A_346, %dma_start3A_651, %dma_start3A_652] : memref<2x8x128xf32, #tpu.memory_space<vmem>> -> memref<1x8x128xf32, #tpu.memory_space<vmem>>
      %dma_start3A_654 = tpu.memref_squeeze %dma_start3A_653 : memref<1x8x128xf32, #tpu.memory_space<vmem>> -> memref<8x128xf32, #tpu.memory_space<vmem>>
      %dma_start3A_655 = arith.constant 0 : i32
      %dma_start3A_656 = tpu.memref_slice %dma_start3A_654[%dma_start3A_649, %dma_start3A_655] : memref<8x128xf32, #tpu.memory_space<vmem>> -> memref<1x128xf32, #tpu.memory_space<vmem>>
      %dma_start3A_657 = tpu.memref_squeeze %dma_start3A_656 : memref<1x128xf32, #tpu.memory_space<vmem>> -> memref<128xf32, #tpu.memory_space<vmem>>
      %dma_start3A_658 = arith.constant 0 : i32
      %dma_start3A_659 = arith.constant 0 : i32
      %dma_start3A_660 = tpu.memref_slice %arg10[%rem3A_346, %dma_start3A_658, %dma_start3A_659] : memref<2x8x128xi32, #tpu.memory_space<vmem>> -> memref<1x8x128xi32, #tpu.memory_space<vmem>>
      %dma_start3A_661 = tpu.memref_squeeze %dma_start3A_660 : memref<1x8x128xi32, #tpu.memory_space<vmem>> -> memref<8x128xi32, #tpu.memory_space<vmem>>
      %dma_start3A_662 = arith.constant 0 : i32
      %dma_start3A_663 = tpu.memref_slice %dma_start3A_661[%dma_start3A_650, %dma_start3A_662] : memref<8x128xi32, #tpu.memory_space<vmem>> -> memref<1x128xi32, #tpu.memory_space<vmem>>
      %dma_start3A_664 = tpu.memref_squeeze %dma_start3A_663 : memref<1x128xi32, #tpu.memory_space<vmem>> -> memref<128xi32, #tpu.memory_space<vmem>>
      %dma_start3A_665 = arith.constant 0 : i32
      %dma_start3A_666 = tpu.memref_slice %arg15[%dma_start3A_665] : memref<100352xf32, #tpu.memory_space<vmem_shared>> -> memref<100352xf32, #tpu.memory_space<vmem_shared>>
      tpu.enqueue_indirect_dma source(%dma_start3A_657 : memref<128xf32, #tpu.memory_space<vmem>>) target(%dma_start3A_666 : memref<100352xf32, #tpu.memory_space<vmem_shared>>) offsets(%dma_start3A_664 : memref<128xi32, #tpu.memory_space<vmem>>) semaphore(%arg18 : memref<!tpu.dma_semaphore, #tpu.memory_space<semaphore_mem>>) {add = true}
      %dma_start3A_667 = arith.constant 7 : i32
      %dma_start3A_668 = arith.constant 7 : i32
      %dma_start3A_669 = arith.constant 0 : i32
      %dma_start3A_670 = arith.constant 0 : i32
      %dma_start3A_671 = tpu.memref_slice %arg11[%rem3A_346, %dma_start3A_669, %dma_start3A_670] : memref<2x8x128xf32, #tpu.memory_space<vmem>> -> memref<1x8x128xf32, #tpu.memory_space<vmem>>
      %dma_start3A_672 = tpu.memref_squeeze %dma_start3A_671 : memref<1x8x128xf32, #tpu.memory_space<vmem>> -> memref<8x128xf32, #tpu.memory_space<vmem>>
      %dma_start3A_673 = arith.constant 0 : i32
      %dma_start3A_674 = tpu.memref_slice %dma_start3A_672[%dma_start3A_667, %dma_start3A_673] : memref<8x128xf32, #tpu.memory_space<vmem>> -> memref<1x128xf32, #tpu.memory_space<vmem>>
      %dma_start3A_675 = tpu.memref_squeeze %dma_start3A_674 : memref<1x128xf32, #tpu.memory_space<vmem>> -> memref<128xf32, #tpu.memory_space<vmem>>
      %dma_start3A_676 = arith.constant 0 : i32
      %dma_start3A_677 = arith.constant 0 : i32
      %dma_start3A_678 = tpu.memref_slice %arg10[%rem3A_346, %dma_start3A_676, %dma_start3A_677] : memref<2x8x128xi32, #tpu.memory_space<vmem>> -> memref<1x8x128xi32, #tpu.memory_space<vmem>>
      %dma_start3A_679 = tpu.memref_squeeze %dma_start3A_678 : memref<1x8x128xi32, #tpu.memory_space<vmem>> -> memref<8x128xi32, #tpu.memory_space<vmem>>
      %dma_start3A_680 = arith.constant 0 : i32
      %dma_start3A_681 = tpu.memref_slice %dma_start3A_679[%dma_start3A_668, %dma_start3A_680] : memref<8x128xi32, #tpu.memory_space<vmem>> -> memref<1x128xi32, #tpu.memory_space<vmem>>
      %dma_start3A_682 = tpu.memref_squeeze %dma_start3A_681 : memref<1x128xi32, #tpu.memory_space<vmem>> -> memref<128xi32, #tpu.memory_space<vmem>>
      %dma_start3A_683 = arith.constant 0 : i32
      %dma_start3A_684 = tpu.memref_slice %arg14[%dma_start3A_683] : memref<100352xf32, #tpu.memory_space<vmem_shared>> -> memref<100352xf32, #tpu.memory_space<vmem_shared>>
      tpu.enqueue_indirect_dma source(%dma_start3A_675 : memref<128xf32, #tpu.memory_space<vmem>>) target(%dma_start3A_684 : memref<100352xf32, #tpu.memory_space<vmem_shared>>) offsets(%dma_start3A_682 : memref<128xi32, #tpu.memory_space<vmem>>) semaphore(%arg18 : memref<!tpu.dma_semaphore, #tpu.memory_space<semaphore_mem>>) {add = true}
      %dma_start3A_685 = arith.constant 7 : i32
      %dma_start3A_686 = arith.constant 7 : i32
      %dma_start3A_687 = arith.constant 0 : i32
      %dma_start3A_688 = arith.constant 0 : i32
      %dma_start3A_689 = tpu.memref_slice %arg12[%rem3A_346, %dma_start3A_687, %dma_start3A_688] : memref<2x8x128xf32, #tpu.memory_space<vmem>> -> memref<1x8x128xf32, #tpu.memory_space<vmem>>
      %dma_start3A_690 = tpu.memref_squeeze %dma_start3A_689 : memref<1x8x128xf32, #tpu.memory_space<vmem>> -> memref<8x128xf32, #tpu.memory_space<vmem>>
      %dma_start3A_691 = arith.constant 0 : i32
      %dma_start3A_692 = tpu.memref_slice %dma_start3A_690[%dma_start3A_685, %dma_start3A_691] : memref<8x128xf32, #tpu.memory_space<vmem>> -> memref<1x128xf32, #tpu.memory_space<vmem>>
      %dma_start3A_693 = tpu.memref_squeeze %dma_start3A_692 : memref<1x128xf32, #tpu.memory_space<vmem>> -> memref<128xf32, #tpu.memory_space<vmem>>
      %dma_start3A_694 = arith.constant 0 : i32
      %dma_start3A_695 = arith.constant 0 : i32
      %dma_start3A_696 = tpu.memref_slice %arg10[%rem3A_346, %dma_start3A_694, %dma_start3A_695] : memref<2x8x128xi32, #tpu.memory_space<vmem>> -> memref<1x8x128xi32, #tpu.memory_space<vmem>>
      %dma_start3A_697 = tpu.memref_squeeze %dma_start3A_696 : memref<1x8x128xi32, #tpu.memory_space<vmem>> -> memref<8x128xi32, #tpu.memory_space<vmem>>
      %dma_start3A_698 = arith.constant 0 : i32
      %dma_start3A_699 = tpu.memref_slice %dma_start3A_697[%dma_start3A_686, %dma_start3A_698] : memref<8x128xi32, #tpu.memory_space<vmem>> -> memref<1x128xi32, #tpu.memory_space<vmem>>
      %dma_start3A_700 = tpu.memref_squeeze %dma_start3A_699 : memref<1x128xi32, #tpu.memory_space<vmem>> -> memref<128xi32, #tpu.memory_space<vmem>>
      %dma_start3A_701 = arith.constant 0 : i32
      %dma_start3A_702 = tpu.memref_slice %arg15[%dma_start3A_701] : memref<100352xf32, #tpu.memory_space<vmem_shared>> -> memref<100352xf32, #tpu.memory_space<vmem_shared>>
      tpu.enqueue_indirect_dma source(%dma_start3A_693 : memref<128xf32, #tpu.memory_space<vmem>>) target(%dma_start3A_702 : memref<100352xf32, #tpu.memory_space<vmem_shared>>) offsets(%dma_start3A_700 : memref<128xi32, #tpu.memory_space<vmem>>) semaphore(%arg18 : memref<!tpu.dma_semaphore, #tpu.memory_space<semaphore_mem>>) {add = true}
      %add3A_703 = arith.constant 1 : i32
      %add3A_704 = arith.addi %scan3A_345, %add3A_703 : i32
      %lt3A_705 = arith.constant 98 : i32
      %lt3A_706 = arith.cmpi slt, %add3A_704, %lt3A_705 : i32
      %convert_element_type3A_707 = arith.extui %lt3A_706 : i1 to i32
      %cond3A_708 = arith.constant 0 : i32
      %cond3A_709 = arith.cmpi ne, %convert_element_type3A_707, %cond3A_708 : i32
      scf.if %cond3A_709 {
        %dma_wait3A_774 = arith.constant 0 : i32
        %dma_wait3A_775 = arith.constant 0 : i32
        %dma_wait3A_776 = arith.constant 0 : i32
        %dma_wait3A_777 = tpu.memref_slice %arg9[%dma_wait3A_774, %dma_wait3A_775, %dma_wait3A_776] : memref<2x8x128xi32, #tpu.memory_space<vmem>> -> memref<1x8x128xi32, #tpu.memory_space<vmem>>
        %dma_wait3A_778 = tpu.memref_squeeze %dma_wait3A_777 : memref<1x8x128xi32, #tpu.memory_space<vmem>> -> memref<8x128xi32, #tpu.memory_space<vmem>>
        %dma_wait3A_779 = arith.constant 0 : i32
        %dma_wait3A_780 = tpu.memref_slice %arg2[%mul3A_10, %dma_wait3A_779] : memref<25088x128xi32, #tpu.memory_space<hbm>> -> memref<8x128xi32, #tpu.memory_space<hbm>>
        %dma_wait3A_781 = arith.constant 0 : i32
        %dma_wait3A_782 = arith.constant 0 : i32
        %dma_wait3A_783 = tpu.memref_slice %arg9[%dma_wait3A_774, %dma_wait3A_781, %dma_wait3A_782] : memref<2x8x128xi32, #tpu.memory_space<vmem>> -> memref<1x8x128xi32, #tpu.memory_space<vmem>>
        %dma_wait3A_784 = tpu.memref_squeeze %dma_wait3A_783 : memref<1x8x128xi32, #tpu.memory_space<vmem>> -> memref<8x128xi32, #tpu.memory_space<vmem>>
        %dma_wait3A_785 = arith.constant 0 : i32
        %dma_wait3A_786 = tpu.memref_slice %arg2[%mul3A_10, %dma_wait3A_785] : memref<25088x128xi32, #tpu.memory_space<hbm>> -> memref<8x128xi32, #tpu.memory_space<hbm>>
        tpu.wait_dma2 semaphore(%arg16 : memref<!tpu.dma_semaphore, #tpu.memory_space<semaphore_mem>>) src(%dma_wait3A_786 : memref<8x128xi32, #tpu.memory_space<hbm>>) dst(%dma_wait3A_784 : memref<8x128xi32, #tpu.memory_space<vmem>>)
        %dma_wait3A_787 = arith.constant 0 : i32
        %dma_wait3A_788 = arith.constant 0 : i32
        %dma_wait3A_789 = arith.constant 0 : i32
        %dma_wait3A_790 = tpu.memref_slice %arg9[%dma_wait3A_787, %dma_wait3A_788, %dma_wait3A_789] : memref<2x8x128xi32, #tpu.memory_space<vmem>> -> memref<1x8x128xi32, #tpu.memory_space<vmem>>
        %dma_wait3A_791 = tpu.memref_squeeze %dma_wait3A_790 : memref<1x8x128xi32, #tpu.memory_space<vmem>> -> memref<8x128xi32, #tpu.memory_space<vmem>>
        %dma_wait3A_792 = arith.constant 0 : i32
        %dma_wait3A_793 = tpu.memref_slice %arg2[%mul3A_10, %dma_wait3A_792] : memref<25088x128xi32, #tpu.memory_space<hbm>> -> memref<8x128xi32, #tpu.memory_space<hbm>>
        %dma_wait3A_794 = arith.constant 0 : i32
        %dma_wait3A_795 = arith.constant 0 : i32
        %dma_wait3A_796 = tpu.memref_slice %arg9[%dma_wait3A_787, %dma_wait3A_794, %dma_wait3A_795] : memref<2x8x128xi32, #tpu.memory_space<vmem>> -> memref<1x8x128xi32, #tpu.memory_space<vmem>>
        %dma_wait3A_797 = tpu.memref_squeeze %dma_wait3A_796 : memref<1x8x128xi32, #tpu.memory_space<vmem>> -> memref<8x128xi32, #tpu.memory_space<vmem>>
        %dma_wait3A_798 = arith.constant 0 : i32
        %dma_wait3A_799 = tpu.memref_slice %arg2[%mul3A_10, %dma_wait3A_798] : memref<25088x128xi32, #tpu.memory_space<hbm>> -> memref<8x128xi32, #tpu.memory_space<hbm>>
        tpu.wait_dma2 semaphore(%arg16 : memref<!tpu.dma_semaphore, #tpu.memory_space<semaphore_mem>>) src(%dma_wait3A_799 : memref<8x128xi32, #tpu.memory_space<hbm>>) dst(%dma_wait3A_797 : memref<8x128xi32, #tpu.memory_space<vmem>>)
        %dma_start3A_800 = arith.constant 0 : i32
        %dma_start3A_801 = arith.constant 0 : i32
        %dma_start3A_802 = arith.constant 0 : i32
        %dma_start3A_803 = arith.constant 0 : i32
        %dma_start3A_804 = tpu.memref_slice %arg11[%sub3A_347, %dma_start3A_802, %dma_start3A_803] : memref<2x8x128xf32, #tpu.memory_space<vmem>> -> memref<1x8x128xf32, #tpu.memory_space<vmem>>
        %dma_start3A_805 = tpu.memref_squeeze %dma_start3A_804 : memref<1x8x128xf32, #tpu.memory_space<vmem>> -> memref<8x128xf32, #tpu.memory_space<vmem>>
        %dma_start3A_806 = arith.constant 0 : i32
        %dma_start3A_807 = tpu.memref_slice %dma_start3A_805[%dma_start3A_801, %dma_start3A_806] : memref<8x128xf32, #tpu.memory_space<vmem>> -> memref<1x128xf32, #tpu.memory_space<vmem>>
        %dma_start3A_808 = tpu.memref_squeeze %dma_start3A_807 : memref<1x128xf32, #tpu.memory_space<vmem>> -> memref<128xf32, #tpu.memory_space<vmem>>
        %dma_start3A_809 = arith.constant 0 : i32
        %dma_start3A_810 = arith.constant 0 : i32
        %dma_start3A_811 = tpu.memref_slice %arg9[%sub3A_347, %dma_start3A_809, %dma_start3A_810] : memref<2x8x128xi32, #tpu.memory_space<vmem>> -> memref<1x8x128xi32, #tpu.memory_space<vmem>>
        %dma_start3A_812 = tpu.memref_squeeze %dma_start3A_811 : memref<1x8x128xi32, #tpu.memory_space<vmem>> -> memref<8x128xi32, #tpu.memory_space<vmem>>
        %dma_start3A_813 = arith.constant 0 : i32
        %dma_start3A_814 = tpu.memref_slice %dma_start3A_812[%dma_start3A_800, %dma_start3A_813] : memref<8x128xi32, #tpu.memory_space<vmem>> -> memref<1x128xi32, #tpu.memory_space<vmem>>
        %dma_start3A_815 = tpu.memref_squeeze %dma_start3A_814 : memref<1x128xi32, #tpu.memory_space<vmem>> -> memref<128xi32, #tpu.memory_space<vmem>>
        %dma_start3A_816 = arith.constant 0 : i32
        %dma_start3A_817 = tpu.memref_slice %arg4[%dma_start3A_816] : memref<100352xf32, #tpu.memory_space<hbm>> -> memref<100352xf32, #tpu.memory_space<hbm>>
        tpu.enqueue_indirect_dma source(%dma_start3A_817 : memref<100352xf32, #tpu.memory_space<hbm>>) target(%dma_start3A_808 : memref<128xf32, #tpu.memory_space<vmem>>) offsets(%dma_start3A_815 : memref<128xi32, #tpu.memory_space<vmem>>) semaphore(%arg17 : memref<!tpu.dma_semaphore, #tpu.memory_space<semaphore_mem>>)
        %dma_start3A_818 = arith.constant 0 : i32
        %dma_start3A_819 = arith.constant 0 : i32
        %dma_start3A_820 = arith.constant 0 : i32
        %dma_start3A_821 = arith.constant 0 : i32
        %dma_start3A_822 = tpu.memref_slice %arg12[%sub3A_347, %dma_start3A_820, %dma_start3A_821] : memref<2x8x128xf32, #tpu.memory_space<vmem>> -> memref<1x8x128xf32, #tpu.memory_space<vmem>>
        %dma_start3A_823 = tpu.memref_squeeze %dma_start3A_822 : memref<1x8x128xf32, #tpu.memory_space<vmem>> -> memref<8x128xf32, #tpu.memory_space<vmem>>
        %dma_start3A_824 = arith.constant 0 : i32
        %dma_start3A_825 = tpu.memref_slice %dma_start3A_823[%dma_start3A_819, %dma_start3A_824] : memref<8x128xf32, #tpu.memory_space<vmem>> -> memref<1x128xf32, #tpu.memory_space<vmem>>
        %dma_start3A_826 = tpu.memref_squeeze %dma_start3A_825 : memref<1x128xf32, #tpu.memory_space<vmem>> -> memref<128xf32, #tpu.memory_space<vmem>>
        %dma_start3A_827 = arith.constant 0 : i32
        %dma_start3A_828 = arith.constant 0 : i32
        %dma_start3A_829 = tpu.memref_slice %arg9[%sub3A_347, %dma_start3A_827, %dma_start3A_828] : memref<2x8x128xi32, #tpu.memory_space<vmem>> -> memref<1x8x128xi32, #tpu.memory_space<vmem>>
        %dma_start3A_830 = tpu.memref_squeeze %dma_start3A_829 : memref<1x8x128xi32, #tpu.memory_space<vmem>> -> memref<8x128xi32, #tpu.memory_space<vmem>>
        %dma_start3A_831 = arith.constant 0 : i32
        %dma_start3A_832 = tpu.memref_slice %dma_start3A_830[%dma_start3A_818, %dma_start3A_831] : memref<8x128xi32, #tpu.memory_space<vmem>> -> memref<1x128xi32, #tpu.memory_space<vmem>>
        %dma_start3A_833 = tpu.memref_squeeze %dma_start3A_832 : memref<1x128xi32, #tpu.memory_space<vmem>> -> memref<128xi32, #tpu.memory_space<vmem>>
        %dma_start3A_834 = arith.constant 0 : i32
        %dma_start3A_835 = tpu.memref_slice %arg5[%dma_start3A_834] : memref<100352xf32, #tpu.memory_space<hbm>> -> memref<100352xf32, #tpu.memory_space<hbm>>
        tpu.enqueue_indirect_dma source(%dma_start3A_835 : memref<100352xf32, #tpu.memory_space<hbm>>) target(%dma_start3A_826 : memref<128xf32, #tpu.memory_space<vmem>>) offsets(%dma_start3A_833 : memref<128xi32, #tpu.memory_space<vmem>>) semaphore(%arg17 : memref<!tpu.dma_semaphore, #tpu.memory_space<semaphore_mem>>)
        %dma_start3A_836 = arith.constant 1 : i32
        %dma_start3A_837 = arith.constant 1 : i32
        %dma_start3A_838 = arith.constant 0 : i32
        %dma_start3A_839 = arith.constant 0 : i32
        %dma_start3A_840 = tpu.memref_slice %arg11[%sub3A_347, %dma_start3A_838, %dma_start3A_839] : memref<2x8x128xf32, #tpu.memory_space<vmem>> -> memref<1x8x128xf32, #tpu.memory_space<vmem>>
        %dma_start3A_841 = tpu.memref_squeeze %dma_start3A_840 : memref<1x8x128xf32, #tpu.memory_space<vmem>> -> memref<8x128xf32, #tpu.memory_space<vmem>>
        %dma_start3A_842 = arith.constant 0 : i32
        %dma_start3A_843 = tpu.memref_slice %dma_start3A_841[%dma_start3A_837, %dma_start3A_842] : memref<8x128xf32, #tpu.memory_space<vmem>> -> memref<1x128xf32, #tpu.memory_space<vmem>>
        %dma_start3A_844 = tpu.memref_squeeze %dma_start3A_843 : memref<1x128xf32, #tpu.memory_space<vmem>> -> memref<128xf32, #tpu.memory_space<vmem>>
        %dma_start3A_845 = arith.constant 0 : i32
        %dma_start3A_846 = arith.constant 0 : i32
        %dma_start3A_847 = tpu.memref_slice %arg9[%sub3A_347, %dma_start3A_845, %dma_start3A_846] : memref<2x8x128xi32, #tpu.memory_space<vmem>> -> memref<1x8x128xi32, #tpu.memory_space<vmem>>
        %dma_start3A_848 = tpu.memref_squeeze %dma_start3A_847 : memref<1x8x128xi32, #tpu.memory_space<vmem>> -> memref<8x128xi32, #tpu.memory_space<vmem>>
        %dma_start3A_849 = arith.constant 0 : i32
        %dma_start3A_850 = tpu.memref_slice %dma_start3A_848[%dma_start3A_836, %dma_start3A_849] : memref<8x128xi32, #tpu.memory_space<vmem>> -> memref<1x128xi32, #tpu.memory_space<vmem>>
        %dma_start3A_851 = tpu.memref_squeeze %dma_start3A_850 : memref<1x128xi32, #tpu.memory_space<vmem>> -> memref<128xi32, #tpu.memory_space<vmem>>
        %dma_start3A_852 = arith.constant 0 : i32
        %dma_start3A_853 = tpu.memref_slice %arg4[%dma_start3A_852] : memref<100352xf32, #tpu.memory_space<hbm>> -> memref<100352xf32, #tpu.memory_space<hbm>>
        tpu.enqueue_indirect_dma source(%dma_start3A_853 : memref<100352xf32, #tpu.memory_space<hbm>>) target(%dma_start3A_844 : memref<128xf32, #tpu.memory_space<vmem>>) offsets(%dma_start3A_851 : memref<128xi32, #tpu.memory_space<vmem>>) semaphore(%arg17 : memref<!tpu.dma_semaphore, #tpu.memory_space<semaphore_mem>>)
        %dma_start3A_854 = arith.constant 1 : i32
        %dma_start3A_855 = arith.constant 1 : i32
        %dma_start3A_856 = arith.constant 0 : i32
        %dma_start3A_857 = arith.constant 0 : i32
        %dma_start3A_858 = tpu.memref_slice %arg12[%sub3A_347, %dma_start3A_856, %dma_start3A_857] : memref<2x8x128xf32, #tpu.memory_space<vmem>> -> memref<1x8x128xf32, #tpu.memory_space<vmem>>
        %dma_start3A_859 = tpu.memref_squeeze %dma_start3A_858 : memref<1x8x128xf32, #tpu.memory_space<vmem>> -> memref<8x128xf32, #tpu.memory_space<vmem>>
        %dma_start3A_860 = arith.constant 0 : i32
        %dma_start3A_861 = tpu.memref_slice %dma_start3A_859[%dma_start3A_855, %dma_start3A_860] : memref<8x128xf32, #tpu.memory_space<vmem>> -> memref<1x128xf32, #tpu.memory_space<vmem>>
        %dma_start3A_862 = tpu.memref_squeeze %dma_start3A_861 : memref<1x128xf32, #tpu.memory_space<vmem>> -> memref<128xf32, #tpu.memory_space<vmem>>
        %dma_start3A_863 = arith.constant 0 : i32
        %dma_start3A_864 = arith.constant 0 : i32
        %dma_start3A_865 = tpu.memref_slice %arg9[%sub3A_347, %dma_start3A_863, %dma_start3A_864] : memref<2x8x128xi32, #tpu.memory_space<vmem>> -> memref<1x8x128xi32, #tpu.memory_space<vmem>>
        %dma_start3A_866 = tpu.memref_squeeze %dma_start3A_865 : memref<1x8x128xi32, #tpu.memory_space<vmem>> -> memref<8x128xi32, #tpu.memory_space<vmem>>
        %dma_start3A_867 = arith.constant 0 : i32
        %dma_start3A_868 = tpu.memref_slice %dma_start3A_866[%dma_start3A_854, %dma_start3A_867] : memref<8x128xi32, #tpu.memory_space<vmem>> -> memref<1x128xi32, #tpu.memory_space<vmem>>
        %dma_start3A_869 = tpu.memref_squeeze %dma_start3A_868 : memref<1x128xi32, #tpu.memory_space<vmem>> -> memref<128xi32, #tpu.memory_space<vmem>>
        %dma_start3A_870 = arith.constant 0 : i32
        %dma_start3A_871 = tpu.memref_slice %arg5[%dma_start3A_870] : memref<100352xf32, #tpu.memory_space<hbm>> -> memref<100352xf32, #tpu.memory_space<hbm>>
        tpu.enqueue_indirect_dma source(%dma_start3A_871 : memref<100352xf32, #tpu.memory_space<hbm>>) target(%dma_start3A_862 : memref<128xf32, #tpu.memory_space<vmem>>) offsets(%dma_start3A_869 : memref<128xi32, #tpu.memory_space<vmem>>) semaphore(%arg17 : memref<!tpu.dma_semaphore, #tpu.memory_space<semaphore_mem>>)
        %dma_start3A_872 = arith.constant 2 : i32
        %dma_start3A_873 = arith.constant 2 : i32
        %dma_start3A_874 = arith.constant 0 : i32
        %dma_start3A_875 = arith.constant 0 : i32
        %dma_start3A_876 = tpu.memref_slice %arg11[%sub3A_347, %dma_start3A_874, %dma_start3A_875] : memref<2x8x128xf32, #tpu.memory_space<vmem>> -> memref<1x8x128xf32, #tpu.memory_space<vmem>>
        %dma_start3A_877 = tpu.memref_squeeze %dma_start3A_876 : memref<1x8x128xf32, #tpu.memory_space<vmem>> -> memref<8x128xf32, #tpu.memory_space<vmem>>
        %dma_start3A_878 = arith.constant 0 : i32
        %dma_start3A_879 = tpu.memref_slice %dma_start3A_877[%dma_start3A_873, %dma_start3A_878] : memref<8x128xf32, #tpu.memory_space<vmem>> -> memref<1x128xf32, #tpu.memory_space<vmem>>
        %dma_start3A_880 = tpu.memref_squeeze %dma_start3A_879 : memref<1x128xf32, #tpu.memory_space<vmem>> -> memref<128xf32, #tpu.memory_space<vmem>>
        %dma_start3A_881 = arith.constant 0 : i32
        %dma_start3A_882 = arith.constant 0 : i32
        %dma_start3A_883 = tpu.memref_slice %arg9[%sub3A_347, %dma_start3A_881, %dma_start3A_882] : memref<2x8x128xi32, #tpu.memory_space<vmem>> -> memref<1x8x128xi32, #tpu.memory_space<vmem>>
        %dma_start3A_884 = tpu.memref_squeeze %dma_start3A_883 : memref<1x8x128xi32, #tpu.memory_space<vmem>> -> memref<8x128xi32, #tpu.memory_space<vmem>>
        %dma_start3A_885 = arith.constant 0 : i32
        %dma_start3A_886 = tpu.memref_slice %dma_start3A_884[%dma_start3A_872, %dma_start3A_885] : memref<8x128xi32, #tpu.memory_space<vmem>> -> memref<1x128xi32, #tpu.memory_space<vmem>>
        %dma_start3A_887 = tpu.memref_squeeze %dma_start3A_886 : memref<1x128xi32, #tpu.memory_space<vmem>> -> memref<128xi32, #tpu.memory_space<vmem>>
        %dma_start3A_888 = arith.constant 0 : i32
        %dma_start3A_889 = tpu.memref_slice %arg4[%dma_start3A_888] : memref<100352xf32, #tpu.memory_space<hbm>> -> memref<100352xf32, #tpu.memory_space<hbm>>
        tpu.enqueue_indirect_dma source(%dma_start3A_889 : memref<100352xf32, #tpu.memory_space<hbm>>) target(%dma_start3A_880 : memref<128xf32, #tpu.memory_space<vmem>>) offsets(%dma_start3A_887 : memref<128xi32, #tpu.memory_space<vmem>>) semaphore(%arg17 : memref<!tpu.dma_semaphore, #tpu.memory_space<semaphore_mem>>)
        %dma_start3A_890 = arith.constant 2 : i32
        %dma_start3A_891 = arith.constant 2 : i32
        %dma_start3A_892 = arith.constant 0 : i32
        %dma_start3A_893 = arith.constant 0 : i32
        %dma_start3A_894 = tpu.memref_slice %arg12[%sub3A_347, %dma_start3A_892, %dma_start3A_893] : memref<2x8x128xf32, #tpu.memory_space<vmem>> -> memref<1x8x128xf32, #tpu.memory_space<vmem>>
        %dma_start3A_895 = tpu.memref_squeeze %dma_start3A_894 : memref<1x8x128xf32, #tpu.memory_space<vmem>> -> memref<8x128xf32, #tpu.memory_space<vmem>>
        %dma_start3A_896 = arith.constant 0 : i32
        %dma_start3A_897 = tpu.memref_slice %dma_start3A_895[%dma_start3A_891, %dma_start3A_896] : memref<8x128xf32, #tpu.memory_space<vmem>> -> memref<1x128xf32, #tpu.memory_space<vmem>>
        %dma_start3A_898 = tpu.memref_squeeze %dma_start3A_897 : memref<1x128xf32, #tpu.memory_space<vmem>> -> memref<128xf32, #tpu.memory_space<vmem>>
        %dma_start3A_899 = arith.constant 0 : i32
        %dma_start3A_900 = arith.constant 0 : i32
        %dma_start3A_901 = tpu.memref_slice %arg9[%sub3A_347, %dma_start3A_899, %dma_start3A_900] : memref<2x8x128xi32, #tpu.memory_space<vmem>> -> memref<1x8x128xi32, #tpu.memory_space<vmem>>
        %dma_start3A_902 = tpu.memref_squeeze %dma_start3A_901 : memref<1x8x128xi32, #tpu.memory_space<vmem>> -> memref<8x128xi32, #tpu.memory_space<vmem>>
        %dma_start3A_903 = arith.constant 0 : i32
        %dma_start3A_904 = tpu.memref_slice %dma_start3A_902[%dma_start3A_890, %dma_start3A_903] : memref<8x128xi32, #tpu.memory_space<vmem>> -> memref<1x128xi32, #tpu.memory_space<vmem>>
        %dma_start3A_905 = tpu.memref_squeeze %dma_start3A_904 : memref<1x128xi32, #tpu.memory_space<vmem>> -> memref<128xi32, #tpu.memory_space<vmem>>
        %dma_start3A_906 = arith.constant 0 : i32
        %dma_start3A_907 = tpu.memref_slice %arg5[%dma_start3A_906] : memref<100352xf32, #tpu.memory_space<hbm>> -> memref<100352xf32, #tpu.memory_space<hbm>>
        tpu.enqueue_indirect_dma source(%dma_start3A_907 : memref<100352xf32, #tpu.memory_space<hbm>>) target(%dma_start3A_898 : memref<128xf32, #tpu.memory_space<vmem>>) offsets(%dma_start3A_905 : memref<128xi32, #tpu.memory_space<vmem>>) semaphore(%arg17 : memref<!tpu.dma_semaphore, #tpu.memory_space<semaphore_mem>>)
        %dma_start3A_908 = arith.constant 3 : i32
        %dma_start3A_909 = arith.constant 3 : i32
        %dma_start3A_910 = arith.constant 0 : i32
        %dma_start3A_911 = arith.constant 0 : i32
        %dma_start3A_912 = tpu.memref_slice %arg11[%sub3A_347, %dma_start3A_910, %dma_start3A_911] : memref<2x8x128xf32, #tpu.memory_space<vmem>> -> memref<1x8x128xf32, #tpu.memory_space<vmem>>
        %dma_start3A_913 = tpu.memref_squeeze %dma_start3A_912 : memref<1x8x128xf32, #tpu.memory_space<vmem>> -> memref<8x128xf32, #tpu.memory_space<vmem>>
        %dma_start3A_914 = arith.constant 0 : i32
        %dma_start3A_915 = tpu.memref_slice %dma_start3A_913[%dma_start3A_909, %dma_start3A_914] : memref<8x128xf32, #tpu.memory_space<vmem>> -> memref<1x128xf32, #tpu.memory_space<vmem>>
        %dma_start3A_916 = tpu.memref_squeeze %dma_start3A_915 : memref<1x128xf32, #tpu.memory_space<vmem>> -> memref<128xf32, #tpu.memory_space<vmem>>
        %dma_start3A_917 = arith.constant 0 : i32
        %dma_start3A_918 = arith.constant 0 : i32
        %dma_start3A_919 = tpu.memref_slice %arg9[%sub3A_347, %dma_start3A_917, %dma_start3A_918] : memref<2x8x128xi32, #tpu.memory_space<vmem>> -> memref<1x8x128xi32, #tpu.memory_space<vmem>>
        %dma_start3A_920 = tpu.memref_squeeze %dma_start3A_919 : memref<1x8x128xi32, #tpu.memory_space<vmem>> -> memref<8x128xi32, #tpu.memory_space<vmem>>
        %dma_start3A_921 = arith.constant 0 : i32
        %dma_start3A_922 = tpu.memref_slice %dma_start3A_920[%dma_start3A_908, %dma_start3A_921] : memref<8x128xi32, #tpu.memory_space<vmem>> -> memref<1x128xi32, #tpu.memory_space<vmem>>
        %dma_start3A_923 = tpu.memref_squeeze %dma_start3A_922 : memref<1x128xi32, #tpu.memory_space<vmem>> -> memref<128xi32, #tpu.memory_space<vmem>>
        %dma_start3A_924 = arith.constant 0 : i32
        %dma_start3A_925 = tpu.memref_slice %arg4[%dma_start3A_924] : memref<100352xf32, #tpu.memory_space<hbm>> -> memref<100352xf32, #tpu.memory_space<hbm>>
        tpu.enqueue_indirect_dma source(%dma_start3A_925 : memref<100352xf32, #tpu.memory_space<hbm>>) target(%dma_start3A_916 : memref<128xf32, #tpu.memory_space<vmem>>) offsets(%dma_start3A_923 : memref<128xi32, #tpu.memory_space<vmem>>) semaphore(%arg17 : memref<!tpu.dma_semaphore, #tpu.memory_space<semaphore_mem>>)
        %dma_start3A_926 = arith.constant 3 : i32
        %dma_start3A_927 = arith.constant 3 : i32
        %dma_start3A_928 = arith.constant 0 : i32
        %dma_start3A_929 = arith.constant 0 : i32
        %dma_start3A_930 = tpu.memref_slice %arg12[%sub3A_347, %dma_start3A_928, %dma_start3A_929] : memref<2x8x128xf32, #tpu.memory_space<vmem>> -> memref<1x8x128xf32, #tpu.memory_space<vmem>>
        %dma_start3A_931 = tpu.memref_squeeze %dma_start3A_930 : memref<1x8x128xf32, #tpu.memory_space<vmem>> -> memref<8x128xf32, #tpu.memory_space<vmem>>
        %dma_start3A_932 = arith.constant 0 : i32
        %dma_start3A_933 = tpu.memref_slice %dma_start3A_931[%dma_start3A_927, %dma_start3A_932] : memref<8x128xf32, #tpu.memory_space<vmem>> -> memref<1x128xf32, #tpu.memory_space<vmem>>
        %dma_start3A_934 = tpu.memref_squeeze %dma_start3A_933 : memref<1x128xf32, #tpu.memory_space<vmem>> -> memref<128xf32, #tpu.memory_space<vmem>>
        %dma_start3A_935 = arith.constant 0 : i32
        %dma_start3A_936 = arith.constant 0 : i32
        %dma_start3A_937 = tpu.memref_slice %arg9[%sub3A_347, %dma_start3A_935, %dma_start3A_936] : memref<2x8x128xi32, #tpu.memory_space<vmem>> -> memref<1x8x128xi32, #tpu.memory_space<vmem>>
        %dma_start3A_938 = tpu.memref_squeeze %dma_start3A_937 : memref<1x8x128xi32, #tpu.memory_space<vmem>> -> memref<8x128xi32, #tpu.memory_space<vmem>>
        %dma_start3A_939 = arith.constant 0 : i32
        %dma_start3A_940 = tpu.memref_slice %dma_start3A_938[%dma_start3A_926, %dma_start3A_939] : memref<8x128xi32, #tpu.memory_space<vmem>> -> memref<1x128xi32, #tpu.memory_space<vmem>>
        %dma_start3A_941 = tpu.memref_squeeze %dma_start3A_940 : memref<1x128xi32, #tpu.memory_space<vmem>> -> memref<128xi32, #tpu.memory_space<vmem>>
        %dma_start3A_942 = arith.constant 0 : i32
        %dma_start3A_943 = tpu.memref_slice %arg5[%dma_start3A_942] : memref<100352xf32, #tpu.memory_space<hbm>> -> memref<100352xf32, #tpu.memory_space<hbm>>
        tpu.enqueue_indirect_dma source(%dma_start3A_943 : memref<100352xf32, #tpu.memory_space<hbm>>) target(%dma_start3A_934 : memref<128xf32, #tpu.memory_space<vmem>>) offsets(%dma_start3A_941 : memref<128xi32, #tpu.memory_space<vmem>>) semaphore(%arg17 : memref<!tpu.dma_semaphore, #tpu.memory_space<semaphore_mem>>)
        %dma_start3A_944 = arith.constant 4 : i32
        %dma_start3A_945 = arith.constant 4 : i32
        %dma_start3A_946 = arith.constant 0 : i32
        %dma_start3A_947 = arith.constant 0 : i32
        %dma_start3A_948 = tpu.memref_slice %arg11[%sub3A_347, %dma_start3A_946, %dma_start3A_947] : memref<2x8x128xf32, #tpu.memory_space<vmem>> -> memref<1x8x128xf32, #tpu.memory_space<vmem>>
        %dma_start3A_949 = tpu.memref_squeeze %dma_start3A_948 : memref<1x8x128xf32, #tpu.memory_space<vmem>> -> memref<8x128xf32, #tpu.memory_space<vmem>>
        %dma_start3A_950 = arith.constant 0 : i32
        %dma_start3A_951 = tpu.memref_slice %dma_start3A_949[%dma_start3A_945, %dma_start3A_950] : memref<8x128xf32, #tpu.memory_space<vmem>> -> memref<1x128xf32, #tpu.memory_space<vmem>>
        %dma_start3A_952 = tpu.memref_squeeze %dma_start3A_951 : memref<1x128xf32, #tpu.memory_space<vmem>> -> memref<128xf32, #tpu.memory_space<vmem>>
        %dma_start3A_953 = arith.constant 0 : i32
        %dma_start3A_954 = arith.constant 0 : i32
        %dma_start3A_955 = tpu.memref_slice %arg9[%sub3A_347, %dma_start3A_953, %dma_start3A_954] : memref<2x8x128xi32, #tpu.memory_space<vmem>> -> memref<1x8x128xi32, #tpu.memory_space<vmem>>
        %dma_start3A_956 = tpu.memref_squeeze %dma_start3A_955 : memref<1x8x128xi32, #tpu.memory_space<vmem>> -> memref<8x128xi32, #tpu.memory_space<vmem>>
        %dma_start3A_957 = arith.constant 0 : i32
        %dma_start3A_958 = tpu.memref_slice %dma_start3A_956[%dma_start3A_944, %dma_start3A_957] : memref<8x128xi32, #tpu.memory_space<vmem>> -> memref<1x128xi32, #tpu.memory_space<vmem>>
        %dma_start3A_959 = tpu.memref_squeeze %dma_start3A_958 : memref<1x128xi32, #tpu.memory_space<vmem>> -> memref<128xi32, #tpu.memory_space<vmem>>
        %dma_start3A_960 = arith.constant 0 : i32
        %dma_start3A_961 = tpu.memref_slice %arg4[%dma_start3A_960] : memref<100352xf32, #tpu.memory_space<hbm>> -> memref<100352xf32, #tpu.memory_space<hbm>>
        tpu.enqueue_indirect_dma source(%dma_start3A_961 : memref<100352xf32, #tpu.memory_space<hbm>>) target(%dma_start3A_952 : memref<128xf32, #tpu.memory_space<vmem>>) offsets(%dma_start3A_959 : memref<128xi32, #tpu.memory_space<vmem>>) semaphore(%arg17 : memref<!tpu.dma_semaphore, #tpu.memory_space<semaphore_mem>>)
        %dma_start3A_962 = arith.constant 4 : i32
        %dma_start3A_963 = arith.constant 4 : i32
        %dma_start3A_964 = arith.constant 0 : i32
        %dma_start3A_965 = arith.constant 0 : i32
        %dma_start3A_966 = tpu.memref_slice %arg12[%sub3A_347, %dma_start3A_964, %dma_start3A_965] : memref<2x8x128xf32, #tpu.memory_space<vmem>> -> memref<1x8x128xf32, #tpu.memory_space<vmem>>
        %dma_start3A_967 = tpu.memref_squeeze %dma_start3A_966 : memref<1x8x128xf32, #tpu.memory_space<vmem>> -> memref<8x128xf32, #tpu.memory_space<vmem>>
        %dma_start3A_968 = arith.constant 0 : i32
        %dma_start3A_969 = tpu.memref_slice %dma_start3A_967[%dma_start3A_963, %dma_start3A_968] : memref<8x128xf32, #tpu.memory_space<vmem>> -> memref<1x128xf32, #tpu.memory_space<vmem>>
        %dma_start3A_970 = tpu.memref_squeeze %dma_start3A_969 : memref<1x128xf32, #tpu.memory_space<vmem>> -> memref<128xf32, #tpu.memory_space<vmem>>
        %dma_start3A_971 = arith.constant 0 : i32
        %dma_start3A_972 = arith.constant 0 : i32
        %dma_start3A_973 = tpu.memref_slice %arg9[%sub3A_347, %dma_start3A_971, %dma_start3A_972] : memref<2x8x128xi32, #tpu.memory_space<vmem>> -> memref<1x8x128xi32, #tpu.memory_space<vmem>>
        %dma_start3A_974 = tpu.memref_squeeze %dma_start3A_973 : memref<1x8x128xi32, #tpu.memory_space<vmem>> -> memref<8x128xi32, #tpu.memory_space<vmem>>
        %dma_start3A_975 = arith.constant 0 : i32
        %dma_start3A_976 = tpu.memref_slice %dma_start3A_974[%dma_start3A_962, %dma_start3A_975] : memref<8x128xi32, #tpu.memory_space<vmem>> -> memref<1x128xi32, #tpu.memory_space<vmem>>
        %dma_start3A_977 = tpu.memref_squeeze %dma_start3A_976 : memref<1x128xi32, #tpu.memory_space<vmem>> -> memref<128xi32, #tpu.memory_space<vmem>>
        %dma_start3A_978 = arith.constant 0 : i32
        %dma_start3A_979 = tpu.memref_slice %arg5[%dma_start3A_978] : memref<100352xf32, #tpu.memory_space<hbm>> -> memref<100352xf32, #tpu.memory_space<hbm>>
        tpu.enqueue_indirect_dma source(%dma_start3A_979 : memref<100352xf32, #tpu.memory_space<hbm>>) target(%dma_start3A_970 : memref<128xf32, #tpu.memory_space<vmem>>) offsets(%dma_start3A_977 : memref<128xi32, #tpu.memory_space<vmem>>) semaphore(%arg17 : memref<!tpu.dma_semaphore, #tpu.memory_space<semaphore_mem>>)
        %dma_start3A_980 = arith.constant 5 : i32
        %dma_start3A_981 = arith.constant 5 : i32
        %dma_start3A_982 = arith.constant 0 : i32
        %dma_start3A_983 = arith.constant 0 : i32
        %dma_start3A_984 = tpu.memref_slice %arg11[%sub3A_347, %dma_start3A_982, %dma_start3A_983] : memref<2x8x128xf32, #tpu.memory_space<vmem>> -> memref<1x8x128xf32, #tpu.memory_space<vmem>>
        %dma_start3A_985 = tpu.memref_squeeze %dma_start3A_984 : memref<1x8x128xf32, #tpu.memory_space<vmem>> -> memref<8x128xf32, #tpu.memory_space<vmem>>
        %dma_start3A_986 = arith.constant 0 : i32
        %dma_start3A_987 = tpu.memref_slice %dma_start3A_985[%dma_start3A_981, %dma_start3A_986] : memref<8x128xf32, #tpu.memory_space<vmem>> -> memref<1x128xf32, #tpu.memory_space<vmem>>
        %dma_start3A_988 = tpu.memref_squeeze %dma_start3A_987 : memref<1x128xf32, #tpu.memory_space<vmem>> -> memref<128xf32, #tpu.memory_space<vmem>>
        %dma_start3A_989 = arith.constant 0 : i32
        %dma_start3A_990 = arith.constant 0 : i32
        %dma_start3A_991 = tpu.memref_slice %arg9[%sub3A_347, %dma_start3A_989, %dma_start3A_990] : memref<2x8x128xi32, #tpu.memory_space<vmem>> -> memref<1x8x128xi32, #tpu.memory_space<vmem>>
        %dma_start3A_992 = tpu.memref_squeeze %dma_start3A_991 : memref<1x8x128xi32, #tpu.memory_space<vmem>> -> memref<8x128xi32, #tpu.memory_space<vmem>>
        %dma_start3A_993 = arith.constant 0 : i32
        %dma_start3A_994 = tpu.memref_slice %dma_start3A_992[%dma_start3A_980, %dma_start3A_993] : memref<8x128xi32, #tpu.memory_space<vmem>> -> memref<1x128xi32, #tpu.memory_space<vmem>>
        %dma_start3A_995 = tpu.memref_squeeze %dma_start3A_994 : memref<1x128xi32, #tpu.memory_space<vmem>> -> memref<128xi32, #tpu.memory_space<vmem>>
        %dma_start3A_996 = arith.constant 0 : i32
        %dma_start3A_997 = tpu.memref_slice %arg4[%dma_start3A_996] : memref<100352xf32, #tpu.memory_space<hbm>> -> memref<100352xf32, #tpu.memory_space<hbm>>
        tpu.enqueue_indirect_dma source(%dma_start3A_997 : memref<100352xf32, #tpu.memory_space<hbm>>) target(%dma_start3A_988 : memref<128xf32, #tpu.memory_space<vmem>>) offsets(%dma_start3A_995 : memref<128xi32, #tpu.memory_space<vmem>>) semaphore(%arg17 : memref<!tpu.dma_semaphore, #tpu.memory_space<semaphore_mem>>)
        %dma_start3A_998 = arith.constant 5 : i32
        %dma_start3A_999 = arith.constant 5 : i32
        %dma_start3A_1000 = arith.constant 0 : i32
        %dma_start3A_1001 = arith.constant 0 : i32
        %dma_start3A_1002 = tpu.memref_slice %arg12[%sub3A_347, %dma_start3A_1000, %dma_start3A_1001] : memref<2x8x128xf32, #tpu.memory_space<vmem>> -> memref<1x8x128xf32, #tpu.memory_space<vmem>>
        %dma_start3A_1003 = tpu.memref_squeeze %dma_start3A_1002 : memref<1x8x128xf32, #tpu.memory_space<vmem>> -> memref<8x128xf32, #tpu.memory_space<vmem>>
        %dma_start3A_1004 = arith.constant 0 : i32
        %dma_start3A_1005 = tpu.memref_slice %dma_start3A_1003[%dma_start3A_999, %dma_start3A_1004] : memref<8x128xf32, #tpu.memory_space<vmem>> -> memref<1x128xf32, #tpu.memory_space<vmem>>
        %dma_start3A_1006 = tpu.memref_squeeze %dma_start3A_1005 : memref<1x128xf32, #tpu.memory_space<vmem>> -> memref<128xf32, #tpu.memory_space<vmem>>
        %dma_start3A_1007 = arith.constant 0 : i32
        %dma_start3A_1008 = arith.constant 0 : i32
        %dma_start3A_1009 = tpu.memref_slice %arg9[%sub3A_347, %dma_start3A_1007, %dma_start3A_1008] : memref<2x8x128xi32, #tpu.memory_space<vmem>> -> memref<1x8x128xi32, #tpu.memory_space<vmem>>
        %dma_start3A_1010 = tpu.memref_squeeze %dma_start3A_1009 : memref<1x8x128xi32, #tpu.memory_space<vmem>> -> memref<8x128xi32, #tpu.memory_space<vmem>>
        %dma_start3A_1011 = arith.constant 0 : i32
        %dma_start3A_1012 = tpu.memref_slice %dma_start3A_1010[%dma_start3A_998, %dma_start3A_1011] : memref<8x128xi32, #tpu.memory_space<vmem>> -> memref<1x128xi32, #tpu.memory_space<vmem>>
        %dma_start3A_1013 = tpu.memref_squeeze %dma_start3A_1012 : memref<1x128xi32, #tpu.memory_space<vmem>> -> memref<128xi32, #tpu.memory_space<vmem>>
        %dma_start3A_1014 = arith.constant 0 : i32
        %dma_start3A_1015 = tpu.memref_slice %arg5[%dma_start3A_1014] : memref<100352xf32, #tpu.memory_space<hbm>> -> memref<100352xf32, #tpu.memory_space<hbm>>
        tpu.enqueue_indirect_dma source(%dma_start3A_1015 : memref<100352xf32, #tpu.memory_space<hbm>>) target(%dma_start3A_1006 : memref<128xf32, #tpu.memory_space<vmem>>) offsets(%dma_start3A_1013 : memref<128xi32, #tpu.memory_space<vmem>>) semaphore(%arg17 : memref<!tpu.dma_semaphore, #tpu.memory_space<semaphore_mem>>)
        %dma_start3A_1016 = arith.constant 6 : i32
        %dma_start3A_1017 = arith.constant 6 : i32
        %dma_start3A_1018 = arith.constant 0 : i32
        %dma_start3A_1019 = arith.constant 0 : i32
        %dma_start3A_1020 = tpu.memref_slice %arg11[%sub3A_347, %dma_start3A_1018, %dma_start3A_1019] : memref<2x8x128xf32, #tpu.memory_space<vmem>> -> memref<1x8x128xf32, #tpu.memory_space<vmem>>
        %dma_start3A_1021 = tpu.memref_squeeze %dma_start3A_1020 : memref<1x8x128xf32, #tpu.memory_space<vmem>> -> memref<8x128xf32, #tpu.memory_space<vmem>>
        %dma_start3A_1022 = arith.constant 0 : i32
        %dma_start3A_1023 = tpu.memref_slice %dma_start3A_1021[%dma_start3A_1017, %dma_start3A_1022] : memref<8x128xf32, #tpu.memory_space<vmem>> -> memref<1x128xf32, #tpu.memory_space<vmem>>
        %dma_start3A_1024 = tpu.memref_squeeze %dma_start3A_1023 : memref<1x128xf32, #tpu.memory_space<vmem>> -> memref<128xf32, #tpu.memory_space<vmem>>
        %dma_start3A_1025 = arith.constant 0 : i32
        %dma_start3A_1026 = arith.constant 0 : i32
        %dma_start3A_1027 = tpu.memref_slice %arg9[%sub3A_347, %dma_start3A_1025, %dma_start3A_1026] : memref<2x8x128xi32, #tpu.memory_space<vmem>> -> memref<1x8x128xi32, #tpu.memory_space<vmem>>
        %dma_start3A_1028 = tpu.memref_squeeze %dma_start3A_1027 : memref<1x8x128xi32, #tpu.memory_space<vmem>> -> memref<8x128xi32, #tpu.memory_space<vmem>>
        %dma_start3A_1029 = arith.constant 0 : i32
        %dma_start3A_1030 = tpu.memref_slice %dma_start3A_1028[%dma_start3A_1016, %dma_start3A_1029] : memref<8x128xi32, #tpu.memory_space<vmem>> -> memref<1x128xi32, #tpu.memory_space<vmem>>
        %dma_start3A_1031 = tpu.memref_squeeze %dma_start3A_1030 : memref<1x128xi32, #tpu.memory_space<vmem>> -> memref<128xi32, #tpu.memory_space<vmem>>
        %dma_start3A_1032 = arith.constant 0 : i32
        %dma_start3A_1033 = tpu.memref_slice %arg4[%dma_start3A_1032] : memref<100352xf32, #tpu.memory_space<hbm>> -> memref<100352xf32, #tpu.memory_space<hbm>>
        tpu.enqueue_indirect_dma source(%dma_start3A_1033 : memref<100352xf32, #tpu.memory_space<hbm>>) target(%dma_start3A_1024 : memref<128xf32, #tpu.memory_space<vmem>>) offsets(%dma_start3A_1031 : memref<128xi32, #tpu.memory_space<vmem>>) semaphore(%arg17 : memref<!tpu.dma_semaphore, #tpu.memory_space<semaphore_mem>>)
        %dma_start3A_1034 = arith.constant 6 : i32
        %dma_start3A_1035 = arith.constant 6 : i32
        %dma_start3A_1036 = arith.constant 0 : i32
        %dma_start3A_1037 = arith.constant 0 : i32
        %dma_start3A_1038 = tpu.memref_slice %arg12[%sub3A_347, %dma_start3A_1036, %dma_start3A_1037] : memref<2x8x128xf32, #tpu.memory_space<vmem>> -> memref<1x8x128xf32, #tpu.memory_space<vmem>>
        %dma_start3A_1039 = tpu.memref_squeeze %dma_start3A_1038 : memref<1x8x128xf32, #tpu.memory_space<vmem>> -> memref<8x128xf32, #tpu.memory_space<vmem>>
        %dma_start3A_1040 = arith.constant 0 : i32
        %dma_start3A_1041 = tpu.memref_slice %dma_start3A_1039[%dma_start3A_1035, %dma_start3A_1040] : memref<8x128xf32, #tpu.memory_space<vmem>> -> memref<1x128xf32, #tpu.memory_space<vmem>>
        %dma_start3A_1042 = tpu.memref_squeeze %dma_start3A_1041 : memref<1x128xf32, #tpu.memory_space<vmem>> -> memref<128xf32, #tpu.memory_space<vmem>>
        %dma_start3A_1043 = arith.constant 0 : i32
        %dma_start3A_1044 = arith.constant 0 : i32
        %dma_start3A_1045 = tpu.memref_slice %arg9[%sub3A_347, %dma_start3A_1043, %dma_start3A_1044] : memref<2x8x128xi32, #tpu.memory_space<vmem>> -> memref<1x8x128xi32, #tpu.memory_space<vmem>>
        %dma_start3A_1046 = tpu.memref_squeeze %dma_start3A_1045 : memref<1x8x128xi32, #tpu.memory_space<vmem>> -> memref<8x128xi32, #tpu.memory_space<vmem>>
        %dma_start3A_1047 = arith.constant 0 : i32
        %dma_start3A_1048 = tpu.memref_slice %dma_start3A_1046[%dma_start3A_1034, %dma_start3A_1047] : memref<8x128xi32, #tpu.memory_space<vmem>> -> memref<1x128xi32, #tpu.memory_space<vmem>>
        %dma_start3A_1049 = tpu.memref_squeeze %dma_start3A_1048 : memref<1x128xi32, #tpu.memory_space<vmem>> -> memref<128xi32, #tpu.memory_space<vmem>>
        %dma_start3A_1050 = arith.constant 0 : i32
        %dma_start3A_1051 = tpu.memref_slice %arg5[%dma_start3A_1050] : memref<100352xf32, #tpu.memory_space<hbm>> -> memref<100352xf32, #tpu.memory_space<hbm>>
        tpu.enqueue_indirect_dma source(%dma_start3A_1051 : memref<100352xf32, #tpu.memory_space<hbm>>) target(%dma_start3A_1042 : memref<128xf32, #tpu.memory_space<vmem>>) offsets(%dma_start3A_1049 : memref<128xi32, #tpu.memory_space<vmem>>) semaphore(%arg17 : memref<!tpu.dma_semaphore, #tpu.memory_space<semaphore_mem>>)
        %dma_start3A_1052 = arith.constant 7 : i32
        %dma_start3A_1053 = arith.constant 7 : i32
        %dma_start3A_1054 = arith.constant 0 : i32
        %dma_start3A_1055 = arith.constant 0 : i32
        %dma_start3A_1056 = tpu.memref_slice %arg11[%sub3A_347, %dma_start3A_1054, %dma_start3A_1055] : memref<2x8x128xf32, #tpu.memory_space<vmem>> -> memref<1x8x128xf32, #tpu.memory_space<vmem>>
        %dma_start3A_1057 = tpu.memref_squeeze %dma_start3A_1056 : memref<1x8x128xf32, #tpu.memory_space<vmem>> -> memref<8x128xf32, #tpu.memory_space<vmem>>
        %dma_start3A_1058 = arith.constant 0 : i32
        %dma_start3A_1059 = tpu.memref_slice %dma_start3A_1057[%dma_start3A_1053, %dma_start3A_1058] : memref<8x128xf32, #tpu.memory_space<vmem>> -> memref<1x128xf32, #tpu.memory_space<vmem>>
        %dma_start3A_1060 = tpu.memref_squeeze %dma_start3A_1059 : memref<1x128xf32, #tpu.memory_space<vmem>> -> memref<128xf32, #tpu.memory_space<vmem>>
        %dma_start3A_1061 = arith.constant 0 : i32
        %dma_start3A_1062 = arith.constant 0 : i32
        %dma_start3A_1063 = tpu.memref_slice %arg9[%sub3A_347, %dma_start3A_1061, %dma_start3A_1062] : memref<2x8x128xi32, #tpu.memory_space<vmem>> -> memref<1x8x128xi32, #tpu.memory_space<vmem>>
        %dma_start3A_1064 = tpu.memref_squeeze %dma_start3A_1063 : memref<1x8x128xi32, #tpu.memory_space<vmem>> -> memref<8x128xi32, #tpu.memory_space<vmem>>
        %dma_start3A_1065 = arith.constant 0 : i32
        %dma_start3A_1066 = tpu.memref_slice %dma_start3A_1064[%dma_start3A_1052, %dma_start3A_1065] : memref<8x128xi32, #tpu.memory_space<vmem>> -> memref<1x128xi32, #tpu.memory_space<vmem>>
        %dma_start3A_1067 = tpu.memref_squeeze %dma_start3A_1066 : memref<1x128xi32, #tpu.memory_space<vmem>> -> memref<128xi32, #tpu.memory_space<vmem>>
        %dma_start3A_1068 = arith.constant 0 : i32
        %dma_start3A_1069 = tpu.memref_slice %arg4[%dma_start3A_1068] : memref<100352xf32, #tpu.memory_space<hbm>> -> memref<100352xf32, #tpu.memory_space<hbm>>
        tpu.enqueue_indirect_dma source(%dma_start3A_1069 : memref<100352xf32, #tpu.memory_space<hbm>>) target(%dma_start3A_1060 : memref<128xf32, #tpu.memory_space<vmem>>) offsets(%dma_start3A_1067 : memref<128xi32, #tpu.memory_space<vmem>>) semaphore(%arg17 : memref<!tpu.dma_semaphore, #tpu.memory_space<semaphore_mem>>)
        %dma_start3A_1070 = arith.constant 7 : i32
        %dma_start3A_1071 = arith.constant 7 : i32
        %dma_start3A_1072 = arith.constant 0 : i32
        %dma_start3A_1073 = arith.constant 0 : i32
        %dma_start3A_1074 = tpu.memref_slice %arg12[%sub3A_347, %dma_start3A_1072, %dma_start3A_1073] : memref<2x8x128xf32, #tpu.memory_space<vmem>> -> memref<1x8x128xf32, #tpu.memory_space<vmem>>
        %dma_start3A_1075 = tpu.memref_squeeze %dma_start3A_1074 : memref<1x8x128xf32, #tpu.memory_space<vmem>> -> memref<8x128xf32, #tpu.memory_space<vmem>>
        %dma_start3A_1076 = arith.constant 0 : i32
        %dma_start3A_1077 = tpu.memref_slice %dma_start3A_1075[%dma_start3A_1071, %dma_start3A_1076] : memref<8x128xf32, #tpu.memory_space<vmem>> -> memref<1x128xf32, #tpu.memory_space<vmem>>
        %dma_start3A_1078 = tpu.memref_squeeze %dma_start3A_1077 : memref<1x128xf32, #tpu.memory_space<vmem>> -> memref<128xf32, #tpu.memory_space<vmem>>
        %dma_start3A_1079 = arith.constant 0 : i32
        %dma_start3A_1080 = arith.constant 0 : i32
        %dma_start3A_1081 = tpu.memref_slice %arg9[%sub3A_347, %dma_start3A_1079, %dma_start3A_1080] : memref<2x8x128xi32, #tpu.memory_space<vmem>> -> memref<1x8x128xi32, #tpu.memory_space<vmem>>
        %dma_start3A_1082 = tpu.memref_squeeze %dma_start3A_1081 : memref<1x8x128xi32, #tpu.memory_space<vmem>> -> memref<8x128xi32, #tpu.memory_space<vmem>>
        %dma_start3A_1083 = arith.constant 0 : i32
        %dma_start3A_1084 = tpu.memref_slice %dma_start3A_1082[%dma_start3A_1070, %dma_start3A_1083] : memref<8x128xi32, #tpu.memory_space<vmem>> -> memref<1x128xi32, #tpu.memory_space<vmem>>
        %dma_start3A_1085 = tpu.memref_squeeze %dma_start3A_1084 : memref<1x128xi32, #tpu.memory_space<vmem>> -> memref<128xi32, #tpu.memory_space<vmem>>
        %dma_start3A_1086 = arith.constant 0 : i32
        %dma_start3A_1087 = tpu.memref_slice %arg5[%dma_start3A_1086] : memref<100352xf32, #tpu.memory_space<hbm>> -> memref<100352xf32, #tpu.memory_space<hbm>>
        tpu.enqueue_indirect_dma source(%dma_start3A_1087 : memref<100352xf32, #tpu.memory_space<hbm>>) target(%dma_start3A_1078 : memref<128xf32, #tpu.memory_space<vmem>>) offsets(%dma_start3A_1085 : memref<128xi32, #tpu.memory_space<vmem>>) semaphore(%arg17 : memref<!tpu.dma_semaphore, #tpu.memory_space<semaphore_mem>>)
      } else {
      }
      %dma_wait3A_710 = arith.constant 0 : i32
      %dma_wait3A_711 = tpu.memref_slice %arg6[%dma_wait3A_710] : memref<100352xf32, #tpu.memory_space<hbm>> -> memref<128xf32, #tpu.memory_space<hbm>>
      %dma_wait3A_712 = arith.constant 0 : i32
      %dma_wait3A_713 = tpu.memref_slice %arg6[%dma_wait3A_712] : memref<100352xf32, #tpu.memory_space<hbm>> -> memref<128xf32, #tpu.memory_space<hbm>>
      tpu.wait_dma2 semaphore(%arg18 : memref<!tpu.dma_semaphore, #tpu.memory_space<semaphore_mem>>) src(%dma_wait3A_713 : memref<128xf32, #tpu.memory_space<hbm>>) dst(%arg13 : memref<128xf32, #tpu.memory_space<vmem>>)
      %dma_wait3A_714 = arith.constant 0 : i32
      %dma_wait3A_715 = tpu.memref_slice %arg6[%dma_wait3A_714] : memref<100352xf32, #tpu.memory_space<hbm>> -> memref<128xf32, #tpu.memory_space<hbm>>
      %dma_wait3A_716 = arith.constant 0 : i32
      %dma_wait3A_717 = tpu.memref_slice %arg6[%dma_wait3A_716] : memref<100352xf32, #tpu.memory_space<hbm>> -> memref<128xf32, #tpu.memory_space<hbm>>
      tpu.wait_dma2 semaphore(%arg18 : memref<!tpu.dma_semaphore, #tpu.memory_space<semaphore_mem>>) src(%dma_wait3A_717 : memref<128xf32, #tpu.memory_space<hbm>>) dst(%arg13 : memref<128xf32, #tpu.memory_space<vmem>>)
      %dma_wait3A_718 = arith.constant 0 : i32
      %dma_wait3A_719 = tpu.memref_slice %arg6[%dma_wait3A_718] : memref<100352xf32, #tpu.memory_space<hbm>> -> memref<128xf32, #tpu.memory_space<hbm>>
      %dma_wait3A_720 = arith.constant 0 : i32
      %dma_wait3A_721 = tpu.memref_slice %arg6[%dma_wait3A_720] : memref<100352xf32, #tpu.memory_space<hbm>> -> memref<128xf32, #tpu.memory_space<hbm>>
      tpu.wait_dma2 semaphore(%arg18 : memref<!tpu.dma_semaphore, #tpu.memory_space<semaphore_mem>>) src(%dma_wait3A_721 : memref<128xf32, #tpu.memory_space<hbm>>) dst(%arg13 : memref<128xf32, #tpu.memory_space<vmem>>)
      %dma_wait3A_722 = arith.constant 0 : i32
      %dma_wait3A_723 = tpu.memref_slice %arg6[%dma_wait3A_722] : memref<100352xf32, #tpu.memory_space<hbm>> -> memref<128xf32, #tpu.memory_space<hbm>>
      %dma_wait3A_724 = arith.constant 0 : i32
      %dma_wait3A_725 = tpu.memref_slice %arg6[%dma_wait3A_724] : memref<100352xf32, #tpu.memory_space<hbm>> -> memref<128xf32, #tpu.memory_space<hbm>>
      tpu.wait_dma2 semaphore(%arg18 : memref<!tpu.dma_semaphore, #tpu.memory_space<semaphore_mem>>) src(%dma_wait3A_725 : memref<128xf32, #tpu.memory_space<hbm>>) dst(%arg13 : memref<128xf32, #tpu.memory_space<vmem>>)
      %dma_wait3A_726 = arith.constant 0 : i32
      %dma_wait3A_727 = tpu.memref_slice %arg6[%dma_wait3A_726] : memref<100352xf32, #tpu.memory_space<hbm>> -> memref<128xf32, #tpu.memory_space<hbm>>
      %dma_wait3A_728 = arith.constant 0 : i32
      %dma_wait3A_729 = tpu.memref_slice %arg6[%dma_wait3A_728] : memref<100352xf32, #tpu.memory_space<hbm>> -> memref<128xf32, #tpu.memory_space<hbm>>
      tpu.wait_dma2 semaphore(%arg18 : memref<!tpu.dma_semaphore, #tpu.memory_space<semaphore_mem>>) src(%dma_wait3A_729 : memref<128xf32, #tpu.memory_space<hbm>>) dst(%arg13 : memref<128xf32, #tpu.memory_space<vmem>>)
      %dma_wait3A_730 = arith.constant 0 : i32
      %dma_wait3A_731 = tpu.memref_slice %arg6[%dma_wait3A_730] : memref<100352xf32, #tpu.memory_space<hbm>> -> memref<128xf32, #tpu.memory_space<hbm>>
      %dma_wait3A_732 = arith.constant 0 : i32
      %dma_wait3A_733 = tpu.memref_slice %arg6[%dma_wait3A_732] : memref<100352xf32, #tpu.memory_space<hbm>> -> memref<128xf32, #tpu.memory_space<hbm>>
      tpu.wait_dma2 semaphore(%arg18 : memref<!tpu.dma_semaphore, #tpu.memory_space<semaphore_mem>>) src(%dma_wait3A_733 : memref<128xf32, #tpu.memory_space<hbm>>) dst(%arg13 : memref<128xf32, #tpu.memory_space<vmem>>)
      %dma_wait3A_734 = arith.constant 0 : i32
      %dma_wait3A_735 = tpu.memref_slice %arg6[%dma_wait3A_734] : memref<100352xf32, #tpu.memory_space<hbm>> -> memref<128xf32, #tpu.memory_space<hbm>>
      %dma_wait3A_736 = arith.constant 0 : i32
      %dma_wait3A_737 = tpu.memref_slice %arg6[%dma_wait3A_736] : memref<100352xf32, #tpu.memory_space<hbm>> -> memref<128xf32, #tpu.memory_space<hbm>>
      tpu.wait_dma2 semaphore(%arg18 : memref<!tpu.dma_semaphore, #tpu.memory_space<semaphore_mem>>) src(%dma_wait3A_737 : memref<128xf32, #tpu.memory_space<hbm>>) dst(%arg13 : memref<128xf32, #tpu.memory_space<vmem>>)
      %dma_wait3A_738 = arith.constant 0 : i32
      %dma_wait3A_739 = tpu.memref_slice %arg6[%dma_wait3A_738] : memref<100352xf32, #tpu.memory_space<hbm>> -> memref<128xf32, #tpu.memory_space<hbm>>
      %dma_wait3A_740 = arith.constant 0 : i32
      %dma_wait3A_741 = tpu.memref_slice %arg6[%dma_wait3A_740] : memref<100352xf32, #tpu.memory_space<hbm>> -> memref<128xf32, #tpu.memory_space<hbm>>
      tpu.wait_dma2 semaphore(%arg18 : memref<!tpu.dma_semaphore, #tpu.memory_space<semaphore_mem>>) src(%dma_wait3A_741 : memref<128xf32, #tpu.memory_space<hbm>>) dst(%arg13 : memref<128xf32, #tpu.memory_space<vmem>>)
      %dma_wait3A_742 = arith.constant 0 : i32
      %dma_wait3A_743 = tpu.memref_slice %arg6[%dma_wait3A_742] : memref<100352xf32, #tpu.memory_space<hbm>> -> memref<128xf32, #tpu.memory_space<hbm>>
      %dma_wait3A_744 = arith.constant 0 : i32
      %dma_wait3A_745 = tpu.memref_slice %arg6[%dma_wait3A_744] : memref<100352xf32, #tpu.memory_space<hbm>> -> memref<128xf32, #tpu.memory_space<hbm>>
      tpu.wait_dma2 semaphore(%arg18 : memref<!tpu.dma_semaphore, #tpu.memory_space<semaphore_mem>>) src(%dma_wait3A_745 : memref<128xf32, #tpu.memory_space<hbm>>) dst(%arg13 : memref<128xf32, #tpu.memory_space<vmem>>)
      %dma_wait3A_746 = arith.constant 0 : i32
      %dma_wait3A_747 = tpu.memref_slice %arg6[%dma_wait3A_746] : memref<100352xf32, #tpu.memory_space<hbm>> -> memref<128xf32, #tpu.memory_space<hbm>>
      %dma_wait3A_748 = arith.constant 0 : i32
      %dma_wait3A_749 = tpu.memref_slice %arg6[%dma_wait3A_748] : memref<100352xf32, #tpu.memory_space<hbm>> -> memref<128xf32, #tpu.memory_space<hbm>>
      tpu.wait_dma2 semaphore(%arg18 : memref<!tpu.dma_semaphore, #tpu.memory_space<semaphore_mem>>) src(%dma_wait3A_749 : memref<128xf32, #tpu.memory_space<hbm>>) dst(%arg13 : memref<128xf32, #tpu.memory_space<vmem>>)
      %dma_wait3A_750 = arith.constant 0 : i32
      %dma_wait3A_751 = tpu.memref_slice %arg6[%dma_wait3A_750] : memref<100352xf32, #tpu.memory_space<hbm>> -> memref<128xf32, #tpu.memory_space<hbm>>
      %dma_wait3A_752 = arith.constant 0 : i32
      %dma_wait3A_753 = tpu.memref_slice %arg6[%dma_wait3A_752] : memref<100352xf32, #tpu.memory_space<hbm>> -> memref<128xf32, #tpu.memory_space<hbm>>
      tpu.wait_dma2 semaphore(%arg18 : memref<!tpu.dma_semaphore, #tpu.memory_space<semaphore_mem>>) src(%dma_wait3A_753 : memref<128xf32, #tpu.memory_space<hbm>>) dst(%arg13 : memref<128xf32, #tpu.memory_space<vmem>>)
      %dma_wait3A_754 = arith.constant 0 : i32
      %dma_wait3A_755 = tpu.memref_slice %arg6[%dma_wait3A_754] : memref<100352xf32, #tpu.memory_space<hbm>> -> memref<128xf32, #tpu.memory_space<hbm>>
      %dma_wait3A_756 = arith.constant 0 : i32
      %dma_wait3A_757 = tpu.memref_slice %arg6[%dma_wait3A_756] : memref<100352xf32, #tpu.memory_space<hbm>> -> memref<128xf32, #tpu.memory_space<hbm>>
      tpu.wait_dma2 semaphore(%arg18 : memref<!tpu.dma_semaphore, #tpu.memory_space<semaphore_mem>>) src(%dma_wait3A_757 : memref<128xf32, #tpu.memory_space<hbm>>) dst(%arg13 : memref<128xf32, #tpu.memory_space<vmem>>)
      %dma_wait3A_758 = arith.constant 0 : i32
      %dma_wait3A_759 = tpu.memref_slice %arg6[%dma_wait3A_758] : memref<100352xf32, #tpu.memory_space<hbm>> -> memref<128xf32, #tpu.memory_space<hbm>>
      %dma_wait3A_760 = arith.constant 0 : i32
      %dma_wait3A_761 = tpu.memref_slice %arg6[%dma_wait3A_760] : memref<100352xf32, #tpu.memory_space<hbm>> -> memref<128xf32, #tpu.memory_space<hbm>>
      tpu.wait_dma2 semaphore(%arg18 : memref<!tpu.dma_semaphore, #tpu.memory_space<semaphore_mem>>) src(%dma_wait3A_761 : memref<128xf32, #tpu.memory_space<hbm>>) dst(%arg13 : memref<128xf32, #tpu.memory_space<vmem>>)
      %dma_wait3A_762 = arith.constant 0 : i32
      %dma_wait3A_763 = tpu.memref_slice %arg6[%dma_wait3A_762] : memref<100352xf32, #tpu.memory_space<hbm>> -> memref<128xf32, #tpu.memory_space<hbm>>
      %dma_wait3A_764 = arith.constant 0 : i32
      %dma_wait3A_765 = tpu.memref_slice %arg6[%dma_wait3A_764] : memref<100352xf32, #tpu.memory_space<hbm>> -> memref<128xf32, #tpu.memory_space<hbm>>
      tpu.wait_dma2 semaphore(%arg18 : memref<!tpu.dma_semaphore, #tpu.memory_space<semaphore_mem>>) src(%dma_wait3A_765 : memref<128xf32, #tpu.memory_space<hbm>>) dst(%arg13 : memref<128xf32, #tpu.memory_space<vmem>>)
      %dma_wait3A_766 = arith.constant 0 : i32
      %dma_wait3A_767 = tpu.memref_slice %arg6[%dma_wait3A_766] : memref<100352xf32, #tpu.memory_space<hbm>> -> memref<128xf32, #tpu.memory_space<hbm>>
      %dma_wait3A_768 = arith.constant 0 : i32
      %dma_wait3A_769 = tpu.memref_slice %arg6[%dma_wait3A_768] : memref<100352xf32, #tpu.memory_space<hbm>> -> memref<128xf32, #tpu.memory_space<hbm>>
      tpu.wait_dma2 semaphore(%arg18 : memref<!tpu.dma_semaphore, #tpu.memory_space<semaphore_mem>>) src(%dma_wait3A_769 : memref<128xf32, #tpu.memory_space<hbm>>) dst(%arg13 : memref<128xf32, #tpu.memory_space<vmem>>)
      %dma_wait3A_770 = arith.constant 0 : i32
      %dma_wait3A_771 = tpu.memref_slice %arg6[%dma_wait3A_770] : memref<100352xf32, #tpu.memory_space<hbm>> -> memref<128xf32, #tpu.memory_space<hbm>>
      %dma_wait3A_772 = arith.constant 0 : i32
      %dma_wait3A_773 = tpu.memref_slice %arg6[%dma_wait3A_772] : memref<100352xf32, #tpu.memory_space<hbm>> -> memref<128xf32, #tpu.memory_space<hbm>>
      tpu.wait_dma2 semaphore(%arg18 : memref<!tpu.dma_semaphore, #tpu.memory_space<semaphore_mem>>) src(%dma_wait3A_773 : memref<128xf32, #tpu.memory_space<hbm>>) dst(%arg13 : memref<128xf32, #tpu.memory_space<vmem>>)
    }
    %scan3A_335 = arith.constant 98 : i32
    %barrier3A_336 = arith.constant 0 : index
    tpu.barrier barrier_id(%barrier3A_336)
    %mul3A_337 = arith.constant 6272 : i32
    %mul3A_338 = arith.muli %arg1, %mul3A_337 : i32
    %mul3A_339 = arith.constant 6272 : i32
    %mul3A_340 = arith.muli %arg1, %mul3A_339 : i32
    "tpu.region"() ({
      %run_scoped3A_345 = tpu.sem_alloc : memref<!tpu.dma_semaphore, #tpu.memory_space<semaphore_mem>>
      %dma_start3A_346 = tpu.memref_slice %arg7[%arg0, %mul3A_340] : memref<2x100352xf32, #tpu.memory_space<hbm>> -> memref<1x6272xf32, #tpu.memory_space<hbm>>
      %dma_start3A_347 = tpu.memref_squeeze %dma_start3A_346 : memref<1x6272xf32, #tpu.memory_space<hbm>> -> memref<6272xf32, #tpu.memory_space<hbm>>
      %dma_start3A_348 = tpu.memref_slice %arg14[%mul3A_338] : memref<100352xf32, #tpu.memory_space<vmem_shared>> -> memref<6272xf32, #tpu.memory_space<vmem_shared>>
      tpu.enqueue_dma source(%dma_start3A_348 : memref<6272xf32, #tpu.memory_space<vmem_shared>>) target(%dma_start3A_347 : memref<6272xf32, #tpu.memory_space<hbm>>) target_semaphore(%run_scoped3A_345 : memref<!tpu.dma_semaphore, #tpu.memory_space<semaphore_mem>>)
      %dma_wait3A = tpu.memref_slice %arg7[%arg0, %mul3A_340] : memref<2x100352xf32, #tpu.memory_space<hbm>> -> memref<1x6272xf32, #tpu.memory_space<hbm>>
      %dma_wait3A_349 = tpu.memref_squeeze %dma_wait3A : memref<1x6272xf32, #tpu.memory_space<hbm>> -> memref<6272xf32, #tpu.memory_space<hbm>>
      %dma_wait3A_350 = tpu.memref_slice %arg14[%mul3A_338] : memref<100352xf32, #tpu.memory_space<vmem_shared>> -> memref<6272xf32, #tpu.memory_space<vmem_shared>>
      tpu.wait_dma2 semaphore(%run_scoped3A_345 : memref<!tpu.dma_semaphore, #tpu.memory_space<semaphore_mem>>) src(%dma_wait3A_350 : memref<6272xf32, #tpu.memory_space<vmem_shared>>) dst(%dma_wait3A_349 : memref<6272xf32, #tpu.memory_space<hbm>>)
      tpu.yield
    }) : () -> ()
    %mul3A_341 = arith.constant 6272 : i32
    %mul3A_342 = arith.muli %arg1, %mul3A_341 : i32
    %mul3A_343 = arith.constant 6272 : i32
    %mul3A_344 = arith.muli %arg1, %mul3A_343 : i32
    "tpu.region"() ({
      %run_scoped3A_345 = tpu.sem_alloc : memref<!tpu.dma_semaphore, #tpu.memory_space<semaphore_mem>>
      %dma_start3A_346 = tpu.memref_slice %arg8[%arg0, %mul3A_344] : memref<2x100352xf32, #tpu.memory_space<hbm>> -> memref<1x6272xf32, #tpu.memory_space<hbm>>
      %dma_start3A_347 = tpu.memref_squeeze %dma_start3A_346 : memref<1x6272xf32, #tpu.memory_space<hbm>> -> memref<6272xf32, #tpu.memory_space<hbm>>
      %dma_start3A_348 = tpu.memref_slice %arg15[%mul3A_342] : memref<100352xf32, #tpu.memory_space<vmem_shared>> -> memref<6272xf32, #tpu.memory_space<vmem_shared>>
      tpu.enqueue_dma source(%dma_start3A_348 : memref<6272xf32, #tpu.memory_space<vmem_shared>>) target(%dma_start3A_347 : memref<6272xf32, #tpu.memory_space<hbm>>) target_semaphore(%run_scoped3A_345 : memref<!tpu.dma_semaphore, #tpu.memory_space<semaphore_mem>>)
      %dma_wait3A = tpu.memref_slice %arg8[%arg0, %mul3A_344] : memref<2x100352xf32, #tpu.memory_space<hbm>> -> memref<1x6272xf32, #tpu.memory_space<hbm>>
      %dma_wait3A_349 = tpu.memref_squeeze %dma_wait3A : memref<1x6272xf32, #tpu.memory_space<hbm>> -> memref<6272xf32, #tpu.memory_space<hbm>>
      %dma_wait3A_350 = tpu.memref_slice %arg15[%mul3A_342] : memref<100352xf32, #tpu.memory_space<vmem_shared>> -> memref<6272xf32, #tpu.memory_space<vmem_shared>>
      tpu.wait_dma2 semaphore(%run_scoped3A_345 : memref<!tpu.dma_semaphore, #tpu.memory_space<semaphore_mem>>) src(%dma_wait3A_350 : memref<6272xf32, #tpu.memory_space<vmem_shared>>) dst(%dma_wait3A_349 : memref<6272xf32, #tpu.memory_space<hbm>>)
      tpu.yield
    }) : () -> ()
    return
  }
}

#map = affine_map<(d0, d1) -> (0, 0)>
#map1 = affine_map<(d0, d1) -> (0)>
module attributes {stable_mosaic.version = 14 : i64} {
  func.func @_deg_sc(%arg0: i32, %arg1: i32, %arg2: memref<25088x128xi32, #tpu.memory_space<hbm>>, %arg3: memref<100352xf32, #tpu.memory_space<hbm>>, %arg4: memref<2x100352xf32, #tpu.memory_space<hbm>>, %arg5: memref<2x8x128xi32, #tpu.memory_space<vmem>>, %arg6: memref<128xf32, #tpu.memory_space<vmem>>, %arg7: memref<128xf32, #tpu.memory_space<vmem>>, %arg8: memref<100352xf32, #tpu.memory_space<vmem_shared>>, %arg9: memref<!tpu.dma_semaphore, #tpu.memory_space<semaphore_mem>>, %arg10: memref<!tpu.dma_semaphore, #tpu.memory_space<semaphore_mem>>) attributes {dimension_semantics = [#tpu.dimension_semantics<core_parallel>, #tpu.dimension_semantics<subcore_parallel>], iteration_bounds = array<i64: 2, 16>, scalar_prefetch = 0 : i64, scratch_operands = 6 : i64, tpu.core_type = #tpu.core_type<sc_vector_subcore>, window_params = [{transform_indices = #map}, {transform_indices = #map1}, {transform_indices = #map}]} {
    %mul3A = arith.constant 2 : i32
    %mul3A_0 = arith.muli %arg1, %mul3A : i32
    %add3A = arith.addi %mul3A_0, %arg0 : i32
    %broadcast_in_dim3A = arith.constant 1.000000e+00 : f32
    %broadcast_in_dim3A_1 = vector.broadcast %broadcast_in_dim3A : f32 to vector<16xf32>
    %swap3A = arith.constant 0 : index
    %swap3A_2 = tpu.vector_load %arg6[%swap3A] {strides = array<i32>} : memref<128xf32, #tpu.memory_space<vmem>>, vector<16xf32>,
    %swap3A_3 = vector.shape_cast %swap3A_2 : vector<16xf32> to vector<16xf32>
    %swap3A_4 = vector.shape_cast %broadcast_in_dim3A_1 : vector<16xf32> to vector<16xf32>
    tpu.vector_store %arg6[%swap3A], %swap3A_4 {strides = array<i32>} : memref<128xf32, #tpu.memory_space<vmem>>, vector<16xf32>,
    %broadcast_in_dim3A_5 = arith.constant 1.000000e+00 : f32
    %broadcast_in_dim3A_6 = vector.broadcast %broadcast_in_dim3A_5 : f32 to vector<16xf32>
    %swap3A_7 = arith.constant 16 : index
    %swap3A_8 = tpu.vector_load %arg6[%swap3A_7] {strides = array<i32>} : memref<128xf32, #tpu.memory_space<vmem>>, vector<16xf32>,
    %swap3A_9 = vector.shape_cast %swap3A_8 : vector<16xf32> to vector<16xf32>
    %swap3A_10 = vector.shape_cast %broadcast_in_dim3A_6 : vector<16xf32> to vector<16xf32>
    tpu.vector_store %arg6[%swap3A_7], %swap3A_10 {strides = array<i32>} : memref<128xf32, #tpu.memory_space<vmem>>, vector<16xf32>,
    %broadcast_in_dim3A_11 = arith.constant 1.000000e+00 : f32
    %broadcast_in_dim3A_12 = vector.broadcast %broadcast_in_dim3A_11 : f32 to vector<16xf32>
    %swap3A_13 = arith.constant 32 : index
    %swap3A_14 = tpu.vector_load %arg6[%swap3A_13] {strides = array<i32>} : memref<128xf32, #tpu.memory_space<vmem>>, vector<16xf32>,
    %swap3A_15 = vector.shape_cast %swap3A_14 : vector<16xf32> to vector<16xf32>
    %swap3A_16 = vector.shape_cast %broadcast_in_dim3A_12 : vector<16xf32> to vector<16xf32>
    tpu.vector_store %arg6[%swap3A_13], %swap3A_16 {strides = array<i32>} : memref<128xf32, #tpu.memory_space<vmem>>, vector<16xf32>,
    %broadcast_in_dim3A_17 = arith.constant 1.000000e+00 : f32
    %broadcast_in_dim3A_18 = vector.broadcast %broadcast_in_dim3A_17 : f32 to vector<16xf32>
    %swap3A_19 = arith.constant 48 : index
    %swap3A_20 = tpu.vector_load %arg6[%swap3A_19] {strides = array<i32>} : memref<128xf32, #tpu.memory_space<vmem>>, vector<16xf32>,
    %swap3A_21 = vector.shape_cast %swap3A_20 : vector<16xf32> to vector<16xf32>
    %swap3A_22 = vector.shape_cast %broadcast_in_dim3A_18 : vector<16xf32> to vector<16xf32>
    tpu.vector_store %arg6[%swap3A_19], %swap3A_22 {strides = array<i32>} : memref<128xf32, #tpu.memory_space<vmem>>, vector<16xf32>,
    %broadcast_in_dim3A_23 = arith.constant 1.000000e+00 : f32
    %broadcast_in_dim3A_24 = vector.broadcast %broadcast_in_dim3A_23 : f32 to vector<16xf32>
    %swap3A_25 = arith.constant 64 : index
    %swap3A_26 = tpu.vector_load %arg6[%swap3A_25] {strides = array<i32>} : memref<128xf32, #tpu.memory_space<vmem>>, vector<16xf32>,
    %swap3A_27 = vector.shape_cast %swap3A_26 : vector<16xf32> to vector<16xf32>
    %swap3A_28 = vector.shape_cast %broadcast_in_dim3A_24 : vector<16xf32> to vector<16xf32>
    tpu.vector_store %arg6[%swap3A_25], %swap3A_28 {strides = array<i32>} : memref<128xf32, #tpu.memory_space<vmem>>, vector<16xf32>,
    %broadcast_in_dim3A_29 = arith.constant 1.000000e+00 : f32
    %broadcast_in_dim3A_30 = vector.broadcast %broadcast_in_dim3A_29 : f32 to vector<16xf32>
    %swap3A_31 = arith.constant 80 : index
    %swap3A_32 = tpu.vector_load %arg6[%swap3A_31] {strides = array<i32>} : memref<128xf32, #tpu.memory_space<vmem>>, vector<16xf32>,
    %swap3A_33 = vector.shape_cast %swap3A_32 : vector<16xf32> to vector<16xf32>
    %swap3A_34 = vector.shape_cast %broadcast_in_dim3A_30 : vector<16xf32> to vector<16xf32>
    tpu.vector_store %arg6[%swap3A_31], %swap3A_34 {strides = array<i32>} : memref<128xf32, #tpu.memory_space<vmem>>, vector<16xf32>,
    %broadcast_in_dim3A_35 = arith.constant 1.000000e+00 : f32
    %broadcast_in_dim3A_36 = vector.broadcast %broadcast_in_dim3A_35 : f32 to vector<16xf32>
    %swap3A_37 = arith.constant 96 : index
    %swap3A_38 = tpu.vector_load %arg6[%swap3A_37] {strides = array<i32>} : memref<128xf32, #tpu.memory_space<vmem>>, vector<16xf32>,
    %swap3A_39 = vector.shape_cast %swap3A_38 : vector<16xf32> to vector<16xf32>
    %swap3A_40 = vector.shape_cast %broadcast_in_dim3A_36 : vector<16xf32> to vector<16xf32>
    tpu.vector_store %arg6[%swap3A_37], %swap3A_40 {strides = array<i32>} : memref<128xf32, #tpu.memory_space<vmem>>, vector<16xf32>,
    %broadcast_in_dim3A_41 = arith.constant 1.000000e+00 : f32
    %broadcast_in_dim3A_42 = vector.broadcast %broadcast_in_dim3A_41 : f32 to vector<16xf32>
    %swap3A_43 = arith.constant 112 : index
    %swap3A_44 = tpu.vector_load %arg6[%swap3A_43] {strides = array<i32>} : memref<128xf32, #tpu.memory_space<vmem>>, vector<16xf32>,
    %swap3A_45 = vector.shape_cast %swap3A_44 : vector<16xf32> to vector<16xf32>
    %swap3A_46 = vector.shape_cast %broadcast_in_dim3A_42 : vector<16xf32> to vector<16xf32>
    tpu.vector_store %arg6[%swap3A_43], %swap3A_46 {strides = array<i32>} : memref<128xf32, #tpu.memory_space<vmem>>, vector<16xf32>,
    %mul3A_47 = arith.constant 6272 : i32
    %mul3A_48 = arith.muli %arg1, %mul3A_47 : i32
    %mul3A_49 = arith.constant 6272 : i32
    %mul3A_50 = arith.muli %arg1, %mul3A_49 : i32
    "tpu.region"() ({
      %run_scoped3A_63 = tpu.sem_alloc : memref<!tpu.dma_semaphore, #tpu.memory_space<semaphore_mem>>
      %dma_start3A = tpu.memref_slice %arg8[%mul3A_50] : memref<100352xf32, #tpu.memory_space<vmem_shared>> -> memref<6272xf32, #tpu.memory_space<vmem_shared>>
      %dma_start3A_64 = tpu.memref_slice %arg3[%mul3A_48] : memref<100352xf32, #tpu.memory_space<hbm>> -> memref<6272xf32, #tpu.memory_space<hbm>>
      tpu.enqueue_dma source(%dma_start3A_64 : memref<6272xf32, #tpu.memory_space<hbm>>) target(%dma_start3A : memref<6272xf32, #tpu.memory_space<vmem_shared>>) target_semaphore(%run_scoped3A_63 : memref<!tpu.dma_semaphore, #tpu.memory_space<semaphore_mem>>)
      %dma_wait3A = tpu.memref_slice %arg8[%mul3A_50] : memref<100352xf32, #tpu.memory_space<vmem_shared>> -> memref<6272xf32, #tpu.memory_space<vmem_shared>>
      %dma_wait3A_65 = tpu.memref_slice %arg3[%mul3A_48] : memref<100352xf32, #tpu.memory_space<hbm>> -> memref<6272xf32, #tpu.memory_space<hbm>>
      tpu.wait_dma2 semaphore(%run_scoped3A_63 : memref<!tpu.dma_semaphore, #tpu.memory_space<semaphore_mem>>) src(%dma_wait3A_65 : memref<6272xf32, #tpu.memory_space<hbm>>) dst(%dma_wait3A : memref<6272xf32, #tpu.memory_space<vmem_shared>>)
      tpu.yield
    }) : () -> ()
    %barrier3A = arith.constant 0 : index
    tpu.barrier barrier_id(%barrier3A)
    %mul3A_51 = arith.constant 784 : i32
    %mul3A_52 = arith.muli %add3A, %mul3A_51 : i32
    %run_scoped3A = arith.constant 0 : i32
    "tpu.region"() ({
      %run_scoped3A_63 = tpu.sem_alloc : memref<!tpu.dma_semaphore, #tpu.memory_space<semaphore_mem>>
      %dma_start3A = arith.constant 0 : i32
      %dma_start3A_64 = arith.constant 0 : i32
      %dma_start3A_65 = tpu.memref_slice %arg5[%run_scoped3A, %dma_start3A, %dma_start3A_64] : memref<2x8x128xi32, #tpu.memory_space<vmem>> -> memref<1x8x128xi32, #tpu.memory_space<vmem>>
      %dma_start3A_66 = tpu.memref_squeeze %dma_start3A_65 : memref<1x8x128xi32, #tpu.memory_space<vmem>> -> memref<8x128xi32, #tpu.memory_space<vmem>>
      %dma_start3A_67 = arith.constant 0 : i32
      %dma_start3A_68 = tpu.memref_slice %arg2[%mul3A_52, %dma_start3A_67] : memref<25088x128xi32, #tpu.memory_space<hbm>> -> memref<8x128xi32, #tpu.memory_space<hbm>>
      %dma_start3A_69 = arith.constant 0 : i32
      %dma_start3A_70 = arith.constant 0 : i32
      %dma_start3A_71 = tpu.memref_slice %arg5[%run_scoped3A, %dma_start3A_69, %dma_start3A_70] : memref<2x8x128xi32, #tpu.memory_space<vmem>> -> memref<1x8x128xi32, #tpu.memory_space<vmem>>
      %dma_start3A_72 = tpu.memref_squeeze %dma_start3A_71 : memref<1x8x128xi32, #tpu.memory_space<vmem>> -> memref<8x128xi32, #tpu.memory_space<vmem>>
      %dma_start3A_73 = arith.constant 0 : i32
      %dma_start3A_74 = tpu.memref_slice %arg2[%mul3A_52, %dma_start3A_73] : memref<25088x128xi32, #tpu.memory_space<hbm>> -> memref<8x128xi32, #tpu.memory_space<hbm>>
      tpu.enqueue_dma source(%dma_start3A_74 : memref<8x128xi32, #tpu.memory_space<hbm>>) target(%dma_start3A_72 : memref<8x128xi32, #tpu.memory_space<vmem>>) target_semaphore(%run_scoped3A_63 : memref<!tpu.dma_semaphore, #tpu.memory_space<semaphore_mem>>)
      %dma_wait3A = arith.constant 0 : i32
      %dma_wait3A_75 = arith.constant 0 : i32
      %dma_wait3A_76 = tpu.memref_slice %arg5[%run_scoped3A, %dma_wait3A, %dma_wait3A_75] : memref<2x8x128xi32, #tpu.memory_space<vmem>> -> memref<1x8x128xi32, #tpu.memory_space<vmem>>
      %dma_wait3A_77 = tpu.memref_squeeze %dma_wait3A_76 : memref<1x8x128xi32, #tpu.memory_space<vmem>> -> memref<8x128xi32, #tpu.memory_space<vmem>>
      %dma_wait3A_78 = arith.constant 0 : i32
      %dma_wait3A_79 = tpu.memref_slice %arg2[%mul3A_52, %dma_wait3A_78] : memref<25088x128xi32, #tpu.memory_space<hbm>> -> memref<8x128xi32, #tpu.memory_space<hbm>>
      %dma_wait3A_80 = arith.constant 0 : i32
      %dma_wait3A_81 = arith.constant 0 : i32
      %dma_wait3A_82 = tpu.memref_slice %arg5[%run_scoped3A, %dma_wait3A_80, %dma_wait3A_81] : memref<2x8x128xi32, #tpu.memory_space<vmem>> -> memref<1x8x128xi32, #tpu.memory_space<vmem>>
      %dma_wait3A_83 = tpu.memref_squeeze %dma_wait3A_82 : memref<1x8x128xi32, #tpu.memory_space<vmem>> -> memref<8x128xi32, #tpu.memory_space<vmem>>
      %dma_wait3A_84 = arith.constant 0 : i32
      %dma_wait3A_85 = tpu.memref_slice %arg2[%mul3A_52, %dma_wait3A_84] : memref<25088x128xi32, #tpu.memory_space<hbm>> -> memref<8x128xi32, #tpu.memory_space<hbm>>
      tpu.wait_dma2 semaphore(%run_scoped3A_63 : memref<!tpu.dma_semaphore, #tpu.memory_space<semaphore_mem>>) src(%dma_wait3A_85 : memref<8x128xi32, #tpu.memory_space<hbm>>) dst(%dma_wait3A_83 : memref<8x128xi32, #tpu.memory_space<vmem>>)
      tpu.yield
    }) : () -> ()
    %scan3A = arith.constant 0 : i32
    %scan3A_53 = arith.constant 0 : i32
    %scan3A_54 = arith.constant 98 : i32
    %scan3A_55 = arith.addi %scan3A_53, %scan3A_54 : i32
    %scan3A_56 = arith.constant 1 : i32
    scf.for %scan3A_63 = %scan3A_53 to %scan3A_55 step %scan3A_56  : i32 {
      %rem3A = arith.constant 2 : i32
      %rem3A_64 = arith.remsi %scan3A_63, %rem3A : i32
      %add3A_65 = arith.constant 1 : i32
      %add3A_66 = arith.addi %scan3A_63, %add3A_65 : i32
      %lt3A = arith.constant 98 : i32
      %lt3A_67 = arith.cmpi slt, %add3A_66, %lt3A : i32
      %convert_element_type3A = arith.extui %lt3A_67 : i1 to i32
      %cond3A = arith.constant 0 : i32
      %cond3A_68 = arith.cmpi ne, %convert_element_type3A, %cond3A : i32
      scf.if %cond3A_68 {
        %add3A_186 = arith.constant 1 : i32
        %add3A_187 = arith.addi %scan3A_63, %add3A_186 : i32
        %mul3A_188 = arith.constant 8 : i32
        %mul3A_189 = arith.muli %add3A_187, %mul3A_188 : i32
        %add3A_190 = arith.addi %mul3A_52, %mul3A_189 : i32
        %sub3A = arith.constant 1 : i32
        %sub3A_191 = arith.subi %sub3A, %rem3A_64 : i32
        %dma_start3A_192 = arith.constant 0 : i32
        %dma_start3A_193 = arith.constant 0 : i32
        %dma_start3A_194 = tpu.memref_slice %arg5[%sub3A_191, %dma_start3A_192, %dma_start3A_193] : memref<2x8x128xi32, #tpu.memory_space<vmem>> -> memref<1x8x128xi32, #tpu.memory_space<vmem>>
        %dma_start3A_195 = tpu.memref_squeeze %dma_start3A_194 : memref<1x8x128xi32, #tpu.memory_space<vmem>> -> memref<8x128xi32, #tpu.memory_space<vmem>>
        %dma_start3A_196 = arith.constant 0 : i32
        %dma_start3A_197 = tpu.memref_slice %arg2[%add3A_190, %dma_start3A_196] : memref<25088x128xi32, #tpu.memory_space<hbm>> -> memref<8x128xi32, #tpu.memory_space<hbm>>
        %dma_start3A_198 = arith.constant 0 : i32
        %dma_start3A_199 = arith.constant 0 : i32
        %dma_start3A_200 = tpu.memref_slice %arg5[%sub3A_191, %dma_start3A_198, %dma_start3A_199] : memref<2x8x128xi32, #tpu.memory_space<vmem>> -> memref<1x8x128xi32, #tpu.memory_space<vmem>>
        %dma_start3A_201 = tpu.memref_squeeze %dma_start3A_200 : memref<1x8x128xi32, #tpu.memory_space<vmem>> -> memref<8x128xi32, #tpu.memory_space<vmem>>
        %dma_start3A_202 = arith.constant 0 : i32
        %dma_start3A_203 = tpu.memref_slice %arg2[%add3A_190, %dma_start3A_202] : memref<25088x128xi32, #tpu.memory_space<hbm>> -> memref<8x128xi32, #tpu.memory_space<hbm>>
        tpu.enqueue_dma source(%dma_start3A_203 : memref<8x128xi32, #tpu.memory_space<hbm>>) target(%dma_start3A_201 : memref<8x128xi32, #tpu.memory_space<vmem>>) target_semaphore(%arg9 : memref<!tpu.dma_semaphore, #tpu.memory_space<semaphore_mem>>)
      } else {
      }
      %dma_start3A = arith.constant 0 : i32
      %dma_start3A_69 = arith.constant 0 : i32
      %dma_start3A_70 = arith.constant 0 : i32
      %dma_start3A_71 = tpu.memref_slice %arg5[%rem3A_64, %dma_start3A_69, %dma_start3A_70] : memref<2x8x128xi32, #tpu.memory_space<vmem>> -> memref<1x8x128xi32, #tpu.memory_space<vmem>>
      %dma_start3A_72 = tpu.memref_squeeze %dma_start3A_71 : memref<1x8x128xi32, #tpu.memory_space<vmem>> -> memref<8x128xi32, #tpu.memory_space<vmem>>
      %dma_start3A_73 = arith.constant 0 : i32
      %dma_start3A_74 = tpu.memref_slice %dma_start3A_72[%dma_start3A, %dma_start3A_73] : memref<8x128xi32, #tpu.memory_space<vmem>> -> memref<1x128xi32, #tpu.memory_space<vmem>>
      %dma_start3A_75 = tpu.memref_squeeze %dma_start3A_74 : memref<1x128xi32, #tpu.memory_space<vmem>> -> memref<128xi32, #tpu.memory_space<vmem>>
      %dma_start3A_76 = arith.constant 0 : i32
      %dma_start3A_77 = tpu.memref_slice %arg8[%dma_start3A_76] : memref<100352xf32, #tpu.memory_space<vmem_shared>> -> memref<100352xf32, #tpu.memory_space<vmem_shared>>
      tpu.enqueue_indirect_dma source(%arg6 : memref<128xf32, #tpu.memory_space<vmem>>) target(%dma_start3A_77 : memref<100352xf32, #tpu.memory_space<vmem_shared>>) offsets(%dma_start3A_75 : memref<128xi32, #tpu.memory_space<vmem>>) semaphore(%arg10 : memref<!tpu.dma_semaphore, #tpu.memory_space<semaphore_mem>>) {add = true}
      %dma_start3A_78 = arith.constant 1 : i32
      %dma_start3A_79 = arith.constant 0 : i32
      %dma_start3A_80 = arith.constant 0 : i32
      %dma_start3A_81 = tpu.memref_slice %arg5[%rem3A_64, %dma_start3A_79, %dma_start3A_80] : memref<2x8x128xi32, #tpu.memory_space<vmem>> -> memref<1x8x128xi32, #tpu.memory_space<vmem>>
      %dma_start3A_82 = tpu.memref_squeeze %dma_start3A_81 : memref<1x8x128xi32, #tpu.memory_space<vmem>> -> memref<8x128xi32, #tpu.memory_space<vmem>>
      %dma_start3A_83 = arith.constant 0 : i32
      %dma_start3A_84 = tpu.memref_slice %dma_start3A_82[%dma_start3A_78, %dma_start3A_83] : memref<8x128xi32, #tpu.memory_space<vmem>> -> memref<1x128xi32, #tpu.memory_space<vmem>>
      %dma_start3A_85 = tpu.memref_squeeze %dma_start3A_84 : memref<1x128xi32, #tpu.memory_space<vmem>> -> memref<128xi32, #tpu.memory_space<vmem>>
      %dma_start3A_86 = arith.constant 0 : i32
      %dma_start3A_87 = tpu.memref_slice %arg8[%dma_start3A_86] : memref<100352xf32, #tpu.memory_space<vmem_shared>> -> memref<100352xf32, #tpu.memory_space<vmem_shared>>
      tpu.enqueue_indirect_dma source(%arg6 : memref<128xf32, #tpu.memory_space<vmem>>) target(%dma_start3A_87 : memref<100352xf32, #tpu.memory_space<vmem_shared>>) offsets(%dma_start3A_85 : memref<128xi32, #tpu.memory_space<vmem>>) semaphore(%arg10 : memref<!tpu.dma_semaphore, #tpu.memory_space<semaphore_mem>>) {add = true}
      %dma_start3A_88 = arith.constant 2 : i32
      %dma_start3A_89 = arith.constant 0 : i32
      %dma_start3A_90 = arith.constant 0 : i32
      %dma_start3A_91 = tpu.memref_slice %arg5[%rem3A_64, %dma_start3A_89, %dma_start3A_90] : memref<2x8x128xi32, #tpu.memory_space<vmem>> -> memref<1x8x128xi32, #tpu.memory_space<vmem>>
      %dma_start3A_92 = tpu.memref_squeeze %dma_start3A_91 : memref<1x8x128xi32, #tpu.memory_space<vmem>> -> memref<8x128xi32, #tpu.memory_space<vmem>>
      %dma_start3A_93 = arith.constant 0 : i32
      %dma_start3A_94 = tpu.memref_slice %dma_start3A_92[%dma_start3A_88, %dma_start3A_93] : memref<8x128xi32, #tpu.memory_space<vmem>> -> memref<1x128xi32, #tpu.memory_space<vmem>>
      %dma_start3A_95 = tpu.memref_squeeze %dma_start3A_94 : memref<1x128xi32, #tpu.memory_space<vmem>> -> memref<128xi32, #tpu.memory_space<vmem>>
      %dma_start3A_96 = arith.constant 0 : i32
      %dma_start3A_97 = tpu.memref_slice %arg8[%dma_start3A_96] : memref<100352xf32, #tpu.memory_space<vmem_shared>> -> memref<100352xf32, #tpu.memory_space<vmem_shared>>
      tpu.enqueue_indirect_dma source(%arg6 : memref<128xf32, #tpu.memory_space<vmem>>) target(%dma_start3A_97 : memref<100352xf32, #tpu.memory_space<vmem_shared>>) offsets(%dma_start3A_95 : memref<128xi32, #tpu.memory_space<vmem>>) semaphore(%arg10 : memref<!tpu.dma_semaphore, #tpu.memory_space<semaphore_mem>>) {add = true}
      %dma_start3A_98 = arith.constant 3 : i32
      %dma_start3A_99 = arith.constant 0 : i32
      %dma_start3A_100 = arith.constant 0 : i32
      %dma_start3A_101 = tpu.memref_slice %arg5[%rem3A_64, %dma_start3A_99, %dma_start3A_100] : memref<2x8x128xi32, #tpu.memory_space<vmem>> -> memref<1x8x128xi32, #tpu.memory_space<vmem>>
      %dma_start3A_102 = tpu.memref_squeeze %dma_start3A_101 : memref<1x8x128xi32, #tpu.memory_space<vmem>> -> memref<8x128xi32, #tpu.memory_space<vmem>>
      %dma_start3A_103 = arith.constant 0 : i32
      %dma_start3A_104 = tpu.memref_slice %dma_start3A_102[%dma_start3A_98, %dma_start3A_103] : memref<8x128xi32, #tpu.memory_space<vmem>> -> memref<1x128xi32, #tpu.memory_space<vmem>>
      %dma_start3A_105 = tpu.memref_squeeze %dma_start3A_104 : memref<1x128xi32, #tpu.memory_space<vmem>> -> memref<128xi32, #tpu.memory_space<vmem>>
      %dma_start3A_106 = arith.constant 0 : i32
      %dma_start3A_107 = tpu.memref_slice %arg8[%dma_start3A_106] : memref<100352xf32, #tpu.memory_space<vmem_shared>> -> memref<100352xf32, #tpu.memory_space<vmem_shared>>
      tpu.enqueue_indirect_dma source(%arg6 : memref<128xf32, #tpu.memory_space<vmem>>) target(%dma_start3A_107 : memref<100352xf32, #tpu.memory_space<vmem_shared>>) offsets(%dma_start3A_105 : memref<128xi32, #tpu.memory_space<vmem>>) semaphore(%arg10 : memref<!tpu.dma_semaphore, #tpu.memory_space<semaphore_mem>>) {add = true}
      %dma_start3A_108 = arith.constant 4 : i32
      %dma_start3A_109 = arith.constant 0 : i32
      %dma_start3A_110 = arith.constant 0 : i32
      %dma_start3A_111 = tpu.memref_slice %arg5[%rem3A_64, %dma_start3A_109, %dma_start3A_110] : memref<2x8x128xi32, #tpu.memory_space<vmem>> -> memref<1x8x128xi32, #tpu.memory_space<vmem>>
      %dma_start3A_112 = tpu.memref_squeeze %dma_start3A_111 : memref<1x8x128xi32, #tpu.memory_space<vmem>> -> memref<8x128xi32, #tpu.memory_space<vmem>>
      %dma_start3A_113 = arith.constant 0 : i32
      %dma_start3A_114 = tpu.memref_slice %dma_start3A_112[%dma_start3A_108, %dma_start3A_113] : memref<8x128xi32, #tpu.memory_space<vmem>> -> memref<1x128xi32, #tpu.memory_space<vmem>>
      %dma_start3A_115 = tpu.memref_squeeze %dma_start3A_114 : memref<1x128xi32, #tpu.memory_space<vmem>> -> memref<128xi32, #tpu.memory_space<vmem>>
      %dma_start3A_116 = arith.constant 0 : i32
      %dma_start3A_117 = tpu.memref_slice %arg8[%dma_start3A_116] : memref<100352xf32, #tpu.memory_space<vmem_shared>> -> memref<100352xf32, #tpu.memory_space<vmem_shared>>
      tpu.enqueue_indirect_dma source(%arg6 : memref<128xf32, #tpu.memory_space<vmem>>) target(%dma_start3A_117 : memref<100352xf32, #tpu.memory_space<vmem_shared>>) offsets(%dma_start3A_115 : memref<128xi32, #tpu.memory_space<vmem>>) semaphore(%arg10 : memref<!tpu.dma_semaphore, #tpu.memory_space<semaphore_mem>>) {add = true}
      %dma_start3A_118 = arith.constant 5 : i32
      %dma_start3A_119 = arith.constant 0 : i32
      %dma_start3A_120 = arith.constant 0 : i32
      %dma_start3A_121 = tpu.memref_slice %arg5[%rem3A_64, %dma_start3A_119, %dma_start3A_120] : memref<2x8x128xi32, #tpu.memory_space<vmem>> -> memref<1x8x128xi32, #tpu.memory_space<vmem>>
      %dma_start3A_122 = tpu.memref_squeeze %dma_start3A_121 : memref<1x8x128xi32, #tpu.memory_space<vmem>> -> memref<8x128xi32, #tpu.memory_space<vmem>>
      %dma_start3A_123 = arith.constant 0 : i32
      %dma_start3A_124 = tpu.memref_slice %dma_start3A_122[%dma_start3A_118, %dma_start3A_123] : memref<8x128xi32, #tpu.memory_space<vmem>> -> memref<1x128xi32, #tpu.memory_space<vmem>>
      %dma_start3A_125 = tpu.memref_squeeze %dma_start3A_124 : memref<1x128xi32, #tpu.memory_space<vmem>> -> memref<128xi32, #tpu.memory_space<vmem>>
      %dma_start3A_126 = arith.constant 0 : i32
      %dma_start3A_127 = tpu.memref_slice %arg8[%dma_start3A_126] : memref<100352xf32, #tpu.memory_space<vmem_shared>> -> memref<100352xf32, #tpu.memory_space<vmem_shared>>
      tpu.enqueue_indirect_dma source(%arg6 : memref<128xf32, #tpu.memory_space<vmem>>) target(%dma_start3A_127 : memref<100352xf32, #tpu.memory_space<vmem_shared>>) offsets(%dma_start3A_125 : memref<128xi32, #tpu.memory_space<vmem>>) semaphore(%arg10 : memref<!tpu.dma_semaphore, #tpu.memory_space<semaphore_mem>>) {add = true}
      %dma_start3A_128 = arith.constant 6 : i32
      %dma_start3A_129 = arith.constant 0 : i32
      %dma_start3A_130 = arith.constant 0 : i32
      %dma_start3A_131 = tpu.memref_slice %arg5[%rem3A_64, %dma_start3A_129, %dma_start3A_130] : memref<2x8x128xi32, #tpu.memory_space<vmem>> -> memref<1x8x128xi32, #tpu.memory_space<vmem>>
      %dma_start3A_132 = tpu.memref_squeeze %dma_start3A_131 : memref<1x8x128xi32, #tpu.memory_space<vmem>> -> memref<8x128xi32, #tpu.memory_space<vmem>>
      %dma_start3A_133 = arith.constant 0 : i32
      %dma_start3A_134 = tpu.memref_slice %dma_start3A_132[%dma_start3A_128, %dma_start3A_133] : memref<8x128xi32, #tpu.memory_space<vmem>> -> memref<1x128xi32, #tpu.memory_space<vmem>>
      %dma_start3A_135 = tpu.memref_squeeze %dma_start3A_134 : memref<1x128xi32, #tpu.memory_space<vmem>> -> memref<128xi32, #tpu.memory_space<vmem>>
      %dma_start3A_136 = arith.constant 0 : i32
      %dma_start3A_137 = tpu.memref_slice %arg8[%dma_start3A_136] : memref<100352xf32, #tpu.memory_space<vmem_shared>> -> memref<100352xf32, #tpu.memory_space<vmem_shared>>
      tpu.enqueue_indirect_dma source(%arg6 : memref<128xf32, #tpu.memory_space<vmem>>) target(%dma_start3A_137 : memref<100352xf32, #tpu.memory_space<vmem_shared>>) offsets(%dma_start3A_135 : memref<128xi32, #tpu.memory_space<vmem>>) semaphore(%arg10 : memref<!tpu.dma_semaphore, #tpu.memory_space<semaphore_mem>>) {add = true}
      %dma_start3A_138 = arith.constant 7 : i32
      %dma_start3A_139 = arith.constant 0 : i32
      %dma_start3A_140 = arith.constant 0 : i32
      %dma_start3A_141 = tpu.memref_slice %arg5[%rem3A_64, %dma_start3A_139, %dma_start3A_140] : memref<2x8x128xi32, #tpu.memory_space<vmem>> -> memref<1x8x128xi32, #tpu.memory_space<vmem>>
      %dma_start3A_142 = tpu.memref_squeeze %dma_start3A_141 : memref<1x8x128xi32, #tpu.memory_space<vmem>> -> memref<8x128xi32, #tpu.memory_space<vmem>>
      %dma_start3A_143 = arith.constant 0 : i32
      %dma_start3A_144 = tpu.memref_slice %dma_start3A_142[%dma_start3A_138, %dma_start3A_143] : memref<8x128xi32, #tpu.memory_space<vmem>> -> memref<1x128xi32, #tpu.memory_space<vmem>>
      %dma_start3A_145 = tpu.memref_squeeze %dma_start3A_144 : memref<1x128xi32, #tpu.memory_space<vmem>> -> memref<128xi32, #tpu.memory_space<vmem>>
      %dma_start3A_146 = arith.constant 0 : i32
      %dma_start3A_147 = tpu.memref_slice %arg8[%dma_start3A_146] : memref<100352xf32, #tpu.memory_space<vmem_shared>> -> memref<100352xf32, #tpu.memory_space<vmem_shared>>
      tpu.enqueue_indirect_dma source(%arg6 : memref<128xf32, #tpu.memory_space<vmem>>) target(%dma_start3A_147 : memref<100352xf32, #tpu.memory_space<vmem_shared>>) offsets(%dma_start3A_145 : memref<128xi32, #tpu.memory_space<vmem>>) semaphore(%arg10 : memref<!tpu.dma_semaphore, #tpu.memory_space<semaphore_mem>>) {add = true}
      %add3A_148 = arith.constant 1 : i32
      %add3A_149 = arith.addi %scan3A_63, %add3A_148 : i32
      %lt3A_150 = arith.constant 98 : i32
      %lt3A_151 = arith.cmpi slt, %add3A_149, %lt3A_150 : i32
      %convert_element_type3A_152 = arith.extui %lt3A_151 : i1 to i32
      %cond3A_153 = arith.constant 0 : i32
      %cond3A_154 = arith.cmpi ne, %convert_element_type3A_152, %cond3A_153 : i32
      scf.if %cond3A_154 {
        %dma_wait3A_186 = arith.constant 0 : i32
        %dma_wait3A_187 = arith.constant 0 : i32
        %dma_wait3A_188 = arith.constant 0 : i32
        %dma_wait3A_189 = tpu.memref_slice %arg5[%dma_wait3A_186, %dma_wait3A_187, %dma_wait3A_188] : memref<2x8x128xi32, #tpu.memory_space<vmem>> -> memref<1x8x128xi32, #tpu.memory_space<vmem>>
        %dma_wait3A_190 = tpu.memref_squeeze %dma_wait3A_189 : memref<1x8x128xi32, #tpu.memory_space<vmem>> -> memref<8x128xi32, #tpu.memory_space<vmem>>
        %dma_wait3A_191 = arith.constant 0 : i32
        %dma_wait3A_192 = tpu.memref_slice %arg2[%mul3A_52, %dma_wait3A_191] : memref<25088x128xi32, #tpu.memory_space<hbm>> -> memref<8x128xi32, #tpu.memory_space<hbm>>
        %dma_wait3A_193 = arith.constant 0 : i32
        %dma_wait3A_194 = arith.constant 0 : i32
        %dma_wait3A_195 = tpu.memref_slice %arg5[%dma_wait3A_186, %dma_wait3A_193, %dma_wait3A_194] : memref<2x8x128xi32, #tpu.memory_space<vmem>> -> memref<1x8x128xi32, #tpu.memory_space<vmem>>
        %dma_wait3A_196 = tpu.memref_squeeze %dma_wait3A_195 : memref<1x8x128xi32, #tpu.memory_space<vmem>> -> memref<8x128xi32, #tpu.memory_space<vmem>>
        %dma_wait3A_197 = arith.constant 0 : i32
        %dma_wait3A_198 = tpu.memref_slice %arg2[%mul3A_52, %dma_wait3A_197] : memref<25088x128xi32, #tpu.memory_space<hbm>> -> memref<8x128xi32, #tpu.memory_space<hbm>>
        tpu.wait_dma2 semaphore(%arg9 : memref<!tpu.dma_semaphore, #tpu.memory_space<semaphore_mem>>) src(%dma_wait3A_198 : memref<8x128xi32, #tpu.memory_space<hbm>>) dst(%dma_wait3A_196 : memref<8x128xi32, #tpu.memory_space<vmem>>)
      } else {
      }
      %dma_wait3A = arith.constant 0 : i32
      %dma_wait3A_155 = tpu.memref_slice %arg3[%dma_wait3A] : memref<100352xf32, #tpu.memory_space<hbm>> -> memref<128xf32, #tpu.memory_space<hbm>>
      %dma_wait3A_156 = arith.constant 0 : i32
      %dma_wait3A_157 = tpu.memref_slice %arg3[%dma_wait3A_156] : memref<100352xf32, #tpu.memory_space<hbm>> -> memref<128xf32, #tpu.memory_space<hbm>>
      tpu.wait_dma2 semaphore(%arg10 : memref<!tpu.dma_semaphore, #tpu.memory_space<semaphore_mem>>) src(%dma_wait3A_157 : memref<128xf32, #tpu.memory_space<hbm>>) dst(%arg7 : memref<128xf32, #tpu.memory_space<vmem>>)
      %dma_wait3A_158 = arith.constant 0 : i32
      %dma_wait3A_159 = tpu.memref_slice %arg3[%dma_wait3A_158] : memref<100352xf32, #tpu.memory_space<hbm>> -> memref<128xf32, #tpu.memory_space<hbm>>
      %dma_wait3A_160 = arith.constant 0 : i32
      %dma_wait3A_161 = tpu.memref_slice %arg3[%dma_wait3A_160] : memref<100352xf32, #tpu.memory_space<hbm>> -> memref<128xf32, #tpu.memory_space<hbm>>
      tpu.wait_dma2 semaphore(%arg10 : memref<!tpu.dma_semaphore, #tpu.memory_space<semaphore_mem>>) src(%dma_wait3A_161 : memref<128xf32, #tpu.memory_space<hbm>>) dst(%arg7 : memref<128xf32, #tpu.memory_space<vmem>>)
      %dma_wait3A_162 = arith.constant 0 : i32
      %dma_wait3A_163 = tpu.memref_slice %arg3[%dma_wait3A_162] : memref<100352xf32, #tpu.memory_space<hbm>> -> memref<128xf32, #tpu.memory_space<hbm>>
      %dma_wait3A_164 = arith.constant 0 : i32
      %dma_wait3A_165 = tpu.memref_slice %arg3[%dma_wait3A_164] : memref<100352xf32, #tpu.memory_space<hbm>> -> memref<128xf32, #tpu.memory_space<hbm>>
      tpu.wait_dma2 semaphore(%arg10 : memref<!tpu.dma_semaphore, #tpu.memory_space<semaphore_mem>>) src(%dma_wait3A_165 : memref<128xf32, #tpu.memory_space<hbm>>) dst(%arg7 : memref<128xf32, #tpu.memory_space<vmem>>)
      %dma_wait3A_166 = arith.constant 0 : i32
      %dma_wait3A_167 = tpu.memref_slice %arg3[%dma_wait3A_166] : memref<100352xf32, #tpu.memory_space<hbm>> -> memref<128xf32, #tpu.memory_space<hbm>>
      %dma_wait3A_168 = arith.constant 0 : i32
      %dma_wait3A_169 = tpu.memref_slice %arg3[%dma_wait3A_168] : memref<100352xf32, #tpu.memory_space<hbm>> -> memref<128xf32, #tpu.memory_space<hbm>>
      tpu.wait_dma2 semaphore(%arg10 : memref<!tpu.dma_semaphore, #tpu.memory_space<semaphore_mem>>) src(%dma_wait3A_169 : memref<128xf32, #tpu.memory_space<hbm>>) dst(%arg7 : memref<128xf32, #tpu.memory_space<vmem>>)
      %dma_wait3A_170 = arith.constant 0 : i32
      %dma_wait3A_171 = tpu.memref_slice %arg3[%dma_wait3A_170] : memref<100352xf32, #tpu.memory_space<hbm>> -> memref<128xf32, #tpu.memory_space<hbm>>
      %dma_wait3A_172 = arith.constant 0 : i32
      %dma_wait3A_173 = tpu.memref_slice %arg3[%dma_wait3A_172] : memref<100352xf32, #tpu.memory_space<hbm>> -> memref<128xf32, #tpu.memory_space<hbm>>
      tpu.wait_dma2 semaphore(%arg10 : memref<!tpu.dma_semaphore, #tpu.memory_space<semaphore_mem>>) src(%dma_wait3A_173 : memref<128xf32, #tpu.memory_space<hbm>>) dst(%arg7 : memref<128xf32, #tpu.memory_space<vmem>>)
      %dma_wait3A_174 = arith.constant 0 : i32
      %dma_wait3A_175 = tpu.memref_slice %arg3[%dma_wait3A_174] : memref<100352xf32, #tpu.memory_space<hbm>> -> memref<128xf32, #tpu.memory_space<hbm>>
      %dma_wait3A_176 = arith.constant 0 : i32
      %dma_wait3A_177 = tpu.memref_slice %arg3[%dma_wait3A_176] : memref<100352xf32, #tpu.memory_space<hbm>> -> memref<128xf32, #tpu.memory_space<hbm>>
      tpu.wait_dma2 semaphore(%arg10 : memref<!tpu.dma_semaphore, #tpu.memory_space<semaphore_mem>>) src(%dma_wait3A_177 : memref<128xf32, #tpu.memory_space<hbm>>) dst(%arg7 : memref<128xf32, #tpu.memory_space<vmem>>)
      %dma_wait3A_178 = arith.constant 0 : i32
      %dma_wait3A_179 = tpu.memref_slice %arg3[%dma_wait3A_178] : memref<100352xf32, #tpu.memory_space<hbm>> -> memref<128xf32, #tpu.memory_space<hbm>>
      %dma_wait3A_180 = arith.constant 0 : i32
      %dma_wait3A_181 = tpu.memref_slice %arg3[%dma_wait3A_180] : memref<100352xf32, #tpu.memory_space<hbm>> -> memref<128xf32, #tpu.memory_space<hbm>>
      tpu.wait_dma2 semaphore(%arg10 : memref<!tpu.dma_semaphore, #tpu.memory_space<semaphore_mem>>) src(%dma_wait3A_181 : memref<128xf32, #tpu.memory_space<hbm>>) dst(%arg7 : memref<128xf32, #tpu.memory_space<vmem>>)
      %dma_wait3A_182 = arith.constant 0 : i32
      %dma_wait3A_183 = tpu.memref_slice %arg3[%dma_wait3A_182] : memref<100352xf32, #tpu.memory_space<hbm>> -> memref<128xf32, #tpu.memory_space<hbm>>
      %dma_wait3A_184 = arith.constant 0 : i32
      %dma_wait3A_185 = tpu.memref_slice %arg3[%dma_wait3A_184] : memref<100352xf32, #tpu.memory_space<hbm>> -> memref<128xf32, #tpu.memory_space<hbm>>
      tpu.wait_dma2 semaphore(%arg10 : memref<!tpu.dma_semaphore, #tpu.memory_space<semaphore_mem>>) src(%dma_wait3A_185 : memref<128xf32, #tpu.memory_space<hbm>>) dst(%arg7 : memref<128xf32, #tpu.memory_space<vmem>>)
    }
    %scan3A_57 = arith.constant 98 : i32
    %barrier3A_58 = arith.constant 0 : index
    tpu.barrier barrier_id(%barrier3A_58)
    %mul3A_59 = arith.constant 6272 : i32
    %mul3A_60 = arith.muli %arg1, %mul3A_59 : i32
    %mul3A_61 = arith.constant 6272 : i32
    %mul3A_62 = arith.muli %arg1, %mul3A_61 : i32
    "tpu.region"() ({
      %run_scoped3A_63 = tpu.sem_alloc : memref<!tpu.dma_semaphore, #tpu.memory_space<semaphore_mem>>
      %dma_start3A = tpu.memref_slice %arg4[%arg0, %mul3A_62] : memref<2x100352xf32, #tpu.memory_space<hbm>> -> memref<1x6272xf32, #tpu.memory_space<hbm>>
      %dma_start3A_64 = tpu.memref_squeeze %dma_start3A : memref<1x6272xf32, #tpu.memory_space<hbm>> -> memref<6272xf32, #tpu.memory_space<hbm>>
      %dma_start3A_65 = tpu.memref_slice %arg8[%mul3A_60] : memref<100352xf32, #tpu.memory_space<vmem_shared>> -> memref<6272xf32, #tpu.memory_space<vmem_shared>>
      tpu.enqueue_dma source(%dma_start3A_65 : memref<6272xf32, #tpu.memory_space<vmem_shared>>) target(%dma_start3A_64 : memref<6272xf32, #tpu.memory_space<hbm>>) target_semaphore(%run_scoped3A_63 : memref<!tpu.dma_semaphore, #tpu.memory_space<semaphore_mem>>)
      %dma_wait3A = tpu.memref_slice %arg4[%arg0, %mul3A_62] : memref<2x100352xf32, #tpu.memory_space<hbm>> -> memref<1x6272xf32, #tpu.memory_space<hbm>>
      %dma_wait3A_66 = tpu.memref_squeeze %dma_wait3A : memref<1x6272xf32, #tpu.memory_space<hbm>> -> memref<6272xf32, #tpu.memory_space<hbm>>
      %dma_wait3A_67 = tpu.memref_slice %arg8[%mul3A_60] : memref<100352xf32, #tpu.memory_space<vmem_shared>> -> memref<6272xf32, #tpu.memory_space<vmem_shared>>
      tpu.wait_dma2 semaphore(%run_scoped3A_63 : memref<!tpu.dma_semaphore, #tpu.memory_space<semaphore_mem>>) src(%dma_wait3A_67 : memref<6272xf32, #tpu.memory_space<vmem_shared>>) dst(%dma_wait3A_66 : memref<6272xf32, #tpu.memory_space<hbm>>)
      tpu.yield
    }) : () -> ()
    return
  }
}

#map = affine_map<(d0, d1) -> (0, 0, 0)>
#map1 = affine_map<(d0, d1) -> (0)>
#map2 = affine_map<(d0, d1) -> (0, 0)>
module attributes {stable_mosaic.version = 14 : i64} {
  func.func @_sample_sc(%arg0: i32, %arg1: i32, %arg2: memref<2x800x128xi32, #tpu.memory_space<hbm>>, %arg3: memref<100352xf32, #tpu.memory_space<hbm>>, %arg4: memref<100352xf32, #tpu.memory_space<hbm>>, %arg5: memref<2x102400xf32, #tpu.memory_space<hbm>>, %arg6: memref<2x102400xf32, #tpu.memory_space<hbm>>, %arg7: memref<5x128xi32, #tpu.memory_space<vmem>>, %arg8: memref<640xf32, #tpu.memory_space<vmem>>, %arg9: memref<640xf32, #tpu.memory_space<vmem>>, %arg10: memref<!tpu.dma_semaphore, #tpu.memory_space<semaphore_mem>>) attributes {dimension_semantics = [#tpu.dimension_semantics<core_parallel>, #tpu.dimension_semantics<subcore_parallel>], iteration_bounds = array<i64: 2, 16>, scalar_prefetch = 0 : i64, scratch_operands = 4 : i64, tpu.core_type = #tpu.core_type<sc_vector_subcore>, window_params = [{transform_indices = #map}, {transform_indices = #map1}, {transform_indices = #map1}, {transform_indices = #map2}, {transform_indices = #map2}]} {
    %mul3A = arith.constant 2 : i32
    %mul3A_0 = arith.muli %arg1, %mul3A : i32
    %add3A = arith.addi %mul3A_0, %arg0 : i32
    %mul3A_1 = arith.constant 25 : i32
    %mul3A_2 = arith.muli %add3A, %mul3A_1 : i32
    %scan3A = arith.constant 0 : i32
    %scan3A_3 = arith.constant 0 : i32
    %scan3A_4 = arith.constant 5 : i32
    %scan3A_5 = arith.addi %scan3A_3, %scan3A_4 : i32
    %scan3A_6 = arith.constant 1 : i32
    scf.for %scan3A_14 = %scan3A_3 to %scan3A_5 step %scan3A_6  : i32 {
      %mul3A_15 = arith.constant 5 : i32
      %mul3A_16 = arith.muli %scan3A_14, %mul3A_15 : i32
      %add3A_17 = arith.addi %mul3A_2, %mul3A_16 : i32
      %run_scoped3A = arith.constant 0 : i32
      "tpu.region"() ({
        %run_scoped3A_182 = tpu.sem_alloc : memref<!tpu.dma_semaphore, #tpu.memory_space<semaphore_mem>>
        %dma_start3A_183 = arith.constant 0 : i32
        %dma_start3A_184 = tpu.memref_slice %arg2[%run_scoped3A, %add3A_17, %dma_start3A_183] : memref<2x800x128xi32, #tpu.memory_space<hbm>> -> memref<1x5x128xi32, #tpu.memory_space<hbm>>
        %dma_start3A_185 = tpu.memref_squeeze %dma_start3A_184 : memref<1x5x128xi32, #tpu.memory_space<hbm>> -> memref<5x128xi32, #tpu.memory_space<hbm>>
        %dma_start3A_186 = arith.constant 0 : i32
        %dma_start3A_187 = tpu.memref_slice %arg2[%run_scoped3A, %add3A_17, %dma_start3A_186] : memref<2x800x128xi32, #tpu.memory_space<hbm>> -> memref<1x5x128xi32, #tpu.memory_space<hbm>>
        %dma_start3A_188 = tpu.memref_squeeze %dma_start3A_187 : memref<1x5x128xi32, #tpu.memory_space<hbm>> -> memref<5x128xi32, #tpu.memory_space<hbm>>
        tpu.enqueue_dma source(%dma_start3A_188 : memref<5x128xi32, #tpu.memory_space<hbm>>) target(%arg7 : memref<5x128xi32, #tpu.memory_space<vmem>>) target_semaphore(%run_scoped3A_182 : memref<!tpu.dma_semaphore, #tpu.memory_space<semaphore_mem>>)
        %dma_wait3A_189 = arith.constant 0 : i32
        %dma_wait3A_190 = tpu.memref_slice %arg2[%run_scoped3A, %add3A_17, %dma_wait3A_189] : memref<2x800x128xi32, #tpu.memory_space<hbm>> -> memref<1x5x128xi32, #tpu.memory_space<hbm>>
        %dma_wait3A_191 = tpu.memref_squeeze %dma_wait3A_190 : memref<1x5x128xi32, #tpu.memory_space<hbm>> -> memref<5x128xi32, #tpu.memory_space<hbm>>
        %dma_wait3A_192 = arith.constant 0 : i32
        %dma_wait3A_193 = tpu.memref_slice %arg2[%run_scoped3A, %add3A_17, %dma_wait3A_192] : memref<2x800x128xi32, #tpu.memory_space<hbm>> -> memref<1x5x128xi32, #tpu.memory_space<hbm>>
        %dma_wait3A_194 = tpu.memref_squeeze %dma_wait3A_193 : memref<1x5x128xi32, #tpu.memory_space<hbm>> -> memref<5x128xi32, #tpu.memory_space<hbm>>
        tpu.wait_dma2 semaphore(%run_scoped3A_182 : memref<!tpu.dma_semaphore, #tpu.memory_space<semaphore_mem>>) src(%dma_wait3A_194 : memref<5x128xi32, #tpu.memory_space<hbm>>) dst(%arg7 : memref<5x128xi32, #tpu.memory_space<vmem>>)
        tpu.yield
      }) : () -> ()
      %dma_start3A = arith.constant 0 : i32
      %dma_start3A_18 = arith.constant 0 : i32
      %dma_start3A_19 = tpu.memref_slice %arg8[%dma_start3A_18] : memref<640xf32, #tpu.memory_space<vmem>> -> memref<128xf32, #tpu.memory_space<vmem>>
      %dma_start3A_20 = arith.constant 0 : i32
      %dma_start3A_21 = tpu.memref_slice %arg7[%dma_start3A, %dma_start3A_20] : memref<5x128xi32, #tpu.memory_space<vmem>> -> memref<1x128xi32, #tpu.memory_space<vmem>>
      %dma_start3A_22 = tpu.memref_squeeze %dma_start3A_21 : memref<1x128xi32, #tpu.memory_space<vmem>> -> memref<128xi32, #tpu.memory_space<vmem>>
      %dma_start3A_23 = arith.constant 0 : i32
      %dma_start3A_24 = tpu.memref_slice %arg3[%dma_start3A_23] : memref<100352xf32, #tpu.memory_space<hbm>> -> memref<100352xf32, #tpu.memory_space<hbm>>
      tpu.enqueue_indirect_dma source(%dma_start3A_24 : memref<100352xf32, #tpu.memory_space<hbm>>) target(%dma_start3A_19 : memref<128xf32, #tpu.memory_space<vmem>>) offsets(%dma_start3A_22 : memref<128xi32, #tpu.memory_space<vmem>>) semaphore(%arg10 : memref<!tpu.dma_semaphore, #tpu.memory_space<semaphore_mem>>)
      %dma_start3A_25 = arith.constant 0 : i32
      %dma_start3A_26 = arith.constant 0 : i32
      %dma_start3A_27 = tpu.memref_slice %arg9[%dma_start3A_26] : memref<640xf32, #tpu.memory_space<vmem>> -> memref<128xf32, #tpu.memory_space<vmem>>
      %dma_start3A_28 = arith.constant 0 : i32
      %dma_start3A_29 = tpu.memref_slice %arg7[%dma_start3A_25, %dma_start3A_28] : memref<5x128xi32, #tpu.memory_space<vmem>> -> memref<1x128xi32, #tpu.memory_space<vmem>>
      %dma_start3A_30 = tpu.memref_squeeze %dma_start3A_29 : memref<1x128xi32, #tpu.memory_space<vmem>> -> memref<128xi32, #tpu.memory_space<vmem>>
      %dma_start3A_31 = arith.constant 0 : i32
      %dma_start3A_32 = tpu.memref_slice %arg4[%dma_start3A_31] : memref<100352xf32, #tpu.memory_space<hbm>> -> memref<100352xf32, #tpu.memory_space<hbm>>
      tpu.enqueue_indirect_dma source(%dma_start3A_32 : memref<100352xf32, #tpu.memory_space<hbm>>) target(%dma_start3A_27 : memref<128xf32, #tpu.memory_space<vmem>>) offsets(%dma_start3A_30 : memref<128xi32, #tpu.memory_space<vmem>>) semaphore(%arg10 : memref<!tpu.dma_semaphore, #tpu.memory_space<semaphore_mem>>)
      %dma_start3A_33 = arith.constant 1 : i32
      %dma_start3A_34 = arith.constant 128 : i32
      %dma_start3A_35 = tpu.memref_slice %arg8[%dma_start3A_34] : memref<640xf32, #tpu.memory_space<vmem>> -> memref<128xf32, #tpu.memory_space<vmem>>
      %dma_start3A_36 = arith.constant 0 : i32
      %dma_start3A_37 = tpu.memref_slice %arg7[%dma_start3A_33, %dma_start3A_36] : memref<5x128xi32, #tpu.memory_space<vmem>> -> memref<1x128xi32, #tpu.memory_space<vmem>>
      %dma_start3A_38 = tpu.memref_squeeze %dma_start3A_37 : memref<1x128xi32, #tpu.memory_space<vmem>> -> memref<128xi32, #tpu.memory_space<vmem>>
      %dma_start3A_39 = arith.constant 0 : i32
      %dma_start3A_40 = tpu.memref_slice %arg3[%dma_start3A_39] : memref<100352xf32, #tpu.memory_space<hbm>> -> memref<100352xf32, #tpu.memory_space<hbm>>
      tpu.enqueue_indirect_dma source(%dma_start3A_40 : memref<100352xf32, #tpu.memory_space<hbm>>) target(%dma_start3A_35 : memref<128xf32, #tpu.memory_space<vmem>>) offsets(%dma_start3A_38 : memref<128xi32, #tpu.memory_space<vmem>>) semaphore(%arg10 : memref<!tpu.dma_semaphore, #tpu.memory_space<semaphore_mem>>)
      %dma_start3A_41 = arith.constant 1 : i32
      %dma_start3A_42 = arith.constant 128 : i32
      %dma_start3A_43 = tpu.memref_slice %arg9[%dma_start3A_42] : memref<640xf32, #tpu.memory_space<vmem>> -> memref<128xf32, #tpu.memory_space<vmem>>
      %dma_start3A_44 = arith.constant 0 : i32
      %dma_start3A_45 = tpu.memref_slice %arg7[%dma_start3A_41, %dma_start3A_44] : memref<5x128xi32, #tpu.memory_space<vmem>> -> memref<1x128xi32, #tpu.memory_space<vmem>>
      %dma_start3A_46 = tpu.memref_squeeze %dma_start3A_45 : memref<1x128xi32, #tpu.memory_space<vmem>> -> memref<128xi32, #tpu.memory_space<vmem>>
      %dma_start3A_47 = arith.constant 0 : i32
      %dma_start3A_48 = tpu.memref_slice %arg4[%dma_start3A_47] : memref<100352xf32, #tpu.memory_space<hbm>> -> memref<100352xf32, #tpu.memory_space<hbm>>
      tpu.enqueue_indirect_dma source(%dma_start3A_48 : memref<100352xf32, #tpu.memory_space<hbm>>) target(%dma_start3A_43 : memref<128xf32, #tpu.memory_space<vmem>>) offsets(%dma_start3A_46 : memref<128xi32, #tpu.memory_space<vmem>>) semaphore(%arg10 : memref<!tpu.dma_semaphore, #tpu.memory_space<semaphore_mem>>)
      %dma_start3A_49 = arith.constant 2 : i32
      %dma_start3A_50 = arith.constant 256 : i32
      %dma_start3A_51 = tpu.memref_slice %arg8[%dma_start3A_50] : memref<640xf32, #tpu.memory_space<vmem>> -> memref<128xf32, #tpu.memory_space<vmem>>
      %dma_start3A_52 = arith.constant 0 : i32
      %dma_start3A_53 = tpu.memref_slice %arg7[%dma_start3A_49, %dma_start3A_52] : memref<5x128xi32, #tpu.memory_space<vmem>> -> memref<1x128xi32, #tpu.memory_space<vmem>>
      %dma_start3A_54 = tpu.memref_squeeze %dma_start3A_53 : memref<1x128xi32, #tpu.memory_space<vmem>> -> memref<128xi32, #tpu.memory_space<vmem>>
      %dma_start3A_55 = arith.constant 0 : i32
      %dma_start3A_56 = tpu.memref_slice %arg3[%dma_start3A_55] : memref<100352xf32, #tpu.memory_space<hbm>> -> memref<100352xf32, #tpu.memory_space<hbm>>
      tpu.enqueue_indirect_dma source(%dma_start3A_56 : memref<100352xf32, #tpu.memory_space<hbm>>) target(%dma_start3A_51 : memref<128xf32, #tpu.memory_space<vmem>>) offsets(%dma_start3A_54 : memref<128xi32, #tpu.memory_space<vmem>>) semaphore(%arg10 : memref<!tpu.dma_semaphore, #tpu.memory_space<semaphore_mem>>)
      %dma_start3A_57 = arith.constant 2 : i32
      %dma_start3A_58 = arith.constant 256 : i32
      %dma_start3A_59 = tpu.memref_slice %arg9[%dma_start3A_58] : memref<640xf32, #tpu.memory_space<vmem>> -> memref<128xf32, #tpu.memory_space<vmem>>
      %dma_start3A_60 = arith.constant 0 : i32
      %dma_start3A_61 = tpu.memref_slice %arg7[%dma_start3A_57, %dma_start3A_60] : memref<5x128xi32, #tpu.memory_space<vmem>> -> memref<1x128xi32, #tpu.memory_space<vmem>>
      %dma_start3A_62 = tpu.memref_squeeze %dma_start3A_61 : memref<1x128xi32, #tpu.memory_space<vmem>> -> memref<128xi32, #tpu.memory_space<vmem>>
      %dma_start3A_63 = arith.constant 0 : i32
      %dma_start3A_64 = tpu.memref_slice %arg4[%dma_start3A_63] : memref<100352xf32, #tpu.memory_space<hbm>> -> memref<100352xf32, #tpu.memory_space<hbm>>
      tpu.enqueue_indirect_dma source(%dma_start3A_64 : memref<100352xf32, #tpu.memory_space<hbm>>) target(%dma_start3A_59 : memref<128xf32, #tpu.memory_space<vmem>>) offsets(%dma_start3A_62 : memref<128xi32, #tpu.memory_space<vmem>>) semaphore(%arg10 : memref<!tpu.dma_semaphore, #tpu.memory_space<semaphore_mem>>)
      %dma_start3A_65 = arith.constant 3 : i32
      %dma_start3A_66 = arith.constant 384 : i32
      %dma_start3A_67 = tpu.memref_slice %arg8[%dma_start3A_66] : memref<640xf32, #tpu.memory_space<vmem>> -> memref<128xf32, #tpu.memory_space<vmem>>
      %dma_start3A_68 = arith.constant 0 : i32
      %dma_start3A_69 = tpu.memref_slice %arg7[%dma_start3A_65, %dma_start3A_68] : memref<5x128xi32, #tpu.memory_space<vmem>> -> memref<1x128xi32, #tpu.memory_space<vmem>>
      %dma_start3A_70 = tpu.memref_squeeze %dma_start3A_69 : memref<1x128xi32, #tpu.memory_space<vmem>> -> memref<128xi32, #tpu.memory_space<vmem>>
      %dma_start3A_71 = arith.constant 0 : i32
      %dma_start3A_72 = tpu.memref_slice %arg3[%dma_start3A_71] : memref<100352xf32, #tpu.memory_space<hbm>> -> memref<100352xf32, #tpu.memory_space<hbm>>
      tpu.enqueue_indirect_dma source(%dma_start3A_72 : memref<100352xf32, #tpu.memory_space<hbm>>) target(%dma_start3A_67 : memref<128xf32, #tpu.memory_space<vmem>>) offsets(%dma_start3A_70 : memref<128xi32, #tpu.memory_space<vmem>>) semaphore(%arg10 : memref<!tpu.dma_semaphore, #tpu.memory_space<semaphore_mem>>)
      %dma_start3A_73 = arith.constant 3 : i32
      %dma_start3A_74 = arith.constant 384 : i32
      %dma_start3A_75 = tpu.memref_slice %arg9[%dma_start3A_74] : memref<640xf32, #tpu.memory_space<vmem>> -> memref<128xf32, #tpu.memory_space<vmem>>
      %dma_start3A_76 = arith.constant 0 : i32
      %dma_start3A_77 = tpu.memref_slice %arg7[%dma_start3A_73, %dma_start3A_76] : memref<5x128xi32, #tpu.memory_space<vmem>> -> memref<1x128xi32, #tpu.memory_space<vmem>>
      %dma_start3A_78 = tpu.memref_squeeze %dma_start3A_77 : memref<1x128xi32, #tpu.memory_space<vmem>> -> memref<128xi32, #tpu.memory_space<vmem>>
      %dma_start3A_79 = arith.constant 0 : i32
      %dma_start3A_80 = tpu.memref_slice %arg4[%dma_start3A_79] : memref<100352xf32, #tpu.memory_space<hbm>> -> memref<100352xf32, #tpu.memory_space<hbm>>
      tpu.enqueue_indirect_dma source(%dma_start3A_80 : memref<100352xf32, #tpu.memory_space<hbm>>) target(%dma_start3A_75 : memref<128xf32, #tpu.memory_space<vmem>>) offsets(%dma_start3A_78 : memref<128xi32, #tpu.memory_space<vmem>>) semaphore(%arg10 : memref<!tpu.dma_semaphore, #tpu.memory_space<semaphore_mem>>)
      %dma_start3A_81 = arith.constant 4 : i32
      %dma_start3A_82 = arith.constant 512 : i32
      %dma_start3A_83 = tpu.memref_slice %arg8[%dma_start3A_82] : memref<640xf32, #tpu.memory_space<vmem>> -> memref<128xf32, #tpu.memory_space<vmem>>
      %dma_start3A_84 = arith.constant 0 : i32
      %dma_start3A_85 = tpu.memref_slice %arg7[%dma_start3A_81, %dma_start3A_84] : memref<5x128xi32, #tpu.memory_space<vmem>> -> memref<1x128xi32, #tpu.memory_space<vmem>>
      %dma_start3A_86 = tpu.memref_squeeze %dma_start3A_85 : memref<1x128xi32, #tpu.memory_space<vmem>> -> memref<128xi32, #tpu.memory_space<vmem>>
      %dma_start3A_87 = arith.constant 0 : i32
      %dma_start3A_88 = tpu.memref_slice %arg3[%dma_start3A_87] : memref<100352xf32, #tpu.memory_space<hbm>> -> memref<100352xf32, #tpu.memory_space<hbm>>
      tpu.enqueue_indirect_dma source(%dma_start3A_88 : memref<100352xf32, #tpu.memory_space<hbm>>) target(%dma_start3A_83 : memref<128xf32, #tpu.memory_space<vmem>>) offsets(%dma_start3A_86 : memref<128xi32, #tpu.memory_space<vmem>>) semaphore(%arg10 : memref<!tpu.dma_semaphore, #tpu.memory_space<semaphore_mem>>)
      %dma_start3A_89 = arith.constant 4 : i32
      %dma_start3A_90 = arith.constant 512 : i32
      %dma_start3A_91 = tpu.memref_slice %arg9[%dma_start3A_90] : memref<640xf32, #tpu.memory_space<vmem>> -> memref<128xf32, #tpu.memory_space<vmem>>
      %dma_start3A_92 = arith.constant 0 : i32
      %dma_start3A_93 = tpu.memref_slice %arg7[%dma_start3A_89, %dma_start3A_92] : memref<5x128xi32, #tpu.memory_space<vmem>> -> memref<1x128xi32, #tpu.memory_space<vmem>>
      %dma_start3A_94 = tpu.memref_squeeze %dma_start3A_93 : memref<1x128xi32, #tpu.memory_space<vmem>> -> memref<128xi32, #tpu.memory_space<vmem>>
      %dma_start3A_95 = arith.constant 0 : i32
      %dma_start3A_96 = tpu.memref_slice %arg4[%dma_start3A_95] : memref<100352xf32, #tpu.memory_space<hbm>> -> memref<100352xf32, #tpu.memory_space<hbm>>
      tpu.enqueue_indirect_dma source(%dma_start3A_96 : memref<100352xf32, #tpu.memory_space<hbm>>) target(%dma_start3A_91 : memref<128xf32, #tpu.memory_space<vmem>>) offsets(%dma_start3A_94 : memref<128xi32, #tpu.memory_space<vmem>>) semaphore(%arg10 : memref<!tpu.dma_semaphore, #tpu.memory_space<semaphore_mem>>)
      %dma_wait3A = arith.constant 0 : i32
      %dma_wait3A_97 = arith.constant 0 : i32
      %dma_wait3A_98 = tpu.memref_slice %arg8[%dma_wait3A_97] : memref<640xf32, #tpu.memory_space<vmem>> -> memref<128xf32, #tpu.memory_space<vmem>>
      %dma_wait3A_99 = arith.constant 0 : i32
      %dma_wait3A_100 = tpu.memref_slice %arg7[%dma_wait3A, %dma_wait3A_99] : memref<5x128xi32, #tpu.memory_space<vmem>> -> memref<1x128xi32, #tpu.memory_space<vmem>>
      %dma_wait3A_101 = tpu.memref_squeeze %dma_wait3A_100 : memref<1x128xi32, #tpu.memory_space<vmem>> -> memref<128xi32, #tpu.memory_space<vmem>>
      %dma_wait3A_102 = arith.constant 0 : i32
      %dma_wait3A_103 = tpu.memref_slice %arg3[%dma_wait3A_102] : memref<100352xf32, #tpu.memory_space<hbm>> -> memref<100352xf32, #tpu.memory_space<hbm>>
      tpu.wait_indirect_dma semaphore(%arg10 : memref<!tpu.dma_semaphore, #tpu.memory_space<semaphore_mem>>) src(%dma_wait3A_103 : memref<100352xf32, #tpu.memory_space<hbm>>) dst(%dma_wait3A_98 : memref<128xf32, #tpu.memory_space<vmem>>)
      %dma_wait3A_104 = arith.constant 0 : i32
      %dma_wait3A_105 = arith.constant 0 : i32
      %dma_wait3A_106 = tpu.memref_slice %arg9[%dma_wait3A_105] : memref<640xf32, #tpu.memory_space<vmem>> -> memref<128xf32, #tpu.memory_space<vmem>>
      %dma_wait3A_107 = arith.constant 0 : i32
      %dma_wait3A_108 = tpu.memref_slice %arg7[%dma_wait3A_104, %dma_wait3A_107] : memref<5x128xi32, #tpu.memory_space<vmem>> -> memref<1x128xi32, #tpu.memory_space<vmem>>
      %dma_wait3A_109 = tpu.memref_squeeze %dma_wait3A_108 : memref<1x128xi32, #tpu.memory_space<vmem>> -> memref<128xi32, #tpu.memory_space<vmem>>
      %dma_wait3A_110 = arith.constant 0 : i32
      %dma_wait3A_111 = tpu.memref_slice %arg4[%dma_wait3A_110] : memref<100352xf32, #tpu.memory_space<hbm>> -> memref<100352xf32, #tpu.memory_space<hbm>>
      tpu.wait_indirect_dma semaphore(%arg10 : memref<!tpu.dma_semaphore, #tpu.memory_space<semaphore_mem>>) src(%dma_wait3A_111 : memref<100352xf32, #tpu.memory_space<hbm>>) dst(%dma_wait3A_106 : memref<128xf32, #tpu.memory_space<vmem>>)
      %dma_wait3A_112 = arith.constant 1 : i32
      %dma_wait3A_113 = arith.constant 128 : i32
      %dma_wait3A_114 = tpu.memref_slice %arg8[%dma_wait3A_113] : memref<640xf32, #tpu.memory_space<vmem>> -> memref<128xf32, #tpu.memory_space<vmem>>
      %dma_wait3A_115 = arith.constant 0 : i32
      %dma_wait3A_116 = tpu.memref_slice %arg7[%dma_wait3A_112, %dma_wait3A_115] : memref<5x128xi32, #tpu.memory_space<vmem>> -> memref<1x128xi32, #tpu.memory_space<vmem>>
      %dma_wait3A_117 = tpu.memref_squeeze %dma_wait3A_116 : memref<1x128xi32, #tpu.memory_space<vmem>> -> memref<128xi32, #tpu.memory_space<vmem>>
      %dma_wait3A_118 = arith.constant 0 : i32
      %dma_wait3A_119 = tpu.memref_slice %arg3[%dma_wait3A_118] : memref<100352xf32, #tpu.memory_space<hbm>> -> memref<100352xf32, #tpu.memory_space<hbm>>
      tpu.wait_indirect_dma semaphore(%arg10 : memref<!tpu.dma_semaphore, #tpu.memory_space<semaphore_mem>>) src(%dma_wait3A_119 : memref<100352xf32, #tpu.memory_space<hbm>>) dst(%dma_wait3A_114 : memref<128xf32, #tpu.memory_space<vmem>>)
      %dma_wait3A_120 = arith.constant 1 : i32
      %dma_wait3A_121 = arith.constant 128 : i32
      %dma_wait3A_122 = tpu.memref_slice %arg9[%dma_wait3A_121] : memref<640xf32, #tpu.memory_space<vmem>> -> memref<128xf32, #tpu.memory_space<vmem>>
      %dma_wait3A_123 = arith.constant 0 : i32
      %dma_wait3A_124 = tpu.memref_slice %arg7[%dma_wait3A_120, %dma_wait3A_123] : memref<5x128xi32, #tpu.memory_space<vmem>> -> memref<1x128xi32, #tpu.memory_space<vmem>>
      %dma_wait3A_125 = tpu.memref_squeeze %dma_wait3A_124 : memref<1x128xi32, #tpu.memory_space<vmem>> -> memref<128xi32, #tpu.memory_space<vmem>>
      %dma_wait3A_126 = arith.constant 0 : i32
      %dma_wait3A_127 = tpu.memref_slice %arg4[%dma_wait3A_126] : memref<100352xf32, #tpu.memory_space<hbm>> -> memref<100352xf32, #tpu.memory_space<hbm>>
      tpu.wait_indirect_dma semaphore(%arg10 : memref<!tpu.dma_semaphore, #tpu.memory_space<semaphore_mem>>) src(%dma_wait3A_127 : memref<100352xf32, #tpu.memory_space<hbm>>) dst(%dma_wait3A_122 : memref<128xf32, #tpu.memory_space<vmem>>)
      %dma_wait3A_128 = arith.constant 2 : i32
      %dma_wait3A_129 = arith.constant 256 : i32
      %dma_wait3A_130 = tpu.memref_slice %arg8[%dma_wait3A_129] : memref<640xf32, #tpu.memory_space<vmem>> -> memref<128xf32, #tpu.memory_space<vmem>>
      %dma_wait3A_131 = arith.constant 0 : i32
      %dma_wait3A_132 = tpu.memref_slice %arg7[%dma_wait3A_128, %dma_wait3A_131] : memref<5x128xi32, #tpu.memory_space<vmem>> -> memref<1x128xi32, #tpu.memory_space<vmem>>
      %dma_wait3A_133 = tpu.memref_squeeze %dma_wait3A_132 : memref<1x128xi32, #tpu.memory_space<vmem>> -> memref<128xi32, #tpu.memory_space<vmem>>
      %dma_wait3A_134 = arith.constant 0 : i32
      %dma_wait3A_135 = tpu.memref_slice %arg3[%dma_wait3A_134] : memref<100352xf32, #tpu.memory_space<hbm>> -> memref<100352xf32, #tpu.memory_space<hbm>>
      tpu.wait_indirect_dma semaphore(%arg10 : memref<!tpu.dma_semaphore, #tpu.memory_space<semaphore_mem>>) src(%dma_wait3A_135 : memref<100352xf32, #tpu.memory_space<hbm>>) dst(%dma_wait3A_130 : memref<128xf32, #tpu.memory_space<vmem>>)
      %dma_wait3A_136 = arith.constant 2 : i32
      %dma_wait3A_137 = arith.constant 256 : i32
      %dma_wait3A_138 = tpu.memref_slice %arg9[%dma_wait3A_137] : memref<640xf32, #tpu.memory_space<vmem>> -> memref<128xf32, #tpu.memory_space<vmem>>
      %dma_wait3A_139 = arith.constant 0 : i32
      %dma_wait3A_140 = tpu.memref_slice %arg7[%dma_wait3A_136, %dma_wait3A_139] : memref<5x128xi32, #tpu.memory_space<vmem>> -> memref<1x128xi32, #tpu.memory_space<vmem>>
      %dma_wait3A_141 = tpu.memref_squeeze %dma_wait3A_140 : memref<1x128xi32, #tpu.memory_space<vmem>> -> memref<128xi32, #tpu.memory_space<vmem>>
      %dma_wait3A_142 = arith.constant 0 : i32
      %dma_wait3A_143 = tpu.memref_slice %arg4[%dma_wait3A_142] : memref<100352xf32, #tpu.memory_space<hbm>> -> memref<100352xf32, #tpu.memory_space<hbm>>
      tpu.wait_indirect_dma semaphore(%arg10 : memref<!tpu.dma_semaphore, #tpu.memory_space<semaphore_mem>>) src(%dma_wait3A_143 : memref<100352xf32, #tpu.memory_space<hbm>>) dst(%dma_wait3A_138 : memref<128xf32, #tpu.memory_space<vmem>>)
      %dma_wait3A_144 = arith.constant 3 : i32
      %dma_wait3A_145 = arith.constant 384 : i32
      %dma_wait3A_146 = tpu.memref_slice %arg8[%dma_wait3A_145] : memref<640xf32, #tpu.memory_space<vmem>> -> memref<128xf32, #tpu.memory_space<vmem>>
      %dma_wait3A_147 = arith.constant 0 : i32
      %dma_wait3A_148 = tpu.memref_slice %arg7[%dma_wait3A_144, %dma_wait3A_147] : memref<5x128xi32, #tpu.memory_space<vmem>> -> memref<1x128xi32, #tpu.memory_space<vmem>>
      %dma_wait3A_149 = tpu.memref_squeeze %dma_wait3A_148 : memref<1x128xi32, #tpu.memory_space<vmem>> -> memref<128xi32, #tpu.memory_space<vmem>>
      %dma_wait3A_150 = arith.constant 0 : i32
      %dma_wait3A_151 = tpu.memref_slice %arg3[%dma_wait3A_150] : memref<100352xf32, #tpu.memory_space<hbm>> -> memref<100352xf32, #tpu.memory_space<hbm>>
      tpu.wait_indirect_dma semaphore(%arg10 : memref<!tpu.dma_semaphore, #tpu.memory_space<semaphore_mem>>) src(%dma_wait3A_151 : memref<100352xf32, #tpu.memory_space<hbm>>) dst(%dma_wait3A_146 : memref<128xf32, #tpu.memory_space<vmem>>)
      %dma_wait3A_152 = arith.constant 3 : i32
      %dma_wait3A_153 = arith.constant 384 : i32
      %dma_wait3A_154 = tpu.memref_slice %arg9[%dma_wait3A_153] : memref<640xf32, #tpu.memory_space<vmem>> -> memref<128xf32, #tpu.memory_space<vmem>>
      %dma_wait3A_155 = arith.constant 0 : i32
      %dma_wait3A_156 = tpu.memref_slice %arg7[%dma_wait3A_152, %dma_wait3A_155] : memref<5x128xi32, #tpu.memory_space<vmem>> -> memref<1x128xi32, #tpu.memory_space<vmem>>
      %dma_wait3A_157 = tpu.memref_squeeze %dma_wait3A_156 : memref<1x128xi32, #tpu.memory_space<vmem>> -> memref<128xi32, #tpu.memory_space<vmem>>
      %dma_wait3A_158 = arith.constant 0 : i32
      %dma_wait3A_159 = tpu.memref_slice %arg4[%dma_wait3A_158] : memref<100352xf32, #tpu.memory_space<hbm>> -> memref<100352xf32, #tpu.memory_space<hbm>>
      tpu.wait_indirect_dma semaphore(%arg10 : memref<!tpu.dma_semaphore, #tpu.memory_space<semaphore_mem>>) src(%dma_wait3A_159 : memref<100352xf32, #tpu.memory_space<hbm>>) dst(%dma_wait3A_154 : memref<128xf32, #tpu.memory_space<vmem>>)
      %dma_wait3A_160 = arith.constant 4 : i32
      %dma_wait3A_161 = arith.constant 512 : i32
      %dma_wait3A_162 = tpu.memref_slice %arg8[%dma_wait3A_161] : memref<640xf32, #tpu.memory_space<vmem>> -> memref<128xf32, #tpu.memory_space<vmem>>
      %dma_wait3A_163 = arith.constant 0 : i32
      %dma_wait3A_164 = tpu.memref_slice %arg7[%dma_wait3A_160, %dma_wait3A_163] : memref<5x128xi32, #tpu.memory_space<vmem>> -> memref<1x128xi32, #tpu.memory_space<vmem>>
      %dma_wait3A_165 = tpu.memref_squeeze %dma_wait3A_164 : memref<1x128xi32, #tpu.memory_space<vmem>> -> memref<128xi32, #tpu.memory_space<vmem>>
      %dma_wait3A_166 = arith.constant 0 : i32
      %dma_wait3A_167 = tpu.memref_slice %arg3[%dma_wait3A_166] : memref<100352xf32, #tpu.memory_space<hbm>> -> memref<100352xf32, #tpu.memory_space<hbm>>
      tpu.wait_indirect_dma semaphore(%arg10 : memref<!tpu.dma_semaphore, #tpu.memory_space<semaphore_mem>>) src(%dma_wait3A_167 : memref<100352xf32, #tpu.memory_space<hbm>>) dst(%dma_wait3A_162 : memref<128xf32, #tpu.memory_space<vmem>>)
      %dma_wait3A_168 = arith.constant 4 : i32
      %dma_wait3A_169 = arith.constant 512 : i32
      %dma_wait3A_170 = tpu.memref_slice %arg9[%dma_wait3A_169] : memref<640xf32, #tpu.memory_space<vmem>> -> memref<128xf32, #tpu.memory_space<vmem>>
      %dma_wait3A_171 = arith.constant 0 : i32
      %dma_wait3A_172 = tpu.memref_slice %arg7[%dma_wait3A_168, %dma_wait3A_171] : memref<5x128xi32, #tpu.memory_space<vmem>> -> memref<1x128xi32, #tpu.memory_space<vmem>>
      %dma_wait3A_173 = tpu.memref_squeeze %dma_wait3A_172 : memref<1x128xi32, #tpu.memory_space<vmem>> -> memref<128xi32, #tpu.memory_space<vmem>>
      %dma_wait3A_174 = arith.constant 0 : i32
      %dma_wait3A_175 = tpu.memref_slice %arg4[%dma_wait3A_174] : memref<100352xf32, #tpu.memory_space<hbm>> -> memref<100352xf32, #tpu.memory_space<hbm>>
      tpu.wait_indirect_dma semaphore(%arg10 : memref<!tpu.dma_semaphore, #tpu.memory_space<semaphore_mem>>) src(%dma_wait3A_175 : memref<100352xf32, #tpu.memory_space<hbm>>) dst(%dma_wait3A_170 : memref<128xf32, #tpu.memory_space<vmem>>)
      %mul3A_176 = arith.constant 128 : i32
      %mul3A_177 = arith.muli %add3A_17, %mul3A_176 : i32
      %run_scoped3A_178 = arith.constant 0 : i32
      "tpu.region"() ({
        %run_scoped3A_182 = tpu.sem_alloc : memref<!tpu.dma_semaphore, #tpu.memory_space<semaphore_mem>>
        %dma_start3A_183 = tpu.memref_slice %arg5[%run_scoped3A_178, %mul3A_177] : memref<2x102400xf32, #tpu.memory_space<hbm>> -> memref<1x640xf32, #tpu.memory_space<hbm>>
        %dma_start3A_184 = tpu.memref_squeeze %dma_start3A_183 : memref<1x640xf32, #tpu.memory_space<hbm>> -> memref<640xf32, #tpu.memory_space<hbm>>
        %dma_start3A_185 = tpu.memref_slice %arg5[%run_scoped3A_178, %mul3A_177] : memref<2x102400xf32, #tpu.memory_space<hbm>> -> memref<1x640xf32, #tpu.memory_space<hbm>>
        %dma_start3A_186 = tpu.memref_squeeze %dma_start3A_185 : memref<1x640xf32, #tpu.memory_space<hbm>> -> memref<640xf32, #tpu.memory_space<hbm>>
        tpu.enqueue_dma source(%arg8 : memref<640xf32, #tpu.memory_space<vmem>>) target(%dma_start3A_186 : memref<640xf32, #tpu.memory_space<hbm>>) target_semaphore(%run_scoped3A_182 : memref<!tpu.dma_semaphore, #tpu.memory_space<semaphore_mem>>)
        %dma_wait3A_187 = tpu.memref_slice %arg5[%run_scoped3A_178, %mul3A_177] : memref<2x102400xf32, #tpu.memory_space<hbm>> -> memref<1x640xf32, #tpu.memory_space<hbm>>
        %dma_wait3A_188 = tpu.memref_squeeze %dma_wait3A_187 : memref<1x640xf32, #tpu.memory_space<hbm>> -> memref<640xf32, #tpu.memory_space<hbm>>
        %dma_wait3A_189 = tpu.memref_slice %arg5[%run_scoped3A_178, %mul3A_177] : memref<2x102400xf32, #tpu.memory_space<hbm>> -> memref<1x640xf32, #tpu.memory_space<hbm>>
        %dma_wait3A_190 = tpu.memref_squeeze %dma_wait3A_189 : memref<1x640xf32, #tpu.memory_space<hbm>> -> memref<640xf32, #tpu.memory_space<hbm>>
        tpu.wait_dma2 semaphore(%run_scoped3A_182 : memref<!tpu.dma_semaphore, #tpu.memory_space<semaphore_mem>>) src(%arg8 : memref<640xf32, #tpu.memory_space<vmem>>) dst(%dma_wait3A_190 : memref<640xf32, #tpu.memory_space<hbm>>)
        tpu.yield
      }) : () -> ()
      %mul3A_179 = arith.constant 128 : i32
      %mul3A_180 = arith.muli %add3A_17, %mul3A_179 : i32
      %run_scoped3A_181 = arith.constant 0 : i32
      "tpu.region"() ({
        %run_scoped3A_182 = tpu.sem_alloc : memref<!tpu.dma_semaphore, #tpu.memory_space<semaphore_mem>>
        %dma_start3A_183 = tpu.memref_slice %arg6[%run_scoped3A_181, %mul3A_180] : memref<2x102400xf32, #tpu.memory_space<hbm>> -> memref<1x640xf32, #tpu.memory_space<hbm>>
        %dma_start3A_184 = tpu.memref_squeeze %dma_start3A_183 : memref<1x640xf32, #tpu.memory_space<hbm>> -> memref<640xf32, #tpu.memory_space<hbm>>
        %dma_start3A_185 = tpu.memref_slice %arg6[%run_scoped3A_181, %mul3A_180] : memref<2x102400xf32, #tpu.memory_space<hbm>> -> memref<1x640xf32, #tpu.memory_space<hbm>>
        %dma_start3A_186 = tpu.memref_squeeze %dma_start3A_185 : memref<1x640xf32, #tpu.memory_space<hbm>> -> memref<640xf32, #tpu.memory_space<hbm>>
        tpu.enqueue_dma source(%arg9 : memref<640xf32, #tpu.memory_space<vmem>>) target(%dma_start3A_186 : memref<640xf32, #tpu.memory_space<hbm>>) target_semaphore(%run_scoped3A_182 : memref<!tpu.dma_semaphore, #tpu.memory_space<semaphore_mem>>)
        %dma_wait3A_187 = tpu.memref_slice %arg6[%run_scoped3A_181, %mul3A_180] : memref<2x102400xf32, #tpu.memory_space<hbm>> -> memref<1x640xf32, #tpu.memory_space<hbm>>
        %dma_wait3A_188 = tpu.memref_squeeze %dma_wait3A_187 : memref<1x640xf32, #tpu.memory_space<hbm>> -> memref<640xf32, #tpu.memory_space<hbm>>
        %dma_wait3A_189 = tpu.memref_slice %arg6[%run_scoped3A_181, %mul3A_180] : memref<2x102400xf32, #tpu.memory_space<hbm>> -> memref<1x640xf32, #tpu.memory_space<hbm>>
        %dma_wait3A_190 = tpu.memref_squeeze %dma_wait3A_189 : memref<1x640xf32, #tpu.memory_space<hbm>> -> memref<640xf32, #tpu.memory_space<hbm>>
        tpu.wait_dma2 semaphore(%run_scoped3A_182 : memref<!tpu.dma_semaphore, #tpu.memory_space<semaphore_mem>>) src(%arg9 : memref<640xf32, #tpu.memory_space<vmem>>) dst(%dma_wait3A_190 : memref<640xf32, #tpu.memory_space<hbm>>)
        tpu.yield
      }) : () -> ()
    }
    %scan3A_7 = arith.constant 5 : i32
    %scan3A_8 = arith.constant 0 : i32
    %scan3A_9 = arith.constant 0 : i32
    %scan3A_10 = arith.constant 5 : i32
    %scan3A_11 = arith.addi %scan3A_9, %scan3A_10 : i32
    %scan3A_12 = arith.constant 1 : i32
    scf.for %scan3A_14 = %scan3A_9 to %scan3A_11 step %scan3A_12  : i32 {
      %mul3A_15 = arith.constant 5 : i32
      %mul3A_16 = arith.muli %scan3A_14, %mul3A_15 : i32
      %add3A_17 = arith.addi %mul3A_2, %mul3A_16 : i32
      %run_scoped3A = arith.constant 1 : i32
      "tpu.region"() ({
        %run_scoped3A_182 = tpu.sem_alloc : memref<!tpu.dma_semaphore, #tpu.memory_space<semaphore_mem>>
        %dma_start3A_183 = arith.constant 0 : i32
        %dma_start3A_184 = tpu.memref_slice %arg2[%run_scoped3A, %add3A_17, %dma_start3A_183] : memref<2x800x128xi32, #tpu.memory_space<hbm>> -> memref<1x5x128xi32, #tpu.memory_space<hbm>>
        %dma_start3A_185 = tpu.memref_squeeze %dma_start3A_184 : memref<1x5x128xi32, #tpu.memory_space<hbm>> -> memref<5x128xi32, #tpu.memory_space<hbm>>
        %dma_start3A_186 = arith.constant 0 : i32
        %dma_start3A_187 = tpu.memref_slice %arg2[%run_scoped3A, %add3A_17, %dma_start3A_186] : memref<2x800x128xi32, #tpu.memory_space<hbm>> -> memref<1x5x128xi32, #tpu.memory_space<hbm>>
        %dma_start3A_188 = tpu.memref_squeeze %dma_start3A_187 : memref<1x5x128xi32, #tpu.memory_space<hbm>> -> memref<5x128xi32, #tpu.memory_space<hbm>>
        tpu.enqueue_dma source(%dma_start3A_188 : memref<5x128xi32, #tpu.memory_space<hbm>>) target(%arg7 : memref<5x128xi32, #tpu.memory_space<vmem>>) target_semaphore(%run_scoped3A_182 : memref<!tpu.dma_semaphore, #tpu.memory_space<semaphore_mem>>)
        %dma_wait3A_189 = arith.constant 0 : i32
        %dma_wait3A_190 = tpu.memref_slice %arg2[%run_scoped3A, %add3A_17, %dma_wait3A_189] : memref<2x800x128xi32, #tpu.memory_space<hbm>> -> memref<1x5x128xi32, #tpu.memory_space<hbm>>
        %dma_wait3A_191 = tpu.memref_squeeze %dma_wait3A_190 : memref<1x5x128xi32, #tpu.memory_space<hbm>> -> memref<5x128xi32, #tpu.memory_space<hbm>>
        %dma_wait3A_192 = arith.constant 0 : i32
        %dma_wait3A_193 = tpu.memref_slice %arg2[%run_scoped3A, %add3A_17, %dma_wait3A_192] : memref<2x800x128xi32, #tpu.memory_space<hbm>> -> memref<1x5x128xi32, #tpu.memory_space<hbm>>
        %dma_wait3A_194 = tpu.memref_squeeze %dma_wait3A_193 : memref<1x5x128xi32, #tpu.memory_space<hbm>> -> memref<5x128xi32, #tpu.memory_space<hbm>>
        tpu.wait_dma2 semaphore(%run_scoped3A_182 : memref<!tpu.dma_semaphore, #tpu.memory_space<semaphore_mem>>) src(%dma_wait3A_194 : memref<5x128xi32, #tpu.memory_space<hbm>>) dst(%arg7 : memref<5x128xi32, #tpu.memory_space<vmem>>)
        tpu.yield
      }) : () -> ()
      %dma_start3A = arith.constant 0 : i32
      %dma_start3A_18 = arith.constant 0 : i32
      %dma_start3A_19 = tpu.memref_slice %arg8[%dma_start3A_18] : memref<640xf32, #tpu.memory_space<vmem>> -> memref<128xf32, #tpu.memory_space<vmem>>
      %dma_start3A_20 = arith.constant 0 : i32
      %dma_start3A_21 = tpu.memref_slice %arg7[%dma_start3A, %dma_start3A_20] : memref<5x128xi32, #tpu.memory_space<vmem>> -> memref<1x128xi32, #tpu.memory_space<vmem>>
      %dma_start3A_22 = tpu.memref_squeeze %dma_start3A_21 : memref<1x128xi32, #tpu.memory_space<vmem>> -> memref<128xi32, #tpu.memory_space<vmem>>
      %dma_start3A_23 = arith.constant 0 : i32
      %dma_start3A_24 = tpu.memref_slice %arg3[%dma_start3A_23] : memref<100352xf32, #tpu.memory_space<hbm>> -> memref<100352xf32, #tpu.memory_space<hbm>>
      tpu.enqueue_indirect_dma source(%dma_start3A_24 : memref<100352xf32, #tpu.memory_space<hbm>>) target(%dma_start3A_19 : memref<128xf32, #tpu.memory_space<vmem>>) offsets(%dma_start3A_22 : memref<128xi32, #tpu.memory_space<vmem>>) semaphore(%arg10 : memref<!tpu.dma_semaphore, #tpu.memory_space<semaphore_mem>>)
      %dma_start3A_25 = arith.constant 0 : i32
      %dma_start3A_26 = arith.constant 0 : i32
      %dma_start3A_27 = tpu.memref_slice %arg9[%dma_start3A_26] : memref<640xf32, #tpu.memory_space<vmem>> -> memref<128xf32, #tpu.memory_space<vmem>>
      %dma_start3A_28 = arith.constant 0 : i32
      %dma_start3A_29 = tpu.memref_slice %arg7[%dma_start3A_25, %dma_start3A_28] : memref<5x128xi32, #tpu.memory_space<vmem>> -> memref<1x128xi32, #tpu.memory_space<vmem>>
      %dma_start3A_30 = tpu.memref_squeeze %dma_start3A_29 : memref<1x128xi32, #tpu.memory_space<vmem>> -> memref<128xi32, #tpu.memory_space<vmem>>
      %dma_start3A_31 = arith.constant 0 : i32
      %dma_start3A_32 = tpu.memref_slice %arg4[%dma_start3A_31] : memref<100352xf32, #tpu.memory_space<hbm>> -> memref<100352xf32, #tpu.memory_space<hbm>>
      tpu.enqueue_indirect_dma source(%dma_start3A_32 : memref<100352xf32, #tpu.memory_space<hbm>>) target(%dma_start3A_27 : memref<128xf32, #tpu.memory_space<vmem>>) offsets(%dma_start3A_30 : memref<128xi32, #tpu.memory_space<vmem>>) semaphore(%arg10 : memref<!tpu.dma_semaphore, #tpu.memory_space<semaphore_mem>>)
      %dma_start3A_33 = arith.constant 1 : i32
      %dma_start3A_34 = arith.constant 128 : i32
      %dma_start3A_35 = tpu.memref_slice %arg8[%dma_start3A_34] : memref<640xf32, #tpu.memory_space<vmem>> -> memref<128xf32, #tpu.memory_space<vmem>>
      %dma_start3A_36 = arith.constant 0 : i32
      %dma_start3A_37 = tpu.memref_slice %arg7[%dma_start3A_33, %dma_start3A_36] : memref<5x128xi32, #tpu.memory_space<vmem>> -> memref<1x128xi32, #tpu.memory_space<vmem>>
      %dma_start3A_38 = tpu.memref_squeeze %dma_start3A_37 : memref<1x128xi32, #tpu.memory_space<vmem>> -> memref<128xi32, #tpu.memory_space<vmem>>
      %dma_start3A_39 = arith.constant 0 : i32
      %dma_start3A_40 = tpu.memref_slice %arg3[%dma_start3A_39] : memref<100352xf32, #tpu.memory_space<hbm>> -> memref<100352xf32, #tpu.memory_space<hbm>>
      tpu.enqueue_indirect_dma source(%dma_start3A_40 : memref<100352xf32, #tpu.memory_space<hbm>>) target(%dma_start3A_35 : memref<128xf32, #tpu.memory_space<vmem>>) offsets(%dma_start3A_38 : memref<128xi32, #tpu.memory_space<vmem>>) semaphore(%arg10 : memref<!tpu.dma_semaphore, #tpu.memory_space<semaphore_mem>>)
      %dma_start3A_41 = arith.constant 1 : i32
      %dma_start3A_42 = arith.constant 128 : i32
      %dma_start3A_43 = tpu.memref_slice %arg9[%dma_start3A_42] : memref<640xf32, #tpu.memory_space<vmem>> -> memref<128xf32, #tpu.memory_space<vmem>>
      %dma_start3A_44 = arith.constant 0 : i32
      %dma_start3A_45 = tpu.memref_slice %arg7[%dma_start3A_41, %dma_start3A_44] : memref<5x128xi32, #tpu.memory_space<vmem>> -> memref<1x128xi32, #tpu.memory_space<vmem>>
      %dma_start3A_46 = tpu.memref_squeeze %dma_start3A_45 : memref<1x128xi32, #tpu.memory_space<vmem>> -> memref<128xi32, #tpu.memory_space<vmem>>
      %dma_start3A_47 = arith.constant 0 : i32
      %dma_start3A_48 = tpu.memref_slice %arg4[%dma_start3A_47] : memref<100352xf32, #tpu.memory_space<hbm>> -> memref<100352xf32, #tpu.memory_space<hbm>>
      tpu.enqueue_indirect_dma source(%dma_start3A_48 : memref<100352xf32, #tpu.memory_space<hbm>>) target(%dma_start3A_43 : memref<128xf32, #tpu.memory_space<vmem>>) offsets(%dma_start3A_46 : memref<128xi32, #tpu.memory_space<vmem>>) semaphore(%arg10 : memref<!tpu.dma_semaphore, #tpu.memory_space<semaphore_mem>>)
      %dma_start3A_49 = arith.constant 2 : i32
      %dma_start3A_50 = arith.constant 256 : i32
      %dma_start3A_51 = tpu.memref_slice %arg8[%dma_start3A_50] : memref<640xf32, #tpu.memory_space<vmem>> -> memref<128xf32, #tpu.memory_space<vmem>>
      %dma_start3A_52 = arith.constant 0 : i32
      %dma_start3A_53 = tpu.memref_slice %arg7[%dma_start3A_49, %dma_start3A_52] : memref<5x128xi32, #tpu.memory_space<vmem>> -> memref<1x128xi32, #tpu.memory_space<vmem>>
      %dma_start3A_54 = tpu.memref_squeeze %dma_start3A_53 : memref<1x128xi32, #tpu.memory_space<vmem>> -> memref<128xi32, #tpu.memory_space<vmem>>
      %dma_start3A_55 = arith.constant 0 : i32
      %dma_start3A_56 = tpu.memref_slice %arg3[%dma_start3A_55] : memref<100352xf32, #tpu.memory_space<hbm>> -> memref<100352xf32, #tpu.memory_space<hbm>>
      tpu.enqueue_indirect_dma source(%dma_start3A_56 : memref<100352xf32, #tpu.memory_space<hbm>>) target(%dma_start3A_51 : memref<128xf32, #tpu.memory_space<vmem>>) offsets(%dma_start3A_54 : memref<128xi32, #tpu.memory_space<vmem>>) semaphore(%arg10 : memref<!tpu.dma_semaphore, #tpu.memory_space<semaphore_mem>>)
      %dma_start3A_57 = arith.constant 2 : i32
      %dma_start3A_58 = arith.constant 256 : i32
      %dma_start3A_59 = tpu.memref_slice %arg9[%dma_start3A_58] : memref<640xf32, #tpu.memory_space<vmem>> -> memref<128xf32, #tpu.memory_space<vmem>>
      %dma_start3A_60 = arith.constant 0 : i32
      %dma_start3A_61 = tpu.memref_slice %arg7[%dma_start3A_57, %dma_start3A_60] : memref<5x128xi32, #tpu.memory_space<vmem>> -> memref<1x128xi32, #tpu.memory_space<vmem>>
      %dma_start3A_62 = tpu.memref_squeeze %dma_start3A_61 : memref<1x128xi32, #tpu.memory_space<vmem>> -> memref<128xi32, #tpu.memory_space<vmem>>
      %dma_start3A_63 = arith.constant 0 : i32
      %dma_start3A_64 = tpu.memref_slice %arg4[%dma_start3A_63] : memref<100352xf32, #tpu.memory_space<hbm>> -> memref<100352xf32, #tpu.memory_space<hbm>>
      tpu.enqueue_indirect_dma source(%dma_start3A_64 : memref<100352xf32, #tpu.memory_space<hbm>>) target(%dma_start3A_59 : memref<128xf32, #tpu.memory_space<vmem>>) offsets(%dma_start3A_62 : memref<128xi32, #tpu.memory_space<vmem>>) semaphore(%arg10 : memref<!tpu.dma_semaphore, #tpu.memory_space<semaphore_mem>>)
      %dma_start3A_65 = arith.constant 3 : i32
      %dma_start3A_66 = arith.constant 384 : i32
      %dma_start3A_67 = tpu.memref_slice %arg8[%dma_start3A_66] : memref<640xf32, #tpu.memory_space<vmem>> -> memref<128xf32, #tpu.memory_space<vmem>>
      %dma_start3A_68 = arith.constant 0 : i32
      %dma_start3A_69 = tpu.memref_slice %arg7[%dma_start3A_65, %dma_start3A_68] : memref<5x128xi32, #tpu.memory_space<vmem>> -> memref<1x128xi32, #tpu.memory_space<vmem>>
      %dma_start3A_70 = tpu.memref_squeeze %dma_start3A_69 : memref<1x128xi32, #tpu.memory_space<vmem>> -> memref<128xi32, #tpu.memory_space<vmem>>
      %dma_start3A_71 = arith.constant 0 : i32
      %dma_start3A_72 = tpu.memref_slice %arg3[%dma_start3A_71] : memref<100352xf32, #tpu.memory_space<hbm>> -> memref<100352xf32, #tpu.memory_space<hbm>>
      tpu.enqueue_indirect_dma source(%dma_start3A_72 : memref<100352xf32, #tpu.memory_space<hbm>>) target(%dma_start3A_67 : memref<128xf32, #tpu.memory_space<vmem>>) offsets(%dma_start3A_70 : memref<128xi32, #tpu.memory_space<vmem>>) semaphore(%arg10 : memref<!tpu.dma_semaphore, #tpu.memory_space<semaphore_mem>>)
      %dma_start3A_73 = arith.constant 3 : i32
      %dma_start3A_74 = arith.constant 384 : i32
      %dma_start3A_75 = tpu.memref_slice %arg9[%dma_start3A_74] : memref<640xf32, #tpu.memory_space<vmem>> -> memref<128xf32, #tpu.memory_space<vmem>>
      %dma_start3A_76 = arith.constant 0 : i32
      %dma_start3A_77 = tpu.memref_slice %arg7[%dma_start3A_73, %dma_start3A_76] : memref<5x128xi32, #tpu.memory_space<vmem>> -> memref<1x128xi32, #tpu.memory_space<vmem>>
      %dma_start3A_78 = tpu.memref_squeeze %dma_start3A_77 : memref<1x128xi32, #tpu.memory_space<vmem>> -> memref<128xi32, #tpu.memory_space<vmem>>
      %dma_start3A_79 = arith.constant 0 : i32
      %dma_start3A_80 = tpu.memref_slice %arg4[%dma_start3A_79] : memref<100352xf32, #tpu.memory_space<hbm>> -> memref<100352xf32, #tpu.memory_space<hbm>>
      tpu.enqueue_indirect_dma source(%dma_start3A_80 : memref<100352xf32, #tpu.memory_space<hbm>>) target(%dma_start3A_75 : memref<128xf32, #tpu.memory_space<vmem>>) offsets(%dma_start3A_78 : memref<128xi32, #tpu.memory_space<vmem>>) semaphore(%arg10 : memref<!tpu.dma_semaphore, #tpu.memory_space<semaphore_mem>>)
      %dma_start3A_81 = arith.constant 4 : i32
      %dma_start3A_82 = arith.constant 512 : i32
      %dma_start3A_83 = tpu.memref_slice %arg8[%dma_start3A_82] : memref<640xf32, #tpu.memory_space<vmem>> -> memref<128xf32, #tpu.memory_space<vmem>>
      %dma_start3A_84 = arith.constant 0 : i32
      %dma_start3A_85 = tpu.memref_slice %arg7[%dma_start3A_81, %dma_start3A_84] : memref<5x128xi32, #tpu.memory_space<vmem>> -> memref<1x128xi32, #tpu.memory_space<vmem>>
      %dma_start3A_86 = tpu.memref_squeeze %dma_start3A_85 : memref<1x128xi32, #tpu.memory_space<vmem>> -> memref<128xi32, #tpu.memory_space<vmem>>
      %dma_start3A_87 = arith.constant 0 : i32
      %dma_start3A_88 = tpu.memref_slice %arg3[%dma_start3A_87] : memref<100352xf32, #tpu.memory_space<hbm>> -> memref<100352xf32, #tpu.memory_space<hbm>>
      tpu.enqueue_indirect_dma source(%dma_start3A_88 : memref<100352xf32, #tpu.memory_space<hbm>>) target(%dma_start3A_83 : memref<128xf32, #tpu.memory_space<vmem>>) offsets(%dma_start3A_86 : memref<128xi32, #tpu.memory_space<vmem>>) semaphore(%arg10 : memref<!tpu.dma_semaphore, #tpu.memory_space<semaphore_mem>>)
      %dma_start3A_89 = arith.constant 4 : i32
      %dma_start3A_90 = arith.constant 512 : i32
      %dma_start3A_91 = tpu.memref_slice %arg9[%dma_start3A_90] : memref<640xf32, #tpu.memory_space<vmem>> -> memref<128xf32, #tpu.memory_space<vmem>>
      %dma_start3A_92 = arith.constant 0 : i32
      %dma_start3A_93 = tpu.memref_slice %arg7[%dma_start3A_89, %dma_start3A_92] : memref<5x128xi32, #tpu.memory_space<vmem>> -> memref<1x128xi32, #tpu.memory_space<vmem>>
      %dma_start3A_94 = tpu.memref_squeeze %dma_start3A_93 : memref<1x128xi32, #tpu.memory_space<vmem>> -> memref<128xi32, #tpu.memory_space<vmem>>
      %dma_start3A_95 = arith.constant 0 : i32
      %dma_start3A_96 = tpu.memref_slice %arg4[%dma_start3A_95] : memref<100352xf32, #tpu.memory_space<hbm>> -> memref<100352xf32, #tpu.memory_space<hbm>>
      tpu.enqueue_indirect_dma source(%dma_start3A_96 : memref<100352xf32, #tpu.memory_space<hbm>>) target(%dma_start3A_91 : memref<128xf32, #tpu.memory_space<vmem>>) offsets(%dma_start3A_94 : memref<128xi32, #tpu.memory_space<vmem>>) semaphore(%arg10 : memref<!tpu.dma_semaphore, #tpu.memory_space<semaphore_mem>>)
      %dma_wait3A = arith.constant 0 : i32
      %dma_wait3A_97 = arith.constant 0 : i32
      %dma_wait3A_98 = tpu.memref_slice %arg8[%dma_wait3A_97] : memref<640xf32, #tpu.memory_space<vmem>> -> memref<128xf32, #tpu.memory_space<vmem>>
      %dma_wait3A_99 = arith.constant 0 : i32
      %dma_wait3A_100 = tpu.memref_slice %arg7[%dma_wait3A, %dma_wait3A_99] : memref<5x128xi32, #tpu.memory_space<vmem>> -> memref<1x128xi32, #tpu.memory_space<vmem>>
      %dma_wait3A_101 = tpu.memref_squeeze %dma_wait3A_100 : memref<1x128xi32, #tpu.memory_space<vmem>> -> memref<128xi32, #tpu.memory_space<vmem>>
      %dma_wait3A_102 = arith.constant 0 : i32
      %dma_wait3A_103 = tpu.memref_slice %arg3[%dma_wait3A_102] : memref<100352xf32, #tpu.memory_space<hbm>> -> memref<100352xf32, #tpu.memory_space<hbm>>
      tpu.wait_indirect_dma semaphore(%arg10 : memref<!tpu.dma_semaphore, #tpu.memory_space<semaphore_mem>>) src(%dma_wait3A_103 : memref<100352xf32, #tpu.memory_space<hbm>>) dst(%dma_wait3A_98 : memref<128xf32, #tpu.memory_space<vmem>>)
      %dma_wait3A_104 = arith.constant 0 : i32
      %dma_wait3A_105 = arith.constant 0 : i32
      %dma_wait3A_106 = tpu.memref_slice %arg9[%dma_wait3A_105] : memref<640xf32, #tpu.memory_space<vmem>> -> memref<128xf32, #tpu.memory_space<vmem>>
      %dma_wait3A_107 = arith.constant 0 : i32
      %dma_wait3A_108 = tpu.memref_slice %arg7[%dma_wait3A_104, %dma_wait3A_107] : memref<5x128xi32, #tpu.memory_space<vmem>> -> memref<1x128xi32, #tpu.memory_space<vmem>>
      %dma_wait3A_109 = tpu.memref_squeeze %dma_wait3A_108 : memref<1x128xi32, #tpu.memory_space<vmem>> -> memref<128xi32, #tpu.memory_space<vmem>>
      %dma_wait3A_110 = arith.constant 0 : i32
      %dma_wait3A_111 = tpu.memref_slice %arg4[%dma_wait3A_110] : memref<100352xf32, #tpu.memory_space<hbm>> -> memref<100352xf32, #tpu.memory_space<hbm>>
      tpu.wait_indirect_dma semaphore(%arg10 : memref<!tpu.dma_semaphore, #tpu.memory_space<semaphore_mem>>) src(%dma_wait3A_111 : memref<100352xf32, #tpu.memory_space<hbm>>) dst(%dma_wait3A_106 : memref<128xf32, #tpu.memory_space<vmem>>)
      %dma_wait3A_112 = arith.constant 1 : i32
      %dma_wait3A_113 = arith.constant 128 : i32
      %dma_wait3A_114 = tpu.memref_slice %arg8[%dma_wait3A_113] : memref<640xf32, #tpu.memory_space<vmem>> -> memref<128xf32, #tpu.memory_space<vmem>>
      %dma_wait3A_115 = arith.constant 0 : i32
      %dma_wait3A_116 = tpu.memref_slice %arg7[%dma_wait3A_112, %dma_wait3A_115] : memref<5x128xi32, #tpu.memory_space<vmem>> -> memref<1x128xi32, #tpu.memory_space<vmem>>
      %dma_wait3A_117 = tpu.memref_squeeze %dma_wait3A_116 : memref<1x128xi32, #tpu.memory_space<vmem>> -> memref<128xi32, #tpu.memory_space<vmem>>
      %dma_wait3A_118 = arith.constant 0 : i32
      %dma_wait3A_119 = tpu.memref_slice %arg3[%dma_wait3A_118] : memref<100352xf32, #tpu.memory_space<hbm>> -> memref<100352xf32, #tpu.memory_space<hbm>>
      tpu.wait_indirect_dma semaphore(%arg10 : memref<!tpu.dma_semaphore, #tpu.memory_space<semaphore_mem>>) src(%dma_wait3A_119 : memref<100352xf32, #tpu.memory_space<hbm>>) dst(%dma_wait3A_114 : memref<128xf32, #tpu.memory_space<vmem>>)
      %dma_wait3A_120 = arith.constant 1 : i32
      %dma_wait3A_121 = arith.constant 128 : i32
      %dma_wait3A_122 = tpu.memref_slice %arg9[%dma_wait3A_121] : memref<640xf32, #tpu.memory_space<vmem>> -> memref<128xf32, #tpu.memory_space<vmem>>
      %dma_wait3A_123 = arith.constant 0 : i32
      %dma_wait3A_124 = tpu.memref_slice %arg7[%dma_wait3A_120, %dma_wait3A_123] : memref<5x128xi32, #tpu.memory_space<vmem>> -> memref<1x128xi32, #tpu.memory_space<vmem>>
      %dma_wait3A_125 = tpu.memref_squeeze %dma_wait3A_124 : memref<1x128xi32, #tpu.memory_space<vmem>> -> memref<128xi32, #tpu.memory_space<vmem>>
      %dma_wait3A_126 = arith.constant 0 : i32
      %dma_wait3A_127 = tpu.memref_slice %arg4[%dma_wait3A_126] : memref<100352xf32, #tpu.memory_space<hbm>> -> memref<100352xf32, #tpu.memory_space<hbm>>
      tpu.wait_indirect_dma semaphore(%arg10 : memref<!tpu.dma_semaphore, #tpu.memory_space<semaphore_mem>>) src(%dma_wait3A_127 : memref<100352xf32, #tpu.memory_space<hbm>>) dst(%dma_wait3A_122 : memref<128xf32, #tpu.memory_space<vmem>>)
      %dma_wait3A_128 = arith.constant 2 : i32
      %dma_wait3A_129 = arith.constant 256 : i32
      %dma_wait3A_130 = tpu.memref_slice %arg8[%dma_wait3A_129] : memref<640xf32, #tpu.memory_space<vmem>> -> memref<128xf32, #tpu.memory_space<vmem>>
      %dma_wait3A_131 = arith.constant 0 : i32
      %dma_wait3A_132 = tpu.memref_slice %arg7[%dma_wait3A_128, %dma_wait3A_131] : memref<5x128xi32, #tpu.memory_space<vmem>> -> memref<1x128xi32, #tpu.memory_space<vmem>>
      %dma_wait3A_133 = tpu.memref_squeeze %dma_wait3A_132 : memref<1x128xi32, #tpu.memory_space<vmem>> -> memref<128xi32, #tpu.memory_space<vmem>>
      %dma_wait3A_134 = arith.constant 0 : i32
      %dma_wait3A_135 = tpu.memref_slice %arg3[%dma_wait3A_134] : memref<100352xf32, #tpu.memory_space<hbm>> -> memref<100352xf32, #tpu.memory_space<hbm>>
      tpu.wait_indirect_dma semaphore(%arg10 : memref<!tpu.dma_semaphore, #tpu.memory_space<semaphore_mem>>) src(%dma_wait3A_135 : memref<100352xf32, #tpu.memory_space<hbm>>) dst(%dma_wait3A_130 : memref<128xf32, #tpu.memory_space<vmem>>)
      %dma_wait3A_136 = arith.constant 2 : i32
      %dma_wait3A_137 = arith.constant 256 : i32
      %dma_wait3A_138 = tpu.memref_slice %arg9[%dma_wait3A_137] : memref<640xf32, #tpu.memory_space<vmem>> -> memref<128xf32, #tpu.memory_space<vmem>>
      %dma_wait3A_139 = arith.constant 0 : i32
      %dma_wait3A_140 = tpu.memref_slice %arg7[%dma_wait3A_136, %dma_wait3A_139] : memref<5x128xi32, #tpu.memory_space<vmem>> -> memref<1x128xi32, #tpu.memory_space<vmem>>
      %dma_wait3A_141 = tpu.memref_squeeze %dma_wait3A_140 : memref<1x128xi32, #tpu.memory_space<vmem>> -> memref<128xi32, #tpu.memory_space<vmem>>
      %dma_wait3A_142 = arith.constant 0 : i32
      %dma_wait3A_143 = tpu.memref_slice %arg4[%dma_wait3A_142] : memref<100352xf32, #tpu.memory_space<hbm>> -> memref<100352xf32, #tpu.memory_space<hbm>>
      tpu.wait_indirect_dma semaphore(%arg10 : memref<!tpu.dma_semaphore, #tpu.memory_space<semaphore_mem>>) src(%dma_wait3A_143 : memref<100352xf32, #tpu.memory_space<hbm>>) dst(%dma_wait3A_138 : memref<128xf32, #tpu.memory_space<vmem>>)
      %dma_wait3A_144 = arith.constant 3 : i32
      %dma_wait3A_145 = arith.constant 384 : i32
      %dma_wait3A_146 = tpu.memref_slice %arg8[%dma_wait3A_145] : memref<640xf32, #tpu.memory_space<vmem>> -> memref<128xf32, #tpu.memory_space<vmem>>
      %dma_wait3A_147 = arith.constant 0 : i32
      %dma_wait3A_148 = tpu.memref_slice %arg7[%dma_wait3A_144, %dma_wait3A_147] : memref<5x128xi32, #tpu.memory_space<vmem>> -> memref<1x128xi32, #tpu.memory_space<vmem>>
      %dma_wait3A_149 = tpu.memref_squeeze %dma_wait3A_148 : memref<1x128xi32, #tpu.memory_space<vmem>> -> memref<128xi32, #tpu.memory_space<vmem>>
      %dma_wait3A_150 = arith.constant 0 : i32
      %dma_wait3A_151 = tpu.memref_slice %arg3[%dma_wait3A_150] : memref<100352xf32, #tpu.memory_space<hbm>> -> memref<100352xf32, #tpu.memory_space<hbm>>
      tpu.wait_indirect_dma semaphore(%arg10 : memref<!tpu.dma_semaphore, #tpu.memory_space<semaphore_mem>>) src(%dma_wait3A_151 : memref<100352xf32, #tpu.memory_space<hbm>>) dst(%dma_wait3A_146 : memref<128xf32, #tpu.memory_space<vmem>>)
      %dma_wait3A_152 = arith.constant 3 : i32
      %dma_wait3A_153 = arith.constant 384 : i32
      %dma_wait3A_154 = tpu.memref_slice %arg9[%dma_wait3A_153] : memref<640xf32, #tpu.memory_space<vmem>> -> memref<128xf32, #tpu.memory_space<vmem>>
      %dma_wait3A_155 = arith.constant 0 : i32
      %dma_wait3A_156 = tpu.memref_slice %arg7[%dma_wait3A_152, %dma_wait3A_155] : memref<5x128xi32, #tpu.memory_space<vmem>> -> memref<1x128xi32, #tpu.memory_space<vmem>>
      %dma_wait3A_157 = tpu.memref_squeeze %dma_wait3A_156 : memref<1x128xi32, #tpu.memory_space<vmem>> -> memref<128xi32, #tpu.memory_space<vmem>>
      %dma_wait3A_158 = arith.constant 0 : i32
      %dma_wait3A_159 = tpu.memref_slice %arg4[%dma_wait3A_158] : memref<100352xf32, #tpu.memory_space<hbm>> -> memref<100352xf32, #tpu.memory_space<hbm>>
      tpu.wait_indirect_dma semaphore(%arg10 : memref<!tpu.dma_semaphore, #tpu.memory_space<semaphore_mem>>) src(%dma_wait3A_159 : memref<100352xf32, #tpu.memory_space<hbm>>) dst(%dma_wait3A_154 : memref<128xf32, #tpu.memory_space<vmem>>)
      %dma_wait3A_160 = arith.constant 4 : i32
      %dma_wait3A_161 = arith.constant 512 : i32
      %dma_wait3A_162 = tpu.memref_slice %arg8[%dma_wait3A_161] : memref<640xf32, #tpu.memory_space<vmem>> -> memref<128xf32, #tpu.memory_space<vmem>>
      %dma_wait3A_163 = arith.constant 0 : i32
      %dma_wait3A_164 = tpu.memref_slice %arg7[%dma_wait3A_160, %dma_wait3A_163] : memref<5x128xi32, #tpu.memory_space<vmem>> -> memref<1x128xi32, #tpu.memory_space<vmem>>
      %dma_wait3A_165 = tpu.memref_squeeze %dma_wait3A_164 : memref<1x128xi32, #tpu.memory_space<vmem>> -> memref<128xi32, #tpu.memory_space<vmem>>
      %dma_wait3A_166 = arith.constant 0 : i32
      %dma_wait3A_167 = tpu.memref_slice %arg3[%dma_wait3A_166] : memref<100352xf32, #tpu.memory_space<hbm>> -> memref<100352xf32, #tpu.memory_space<hbm>>
      tpu.wait_indirect_dma semaphore(%arg10 : memref<!tpu.dma_semaphore, #tpu.memory_space<semaphore_mem>>) src(%dma_wait3A_167 : memref<100352xf32, #tpu.memory_space<hbm>>) dst(%dma_wait3A_162 : memref<128xf32, #tpu.memory_space<vmem>>)
      %dma_wait3A_168 = arith.constant 4 : i32
      %dma_wait3A_169 = arith.constant 512 : i32
      %dma_wait3A_170 = tpu.memref_slice %arg9[%dma_wait3A_169] : memref<640xf32, #tpu.memory_space<vmem>> -> memref<128xf32, #tpu.memory_space<vmem>>
      %dma_wait3A_171 = arith.constant 0 : i32
      %dma_wait3A_172 = tpu.memref_slice %arg7[%dma_wait3A_168, %dma_wait3A_171] : memref<5x128xi32, #tpu.memory_space<vmem>> -> memref<1x128xi32, #tpu.memory_space<vmem>>
      %dma_wait3A_173 = tpu.memref_squeeze %dma_wait3A_172 : memref<1x128xi32, #tpu.memory_space<vmem>> -> memref<128xi32, #tpu.memory_space<vmem>>
      %dma_wait3A_174 = arith.constant 0 : i32
      %dma_wait3A_175 = tpu.memref_slice %arg4[%dma_wait3A_174] : memref<100352xf32, #tpu.memory_space<hbm>> -> memref<100352xf32, #tpu.memory_space<hbm>>
      tpu.wait_indirect_dma semaphore(%arg10 : memref<!tpu.dma_semaphore, #tpu.memory_space<semaphore_mem>>) src(%dma_wait3A_175 : memref<100352xf32, #tpu.memory_space<hbm>>) dst(%dma_wait3A_170 : memref<128xf32, #tpu.memory_space<vmem>>)
      %mul3A_176 = arith.constant 128 : i32
      %mul3A_177 = arith.muli %add3A_17, %mul3A_176 : i32
      %run_scoped3A_178 = arith.constant 1 : i32
      "tpu.region"() ({
        %run_scoped3A_182 = tpu.sem_alloc : memref<!tpu.dma_semaphore, #tpu.memory_space<semaphore_mem>>
        %dma_start3A_183 = tpu.memref_slice %arg5[%run_scoped3A_178, %mul3A_177] : memref<2x102400xf32, #tpu.memory_space<hbm>> -> memref<1x640xf32, #tpu.memory_space<hbm>>
        %dma_start3A_184 = tpu.memref_squeeze %dma_start3A_183 : memref<1x640xf32, #tpu.memory_space<hbm>> -> memref<640xf32, #tpu.memory_space<hbm>>
        %dma_start3A_185 = tpu.memref_slice %arg5[%run_scoped3A_178, %mul3A_177] : memref<2x102400xf32, #tpu.memory_space<hbm>> -> memref<1x640xf32, #tpu.memory_space<hbm>>
        %dma_start3A_186 = tpu.memref_squeeze %dma_start3A_185 : memref<1x640xf32, #tpu.memory_space<hbm>> -> memref<640xf32, #tpu.memory_space<hbm>>
        tpu.enqueue_dma source(%arg8 : memref<640xf32, #tpu.memory_space<vmem>>) target(%dma_start3A_186 : memref<640xf32, #tpu.memory_space<hbm>>) target_semaphore(%run_scoped3A_182 : memref<!tpu.dma_semaphore, #tpu.memory_space<semaphore_mem>>)
        %dma_wait3A_187 = tpu.memref_slice %arg5[%run_scoped3A_178, %mul3A_177] : memref<2x102400xf32, #tpu.memory_space<hbm>> -> memref<1x640xf32, #tpu.memory_space<hbm>>
        %dma_wait3A_188 = tpu.memref_squeeze %dma_wait3A_187 : memref<1x640xf32, #tpu.memory_space<hbm>> -> memref<640xf32, #tpu.memory_space<hbm>>
        %dma_wait3A_189 = tpu.memref_slice %arg5[%run_scoped3A_178, %mul3A_177] : memref<2x102400xf32, #tpu.memory_space<hbm>> -> memref<1x640xf32, #tpu.memory_space<hbm>>
        %dma_wait3A_190 = tpu.memref_squeeze %dma_wait3A_189 : memref<1x640xf32, #tpu.memory_space<hbm>> -> memref<640xf32, #tpu.memory_space<hbm>>
        tpu.wait_dma2 semaphore(%run_scoped3A_182 : memref<!tpu.dma_semaphore, #tpu.memory_space<semaphore_mem>>) src(%arg8 : memref<640xf32, #tpu.memory_space<vmem>>) dst(%dma_wait3A_190 : memref<640xf32, #tpu.memory_space<hbm>>)
        tpu.yield
      }) : () -> ()
      %mul3A_179 = arith.constant 128 : i32
      %mul3A_180 = arith.muli %add3A_17, %mul3A_179 : i32
      %run_scoped3A_181 = arith.constant 1 : i32
      "tpu.region"() ({
        %run_scoped3A_182 = tpu.sem_alloc : memref<!tpu.dma_semaphore, #tpu.memory_space<semaphore_mem>>
        %dma_start3A_183 = tpu.memref_slice %arg6[%run_scoped3A_181, %mul3A_180] : memref<2x102400xf32, #tpu.memory_space<hbm>> -> memref<1x640xf32, #tpu.memory_space<hbm>>
        %dma_start3A_184 = tpu.memref_squeeze %dma_start3A_183 : memref<1x640xf32, #tpu.memory_space<hbm>> -> memref<640xf32, #tpu.memory_space<hbm>>
        %dma_start3A_185 = tpu.memref_slice %arg6[%run_scoped3A_181, %mul3A_180] : memref<2x102400xf32, #tpu.memory_space<hbm>> -> memref<1x640xf32, #tpu.memory_space<hbm>>
        %dma_start3A_186 = tpu.memref_squeeze %dma_start3A_185 : memref<1x640xf32, #tpu.memory_space<hbm>> -> memref<640xf32, #tpu.memory_space<hbm>>
        tpu.enqueue_dma source(%arg9 : memref<640xf32, #tpu.memory_space<vmem>>) target(%dma_start3A_186 : memref<640xf32, #tpu.memory_space<hbm>>) target_semaphore(%run_scoped3A_182 : memref<!tpu.dma_semaphore, #tpu.memory_space<semaphore_mem>>)
        %dma_wait3A_187 = tpu.memref_slice %arg6[%run_scoped3A_181, %mul3A_180] : memref<2x102400xf32, #tpu.memory_space<hbm>> -> memref<1x640xf32, #tpu.memory_space<hbm>>
        %dma_wait3A_188 = tpu.memref_squeeze %dma_wait3A_187 : memref<1x640xf32, #tpu.memory_space<hbm>> -> memref<640xf32, #tpu.memory_space<hbm>>
        %dma_wait3A_189 = tpu.memref_slice %arg6[%run_scoped3A_181, %mul3A_180] : memref<2x102400xf32, #tpu.memory_space<hbm>> -> memref<1x640xf32, #tpu.memory_space<hbm>>
        %dma_wait3A_190 = tpu.memref_squeeze %dma_wait3A_189 : memref<1x640xf32, #tpu.memory_space<hbm>> -> memref<640xf32, #tpu.memory_space<hbm>>
        tpu.wait_dma2 semaphore(%run_scoped3A_182 : memref<!tpu.dma_semaphore, #tpu.memory_space<semaphore_mem>>) src(%arg9 : memref<640xf32, #tpu.memory_space<vmem>>) dst(%dma_wait3A_190 : memref<640xf32, #tpu.memory_space<hbm>>)
        tpu.yield
      }) : () -> ()
    }
    %scan3A_13 = arith.constant 5 : i32
    return
  }
}

module attributes {stable_mosaic.version = 14 : i64} {
  func.func @_prep_body(%arg0: i32, %arg1: memref<2x25088xf32, #tpu.memory_space<vmem>>, %arg2: memref<2x25088xf32, #tpu.memory_space<vmem>>, %arg3: memref<8x25088xf32, #tpu.memory_space<vmem>>) attributes {dimension_semantics = [#tpu.dimension_semantics<arbitrary>], iteration_bounds = array<i64: 4>, scalar_prefetch = 0 : i64, scratch_operands = 0 : i64, tpu.core_type = #tpu.core_type<tc>, window_params = [{transform_indices = @transform_0, window_bounds = array<i64: 2, 25088>}, {transform_indices = @transform_1, window_bounds = array<i64: 2, 25088>}, {transform_indices = @transform_2, window_bounds = array<i64: 8, 25088>}]} {
    %get3A = arith.constant 0 : index
    %get3A_0 = arith.constant 0 : index
    %get3A_1 = vector.load %arg1[%get3A, %get3A_0] : memref<2x25088xf32, #tpu.memory_space<vmem>>, vector<1x25088xf32>
    %add3A = arith.constant 1.000000e+00 : f32
    %add3A_2 = vector.broadcast %add3A : f32 to vector<1x25088xf32>
    %add3A_3 = arith.addf %add3A_2, %get3A_1 : vector<1x25088xf32>
    %get3A_4 = arith.constant 1 : index
    %get3A_5 = arith.constant 0 : index
    %get3A_6 = vector.load %arg1[%get3A_4, %get3A_5] : memref<2x25088xf32, #tpu.memory_space<vmem>>, vector<1x25088xf32>
    %add3A_7 = arith.addf %add3A_3, %get3A_6 : vector<1x25088xf32>
    %rsqrt3A = math.rsqrt %add3A_7 : vector<1x25088xf32>
    %get3A_8 = arith.constant 0 : index
    %get3A_9 = arith.constant 0 : index
    %get3A_10 = vector.load %arg2[%get3A_8, %get3A_9] : memref<2x25088xf32, #tpu.memory_space<vmem>>, vector<1x25088xf32>
    %mul3A = arith.mulf %get3A_10, %rsqrt3A : vector<1x25088xf32>
    %get3A_11 = arith.constant 1 : index
    %get3A_12 = arith.constant 0 : index
    %get3A_13 = vector.load %arg2[%get3A_11, %get3A_12] : memref<2x25088xf32, #tpu.memory_space<vmem>>, vector<1x25088xf32>
    %mul3A_14 = arith.mulf %get3A_13, %rsqrt3A : vector<1x25088xf32>
    %broadcast_in_dim3A = arith.constant 0.000000e+00 : f32
    %broadcast_in_dim3A_15 = vector.broadcast %broadcast_in_dim3A : f32 to vector<5x25088xf32>
    %concatenate3A = tpu.concatenate %mul3A, %mul3A_14, %rsqrt3A, %broadcast_in_dim3A_15 in 0 : vector<1x25088xf32>, vector<1x25088xf32>, vector<1x25088xf32>, vector<5x25088xf32> -> vector<8x25088xf32>
    %swap3A = arith.constant 0 : index
    %swap3A_16 = arith.constant 0 : index
    %swap3A_17 = vector.load %arg3[%swap3A, %swap3A_16] : memref<8x25088xf32, #tpu.memory_space<vmem>>, vector<8x25088xf32>
    tpu.vector_store %arg3[%swap3A, %swap3A_16], %concatenate3A {strides = array<i32>} : memref<8x25088xf32, #tpu.memory_space<vmem>>, vector<8x25088xf32>,
    return
  }
  func.func @transform_0(%arg0: i32) -> (i32, i32) {
    %c0_i32 = arith.constant 0 : i32
    %c0_i32_0 = arith.constant 0 : i32
    return %c0_i32, %arg0 : i32, i32
  }
  func.func @transform_1(%arg0: i32) -> (i32, i32) {
    %c0_i32 = arith.constant 0 : i32
    %c0_i32_0 = arith.constant 0 : i32
    return %c0_i32, %arg0 : i32, i32
  }
  func.func @transform_2(%arg0: i32) -> (i32, i32) {
    %c0_i32 = arith.constant 0 : i32
    %c0_i32_0 = arith.constant 0 : i32
    return %c0_i32, %arg0 : i32, i32
  }
}

module attributes {stable_mosaic.version = 14 : i64} {
  func.func @_combine_body(%arg0: i32, %arg1: memref<2x25088xf32, #tpu.memory_space<vmem>>, %arg2: memref<2x25088xf32, #tpu.memory_space<vmem>>, %arg3: memref<8x25088xf32, #tpu.memory_space<vmem>>, %arg4: memref<2x32xf32, #tpu.memory_space<vmem>>, %arg5: memref<32x1xf32, #tpu.memory_space<vmem>>, %arg6: memref<32x32xbf16, #tpu.memory_space<vmem>>, %arg7: memref<32x1xf32, #tpu.memory_space<vmem>>, %arg8: memref<2x32xf32, #tpu.memory_space<vmem>>, %arg9: memref<32x1xf32, #tpu.memory_space<vmem>>, %arg10: memref<32x32xbf16, #tpu.memory_space<vmem>>, %arg11: memref<32x1xf32, #tpu.memory_space<vmem>>, %arg12: memref<32x25088xf32, #tpu.memory_space<vmem>>, %arg13: memref<1x25088xf32, #tpu.memory_space<vmem>>, %arg14: memref<1x25088xf32, #tpu.memory_space<vmem>>) attributes {dimension_semantics = [#tpu.dimension_semantics<arbitrary>], iteration_bounds = array<i64: 4>, scalar_prefetch = 0 : i64, scratch_operands = 0 : i64, tpu.core_type = #tpu.core_type<tc>, window_params = [{transform_indices = @transform_0, window_bounds = array<i64: 2, 25088>}, {transform_indices = @transform_1, window_bounds = array<i64: 2, 25088>}, {transform_indices = @transform_2, window_bounds = array<i64: 8, 25088>}, {pipeline_mode = #tpu.pipeline_mode<synchronous>, transform_indices = @transform_3, window_bounds = array<i64: 2, 32>}, {pipeline_mode = #tpu.pipeline_mode<synchronous>, transform_indices = @transform_4, window_bounds = array<i64: 32, 1>}, {pipeline_mode = #tpu.pipeline_mode<synchronous>, transform_indices = @transform_5, window_bounds = array<i64: 32, 32>}, {pipeline_mode = #tpu.pipeline_mode<synchronous>, transform_indices = @transform_6, window_bounds = array<i64: 32, 1>}, {pipeline_mode = #tpu.pipeline_mode<synchronous>, transform_indices = @transform_7, window_bounds = array<i64: 2, 32>}, {pipeline_mode = #tpu.pipeline_mode<synchronous>, transform_indices = @transform_8, window_bounds = array<i64: 32, 1>}, {pipeline_mode = #tpu.pipeline_mode<synchronous>, transform_indices = @transform_9, window_bounds = array<i64: 32, 32>}, {pipeline_mode = #tpu.pipeline_mode<synchronous>, transform_indices = @transform_10, window_bounds = array<i64: 32, 1>}, {transform_indices = @transform_11, window_bounds = array<i64: 32, 25088>}, {transform_indices = @transform_12, window_bounds = array<i64: 1, 25088>}, {transform_indices = @transform_13, window_bounds = array<i64: 1, 25088>}]} {
    %get3A = arith.constant 2 : index
    %get3A_0 = arith.constant 0 : index
    %get3A_1 = vector.load %arg3[%get3A, %get3A_0] : memref<8x25088xf32, #tpu.memory_space<vmem>>, vector<1x25088xf32>
    %get3A_2 = arith.constant 0 : index
    %get3A_3 = arith.constant 0 : index
    %get3A_4 = vector.load %arg1[%get3A_2, %get3A_3] : memref<2x25088xf32, #tpu.memory_space<vmem>>, vector<1x25088xf32>
    %get3A_5 = arith.constant 1 : index
    %get3A_6 = arith.constant 0 : index
    %get3A_7 = vector.load %arg1[%get3A_5, %get3A_6] : memref<2x25088xf32, #tpu.memory_space<vmem>>, vector<1x25088xf32>
    %add3A = arith.addf %get3A_4, %get3A_7 : vector<1x25088xf32>
    %get3A_8 = arith.constant 0 : index
    %get3A_9 = arith.constant 0 : index
    %get3A_10 = vector.load %arg3[%get3A_8, %get3A_9] : memref<8x25088xf32, #tpu.memory_space<vmem>>, vector<1x25088xf32>
    %add3A_11 = arith.addf %add3A, %get3A_10 : vector<1x25088xf32>
    %mul3A = arith.mulf %add3A_11, %get3A_1 : vector<1x25088xf32>
    %get3A_12 = arith.constant 0 : index
    %get3A_13 = arith.constant 0 : index
    %get3A_14 = vector.load %arg2[%get3A_12, %get3A_13] : memref<2x25088xf32, #tpu.memory_space<vmem>>, vector<1x25088xf32>
    %get3A_15 = arith.constant 1 : index
    %get3A_16 = arith.constant 0 : index
    %get3A_17 = vector.load %arg2[%get3A_15, %get3A_16] : memref<2x25088xf32, #tpu.memory_space<vmem>>, vector<1x25088xf32>
    %add3A_18 = arith.addf %get3A_14, %get3A_17 : vector<1x25088xf32>
    %get3A_19 = arith.constant 1 : index
    %get3A_20 = arith.constant 0 : index
    %get3A_21 = vector.load %arg3[%get3A_19, %get3A_20] : memref<8x25088xf32, #tpu.memory_space<vmem>>, vector<1x25088xf32>
    %add3A_22 = arith.addf %add3A_18, %get3A_21 : vector<1x25088xf32>
    %mul3A_23 = arith.mulf %add3A_22, %get3A_1 : vector<1x25088xf32>
    %get3A_24 = arith.constant 0 : index
    %get3A_25 = arith.constant 0 : index
    %get3A_26 = vector.load %arg4[%get3A_24, %get3A_25] : memref<2x32xf32, #tpu.memory_space<vmem>>, vector<1x32xf32>
    %transpose3A = tpu.transpose %get3A_26, [1, 0] : vector<1x32xf32> -> vector<32x1xf32>
    %mul3A_27 = vector.broadcast %mul3A : vector<1x25088xf32> to vector<32x25088xf32>
    %mul3A_28 = vector.broadcast %transpose3A : vector<32x1xf32> to vector<32x25088xf32>
    %mul3A_29 = arith.mulf %mul3A_27, %mul3A_28 : vector<32x25088xf32>
    %get3A_30 = arith.constant 1 : index
    %get3A_31 = arith.constant 0 : index
    %get3A_32 = vector.load %arg4[%get3A_30, %get3A_31] : memref<2x32xf32, #tpu.memory_space<vmem>>, vector<1x32xf32>
    %transpose3A_33 = tpu.transpose %get3A_32, [1, 0] : vector<1x32xf32> -> vector<32x1xf32>
    %mul3A_34 = vector.broadcast %mul3A_23 : vector<1x25088xf32> to vector<32x25088xf32>
    %mul3A_35 = vector.broadcast %transpose3A_33 : vector<32x1xf32> to vector<32x25088xf32>
    %mul3A_36 = arith.mulf %mul3A_34, %mul3A_35 : vector<32x25088xf32>
    %add3A_37 = arith.addf %mul3A_29, %mul3A_36 : vector<32x25088xf32>
    %get3A_38 = arith.constant 0 : index
    %get3A_39 = arith.constant 0 : index
    %get3A_40 = vector.load %arg5[%get3A_38, %get3A_39] : memref<32x1xf32, #tpu.memory_space<vmem>>, vector<32x1xf32>
    %add3A_41 = vector.broadcast %get3A_40 : vector<32x1xf32> to vector<32x25088xf32>
    %add3A_42 = arith.addf %add3A_37, %add3A_41 : vector<32x25088xf32>
    %get3A_43 = arith.constant 0 : index
    %get3A_44 = arith.constant 0 : index
    %get3A_45 = vector.load %arg6[%get3A_43, %get3A_44] : memref<32x32xbf16, #tpu.memory_space<vmem>>, vector<32x32xbf16>
    %convert_element_type3A = arith.truncf %add3A_42 : vector<32x25088xf32> to vector<32x25088xbf16>
    %dot_general3A = arith.constant dense<0.000000e+00> : vector<32x25088xf32>
    %dot_general3A_46 = tpu.matmul %get3A_45, %convert_element_type3A, %dot_general3A {dimension_numbers = #tpu.dot_dimension_numbers<[1], [0], [0], [1], [0, 0, 1, 1], [], []>, transpose_lhs_hint = false} : vector<32x32xbf16>, vector<32x25088xbf16>, vector<32x25088xf32> -> vector<32x25088xf32>
    %get3A_47 = arith.constant 0 : index
    %get3A_48 = arith.constant 0 : index
    %get3A_49 = vector.load %arg7[%get3A_47, %get3A_48] : memref<32x1xf32, #tpu.memory_space<vmem>>, vector<32x1xf32>
    %add3A_50 = vector.broadcast %get3A_49 : vector<32x1xf32> to vector<32x25088xf32>
    %add3A_51 = arith.addf %dot_general3A_46, %add3A_50 : vector<32x25088xf32>
    %get3A_52 = arith.constant 0 : index
    %get3A_53 = arith.constant 0 : index
    %get3A_54 = vector.load %arg8[%get3A_52, %get3A_53] : memref<2x32xf32, #tpu.memory_space<vmem>>, vector<1x32xf32>
    %transpose3A_55 = tpu.transpose %get3A_54, [1, 0] : vector<1x32xf32> -> vector<32x1xf32>
    %mul3A_56 = vector.broadcast %mul3A : vector<1x25088xf32> to vector<32x25088xf32>
    %mul3A_57 = vector.broadcast %transpose3A_55 : vector<32x1xf32> to vector<32x25088xf32>
    %mul3A_58 = arith.mulf %mul3A_56, %mul3A_57 : vector<32x25088xf32>
    %get3A_59 = arith.constant 1 : index
    %get3A_60 = arith.constant 0 : index
    %get3A_61 = vector.load %arg8[%get3A_59, %get3A_60] : memref<2x32xf32, #tpu.memory_space<vmem>>, vector<1x32xf32>
    %transpose3A_62 = tpu.transpose %get3A_61, [1, 0] : vector<1x32xf32> -> vector<32x1xf32>
    %mul3A_63 = vector.broadcast %mul3A_23 : vector<1x25088xf32> to vector<32x25088xf32>
    %mul3A_64 = vector.broadcast %transpose3A_62 : vector<32x1xf32> to vector<32x25088xf32>
    %mul3A_65 = arith.mulf %mul3A_63, %mul3A_64 : vector<32x25088xf32>
    %add3A_66 = arith.addf %mul3A_58, %mul3A_65 : vector<32x25088xf32>
    %get3A_67 = arith.constant 0 : index
    %get3A_68 = arith.constant 0 : index
    %get3A_69 = vector.load %arg9[%get3A_67, %get3A_68] : memref<32x1xf32, #tpu.memory_space<vmem>>, vector<32x1xf32>
    %add3A_70 = vector.broadcast %get3A_69 : vector<32x1xf32> to vector<32x25088xf32>
    %add3A_71 = arith.addf %add3A_66, %add3A_70 : vector<32x25088xf32>
    %get3A_72 = arith.constant 0 : index
    %get3A_73 = arith.constant 0 : index
    %get3A_74 = vector.load %arg10[%get3A_72, %get3A_73] : memref<32x32xbf16, #tpu.memory_space<vmem>>, vector<32x32xbf16>
    %convert_element_type3A_75 = arith.truncf %add3A_71 : vector<32x25088xf32> to vector<32x25088xbf16>
    %dot_general3A_76 = arith.constant dense<0.000000e+00> : vector<32x25088xf32>
    %dot_general3A_77 = tpu.matmul %get3A_74, %convert_element_type3A_75, %dot_general3A_76 {dimension_numbers = #tpu.dot_dimension_numbers<[1], [0], [0], [1], [0, 0, 1, 1], [], []>, transpose_lhs_hint = false} : vector<32x32xbf16>, vector<32x25088xbf16>, vector<32x25088xf32> -> vector<32x25088xf32>
    %get3A_78 = arith.constant 0 : index
    %get3A_79 = arith.constant 0 : index
    %get3A_80 = vector.load %arg11[%get3A_78, %get3A_79] : memref<32x1xf32, #tpu.memory_space<vmem>>, vector<32x1xf32>
    %add3A_81 = vector.broadcast %get3A_80 : vector<32x1xf32> to vector<32x25088xf32>
    %add3A_82 = arith.addf %dot_general3A_77, %add3A_81 : vector<32x25088xf32>
    %logistic3A = arith.negf %add3A_51 : vector<32x25088xf32>
    %logistic3A_83 = math.exp %logistic3A : vector<32x25088xf32>
    %logistic3A_84 = arith.constant 1.000000e+00 : f32
    %logistic3A_85 = vector.broadcast %logistic3A_84 : f32 to vector<32x25088xf32>
    %logistic3A_86 = arith.addf %logistic3A_85, %logistic3A_83 : vector<32x25088xf32>
    %logistic3A_87 = arith.divf %logistic3A_85, %logistic3A_86 : vector<32x25088xf32>
    %sub3A = arith.constant 1.000000e+00 : f32
    %sub3A_88 = vector.broadcast %sub3A : f32 to vector<32x25088xf32>
    %sub3A_89 = arith.subf %sub3A_88, %logistic3A_87 : vector<32x25088xf32>
    %tanh3A = math.tanh %add3A_82 : vector<32x25088xf32>
    %mul3A_90 = arith.mulf %sub3A_89, %tanh3A : vector<32x25088xf32>
    %swap3A = arith.constant 0 : index
    %swap3A_91 = arith.constant 0 : index
    %swap3A_92 = vector.load %arg12[%swap3A, %swap3A_91] : memref<32x25088xf32, #tpu.memory_space<vmem>>, vector<32x25088xf32>
    tpu.vector_store %arg12[%swap3A, %swap3A_91], %mul3A_90 {strides = array<i32>} : memref<32x25088xf32, #tpu.memory_space<vmem>>, vector<32x25088xf32>,
    %swap3A_93 = arith.constant 0 : index
    %swap3A_94 = arith.constant 0 : index
    %swap3A_95 = vector.load %arg13[%swap3A_93, %swap3A_94] : memref<1x25088xf32, #tpu.memory_space<vmem>>, vector<1x25088xf32>
    tpu.vector_store %arg13[%swap3A_93, %swap3A_94], %mul3A {strides = array<i32>} : memref<1x25088xf32, #tpu.memory_space<vmem>>, vector<1x25088xf32>,
    %swap3A_96 = arith.constant 0 : index
    %swap3A_97 = arith.constant 0 : index
    %swap3A_98 = vector.load %arg14[%swap3A_96, %swap3A_97] : memref<1x25088xf32, #tpu.memory_space<vmem>>, vector<1x25088xf32>
    tpu.vector_store %arg14[%swap3A_96, %swap3A_97], %mul3A_23 {strides = array<i32>} : memref<1x25088xf32, #tpu.memory_space<vmem>>, vector<1x25088xf32>,
    return
  }
  func.func @transform_0(%arg0: i32) -> (i32, i32) {
    %c0_i32 = arith.constant 0 : i32
    %c0_i32_0 = arith.constant 0 : i32
    return %c0_i32, %arg0 : i32, i32
  }
  func.func @transform_1(%arg0: i32) -> (i32, i32) {
    %c0_i32 = arith.constant 0 : i32
    %c0_i32_0 = arith.constant 0 : i32
    return %c0_i32, %arg0 : i32, i32
  }
  func.func @transform_2(%arg0: i32) -> (i32, i32) {
    %c0_i32 = arith.constant 0 : i32
    %c0_i32_0 = arith.constant 0 : i32
    return %c0_i32, %arg0 : i32, i32
  }
  func.func @transform_3(%arg0: i32) -> (i32, i32) {
    %c0_i32 = arith.constant 0 : i32
    %c0_i32_0 = arith.constant 0 : i32
    %c0_i32_1 = arith.constant 0 : i32
    return %c0_i32, %c0_i32_0 : i32, i32
  }
  func.func @transform_4(%arg0: i32) -> (i32, i32) {
    %c0_i32 = arith.constant 0 : i32
    %c0_i32_0 = arith.constant 0 : i32
    %c0_i32_1 = arith.constant 0 : i32
    return %c0_i32, %c0_i32_0 : i32, i32
  }
  func.func @transform_5(%arg0: i32) -> (i32, i32) {
    %c0_i32 = arith.constant 0 : i32
    %c0_i32_0 = arith.constant 0 : i32
    %c0_i32_1 = arith.constant 0 : i32
    return %c0_i32, %c0_i32_0 : i32, i32
  }
  func.func @transform_6(%arg0: i32) -> (i32, i32) {
    %c0_i32 = arith.constant 0 : i32
    %c0_i32_0 = arith.constant 0 : i32
    %c0_i32_1 = arith.constant 0 : i32
    return %c0_i32, %c0_i32_0 : i32, i32
  }
  func.func @transform_7(%arg0: i32) -> (i32, i32) {
    %c0_i32 = arith.constant 0 : i32
    %c0_i32_0 = arith.constant 0 : i32
    %c0_i32_1 = arith.constant 0 : i32
    return %c0_i32, %c0_i32_0 : i32, i32
  }
  func.func @transform_8(%arg0: i32) -> (i32, i32) {
    %c0_i32 = arith.constant 0 : i32
    %c0_i32_0 = arith.constant 0 : i32
    %c0_i32_1 = arith.constant 0 : i32
    return %c0_i32, %c0_i32_0 : i32, i32
  }
  func.func @transform_9(%arg0: i32) -> (i32, i32) {
    %c0_i32 = arith.constant 0 : i32
    %c0_i32_0 = arith.constant 0 : i32
    %c0_i32_1 = arith.constant 0 : i32
    return %c0_i32, %c0_i32_0 : i32, i32
  }
  func.func @transform_10(%arg0: i32) -> (i32, i32) {
    %c0_i32 = arith.constant 0 : i32
    %c0_i32_0 = arith.constant 0 : i32
    %c0_i32_1 = arith.constant 0 : i32
    return %c0_i32, %c0_i32_0 : i32, i32
  }
  func.func @transform_11(%arg0: i32) -> (i32, i32) {
    %c0_i32 = arith.constant 0 : i32
    %c0_i32_0 = arith.constant 0 : i32
    return %c0_i32, %arg0 : i32, i32
  }
  func.func @transform_12(%arg0: i32) -> (i32, i32) {
    %c0_i32 = arith.constant 0 : i32
    %c0_i32_0 = arith.constant 0 : i32
    return %c0_i32, %arg0 : i32, i32
  }
  func.func @transform_13(%arg0: i32) -> (i32, i32) {
    %c0_i32 = arith.constant 0 : i32
    %c0_i32_0 = arith.constant 0 : i32
    return %c0_i32, %arg0 : i32, i32
  }
}

module attributes {stable_mosaic.version = 14 : i64} {
  func.func @_head_body(%arg0: i32, %arg1: memref<2x12800xf32, #tpu.memory_space<vmem>>, %arg2: memref<2x12800xf32, #tpu.memory_space<vmem>>, %arg3: memref<2x32xf32, #tpu.memory_space<vmem>>, %arg4: memref<32x1xf32, #tpu.memory_space<vmem>>, %arg5: memref<32x32xbf16, #tpu.memory_space<vmem>>, %arg6: memref<32x1xf32, #tpu.memory_space<vmem>>, %arg7: memref<2x32xf32, #tpu.memory_space<vmem>>, %arg8: memref<32x1xf32, #tpu.memory_space<vmem>>, %arg9: memref<32x32xbf16, #tpu.memory_space<vmem>>, %arg10: memref<32x1xf32, #tpu.memory_space<vmem>>, %arg11: memref<128x32xbf16, #tpu.memory_space<vmem>>, %arg12: memref<128x1xf32, #tpu.memory_space<vmem>>, %arg13: memref<1x128xbf16, #tpu.memory_space<vmem>>, %arg14: memref<1x1xf32, #tpu.memory_space<vmem>>, %arg15: memref<1x12800xf32, #tpu.memory_space<vmem>>) attributes {dimension_semantics = [#tpu.dimension_semantics<arbitrary>], iteration_bounds = array<i64: 8>, scalar_prefetch = 0 : i64, scratch_operands = 0 : i64, tpu.core_type = #tpu.core_type<tc>, window_params = [{transform_indices = @transform_0, window_bounds = array<i64: 2, 12800>}, {transform_indices = @transform_1, window_bounds = array<i64: 2, 12800>}, {pipeline_mode = #tpu.pipeline_mode<synchronous>, transform_indices = @transform_2, window_bounds = array<i64: 2, 32>}, {pipeline_mode = #tpu.pipeline_mode<synchronous>, transform_indices = @transform_3, window_bounds = array<i64: 32, 1>}, {pipeline_mode = #tpu.pipeline_mode<synchronous>, transform_indices = @transform_4, window_bounds = array<i64: 32, 32>}, {pipeline_mode = #tpu.pipeline_mode<synchronous>, transform_indices = @transform_5, window_bounds = array<i64: 32, 1>}, {pipeline_mode = #tpu.pipeline_mode<synchronous>, transform_indices = @transform_6, window_bounds = array<i64: 2, 32>}, {pipeline_mode = #tpu.pipeline_mode<synchronous>, transform_indices = @transform_7, window_bounds = array<i64: 32, 1>}, {pipeline_mode = #tpu.pipeline_mode<synchronous>, transform_indices = @transform_8, window_bounds = array<i64: 32, 32>}, {pipeline_mode = #tpu.pipeline_mode<synchronous>, transform_indices = @transform_9, window_bounds = array<i64: 32, 1>}, {pipeline_mode = #tpu.pipeline_mode<synchronous>, transform_indices = @transform_10, window_bounds = array<i64: 128, 32>}, {pipeline_mode = #tpu.pipeline_mode<synchronous>, transform_indices = @transform_11, window_bounds = array<i64: 128, 1>}, {pipeline_mode = #tpu.pipeline_mode<synchronous>, transform_indices = @transform_12, window_bounds = array<i64: 1, 128>}, {pipeline_mode = #tpu.pipeline_mode<synchronous>, transform_indices = @transform_13, window_bounds = array<i64: 1, 1>}, {transform_indices = @transform_14, window_bounds = array<i64: 1, 12800>}]} {
    %get3A = arith.constant 0 : index
    %get3A_0 = arith.constant 0 : index
    %get3A_1 = vector.load %arg1[%get3A, %get3A_0] : memref<2x12800xf32, #tpu.memory_space<vmem>>, vector<1x12800xf32>
    %get3A_2 = arith.constant 0 : index
    %get3A_3 = arith.constant 0 : index
    %get3A_4 = vector.load %arg2[%get3A_2, %get3A_3] : memref<2x12800xf32, #tpu.memory_space<vmem>>, vector<1x12800xf32>
    %get3A_5 = arith.constant 0 : index
    %get3A_6 = arith.constant 0 : index
    %get3A_7 = vector.load %arg3[%get3A_5, %get3A_6] : memref<2x32xf32, #tpu.memory_space<vmem>>, vector<1x32xf32>
    %transpose3A = tpu.transpose %get3A_7, [1, 0] : vector<1x32xf32> -> vector<32x1xf32>
    %mul3A = vector.broadcast %get3A_1 : vector<1x12800xf32> to vector<32x12800xf32>
    %mul3A_8 = vector.broadcast %transpose3A : vector<32x1xf32> to vector<32x12800xf32>
    %mul3A_9 = arith.mulf %mul3A, %mul3A_8 : vector<32x12800xf32>
    %get3A_10 = arith.constant 1 : index
    %get3A_11 = arith.constant 0 : index
    %get3A_12 = vector.load %arg3[%get3A_10, %get3A_11] : memref<2x32xf32, #tpu.memory_space<vmem>>, vector<1x32xf32>
    %transpose3A_13 = tpu.transpose %get3A_12, [1, 0] : vector<1x32xf32> -> vector<32x1xf32>
    %mul3A_14 = vector.broadcast %get3A_4 : vector<1x12800xf32> to vector<32x12800xf32>
    %mul3A_15 = vector.broadcast %transpose3A_13 : vector<32x1xf32> to vector<32x12800xf32>
    %mul3A_16 = arith.mulf %mul3A_14, %mul3A_15 : vector<32x12800xf32>
    %add3A = arith.addf %mul3A_9, %mul3A_16 : vector<32x12800xf32>
    %get3A_17 = arith.constant 0 : index
    %get3A_18 = arith.constant 0 : index
    %get3A_19 = vector.load %arg4[%get3A_17, %get3A_18] : memref<32x1xf32, #tpu.memory_space<vmem>>, vector<32x1xf32>
    %add3A_20 = vector.broadcast %get3A_19 : vector<32x1xf32> to vector<32x12800xf32>
    %add3A_21 = arith.addf %add3A, %add3A_20 : vector<32x12800xf32>
    %get3A_22 = arith.constant 0 : index
    %get3A_23 = arith.constant 0 : index
    %get3A_24 = vector.load %arg5[%get3A_22, %get3A_23] : memref<32x32xbf16, #tpu.memory_space<vmem>>, vector<32x32xbf16>
    %convert_element_type3A = arith.truncf %add3A_21 : vector<32x12800xf32> to vector<32x12800xbf16>
    %dot_general3A = arith.constant dense<0.000000e+00> : vector<32x12800xf32>
    %dot_general3A_25 = tpu.matmul %get3A_24, %convert_element_type3A, %dot_general3A {dimension_numbers = #tpu.dot_dimension_numbers<[1], [0], [0], [1], [0, 0, 1, 1], [], []>, transpose_lhs_hint = false} : vector<32x32xbf16>, vector<32x12800xbf16>, vector<32x12800xf32> -> vector<32x12800xf32>
    %get3A_26 = arith.constant 0 : index
    %get3A_27 = arith.constant 0 : index
    %get3A_28 = vector.load %arg6[%get3A_26, %get3A_27] : memref<32x1xf32, #tpu.memory_space<vmem>>, vector<32x1xf32>
    %add3A_29 = vector.broadcast %get3A_28 : vector<32x1xf32> to vector<32x12800xf32>
    %add3A_30 = arith.addf %dot_general3A_25, %add3A_29 : vector<32x12800xf32>
    %get3A_31 = arith.constant 0 : index
    %get3A_32 = arith.constant 0 : index
    %get3A_33 = vector.load %arg7[%get3A_31, %get3A_32] : memref<2x32xf32, #tpu.memory_space<vmem>>, vector<1x32xf32>
    %transpose3A_34 = tpu.transpose %get3A_33, [1, 0] : vector<1x32xf32> -> vector<32x1xf32>
    %mul3A_35 = vector.broadcast %get3A_1 : vector<1x12800xf32> to vector<32x12800xf32>
    %mul3A_36 = vector.broadcast %transpose3A_34 : vector<32x1xf32> to vector<32x12800xf32>
    %mul3A_37 = arith.mulf %mul3A_35, %mul3A_36 : vector<32x12800xf32>
    %get3A_38 = arith.constant 1 : index
    %get3A_39 = arith.constant 0 : index
    %get3A_40 = vector.load %arg7[%get3A_38, %get3A_39] : memref<2x32xf32, #tpu.memory_space<vmem>>, vector<1x32xf32>
    %transpose3A_41 = tpu.transpose %get3A_40, [1, 0] : vector<1x32xf32> -> vector<32x1xf32>
    %mul3A_42 = vector.broadcast %get3A_4 : vector<1x12800xf32> to vector<32x12800xf32>
    %mul3A_43 = vector.broadcast %transpose3A_41 : vector<32x1xf32> to vector<32x12800xf32>
    %mul3A_44 = arith.mulf %mul3A_42, %mul3A_43 : vector<32x12800xf32>
    %add3A_45 = arith.addf %mul3A_37, %mul3A_44 : vector<32x12800xf32>
    %get3A_46 = arith.constant 0 : index
    %get3A_47 = arith.constant 0 : index
    %get3A_48 = vector.load %arg8[%get3A_46, %get3A_47] : memref<32x1xf32, #tpu.memory_space<vmem>>, vector<32x1xf32>
    %add3A_49 = vector.broadcast %get3A_48 : vector<32x1xf32> to vector<32x12800xf32>
    %add3A_50 = arith.addf %add3A_45, %add3A_49 : vector<32x12800xf32>
    %get3A_51 = arith.constant 0 : index
    %get3A_52 = arith.constant 0 : index
    %get3A_53 = vector.load %arg9[%get3A_51, %get3A_52] : memref<32x32xbf16, #tpu.memory_space<vmem>>, vector<32x32xbf16>
    %convert_element_type3A_54 = arith.truncf %add3A_50 : vector<32x12800xf32> to vector<32x12800xbf16>
    %dot_general3A_55 = arith.constant dense<0.000000e+00> : vector<32x12800xf32>
    %dot_general3A_56 = tpu.matmul %get3A_53, %convert_element_type3A_54, %dot_general3A_55 {dimension_numbers = #tpu.dot_dimension_numbers<[1], [0], [0], [1], [0, 0, 1, 1], [], []>, transpose_lhs_hint = false} : vector<32x32xbf16>, vector<32x12800xbf16>, vector<32x12800xf32> -> vector<32x12800xf32>
    %get3A_57 = arith.constant 0 : index
    %get3A_58 = arith.constant 0 : index
    %get3A_59 = vector.load %arg10[%get3A_57, %get3A_58] : memref<32x1xf32, #tpu.memory_space<vmem>>, vector<32x1xf32>
    %add3A_60 = vector.broadcast %get3A_59 : vector<32x1xf32> to vector<32x12800xf32>
    %add3A_61 = arith.addf %dot_general3A_56, %add3A_60 : vector<32x12800xf32>
    %logistic3A = arith.negf %add3A_30 : vector<32x12800xf32>
    %logistic3A_62 = math.exp %logistic3A : vector<32x12800xf32>
    %logistic3A_63 = arith.constant 1.000000e+00 : f32
    %logistic3A_64 = vector.broadcast %logistic3A_63 : f32 to vector<32x12800xf32>
    %logistic3A_65 = arith.addf %logistic3A_64, %logistic3A_62 : vector<32x12800xf32>
    %logistic3A_66 = arith.divf %logistic3A_64, %logistic3A_65 : vector<32x12800xf32>
    %sub3A = arith.constant 1.000000e+00 : f32
    %sub3A_67 = vector.broadcast %sub3A : f32 to vector<32x12800xf32>
    %sub3A_68 = arith.subf %sub3A_67, %logistic3A_66 : vector<32x12800xf32>
    %tanh3A = math.tanh %add3A_61 : vector<32x12800xf32>
    %mul3A_69 = arith.mulf %sub3A_68, %tanh3A : vector<32x12800xf32>
    %get3A_70 = arith.constant 1 : index
    %get3A_71 = arith.constant 0 : index
    %get3A_72 = vector.load %arg1[%get3A_70, %get3A_71] : memref<2x12800xf32, #tpu.memory_space<vmem>>, vector<1x12800xf32>
    %get3A_73 = arith.constant 1 : index
    %get3A_74 = arith.constant 0 : index
    %get3A_75 = vector.load %arg2[%get3A_73, %get3A_74] : memref<2x12800xf32, #tpu.memory_space<vmem>>, vector<1x12800xf32>
    %get3A_76 = arith.constant 0 : index
    %get3A_77 = arith.constant 0 : index
    %get3A_78 = vector.load %arg3[%get3A_76, %get3A_77] : memref<2x32xf32, #tpu.memory_space<vmem>>, vector<1x32xf32>
    %transpose3A_79 = tpu.transpose %get3A_78, [1, 0] : vector<1x32xf32> -> vector<32x1xf32>
    %mul3A_80 = vector.broadcast %get3A_72 : vector<1x12800xf32> to vector<32x12800xf32>
    %mul3A_81 = vector.broadcast %transpose3A_79 : vector<32x1xf32> to vector<32x12800xf32>
    %mul3A_82 = arith.mulf %mul3A_80, %mul3A_81 : vector<32x12800xf32>
    %get3A_83 = arith.constant 1 : index
    %get3A_84 = arith.constant 0 : index
    %get3A_85 = vector.load %arg3[%get3A_83, %get3A_84] : memref<2x32xf32, #tpu.memory_space<vmem>>, vector<1x32xf32>
    %transpose3A_86 = tpu.transpose %get3A_85, [1, 0] : vector<1x32xf32> -> vector<32x1xf32>
    %mul3A_87 = vector.broadcast %get3A_75 : vector<1x12800xf32> to vector<32x12800xf32>
    %mul3A_88 = vector.broadcast %transpose3A_86 : vector<32x1xf32> to vector<32x12800xf32>
    %mul3A_89 = arith.mulf %mul3A_87, %mul3A_88 : vector<32x12800xf32>
    %add3A_90 = arith.addf %mul3A_82, %mul3A_89 : vector<32x12800xf32>
    %get3A_91 = arith.constant 0 : index
    %get3A_92 = arith.constant 0 : index
    %get3A_93 = vector.load %arg4[%get3A_91, %get3A_92] : memref<32x1xf32, #tpu.memory_space<vmem>>, vector<32x1xf32>
    %add3A_94 = vector.broadcast %get3A_93 : vector<32x1xf32> to vector<32x12800xf32>
    %add3A_95 = arith.addf %add3A_90, %add3A_94 : vector<32x12800xf32>
    %get3A_96 = arith.constant 0 : index
    %get3A_97 = arith.constant 0 : index
    %get3A_98 = vector.load %arg5[%get3A_96, %get3A_97] : memref<32x32xbf16, #tpu.memory_space<vmem>>, vector<32x32xbf16>
    %convert_element_type3A_99 = arith.truncf %add3A_95 : vector<32x12800xf32> to vector<32x12800xbf16>
    %dot_general3A_100 = arith.constant dense<0.000000e+00> : vector<32x12800xf32>
    %dot_general3A_101 = tpu.matmul %get3A_98, %convert_element_type3A_99, %dot_general3A_100 {dimension_numbers = #tpu.dot_dimension_numbers<[1], [0], [0], [1], [0, 0, 1, 1], [], []>, transpose_lhs_hint = false} : vector<32x32xbf16>, vector<32x12800xbf16>, vector<32x12800xf32> -> vector<32x12800xf32>
    %get3A_102 = arith.constant 0 : index
    %get3A_103 = arith.constant 0 : index
    %get3A_104 = vector.load %arg6[%get3A_102, %get3A_103] : memref<32x1xf32, #tpu.memory_space<vmem>>, vector<32x1xf32>
    %add3A_105 = vector.broadcast %get3A_104 : vector<32x1xf32> to vector<32x12800xf32>
    %add3A_106 = arith.addf %dot_general3A_101, %add3A_105 : vector<32x12800xf32>
    %get3A_107 = arith.constant 0 : index
    %get3A_108 = arith.constant 0 : index
    %get3A_109 = vector.load %arg7[%get3A_107, %get3A_108] : memref<2x32xf32, #tpu.memory_space<vmem>>, vector<1x32xf32>
    %transpose3A_110 = tpu.transpose %get3A_109, [1, 0] : vector<1x32xf32> -> vector<32x1xf32>
    %mul3A_111 = vector.broadcast %get3A_72 : vector<1x12800xf32> to vector<32x12800xf32>
    %mul3A_112 = vector.broadcast %transpose3A_110 : vector<32x1xf32> to vector<32x12800xf32>
    %mul3A_113 = arith.mulf %mul3A_111, %mul3A_112 : vector<32x12800xf32>
    %get3A_114 = arith.constant 1 : index
    %get3A_115 = arith.constant 0 : index
    %get3A_116 = vector.load %arg7[%get3A_114, %get3A_115] : memref<2x32xf32, #tpu.memory_space<vmem>>, vector<1x32xf32>
    %transpose3A_117 = tpu.transpose %get3A_116, [1, 0] : vector<1x32xf32> -> vector<32x1xf32>
    %mul3A_118 = vector.broadcast %get3A_75 : vector<1x12800xf32> to vector<32x12800xf32>
    %mul3A_119 = vector.broadcast %transpose3A_117 : vector<32x1xf32> to vector<32x12800xf32>
    %mul3A_120 = arith.mulf %mul3A_118, %mul3A_119 : vector<32x12800xf32>
    %add3A_121 = arith.addf %mul3A_113, %mul3A_120 : vector<32x12800xf32>
    %get3A_122 = arith.constant 0 : index
    %get3A_123 = arith.constant 0 : index
    %get3A_124 = vector.load %arg8[%get3A_122, %get3A_123] : memref<32x1xf32, #tpu.memory_space<vmem>>, vector<32x1xf32>
    %add3A_125 = vector.broadcast %get3A_124 : vector<32x1xf32> to vector<32x12800xf32>
    %add3A_126 = arith.addf %add3A_121, %add3A_125 : vector<32x12800xf32>
    %get3A_127 = arith.constant 0 : index
    %get3A_128 = arith.constant 0 : index
    %get3A_129 = vector.load %arg9[%get3A_127, %get3A_128] : memref<32x32xbf16, #tpu.memory_space<vmem>>, vector<32x32xbf16>
    %convert_element_type3A_130 = arith.truncf %add3A_126 : vector<32x12800xf32> to vector<32x12800xbf16>
    %dot_general3A_131 = arith.constant dense<0.000000e+00> : vector<32x12800xf32>
    %dot_general3A_132 = tpu.matmul %get3A_129, %convert_element_type3A_130, %dot_general3A_131 {dimension_numbers = #tpu.dot_dimension_numbers<[1], [0], [0], [1], [0, 0, 1, 1], [], []>, transpose_lhs_hint = false} : vector<32x32xbf16>, vector<32x12800xbf16>, vector<32x12800xf32> -> vector<32x12800xf32>
    %get3A_133 = arith.constant 0 : index
    %get3A_134 = arith.constant 0 : index
    %get3A_135 = vector.load %arg10[%get3A_133, %get3A_134] : memref<32x1xf32, #tpu.memory_space<vmem>>, vector<32x1xf32>
    %add3A_136 = vector.broadcast %get3A_135 : vector<32x1xf32> to vector<32x12800xf32>
    %add3A_137 = arith.addf %dot_general3A_132, %add3A_136 : vector<32x12800xf32>
    %logistic3A_138 = arith.negf %add3A_106 : vector<32x12800xf32>
    %logistic3A_139 = math.exp %logistic3A_138 : vector<32x12800xf32>
    %logistic3A_140 = arith.constant 1.000000e+00 : f32
    %logistic3A_141 = vector.broadcast %logistic3A_140 : f32 to vector<32x12800xf32>
    %logistic3A_142 = arith.addf %logistic3A_141, %logistic3A_139 : vector<32x12800xf32>
    %logistic3A_143 = arith.divf %logistic3A_141, %logistic3A_142 : vector<32x12800xf32>
    %sub3A_144 = arith.constant 1.000000e+00 : f32
    %sub3A_145 = vector.broadcast %sub3A_144 : f32 to vector<32x12800xf32>
    %sub3A_146 = arith.subf %sub3A_145, %logistic3A_143 : vector<32x12800xf32>
    %tanh3A_147 = math.tanh %add3A_137 : vector<32x12800xf32>
    %mul3A_148 = arith.mulf %sub3A_146, %tanh3A_147 : vector<32x12800xf32>
    %mul3A_149 = arith.mulf %mul3A_69, %mul3A_148 : vector<32x12800xf32>
    %get3A_150 = arith.constant 0 : index
    %get3A_151 = arith.constant 0 : index
    %get3A_152 = vector.load %arg11[%get3A_150, %get3A_151] : memref<128x32xbf16, #tpu.memory_space<vmem>>, vector<128x32xbf16>
    %convert_element_type3A_153 = arith.truncf %mul3A_149 : vector<32x12800xf32> to vector<32x12800xbf16>
    %dot_general3A_154 = arith.constant dense<0.000000e+00> : vector<128x12800xf32>
    %dot_general3A_155 = tpu.matmul %get3A_152, %convert_element_type3A_153, %dot_general3A_154 {dimension_numbers = #tpu.dot_dimension_numbers<[1], [0], [0], [1], [0, 0, 1, 1], [], []>, transpose_lhs_hint = false} : vector<128x32xbf16>, vector<32x12800xbf16>, vector<128x12800xf32> -> vector<128x12800xf32>
    %get3A_156 = arith.constant 0 : index
    %get3A_157 = arith.constant 0 : index
    %get3A_158 = vector.load %arg12[%get3A_156, %get3A_157] : memref<128x1xf32, #tpu.memory_space<vmem>>, vector<128x1xf32>
    %add3A_159 = vector.broadcast %get3A_158 : vector<128x1xf32> to vector<128x12800xf32>
    %add3A_160 = arith.addf %dot_general3A_155, %add3A_159 : vector<128x12800xf32>
    %max3A = arith.constant 0.000000e+00 : f32
    %max3A_161 = vector.broadcast %max3A : f32 to vector<128x12800xf32>
    %max3A_162 = arith.maximumf %add3A_160, %max3A_161 : vector<128x12800xf32>
    %get3A_163 = arith.constant 0 : index
    %get3A_164 = arith.constant 0 : index
    %get3A_165 = vector.load %arg13[%get3A_163, %get3A_164] : memref<1x128xbf16, #tpu.memory_space<vmem>>, vector<1x128xbf16>
    %convert_element_type3A_166 = arith.truncf %max3A_162 : vector<128x12800xf32> to vector<128x12800xbf16>
    %dot_general3A_167 = arith.constant dense<0.000000e+00> : vector<1x12800xf32>
    %dot_general3A_168 = tpu.matmul %get3A_165, %convert_element_type3A_166, %dot_general3A_167 {dimension_numbers = #tpu.dot_dimension_numbers<[1], [0], [0], [1], [0, 0, 1, 1], [], []>, transpose_lhs_hint = false} : vector<1x128xbf16>, vector<128x12800xbf16>, vector<1x12800xf32> -> vector<1x12800xf32>
    %get3A_169 = arith.constant 0 : index
    %get3A_170 = arith.constant 0 : index
    %get3A_171 = vector.load %arg14[%get3A_169, %get3A_170] : memref<1x1xf32, #tpu.memory_space<vmem>>, vector<1x1xf32>
    %add3A_172 = vector.broadcast %get3A_171 : vector<1x1xf32> to vector<1x12800xf32>
    %add3A_173 = arith.addf %dot_general3A_168, %add3A_172 : vector<1x12800xf32>
    %swap3A = arith.constant 0 : index
    %swap3A_174 = arith.constant 0 : index
    %swap3A_175 = vector.load %arg15[%swap3A, %swap3A_174] : memref<1x12800xf32, #tpu.memory_space<vmem>>, vector<1x12800xf32>
    tpu.vector_store %arg15[%swap3A, %swap3A_174], %add3A_173 {strides = array<i32>} : memref<1x12800xf32, #tpu.memory_space<vmem>>, vector<1x12800xf32>,
    return
  }
  func.func @transform_0(%arg0: i32) -> (i32, i32) {
    %c0_i32 = arith.constant 0 : i32
    %c0_i32_0 = arith.constant 0 : i32
    return %c0_i32, %arg0 : i32, i32
  }
  func.func @transform_1(%arg0: i32) -> (i32, i32) {
    %c0_i32 = arith.constant 0 : i32
    %c0_i32_0 = arith.constant 0 : i32
    return %c0_i32, %arg0 : i32, i32
  }
  func.func @transform_2(%arg0: i32) -> (i32, i32) {
    %c0_i32 = arith.constant 0 : i32
    %c0_i32_0 = arith.constant 0 : i32
    %c0_i32_1 = arith.constant 0 : i32
    return %c0_i32, %c0_i32_0 : i32, i32
  }
  func.func @transform_3(%arg0: i32) -> (i32, i32) {
    %c0_i32 = arith.constant 0 : i32
    %c0_i32_0 = arith.constant 0 : i32
    %c0_i32_1 = arith.constant 0 : i32
    return %c0_i32, %c0_i32_0 : i32, i32
  }
  func.func @transform_4(%arg0: i32) -> (i32, i32) {
    %c0_i32 = arith.constant 0 : i32
    %c0_i32_0 = arith.constant 0 : i32
    %c0_i32_1 = arith.constant 0 : i32
    return %c0_i32, %c0_i32_0 : i32, i32
  }
  func.func @transform_5(%arg0: i32) -> (i32, i32) {
    %c0_i32 = arith.constant 0 : i32
    %c0_i32_0 = arith.constant 0 : i32
    %c0_i32_1 = arith.constant 0 : i32
    return %c0_i32, %c0_i32_0 : i32, i32
  }
  func.func @transform_6(%arg0: i32) -> (i32, i32) {
    %c0_i32 = arith.constant 0 : i32
    %c0_i32_0 = arith.constant 0 : i32
    %c0_i32_1 = arith.constant 0 : i32
    return %c0_i32, %c0_i32_0 : i32, i32
  }
  func.func @transform_7(%arg0: i32) -> (i32, i32) {
    %c0_i32 = arith.constant 0 : i32
    %c0_i32_0 = arith.constant 0 : i32
    %c0_i32_1 = arith.constant 0 : i32
    return %c0_i32, %c0_i32_0 : i32, i32
  }
  func.func @transform_8(%arg0: i32) -> (i32, i32) {
    %c0_i32 = arith.constant 0 : i32
    %c0_i32_0 = arith.constant 0 : i32
    %c0_i32_1 = arith.constant 0 : i32
    return %c0_i32, %c0_i32_0 : i32, i32
  }
  func.func @transform_9(%arg0: i32) -> (i32, i32) {
    %c0_i32 = arith.constant 0 : i32
    %c0_i32_0 = arith.constant 0 : i32
    %c0_i32_1 = arith.constant 0 : i32
    return %c0_i32, %c0_i32_0 : i32, i32
  }
  func.func @transform_10(%arg0: i32) -> (i32, i32) {
    %c0_i32 = arith.constant 0 : i32
    %c0_i32_0 = arith.constant 0 : i32
    %c0_i32_1 = arith.constant 0 : i32
    return %c0_i32, %c0_i32_0 : i32, i32
  }
  func.func @transform_11(%arg0: i32) -> (i32, i32) {
    %c0_i32 = arith.constant 0 : i32
    %c0_i32_0 = arith.constant 0 : i32
    %c0_i32_1 = arith.constant 0 : i32
    return %c0_i32, %c0_i32_0 : i32, i32
  }
  func.func @transform_12(%arg0: i32) -> (i32, i32) {
    %c0_i32 = arith.constant 0 : i32
    %c0_i32_0 = arith.constant 0 : i32
    %c0_i32_1 = arith.constant 0 : i32
    return %c0_i32, %c0_i32_0 : i32, i32
  }
  func.func @transform_13(%arg0: i32) -> (i32, i32) {
    %c0_i32 = arith.constant 0 : i32
    %c0_i32_0 = arith.constant 0 : i32
    %c0_i32_1 = arith.constant 0 : i32
    return %c0_i32, %c0_i32_0 : i32, i32
  }
  func.func @transform_14(%arg0: i32) -> (i32, i32) {
    %c0_i32 = arith.constant 0 : i32
    %c0_i32_0 = arith.constant 0 : i32
    return %c0_i32, %arg0 : i32, i32
  }
}

</mosaic_0001>

<sc_bundles>
// kernel: kernel.11.cloned.1.call-start
scs
__scs_entry_jumppad:
0x0: {  	(pc) =	sbr.rel $0x88, $3  }
0x1: {  	(tag) =	ssettag $0x0;
	lr =	simm.s32 $0x1  }
0x2: {  	[smem:$0x3F92] =	sst lr;
	_ =	strace $0xD0000000  }
0x3: {  	_ = 	snop  }
0x4: {  	_ = 	snop  }
0x5: {  	_ = 	snop  }
0x6: {  	_ = 	snop  }
0x7: {  	_ = 	snop  }
__scs_overlays_trampoline_lowered:
0x8: {  	[smem:$0x3FA1] =	sst s0  }
0x9: {  	[smem:$0x3FA2] =	sst s1  }
0xa: {  	[smem:$0x3FA3] =	sst s2  }
0xb: {  	[smem:$0x3FA4] =	sst s3  }
0xc: {  	[smem:$0x3FA5] =	sst s4  }
0xd: {  	[smem:$0x3FA6] =	sst s5  }
0xe: {  	[smem:$0x3FA7] =	sst s6  }
0xf: {  	[smem:$0x3FA8] =	sst s7  }
0x10: {  	[smem:$0x3FA9] =	sst s8  }
0x11: {  	[smem:$0x3FAA] =	sst s9;
	s0 =	simm.s32 @!p0 $0x0  }
0x12: {  	s1 =	sld [smem:$0x3F90];
	s0 =	simm.s32 @p0 $0x1  }
0x13: {  	[smem:$0x3FAB] =	sst s0;
	s0 =	simm.s32 @!p1 $0x0  }
0x14: {  	s2 =	sld [smem:$0x3F8F];
	s0 =	simm.s32 @p1 $0x1  }
0x15: {  	[smem:$0x3FAC] =	sst s0;
	s0 =	simm.s32 @!p2 $0x0  }
0x16: {  	s3 =	sld [smem:$0x3FDB];
	s0 =	simm.s32 @p2 $0x1  }
0x17: {  	s4 =	simm.s32 $0x1BF5;
	[smem:$0x3FAE] =	sst s0  }
0x18: {  	s0 =	sld [smem:$0x3F91];
	_ =	swait.ge [sflag:s4], $0x0  }
0x19: {  	s7 =	sld [smem:$0x3F92]  }
0x1a: {  	s8 =	sadd.s32 $0xFFFFE003, lr  }
0x1b: {  	s9 =	sadd.s32 $0xFFFFFEF7, lr;
	s5 =	simm.s32 $0xFFFFFFFF;
	p2 =	slt.u32 s8, $0xFFFFF086  }
0x1c: {  	p1 =	slt.u32 s9, $0xF7A;
	s5 =	simm.s32 @!p2 $0x0  }
0x1d: {  	s5 =	simm.s32 @p1 $0x1;
	p0 =	seq.s32 s7, s2  }
0x1e: {  	s7 =	smul.u32 @!p0 $0xF7A, s2;
	p2 =	seq.s32 @!p0 s5, $0x0  }
0x1f: {  	s9 =	smul.u32 $0xF7A, s1;
	s8 =	simm.s32 @!p0 $0x1BF5;
	p2 =	por !p2, p0  }
0x20: {  	[sflag:s8] =	ssyncset.s32 @!p0 $0xFFFFF086;
	s6 =	sadd.s32 @!p0 s3, s7;
	s7 =	simm.s32 @!p0 $0x108  }
0x21: {  	s3 =	sadd.s32 s3, s9;
	s6 =	sadd.s32 @!p0 $0x88, s6;
	s7 =	simm.s32 @p2 $0x1082  }
0x22: {  	[simem:s7], [sflag:s8] =	dma.local @!p0 [hbm:s6], $0xF7A  }
0x23: {  	s9 =	sor.u32 $0xD0000000, s2;
	s6 =	simm.s32 $0x108;
	_ =	swait.ge @!p0 [sflag:s8], $0x0  }
0x24: {  	s3 =	sadd.s32 $0x88, s3;
	s6 =	simm.s32 @!p1 $0x1082;
	[sflag:s4] =	ssyncset.s32 $0xFFFFF086  }
0x25: {  	[simem:s6], [sflag:s4] =	dma.local [hbm:s3], $0xF7A  }
0x26: {  	[smem:$0x3F92] =	sst s1;
	(tag) =	ssettag s2;
	_ =	strace s9  }
0x27: {  	s1 =	sld [smem:$0x3FA2]  }
0x28: {  	s2 =	sld [smem:$0x3FA3]  }
0x29: {  	s4 =	sld [smem:$0x3FA5]  }
0x2a: {  	p0 =	seq.s32 s5, $0x0;
	s5 =	sld [smem:$0x3FA6]  }
0x2b: {  	s6 =	sld [smem:$0x3FA7]  }
0x2c: {  	s7 =	sld [smem:$0x3FA8]  }
0x2d: {  	s3 =	simm.s32 $0x108;
	s8 =	sld [smem:$0x3FA9]  }
0x2e: {  	s3 =	simm.s32 @!p0 $0x1082;
	s9 =	sld [smem:$0x3FAA]  }
0x2f: {  	lr =	sadd.s32 s0, s3;
	s0 =	sld [smem:$0x3FA1]  }
0x30: {  	s3 =	sld [smem:$0x3FA4]  }
0x31: {  	[smem:$0x3FAD] =	sst s10  }
0x32: {  	s10 =	sld [smem:$0x3FAB];
	_ =	sdelay $0x3  }
0x33: {  	p0 =	seq.s32 s10, $0x1;
	s10 =	sld [smem:$0x3FAD];
	_ =	sdelay $0x3  }
0x34: {  	[smem:$0x3FAD] =	sst s10  }
0x35: {  	s10 =	sld [smem:$0x3FAC];
	_ =	sdelay $0x3  }
0x36: {  	p1 =	seq.s32 s10, $0x1;
	s10 =	sld [smem:$0x3FAD];
	_ =	sdelay $0x3  }
0x37: {  	[smem:$0x3FAD] =	sst s10  }
0x38: {  	s10 =	sld [smem:$0x3FAE]  }
0x39: {  	_ = 	snop;
	(pc) =	sbr.ind lr, $3  }
0x3a: {  	_ = 	snop  }
0x3b: {  	_ = 	snop  }
0x3c: {  	p2 =	seq.s32 s10, $0x1;
	s10 =	sld [smem:$0x3FAD]  }
0x3d: {  	_ =	shalt  }
0x3e: {  	_ =	shalt  }
0x3f: {  	_ =	shalt  }
0x40: {  	_ =	shalt  }
0x41: {  	_ =	shalt  }
0x42: {  	_ =	shalt  }
0x43: {  	_ =	shalt  }
0x44: {  	_ =	shalt  }
0x45: {  	_ =	shalt  }
0x46: {  	_ =	shalt  }
0x47: {  	_ =	shalt  }
0x48: {  	_ =	shalt  }
0x49: {  	_ =	shalt  }
0x4a: {  	_ =	shalt  }
0x4b: {  	_ =	shalt  }
0x4c: {  	_ =	shalt  }
0x4d: {  	_ =	shalt  }
0x4e: {  	_ =	shalt  }
0x4f: {  	_ =	shalt  }
0x50: {  	_ =	shalt  }
0x51: {  	_ =	shalt  }
0x52: {  	_ =	shalt  }
0x53: {  	_ =	shalt  }
0x54: {  	_ =	shalt  }
0x55: {  	_ =	shalt  }
0x56: {  	_ =	shalt  }
0x57: {  	_ =	shalt  }
0x58: {  	_ =	shalt  }
0x59: {  	_ =	shalt  }
0x5a: {  	_ =	shalt  }
0x5b: {  	_ =	shalt  }
0x5c: {  	_ =	shalt  }
0x5d: {  	_ =	shalt  }
0x5e: {  	_ =	shalt  }
0x5f: {  	_ =	shalt  }
0x60: {  	_ =	shalt  }
0x61: {  	_ =	shalt  }
0x62: {  	_ =	shalt  }
0x63: {  	_ =	shalt  }
0x64: {  	_ =	shalt  }
0x65: {  	_ =	shalt  }
0x66: {  	_ =	shalt  }
0x67: {  	_ =	shalt  }
0x68: {  	_ =	shalt  }
0x69: {  	_ =	shalt  }
0x6a: {  	_ =	shalt  }
0x6b: {  	_ =	shalt  }
0x6c: {  	_ =	shalt  }
0x6d: {  	_ =	shalt  }
0x6e: {  	_ =	shalt  }
0x6f: {  	_ =	shalt  }
0x70: {  	_ =	shalt  }
0x71: {  	_ =	shalt  }
0x72: {  	_ =	shalt  }
0x73: {  	_ =	shalt  }
0x74: {  	_ =	shalt  }
0x75: {  	_ =	shalt  }
0x76: {  	_ =	shalt  }
0x77: {  	_ =	shalt  }
0x78: {  	_ =	shalt  }
0x79: {  	_ =	shalt  }
0x7a: {  	_ =	shalt  }
0x7b: {  	_ =	shalt  }
0x7c: {  	_ =	shalt  }
0x7d: {  	_ =	shalt  }
0x7e: {  	_ =	shalt  }
0x7f: {  	_ =	shalt  }
0x80: {  	_ =	shalt  }
0x81: {  	_ =	shalt  }
0x82: {  	_ =	shalt  }
0x83: {  	_ =	shalt  }
0x84: {  	_ =	shalt  }
0x85: {  	_ =	shalt  }
0x86: {  	_ =	shalt  }
0x87: {  	_ =	shalt  }
.Lfunc_end0:
.L_simem_size_0:
called_computation.1_lowered:
.L_overlay_start_0:
0x88: {  	s2 =	sld [smem:$0x3FD9]  }
0x89: {  	s3 =	sld [smem:$0x3FFE];
	_ =	sdelay $0x1  }
0x8a: {  	s1 =	srdreg.scid  }
0x8b: {  	s0 =	sand.u32 $0x1, s1  }
0x8c: {  	s14 =	sshll.u32 s0, $0xA;
	s2 =	sadd.s32 s3, s2  }
0x8d: {  	s2 =	sadd.s32 s2, s14  }
0x8e: {  	[smem:$0x3FB9] =	sst s2  }
0x8f: {  	_ = 	snop  }
0x90: {  	s2 =	sld [smem:$0x3FD0];
	_ =	sdelay $0x2  }
0x91: {  	s15 =	simm.s32 $0xA;
	s4 =	simm.s32 $0x10  }
0x92: {  	[smem:s4], [sflag:s15] =	dma.local [hbm:s2], $0x1  }
0x93: {  	_ =	swait.eq [sflag:s15], $0x1  }
0x94: {  	[sflag:s15] =	ssyncset.done $0x0  }
0x95: {  	[sflag:s15] =	ssyncadd.s32 $0xFFFFFFFF  }
0x96: {  	s16 =	sld [smem:$0x11];
	(tm) =	ssettm $0x1  }
0x97: {  	s17 =	sld [smem:$0x3FFB];
	_ =	sdelay $0x3  }
0x98: {  	_ =	strace s17  }
0x99: {  	s3 =	sld [smem:$0x3FFC];
	_ =	sdelay $0x3  }
0x9a: {  	_ =	strace s3  }
0x9b: {  	s3 =	sld [smem:$0x3FFD];
	_ =	sdelay $0x3  }
0x9c: {  	_ =	strace s3  }
0x9d: {  	_ =	strace $0x8FFFFFFF  }
0x9e: {  	s18 =	sld [smem:$0x3FDB];
	_ =	sdelay $0x1  }
0x9f: {  	s19 =	simm.s32 $_scs_section_size  }
0xa0: {  	s5 =	simm.s32 $_size__tile_overlayer_lowered;
	s6 =	simm.s32 $_tile_overlayer_lowered  }
0xa1: {  	s22 =	simm.s32 $0x1BFF;
	s21 =	sshll.u32 s6, $0x1;
	s3 =	sadd.s32 s19, s18  }
0xa2: {  	s7 =	simm.s32 $0x0;
	s20 =	sshll.u32 s5, $0x1;
	s5 =	sadd.s32 s21, s3  }
0xa3: {  	[timem:s7], [sflag:s22] =	dma.local [hbm:s5], s20  }
0xa4: {  	_ =	swait.ge [sflag:s22], s20  }
0xa5: {  	s4 =	ssub.s32 $0x0, s20;
	[sflag:s22] =	ssyncset.done $0x0  }
0xa6: {  	[sflag:s22] =	ssyncadd.s32 s4;
	_ =	sdelay $0x1  }
0xa7: {  	s23 =	simm.s32 $0x1B8B  }
0xa8: {  	_ =	swait.ge [sflag:s23], $0x1  }
0xa9: {  	[sflag:s23] =	ssyncset.done $0x0  }
0xaa: {  	s25 =	simm.s32 $0x1B8E;
	s24 =	sld [smem:$0x3FFE];
	[sflag:s23] =	ssyncadd.s32 $0xFFFFFFFF  }
0xab: {  	s26 =	simm.s32 $execute0_lowered;
	[smem:$0x3FD2] =	sst s25  }
0xac: {  	s5 =	sshll.u32 s26, $0x1;
	_ =	strace $0x80000049;
	[dreg:$0x1] =	wrdreg $0xFFFFFFFF  }
0xad: {  	s28 =	simm.s32 $_size_execute0_lowered;
	s3 =	sadd.s32 s3, s5;
	[dreg:$0x0] =	wrdreg $0x0  }
0xae: {  	s5 =	sshll.u32 s28, $0x1;
	[dreg:$0x2] =	wrdreg s3  }
0xaf: {  	[dreg:$0x3] =	wrdreg s5  }
0xb0: {  	[dreg:$0x4] =	wrdreg $0xC0  }
0xb1: {  	_ =	task [dreg:s7], $0x5FFFF  }
0xb2: {  	[dreg:$0x1] =	wrdreg $0xFFFFFFFF  }
0xb3: {  	[dreg:$0x0] =	wrdreg $0x60  }
0xb4: {  	[dreg:$0x2] =	wrdreg s24  }
0xb5: {  	[dreg:$0x3] =	wrdreg s16  }
0xb6: {  	[dreg:$0x4] =	wrdreg $0x20000  }
0xb7: {  	[dreg:$0x5] =	wrdreg $0x38800  }
0xb8: {  	[dreg:$0x6] =	wrdreg $0x9  }
0xb9: {  	_ =	task.clear_ibuf [dreg:s7], $0x7FFFF;
	_ =	strace $0x90000049  }
0xba: {  	s29 =	simm.s32 $0x9;
	_ =	strace $0x8000004B  }
0xbb: {  	_ =	swait.ge [sflag:s29], $0x1  }
0xbc: {  	[sflag:s29] =	ssyncadd.s32 $0xFFFFFFFF  }
0xbd: {  	_ =	strace $0x9000004B  }
0xbe: {  	_ =	sfence  }
0xbf: {  	s30 =	sld [smem:$0x0];
	_ =	sdelay $0x2  }
0xc0: {  	s31 =	sshll.u32 s1, $0xD;
	s1 =	sshrl.u32 s1, $0x2  }
0xc1: {  	s3 =	sand.u32 $0x4000, s31;
	s1 =	sadd.s32 s1, s30  }
0xc2: {  	s0 =	sor.u32 s3, s0;
	s1 =	sshll.u32 s1, $0x11  }
0xc3: {  	s0 =	sor.u32 s1, s0  }
0xc4: {  	s0 =	sadd.s32 $0x8F2B, s0  }
0xc5: {  	[sflag:s0] =	ssyncadd.remote.s32 $0x1  }
0xc6: {  	_ =	sfence.sel $0xFFFF  }
0xc7: {  	[dreg:$0x0] =	wrdreg $0xFFFFFFFF;
	(pc) =	sbr.abs _section_cstart, $3  }
0xc8: {  	[dreg:$0x1] =	wrdreg $0xFFFFFFFF  }
0xc9: {  	_ =	task.clear_ibuf [dreg:s7], $0x2FFFF;
	_ =	strace $0x9FFFFFFF  }
0xca: {  	(tm) =	ssettm $0x7FFFFFFF  }
0xcb: {  	_ =	shalt  }
tec
execute0_lowered:
.L_overlay_start_1:
0x0: {  	(tag) =	ssettag $0x1  }
0x1: {  	s0 =	rddreg [dreg:$0x0]  }
0x2: {  	s1 =	rddreg [dreg:$0x1]  }
0x3: {  	s2 =	rddreg [dreg:$0x2]  }
0x4: {  	s3 =	rddreg [dreg:$0x3];
	s4 =	simm.s32 $0x0;
	s18 =	stileid.u32  }
0x5: {  	s5 =	srdreg.scid;
	s20 =	simm.s32 $0x80;
	s29 =	simm.s32 $0x180  }
0x6: {  	s21 =	simm.s32 $0x280;
	s30 =	simm.s32 $0x380;
	s19 =	simm.s32 $0x2  }
0x7: {  	s22 =	simm.s32 $0x3;
	s23 =	simm.s32 $0x0;
	[smem:$0x7FF] =	sst s4  }
0x8: {  	s9 =	smul.u32 $0x1880, s18;
	s7 =	sand.u32 $0x1, s5;
	s10 =	sadd.s32 $0x65E00, s0  }
0x9: {  	s14 =	sadd.s32 $0x3E00, s0;
	s5 =	sadd.s32 $0xCE200, s0;
	s6 =	sadd.s32 $0xCB000, s0  }
0xa: {  	s24 =	sshll.u32 s18, $0x1;
	s17 =	smul.u32 $0x31000, s18;
	s25 =	sshll.u32 s18, $0x6  }
0xb: {  	_ =	strace $0x8000004A;
	s11 =	smul.u32 $0x18800, s7;
	s13 =	ssub.s32 $0x2, s7  }
0xc: {  	s8 =	sshrl.u32 s9, $0x3;
	s15 =	sshrl.u32 s13, $0x1;
	s16 =	sadd.s32 s9, s2  }
0xd: {  	s12 =	sadd.s32 s9, s11;
	s8 =	sadd.s32 s8, s0;
	s13 =	ssub.s32 s13, s15  }
0xe: {  	s15 =	sor.u32 s7, s24;
	s9 =	sadd.s32 s9, s3;
	s11 =	sadd.s32 s11, s17  }
0xf: {  	s16 =	sshrl.u32 s16, $0x3;
	s17 =	simm.s32 $0x4;
	s24 =	simm.s32 $0x300  }
0x10: {  	s12 =	sshrl.u32 s12, $0x3;
	s7 =	sadd.s32 $0xC7E00, s8;
	s15 =	smul.u32 $0x3100, s15  }
0x11: {  	s8 =	sor.u32 $0x1C04, s25;
	s28 =	sor.u32 $0x400, s11;
	s13 =	smax.u32 s13, $0x1  }
0x12: {  	s18 =	sshrl.u32 s9, $0x3;
	s25 =	simm.s32 $0x100;
	s1 =	sadd.s32 s1, s12  }
0x13: {  	s0 =	sadd.s32 s12, s0;
	s26 =	sadd.s32 s10, s15;
	[dreg:$0x7] =	wrdreg s1  }
0x14: {  	s31 =	sshrl.u32 s28, $0x3;
	s15 =	sadd.s32 s14, s15;
	[dreg:$0x5] =	wrdreg s26  }
0x15: {  	s0 =	sadd.s32 $0xD1400, s0;
	s14 =	sadd.s32 s31, s14;
	[dreg:$0x6] =	wrdreg s15  }
0x16: {  	[dreg:$0x8] =	wrdreg s0;
	s15 =	sadd.s32 s31, s10;
	s0 =	simm.s32 $0x200  }
.LBB2_1:
0x17: {  	[spmem:s16], [sflag:s8] =	dma.local [hbm:s7], $0x310  }
0x18: {  	_ =	swait.ge [sflag:s17], $0x310  }
0x19: {  	[sflag:s17] =	ssyncset.done $0x0  }
0x1a: {  	[sflag:s17] =	ssyncadd.s32 $0xFFFFFCF0  }
0x1b: {  	[spmem:s18], [sflag:s8] =	dma.local [hbm:s7], $0x310  }
0x1c: {  	_ =	swait.ge [sflag:s17], $0x310  }
0x1d: {  	[sflag:s17] =	ssyncset.done $0x0  }
0x1e: {  	[sflag:s17] =	ssyncadd.s32 $0xFFFFFCF0  }
0x1f: {  	[bflag:$0x0] =	sbarrier.arrive $0xFFFF  }
0x20: {  	s1 =	rddreg [dreg:$0x5]  }
0x21: {  	[tilespmem:s4], [sflag:$0x4] =	stream.linear.gather [hbm4b:s1+s4], $0x400, $0x38;
	[tilespmem:$0x5100] =	vst v63  }
0x22: {  	_ =	swait.ge [sflag:s17], $0x400  }
0x23: {  	[sflag:s17] =	ssyncset.done $0x0  }
0x24: {  	s9 =	simm.s32 $0x800;
	s10 =	rddreg [dreg:$0x6];
	[sflag:s17] =	ssyncadd.s32 $0xFFFFFC00  }
0x25: {  	[tilespmem:s9], [sflag:$0x4] =	stream.linear.gather [hbm4b:s10+s4], $0x400, $0x38;
	[tilespmem:$0x5100] =	vst v63  }
0x26: {  	_ =	swait.ge [sflag:s17], $0x400  }
0x27: {  	[sflag:s17] =	ssyncset.done $0x0  }
0x28: {  	s11 =	simm.s32 $0x1000;
	[sflag:s17] =	ssyncadd.s32 $0xFFFFFC00  }
0x29: {  	[tilespmem:s11], [sflag:$0x2] =	stream.indirect.gather [hbm4b:s5+s20], $0x1, s4, s20, $0xb8;
	[tilespmem:$0x5100] =	vst v63  }
0x2a: {  	s12 =	simm.s32 $0x1800  }
0x2b: {  	[tilespmem:s12], [sflag:$0x2] =	stream.indirect.gather [hbm4b:s6+s20], $0x1, s4, s20, $0xb8;
	[tilespmem:$0x5100] =	vst v63  }
0x2c: {  	s26 =	simm.s32 $0x1080  }
0x2d: {  	[tilespmem:s26], [sflag:$0x2] =	stream.indirect.gather [hbm4b:s5+s20], $0x1, s20, s20, $0xb8;
	[tilespmem:$0x5100] =	vst v63  }
0x2e: {  	s9 =	simm.s32 $0x1880  }
0x2f: {  	[tilespmem:s9], [sflag:$0x2] =	stream.indirect.gather [hbm4b:s6+s20], $0x1, s20, s20, $0xb8;
	[tilespmem:$0x5100] =	vst v63  }
0x30: {  	s10 =	simm.s32 $0x1100  }
0x31: {  	[tilespmem:s10], [sflag:$0x2] =	stream.indirect.gather [hbm4b:s5+s20], $0x1, s25, s20, $0xb8;
	[tilespmem:$0x5100] =	vst v63  }
0x32: {  	s11 =	simm.s32 $0x1900  }
0x33: {  	[tilespmem:s11], [sflag:$0x2] =	stream.indirect.gather [hbm4b:s6+s20], $0x1, s25, s20, $0xb8;
	[tilespmem:$0x5100] =	vst v63  }
0x34: {  	s12 =	simm.s32 $0x1180  }
0x35: {  	[tilespmem:s12], [sflag:$0x2] =	stream.indirect.gather [hbm4b:s5+s20], $0x1, s29, s20, $0xb8;
	[tilespmem:$0x5100] =	vst v63  }
0x36: {  	s26 =	simm.s32 $0x1980  }
0x37: {  	[tilespmem:s26], [sflag:$0x2] =	stream.indirect.gather [hbm4b:s6+s20], $0x1, s29, s20, $0xb8;
	[tilespmem:$0x5100] =	vst v63  }
0x38: {  	s9 =	simm.s32 $0x1200  }
0x39: {  	[tilespmem:s9], [sflag:$0x2] =	stream.indirect.gather [hbm4b:s5+s20], $0x1, s0, s20, $0xb8;
	[tilespmem:$0x5100] =	vst v63  }
0x3a: {  	s10 =	simm.s32 $0x1A00  }
0x3b: {  	[tilespmem:s10], [sflag:$0x2] =	stream.indirect.gather [hbm4b:s6+s20], $0x1, s0, s20, $0xb8;
	[tilespmem:$0x5100] =	vst v63  }
0x3c: {  	s11 =	simm.s32 $0x1280  }
0x3d: {  	[tilespmem:s11], [sflag:$0x2] =	stream.indirect.gather [hbm4b:s5+s20], $0x1, s21, s20, $0xb8;
	[tilespmem:$0x5100] =	vst v63  }
0x3e: {  	s12 =	simm.s32 $0x1A80  }
0x3f: {  	[tilespmem:s12], [sflag:$0x2] =	stream.indirect.gather [hbm4b:s6+s20], $0x1, s21, s20, $0xb8;
	[tilespmem:$0x5100] =	vst v63  }
0x40: {  	s26 =	simm.s32 $0x1300  }
0x41: {  	[tilespmem:s26], [sflag:$0x2] =	stream.indirect.gather [hbm4b:s5+s20], $0x1, s24, s20, $0xb8;
	[tilespmem:$0x5100] =	vst v63  }
0x42: {  	s9 =	simm.s32 $0x1B00  }
0x43: {  	[tilespmem:s9], [sflag:$0x2] =	stream.indirect.gather [hbm4b:s6+s20], $0x1, s24, s20, $0xb8;
	[tilespmem:$0x5100] =	vst v63  }
0x44: {  	s10 =	simm.s32 $0x1380;
	s12 =	sand.u32 $0x1, s4  }
0x45: {  	[tilespmem:s10], [sflag:$0x2] =	stream.indirect.gather [hbm4b:s5+s20], $0x1, s30, s20, $0xb8;
	[tilespmem:$0x5100] =	vst v63  }
0x46: {  	p0 =	por $0x0, $0x0;
	s11 =	simm.s32 $0x1B80;
	s1 =	sxor.u32 $0x1, s12  }
0x47: {  	[tilespmem:s11], [sflag:$0x2] =	stream.indirect.gather [hbm4b:s6+s20], $0x1, s30, s20, $0xb8;
	[tilespmem:$0x5100] =	vst v63  }
0x48: {  	s1 =	sshll.u32 @!p0 s1, $0xA;
	s10 =	simm.s32 @!p0 $0x0  }
0x49: {  	[tilespmem:s1], [sflag:$0x1] =	stream.linear.gather @!p0 [hbm4b:s15+s10], $0x400, $0x38;
	[tilespmem:$0x5100] =	vst v63  }
0x4a: {  	s26 =	sor.u32 @!p0 $0x800, s1  }
0x4b: {  	[tilespmem:s26], [sflag:$0x1] =	stream.linear.gather @!p0 [hbm4b:s14+s10], $0x400, $0x38;
	[tilespmem:$0x5100] =	vst v63  }
0x4c: {  	_ =	swait.ge [sflag:s19], $0x80  }
0x4d: {  	[sflag:s19] =	ssyncset.done $0x0  }
0x4e: {  	[sflag:s19] =	ssyncadd.s32 $0xFFFFFF80  }
0x4f: {  	_ =	swait.ge [sflag:s19], $0x80  }
0x50: {  	[sflag:s19] =	ssyncset.done $0x0  }
0x51: {  	[sflag:s19] =	ssyncadd.s32 $0xFFFFFF80  }
0x52: {  	_ =	swait.ge [sflag:s19], $0x80  }
0x53: {  	[sflag:s19] =	ssyncset.done $0x0  }
0x54: {  	[sflag:s19] =	ssyncadd.s32 $0xFFFFFF80  }
0x55: {  	_ =	swait.ge [sflag:s19], $0x80  }
0x56: {  	[sflag:s19] =	ssyncset.done $0x0  }
0x57: {  	[sflag:s19] =	ssyncadd.s32 $0xFFFFFF80  }
0x58: {  	_ =	swait.ge [sflag:s19], $0x80  }
0x59: {  	[sflag:s19] =	ssyncset.done $0x0  }
0x5a: {  	[sflag:s19] =	ssyncadd.s32 $0xFFFFFF80  }
0x5b: {  	_ =	swait.ge [sflag:s19], $0x80  }
0x5c: {  	[sflag:s19] =	ssyncset.done $0x0  }
0x5d: {  	[sflag:s19] =	ssyncadd.s32 $0xFFFFFF80  }
0x5e: {  	_ =	swait.ge [sflag:s19], $0x80  }
0x5f: {  	[sflag:s19] =	ssyncset.done $0x0  }
0x60: {  	[sflag:s19] =	ssyncadd.s32 $0xFFFFFF80  }
0x61: {  	_ =	swait.ge [sflag:s19], $0x80  }
0x62: {  	[sflag:s19] =	ssyncset.done $0x0  }
0x63: {  	[sflag:s19] =	ssyncadd.s32 $0xFFFFFF80  }
0x64: {  	_ =	swait.ge [sflag:s19], $0x80  }
0x65: {  	[sflag:s19] =	ssyncset.done $0x0  }
0x66: {  	[sflag:s19] =	ssyncadd.s32 $0xFFFFFF80  }
0x67: {  	_ =	swait.ge [sflag:s19], $0x80  }
0x68: {  	[sflag:s19] =	ssyncset.done $0x0  }
0x69: {  	[sflag:s19] =	ssyncadd.s32 $0xFFFFFF80  }
0x6a: {  	_ =	swait.ge [sflag:s19], $0x80  }
0x6b: {  	[sflag:s19] =	ssyncset.done $0x0  }
0x6c: {  	[sflag:s19] =	ssyncadd.s32 $0xFFFFFF80  }
0x6d: {  	_ =	swait.ge [sflag:s19], $0x80  }
0x6e: {  	[sflag:s19] =	ssyncset.done $0x0  }
0x6f: {  	[sflag:s19] =	ssyncadd.s32 $0xFFFFFF80  }
0x70: {  	_ =	swait.ge [sflag:s19], $0x80  }
0x71: {  	[sflag:s19] =	ssyncset.done $0x0  }
0x72: {  	[sflag:s19] =	ssyncadd.s32 $0xFFFFFF80  }
0x73: {  	_ =	swait.ge [sflag:s19], $0x80  }
0x74: {  	[sflag:s19] =	ssyncset.done $0x0  }
0x75: {  	[sflag:s19] =	ssyncadd.s32 $0xFFFFFF80  }
0x76: {  	_ =	swait.ge [sflag:s19], $0x80  }
0x77: {  	[sflag:s19] =	ssyncset.done $0x0  }
0x78: {  	[sflag:s19] =	ssyncadd.s32 $0xFFFFFF80  }
0x79: {  	_ =	swait.ge [sflag:s19], $0x80  }
0x7a: {  	s9 =	sshll.u32 s12, $0xA;
	[sflag:s19] =	ssyncset.done $0x0  }
0x7b: {  	s11 =	sor.u32 $0x800, s9;
	s26 =	sor.u32 $0x1000, s9;
	[sflag:s19] =	ssyncadd.s32 $0xFFFFFF80  }
0x7c: {  	[spmem:s2] =	stream.indirect.scatter.add.f32 [tilespmem:s26], [sflag:$0x3], $0x1, s11, s20, $0xb8;
	[tilespmem:$0x5100] =	vst v63  }
0x7d: {  	s12 =	sor.u32 $0x1800, s9  }
0x7e: {  	[spmem:s3] =	stream.indirect.scatter.add.f32 [tilespmem:s12], [sflag:$0x3], $0x1, s11, s20, $0xb8;
	[tilespmem:$0x5100] =	vst v63  }
0x7f: {  	s26 =	sor.u32 $0x1080, s9;
	s11 =	sor.u32 $0x880, s9  }
0x80: {  	[spmem:s2] =	stream.indirect.scatter.add.f32 [tilespmem:s26], [sflag:$0x3], $0x1, s11, s20, $0xb8;
	[tilespmem:$0x5100] =	vst v63  }
0x81: {  	s12 =	sor.u32 $0x1880, s9  }
0x82: {  	[spmem:s3] =	stream.indirect.scatter.add.f32 [tilespmem:s12], [sflag:$0x3], $0x1, s11, s20, $0xb8;
	[tilespmem:$0x5100] =	vst v63  }
0x83: {  	s26 =	sor.u32 $0x1100, s9;
	s11 =	sor.u32 $0x900, s9  }
0x84: {  	[spmem:s2] =	stream.indirect.scatter.add.f32 [tilespmem:s26], [sflag:$0x3], $0x1, s11, s20, $0xb8;
	[tilespmem:$0x5100] =	vst v63  }
0x85: {  	s12 =	sor.u32 $0x1900, s9  }
0x86: {  	[spmem:s3] =	stream.indirect.scatter.add.f32 [tilespmem:s12], [sflag:$0x3], $0x1, s11, s20, $0xb8;
	[tilespmem:$0x5100] =	vst v63  }
0x87: {  	s26 =	sor.u32 $0x1180, s9;
	s11 =	sor.u32 $0x980, s9  }
0x88: {  	[spmem:s2] =	stream.indirect.scatter.add.f32 [tilespmem:s26], [sflag:$0x3], $0x1, s11, s20, $0xb8;
	[tilespmem:$0x5100] =	vst v63  }
0x89: {  	s12 =	sor.u32 $0x1980, s9  }
0x8a: {  	[spmem:s3] =	stream.indirect.scatter.add.f32 [tilespmem:s12], [sflag:$0x3], $0x1, s11, s20, $0xb8;
	[tilespmem:$0x5100] =	vst v63  }
0x8b: {  	s26 =	sor.u32 $0x1200, s9;
	s11 =	sor.u32 $0xA00, s9  }
0x8c: {  	[spmem:s2] =	stream.indirect.scatter.add.f32 [tilespmem:s26], [sflag:$0x3], $0x1, s11, s20, $0xb8;
	[tilespmem:$0x5100] =	vst v63  }
0x8d: {  	s12 =	sor.u32 $0x1A00, s9  }
0x8e: {  	[spmem:s3] =	stream.indirect.scatter.add.f32 [tilespmem:s12], [sflag:$0x3], $0x1, s11, s20, $0xb8;
	[tilespmem:$0x5100] =	vst v63  }
0x8f: {  	s26 =	sor.u32 $0x1280, s9;
	s11 =	sor.u32 $0xA80, s9  }
0x90: {  	[spmem:s2] =	stream.indirect.scatter.add.f32 [tilespmem:s26], [sflag:$0x3], $0x1, s11, s20, $0xb8;
	[tilespmem:$0x5100] =	vst v63  }
0x91: {  	s12 =	sor.u32 $0x1A80, s9  }
0x92: {  	[spmem:s3] =	stream.indirect.scatter.add.f32 [tilespmem:s12], [sflag:$0x3], $0x1, s11, s20, $0xb8;
	[tilespmem:$0x5100] =	vst v63  }
0x93: {  	s26 =	sor.u32 $0x1300, s9;
	s11 =	sor.u32 $0xB00, s9  }
0x94: {  	[spmem:s2] =	stream.indirect.scatter.add.f32 [tilespmem:s26], [sflag:$0x3], $0x1, s11, s20, $0xb8;
	[tilespmem:$0x5100] =	vst v63  }
0x95: {  	s12 =	sor.u32 $0x1B00, s9  }
0x96: {  	[spmem:s3] =	stream.indirect.scatter.add.f32 [tilespmem:s12], [sflag:$0x3], $0x1, s11, s20, $0xb8;
	[tilespmem:$0x5100] =	vst v63  }
0x97: {  	s11 =	sor.u32 $0x1380, s9;
	s12 =	sor.u32 $0xB80, s9  }
0x98: {  	[spmem:s2] =	stream.indirect.scatter.add.f32 [tilespmem:s11], [sflag:$0x3], $0x1, s12, s20, $0xb8;
	[tilespmem:$0x5100] =	vst v63  }
0x99: {  	s10 =	simm.s32 @!p0 $0x1;
	s9 =	sor.u32 $0x1B80, s9  }
0x9a: {  	[spmem:s3] =	stream.indirect.scatter.add.f32 [tilespmem:s9], [sflag:$0x3], $0x1, s12, s20, $0xb8;
	[tilespmem:$0x5100] =	vst v63  }
0x9b: {  	_ =	swait.ge @!p0 [sflag:s10], $0x400  }
0x9c: {  	[sflag:s10] =	ssyncset.done @!p0 $0x0  }
0x9d: {  	[sflag:s10] =	ssyncadd.s32 @!p0 $0xFFFFFC00  }
0x9e: {  	_ =	swait.ge @!p0 [sflag:s10], $0x400  }
0x9f: {  	[sflag:s10] =	ssyncset.done @!p0 $0x0  }
0xa0: {  	s9 =	sor.u32 @!p0 $0x1000, s1;
	[sflag:s10] =	ssyncadd.s32 @!p0 $0xFFFFFC00;
	s10 =	simm.s32 @!p0 $0x80  }
0xa1: {  	[tilespmem:s9], [sflag:$0x2] =	stream.indirect.gather @!p0 [hbm4b:s5+s10], $0x1, s1, s10, $0xb8;
	[tilespmem:$0x5100] =	vst v63  }
0xa2: {  	s9 =	sor.u32 @!p0 $0x1800, s1  }
0xa3: {  	[tilespmem:s9], [sflag:$0x2] =	stream.indirect.gather @!p0 [hbm4b:s6+s10], $0x1, s1, s10, $0xb8;
	[tilespmem:$0x5100] =	vst v63  }
0xa4: {  	s26 =	sor.u32 @!p0 $0x80, s1;
	s9 =	sor.u32 @!p0 $0x1080, s1  }
0xa5: {  	[tilespmem:s9], [sflag:$0x2] =	stream.indirect.gather @!p0 [hbm4b:s5+s10], $0x1, s26, s10, $0xb8;
	[tilespmem:$0x5100] =	vst v63  }
0xa6: {  	s9 =	sor.u32 @!p0 $0x1880, s1  }
0xa7: {  	[tilespmem:s9], [sflag:$0x2] =	stream.indirect.gather @!p0 [hbm4b:s6+s10], $0x1, s26, s10, $0xb8;
	[tilespmem:$0x5100] =	vst v63  }
0xa8: {  	s9 =	sor.u32 @!p0 $0x1100, s1;
	s26 =	sor.u32 @!p0 $0x100, s1  }
0xa9: {  	[tilespmem:s9], [sflag:$0x2] =	stream.indirect.gather @!p0 [hbm4b:s5+s10], $0x1, s26, s10, $0xb8;
	[tilespmem:$0x5100] =	vst v63  }
0xaa: {  	s9 =	sor.u32 @!p0 $0x1900, s1  }
0xab: {  	[tilespmem:s9], [sflag:$0x2] =	stream.indirect.gather @!p0 [hbm4b:s6+s10], $0x1, s26, s10, $0xb8;
	[tilespmem:$0x5100] =	vst v63  }
0xac: {  	s9 =	sor.u32 @!p0 $0x1180, s1;
	s26 =	sor.u32 @!p0 $0x180, s1  }
0xad: {  	[tilespmem:s9], [sflag:$0x2] =	stream.indirect.gather @!p0 [hbm4b:s5+s10], $0x1, s26, s10, $0xb8;
	[tilespmem:$0x5100] =	vst v63  }
0xae: {  	s9 =	sor.u32 @!p0 $0x1980, s1  }
0xaf: {  	[tilespmem:s9], [sflag:$0x2] =	stream.indirect.gather @!p0 [hbm4b:s6+s10], $0x1, s26, s10, $0xb8;
	[tilespmem:$0x5100] =	vst v63  }
0xb0: {  	s9 =	sor.u32 @!p0 $0x1200, s1;
	s26 =	sor.u32 @!p0 $0x200, s1  }
0xb1: {  	[tilespmem:s9], [sflag:$0x2] =	stream.indirect.gather @!p0 [hbm4b:s5+s10], $0x1, s26, s10, $0xb8;
	[tilespmem:$0x5100] =	vst v63  }
0xb2: {  	s9 =	sor.u32 @!p0 $0x1A00, s1  }
0xb3: {  	[tilespmem:s9], [sflag:$0x2] =	stream.indirect.gather @!p0 [hbm4b:s6+s10], $0x1, s26, s10, $0xb8;
	[tilespmem:$0x5100] =	vst v63  }
0xb4: {  	s9 =	sor.u32 @!p0 $0x1280, s1;
	s26 =	sor.u32 @!p0 $0x280, s1  }
0xb5: {  	[tilespmem:s9], [sflag:$0x2] =	stream.indirect.gather @!p0 [hbm4b:s5+s10], $0x1, s26, s10, $0xb8;
	[tilespmem:$0x5100] =	vst v63  }
0xb6: {  	s9 =	sor.u32 @!p0 $0x1A80, s1  }
0xb7: {  	[tilespmem:s9], [sflag:$0x2] =	stream.indirect.gather @!p0 [hbm4b:s6+s10], $0x1, s26, s10, $0xb8;
	[tilespmem:$0x5100] =	vst v63  }
0xb8: {  	s9 =	sor.u32 @!p0 $0x1300, s1;
	s26 =	sor.u32 @!p0 $0x300, s1  }
0xb9: {  	[tilespmem:s9], [sflag:$0x2] =	stream.indirect.gather @!p0 [hbm4b:s5+s10], $0x1, s26, s10, $0xb8;
	[tilespmem:$0x5100] =	vst v63  }
0xba: {  	s9 =	sor.u32 @!p0 $0x1B00, s1  }
0xbb: {  	[tilespmem:s9], [sflag:$0x2] =	stream.indirect.gather @!p0 [hbm4b:s6+s10], $0x1, s26, s10, $0xb8;
	[tilespmem:$0x5100] =	vst v63  }
0xbc: {  	s9 =	sor.u32 @!p0 $0x1380, s1;
	s26 =	sor.u32 @!p0 $0x380, s1  }
0xbd: {  	[tilespmem:s9], [sflag:$0x2] =	stream.indirect.gather @!p0 [hbm4b:s5+s10], $0x1, s26, s10, $0xb8;
	[tilespmem:$0x5100] =	vst v63  }
0xbe: {  	s1 =	sor.u32 @!p0 $0x1B80, s1  }
0xbf: {  	[tilespmem:s1], [sflag:$0x2] =	stream.indirect.gather @!p0 [hbm4b:s6+s10], $0x1, s26, s10, $0xb8;
	[tilespmem:$0x5100] =	vst v63  }
0xc0: {  	_ =	swait.ge [sflag:s22], $0x80  }
0xc1: {  	[sflag:s22] =	ssyncset.done $0x0  }
0xc2: {  	[sflag:s22] =	ssyncadd.s32 $0xFFFFFF80  }
0xc3: {  	_ =	swait.ge [sflag:s22], $0x80  }
0xc4: {  	[sflag:s22] =	ssyncset.done $0x0  }
0xc5: {  	[sflag:s22] =	ssyncadd.s32 $0xFFFFFF80  }
0xc6: {  	_ =	swait.ge [sflag:s22], $0x80  }
0xc7: {  	[sflag:s22] =	ssyncset.done $0x0  }
0xc8: {  	[sflag:s22] =	ssyncadd.s32 $0xFFFFFF80  }
0xc9: {  	_ =	swait.ge [sflag:s22], $0x80  }
0xca: {  	[sflag:s22] =	ssyncset.done $0x0  }
0xcb: {  	[sflag:s22] =	ssyncadd.s32 $0xFFFFFF80  }
0xcc: {  	_ =	swait.ge [sflag:s22], $0x80  }
0xcd: {  	[sflag:s22] =	ssyncset.done $0x0  }
0xce: {  	[sflag:s22] =	ssyncadd.s32 $0xFFFFFF80  }
0xcf: {  	_ =	swait.ge [sflag:s22], $0x80  }
0xd0: {  	[sflag:s22] =	ssyncset.done $0x0  }
0xd1: {  	[sflag:s22] =	ssyncadd.s32 $0xFFFFFF80  }
0xd2: {  	_ =	swait.ge [sflag:s22], $0x80  }
0xd3: {  	[sflag:s22] =	ssyncset.done $0x0  }
0xd4: {  	[sflag:s22] =	ssyncadd.s32 $0xFFFFFF80  }
0xd5: {  	_ =	swait.ge [sflag:s22], $0x80  }
0xd6: {  	[sflag:s22] =	ssyncset.done $0x0  }
0xd7: {  	[sflag:s22] =	ssyncadd.s32 $0xFFFFFF80  }
0xd8: {  	_ =	swait.ge [sflag:s22], $0x80  }
0xd9: {  	[sflag:s22] =	ssyncset.done $0x0  }
0xda: {  	[sflag:s22] =	ssyncadd.s32 $0xFFFFFF80  }
0xdb: {  	_ =	swait.ge [sflag:s22], $0x80  }
0xdc: {  	[sflag:s22] =	ssyncset.done $0x0  }
0xdd: {  	[sflag:s22] =	ssyncadd.s32 $0xFFFFFF80  }
0xde: {  	_ =	swait.ge [sflag:s22], $0x80  }
0xdf: {  	[sflag:s22] =	ssyncset.done $0x0  }
0xe0: {  	[sflag:s22] =	ssyncadd.s32 $0xFFFFFF80  }
0xe1: {  	_ =	swait.ge [sflag:s22], $0x80  }
0xe2: {  	[sflag:s22] =	ssyncset.done $0x0  }
0xe3: {  	[sflag:s22] =	ssyncadd.s32 $0xFFFFFF80  }
0xe4: {  	_ =	swait.ge [sflag:s22], $0x80  }
0xe5: {  	[sflag:s22] =	ssyncset.done $0x0  }
0xe6: {  	[sflag:s22] =	ssyncadd.s32 $0xFFFFFF80  }
0xe7: {  	_ =	swait.ge [sflag:s22], $0x80  }
0xe8: {  	[sflag:s22] =	ssyncset.done $0x0  }
0xe9: {  	[sflag:s22] =	ssyncadd.s32 $0xFFFFFF80  }
0xea: {  	_ =	swait.ge [sflag:s22], $0x80  }
0xeb: {  	s31 =	simm.s32 $0x2;
	s11 =	simm.s32 $0x1;
	[sflag:s22] =	ssyncset.done $0x0  }
0xec: {  	s28 =	sadd.s32 $0x80, s15;
	s12 =	sand.u32 $0x1, s11;
	[sflag:s22] =	ssyncadd.s32 $0xFFFFFF80  }
0xed: {  	s9 =	sshll.u32 s12, $0xA;
	s26 =	sadd.s32 $0x80, s14;
	_ =	swait.ge [sflag:s22], $0x80  }
0xee: {  	p0 =	por $0x0, $0x0;
	s1 =	sxor.u32 $0x1, s12;
	[sflag:s22] =	ssyncset.done $0x0  }
.LBB2_2:
0xef: {  	s10 =	sshll.u32 @!p0 s1, $0xA;
	s11 =	simm.s32 @!p0 $0x0;
	[sflag:s22] =	ssyncadd.s32 $0xFFFFFF80  }
0xf0: {  	[tilespmem:s10], [sflag:$0x1] =	stream.linear.gather @!p0 [hbm4b:s28+s11], $0x400, $0x38;
	[tilespmem:$0x5100] =	vst v63  }
0xf1: {  	s1 =	smov.u32 s31;
	s31 =	sadd.s32 $0x1, s31;
	s12 =	sor.u32 @!p0 $0x800, s10  }
0xf2: {  	[tilespmem:s12], [sflag:$0x1] =	stream.linear.gather @!p0 [hbm4b:s26+s11], $0x400, $0x38;
	[tilespmem:$0x5100] =	vst v63  }
0xf3: {  	p1 =	sne.s32 s31, $0x62;
	_ =	swait.ge [sflag:s19], $0x80  }
0xf4: {  	[sflag:s19] =	ssyncset.done $0x0  }
0xf5: {  	[sflag:s19] =	ssyncadd.s32 $0xFFFFFF80  }
0xf6: {  	_ =	swait.ge [sflag:s19], $0x80  }
0xf7: {  	[sflag:s19] =	ssyncset.done $0x0  }
0xf8: {  	[sflag:s19] =	ssyncadd.s32 $0xFFFFFF80  }
0xf9: {  	_ =	swait.ge [sflag:s19], $0x80  }
0xfa: {  	[sflag:s19] =	ssyncset.done $0x0  }
0xfb: {  	[sflag:s19] =	ssyncadd.s32 $0xFFFFFF80  }
0xfc: {  	_ =	swait.ge [sflag:s19], $0x80  }
0xfd: {  	[sflag:s19] =	ssyncset.done $0x0  }
0xfe: {  	[sflag:s19] =	ssyncadd.s32 $0xFFFFFF80  }
0xff: {  	_ =	swait.ge [sflag:s19], $0x80  }
0x100: {  	[sflag:s19] =	ssyncset.done $0x0  }
0x101: {  	[sflag:s19] =	ssyncadd.s32 $0xFFFFFF80  }
0x102: {  	_ =	swait.ge [sflag:s19], $0x80  }
0x103: {  	[sflag:s19] =	ssyncset.done $0x0  }
0x104: {  	[sflag:s19] =	ssyncadd.s32 $0xFFFFFF80  }
0x105: {  	_ =	swait.ge [sflag:s19], $0x80  }
0x106: {  	[sflag:s19] =	ssyncset.done $0x0  }
0x107: {  	[sflag:s19] =	ssyncadd.s32 $0xFFFFFF80  }
0x108: {  	_ =	swait.ge [sflag:s19], $0x80  }
0x109: {  	[sflag:s19] =	ssyncset.done $0x0  }
0x10a: {  	[sflag:s19] =	ssyncadd.s32 $0xFFFFFF80  }
0x10b: {  	_ =	swait.ge [sflag:s19], $0x80  }
0x10c: {  	[sflag:s19] =	ssyncset.done $0x0  }
0x10d: {  	[sflag:s19] =	ssyncadd.s32 $0xFFFFFF80  }
0x10e: {  	_ =	swait.ge [sflag:s19], $0x80  }
0x10f: {  	[sflag:s19] =	ssyncset.done $0x0  }
0x110: {  	[sflag:s19] =	ssyncadd.s32 $0xFFFFFF80  }
0x111: {  	_ =	swait.ge [sflag:s19], $0x80  }
0x112: {  	[sflag:s19] =	ssyncset.done $0x0  }
0x113: {  	[sflag:s19] =	ssyncadd.s32 $0xFFFFFF80  }
0x114: {  	_ =	swait.ge [sflag:s19], $0x80  }
0x115: {  	[sflag:s19] =	ssyncset.done $0x0  }
0x116: {  	[sflag:s19] =	ssyncadd.s32 $0xFFFFFF80  }
0x117: {  	_ =	swait.ge [sflag:s19], $0x80  }
0x118: {  	[sflag:s19] =	ssyncset.done $0x0  }
0x119: {  	[sflag:s19] =	ssyncadd.s32 $0xFFFFFF80  }
0x11a: {  	_ =	swait.ge [sflag:s19], $0x80  }
0x11b: {  	[sflag:s19] =	ssyncset.done $0x0  }
0x11c: {  	[sflag:s19] =	ssyncadd.s32 $0xFFFFFF80  }
0x11d: {  	_ =	swait.ge [sflag:s19], $0x80  }
0x11e: {  	[sflag:s19] =	ssyncset.done $0x0  }
0x11f: {  	[sflag:s19] =	ssyncadd.s32 $0xFFFFFF80  }
0x120: {  	_ =	swait.ge [sflag:s19], $0x80  }
0x121: {  	[sflag:s19] =	ssyncset.done $0x0  }
0x122: {  	s11 =	sor.u32 $0x1000, s9;
	s12 =	sor.u32 $0x800, s9;
	[sflag:s19] =	ssyncadd.s32 $0xFFFFFF80  }
0x123: {  	[spmem:s2] =	stream.indirect.scatter.add.f32 [tilespmem:s11], [sflag:$0x3], $0x1, s12, s20, $0xb8;
	[tilespmem:$0x5100] =	vst v63  }
0x124: {  	s11 =	sor.u32 $0x1800, s9  }
0x125: {  	[spmem:s3] =	stream.indirect.scatter.add.f32 [tilespmem:s11], [sflag:$0x3], $0x1, s12, s20, $0xb8;
	[tilespmem:$0x5100] =	vst v63  }
0x126: {  	s11 =	sor.u32 $0x1080, s9;
	s12 =	sor.u32 $0x880, s9  }
0x127: {  	[spmem:s2] =	stream.indirect.scatter.add.f32 [tilespmem:s11], [sflag:$0x3], $0x1, s12, s20, $0xb8;
	[tilespmem:$0x5100] =	vst v63  }
0x128: {  	s11 =	sor.u32 $0x1880, s9  }
0x129: {  	[spmem:s3] =	stream.indirect.scatter.add.f32 [tilespmem:s11], [sflag:$0x3], $0x1, s12, s20, $0xb8;
	[tilespmem:$0x5100] =	vst v63  }
0x12a: {  	s11 =	sor.u32 $0x1100, s9;
	s12 =	sor.u32 $0x900, s9  }
0x12b: {  	[spmem:s2] =	stream.indirect.scatter.add.f32 [tilespmem:s11], [sflag:$0x3], $0x1, s12, s20, $0xb8;
	[tilespmem:$0x5100] =	vst v63  }
0x12c: {  	s11 =	sor.u32 $0x1900, s9  }
0x12d: {  	[spmem:s3] =	stream.indirect.scatter.add.f32 [tilespmem:s11], [sflag:$0x3], $0x1, s12, s20, $0xb8;
	[tilespmem:$0x5100] =	vst v63  }
0x12e: {  	s11 =	sor.u32 $0x1180, s9;
	s12 =	sor.u32 $0x980, s9  }
0x12f: {  	[spmem:s2] =	stream.indirect.scatter.add.f32 [tilespmem:s11], [sflag:$0x3], $0x1, s12, s20, $0xb8;
	[tilespmem:$0x5100] =	vst v63  }
0x130: {  	s11 =	sor.u32 $0x1980, s9  }
0x131: {  	[spmem:s3] =	stream.indirect.scatter.add.f32 [tilespmem:s11], [sflag:$0x3], $0x1, s12, s20, $0xb8;
	[tilespmem:$0x5100] =	vst v63  }
0x132: {  	s11 =	sor.u32 $0x1200, s9;
	s12 =	sor.u32 $0xA00, s9  }
0x133: {  	[spmem:s2] =	stream.indirect.scatter.add.f32 [tilespmem:s11], [sflag:$0x3], $0x1, s12, s20, $0xb8;
	[tilespmem:$0x5100] =	vst v63  }
0x134: {  	s11 =	sor.u32 $0x1A00, s9  }
0x135: {  	[spmem:s3] =	stream.indirect.scatter.add.f32 [tilespmem:s11], [sflag:$0x3], $0x1, s12, s20, $0xb8;
	[tilespmem:$0x5100] =	vst v63  }
0x136: {  	s11 =	sor.u32 $0x1280, s9;
	s12 =	sor.u32 $0xA80, s9  }
0x137: {  	[spmem:s2] =	stream.indirect.scatter.add.f32 [tilespmem:s11], [sflag:$0x3], $0x1, s12, s20, $0xb8;
	[tilespmem:$0x5100] =	vst v63  }
0x138: {  	s11 =	sor.u32 $0x1A80, s9  }
0x139: {  	[spmem:s3] =	stream.indirect.scatter.add.f32 [tilespmem:s11], [sflag:$0x3], $0x1, s12, s20, $0xb8;
	[tilespmem:$0x5100] =	vst v63  }
0x13a: {  	s11 =	sor.u32 $0x1300, s9;
	s12 =	sor.u32 $0xB00, s9  }
0x13b: {  	[spmem:s2] =	stream.indirect.scatter.add.f32 [tilespmem:s11], [sflag:$0x3], $0x1, s12, s20, $0xb8;
	[tilespmem:$0x5100] =	vst v63  }
0x13c: {  	s11 =	sor.u32 $0x1B00, s9  }
0x13d: {  	[spmem:s3] =	stream.indirect.scatter.add.f32 [tilespmem:s11], [sflag:$0x3], $0x1, s12, s20, $0xb8;
	[tilespmem:$0x5100] =	vst v63  }
0x13e: {  	s11 =	sor.u32 $0x1380, s9;
	s12 =	sor.u32 $0xB80, s9  }
0x13f: {  	[spmem:s2] =	stream.indirect.scatter.add.f32 [tilespmem:s11], [sflag:$0x3], $0x1, s12, s20, $0xb8;
	[tilespmem:$0x5100] =	vst v63  }
0x140: {  	s9 =	sor.u32 $0x1B80, s9;
	s11 =	simm.s32 @!p0 $0x1  }
0x141: {  	[spmem:s3] =	stream.indirect.scatter.add.f32 [tilespmem:s9], [sflag:$0x3], $0x1, s12, s20, $0xb8;
	[tilespmem:$0x5100] =	vst v63  }
0x142: {  	_ =	swait.ge @!p0 [sflag:s11], $0x400  }
0x143: {  	[sflag:s11] =	ssyncset.done @!p0 $0x0  }
0x144: {  	[sflag:s11] =	ssyncadd.s32 @!p0 $0xFFFFFC00  }
0x145: {  	_ =	swait.ge @!p0 [sflag:s11], $0x400  }
0x146: {  	[sflag:s11] =	ssyncset.done @!p0 $0x0  }
0x147: {  	s9 =	simm.s32 @!p0 $0x80;
	[sflag:s11] =	ssyncadd.s32 @!p0 $0xFFFFFC00;
	s11 =	sor.u32 @!p0 $0x1000, s10  }
0x148: {  	[tilespmem:s11], [sflag:$0x2] =	stream.indirect.gather @!p0 [hbm4b:s5+s9], $0x1, s10, s9, $0xb8;
	[tilespmem:$0x5100] =	vst v63  }
0x149: {  	s11 =	sor.u32 @!p0 $0x1800, s10  }
0x14a: {  	[tilespmem:s11], [sflag:$0x2] =	stream.indirect.gather @!p0 [hbm4b:s6+s9], $0x1, s10, s9, $0xb8;
	[tilespmem:$0x5100] =	vst v63  }
0x14b: {  	s12 =	sor.u32 @!p0 $0x80, s10;
	s11 =	sor.u32 @!p0 $0x1080, s10  }
0x14c: {  	[tilespmem:s11], [sflag:$0x2] =	stream.indirect.gather @!p0 [hbm4b:s5+s9], $0x1, s12, s9, $0xb8;
	[tilespmem:$0x5100] =	vst v63  }
0x14d: {  	s11 =	sor.u32 @!p0 $0x1880, s10  }
0x14e: {  	[tilespmem:s11], [sflag:$0x2] =	stream.indirect.gather @!p0 [hbm4b:s6+s9], $0x1, s12, s9, $0xb8;
	[tilespmem:$0x5100] =	vst v63  }
0x14f: {  	s11 =	sor.u32 @!p0 $0x1100, s10;
	s12 =	sor.u32 @!p0 $0x100, s10  }
0x150: {  	[tilespmem:s11], [sflag:$0x2] =	stream.indirect.gather @!p0 [hbm4b:s5+s9], $0x1, s12, s9, $0xb8;
	[tilespmem:$0x5100] =	vst v63  }
0x151: {  	s11 =	sor.u32 @!p0 $0x1900, s10  }
0x152: {  	[tilespmem:s11], [sflag:$0x2] =	stream.indirect.gather @!p0 [hbm4b:s6+s9], $0x1, s12, s9, $0xb8;
	[tilespmem:$0x5100] =	vst v63  }
0x153: {  	s11 =	sor.u32 @!p0 $0x1180, s10;
	s12 =	sor.u32 @!p0 $0x180, s10  }
0x154: {  	[tilespmem:s11], [sflag:$0x2] =	stream.indirect.gather @!p0 [hbm4b:s5+s9], $0x1, s12, s9, $0xb8;
	[tilespmem:$0x5100] =	vst v63  }
0x155: {  	s11 =	sor.u32 @!p0 $0x1980, s10  }
0x156: {  	[tilespmem:s11], [sflag:$0x2] =	stream.indirect.gather @!p0 [hbm4b:s6+s9], $0x1, s12, s9, $0xb8;
	[tilespmem:$0x5100] =	vst v63  }
0x157: {  	s11 =	sor.u32 @!p0 $0x1200, s10;
	s12 =	sor.u32 @!p0 $0x200, s10  }
0x158: {  	[tilespmem:s11], [sflag:$0x2] =	stream.indirect.gather @!p0 [hbm4b:s5+s9], $0x1, s12, s9, $0xb8;
	[tilespmem:$0x5100] =	vst v63  }
0x159: {  	s11 =	sor.u32 @!p0 $0x1A00, s10  }
0x15a: {  	[tilespmem:s11], [sflag:$0x2] =	stream.indirect.gather @!p0 [hbm4b:s6+s9], $0x1, s12, s9, $0xb8;
	[tilespmem:$0x5100] =	vst v63  }
0x15b: {  	s11 =	sor.u32 @!p0 $0x1280, s10;
	s12 =	sor.u32 @!p0 $0x280, s10  }
0x15c: {  	[tilespmem:s11], [sflag:$0x2] =	stream.indirect.gather @!p0 [hbm4b:s5+s9], $0x1, s12, s9, $0xb8;
	[tilespmem:$0x5100] =	vst v63  }
0x15d: {  	s11 =	sor.u32 @!p0 $0x1A80, s10  }
0x15e: {  	[tilespmem:s11], [sflag:$0x2] =	stream.indirect.gather @!p0 [hbm4b:s6+s9], $0x1, s12, s9, $0xb8;
	[tilespmem:$0x5100] =	vst v63  }
0x15f: {  	s11 =	sor.u32 @!p0 $0x1300, s10;
	s12 =	sor.u32 @!p0 $0x300, s10  }
0x160: {  	[tilespmem:s11], [sflag:$0x2] =	stream.indirect.gather @!p0 [hbm4b:s5+s9], $0x1, s12, s9, $0xb8;
	[tilespmem:$0x5100] =	vst v63  }
0x161: {  	s11 =	sor.u32 @!p0 $0x1B00, s10  }
0x162: {  	[tilespmem:s11], [sflag:$0x2] =	stream.indirect.gather @!p0 [hbm4b:s6+s9], $0x1, s12, s9, $0xb8;
	[tilespmem:$0x5100] =	vst v63  }
0x163: {  	s11 =	sor.u32 @!p0 $0x1380, s10;
	s12 =	sor.u32 @!p0 $0x380, s10  }
0x164: {  	[tilespmem:s11], [sflag:$0x2] =	stream.indirect.gather @!p0 [hbm4b:s5+s9], $0x1, s12, s9, $0xb8;
	[tilespmem:$0x5100] =	vst v63  }
0x165: {  	s10 =	sor.u32 @!p0 $0x1B80, s10  }
0x166: {  	[tilespmem:s10], [sflag:$0x2] =	stream.indirect.gather @!p0 [hbm4b:s6+s9], $0x1, s12, s9, $0xb8;
	[tilespmem:$0x5100] =	vst v63  }
0x167: {  	_ =	swait.ge [sflag:s22], $0x80  }
0x168: {  	[sflag:s22] =	ssyncset.done $0x0  }
0x169: {  	[sflag:s22] =	ssyncadd.s32 $0xFFFFFF80  }
0x16a: {  	_ =	swait.ge [sflag:s22], $0x80  }
0x16b: {  	[sflag:s22] =	ssyncset.done $0x0  }
0x16c: {  	[sflag:s22] =	ssyncadd.s32 $0xFFFFFF80  }
0x16d: {  	_ =	swait.ge [sflag:s22], $0x80  }
0x16e: {  	[sflag:s22] =	ssyncset.done $0x0  }
0x16f: {  	[sflag:s22] =	ssyncadd.s32 $0xFFFFFF80  }
0x170: {  	_ =	swait.ge [sflag:s22], $0x80  }
0x171: {  	[sflag:s22] =	ssyncset.done $0x0  }
0x172: {  	[sflag:s22] =	ssyncadd.s32 $0xFFFFFF80  }
0x173: {  	_ =	swait.ge [sflag:s22], $0x80  }
0x174: {  	[sflag:s22] =	ssyncset.done $0x0  }
0x175: {  	[sflag:s22] =	ssyncadd.s32 $0xFFFFFF80  }
0x176: {  	_ =	swait.ge [sflag:s22], $0x80  }
0x177: {  	[sflag:s22] =	ssyncset.done $0x0  }
0x178: {  	[sflag:s22] =	ssyncadd.s32 $0xFFFFFF80  }
0x179: {  	_ =	swait.ge [sflag:s22], $0x80  }
0x17a: {  	[sflag:s22] =	ssyncset.done $0x0  }
0x17b: {  	[sflag:s22] =	ssyncadd.s32 $0xFFFFFF80  }
0x17c: {  	_ =	swait.ge [sflag:s22], $0x80  }
0x17d: {  	[sflag:s22] =	ssyncset.done $0x0  }
0x17e: {  	[sflag:s22] =	ssyncadd.s32 $0xFFFFFF80  }
0x17f: {  	_ =	swait.ge [sflag:s22], $0x80  }
0x180: {  	[sflag:s22] =	ssyncset.done $0x0  }
0x181: {  	[sflag:s22] =	ssyncadd.s32 $0xFFFFFF80  }
0x182: {  	_ =	swait.ge [sflag:s22], $0x80  }
0x183: {  	[sflag:s22] =	ssyncset.done $0x0  }
0x184: {  	[sflag:s22] =	ssyncadd.s32 $0xFFFFFF80  }
0x185: {  	_ =	swait.ge [sflag:s22], $0x80  }
0x186: {  	[sflag:s22] =	ssyncset.done $0x0  }
0x187: {  	[sflag:s22] =	ssyncadd.s32 $0xFFFFFF80  }
0x188: {  	_ =	swait.ge [sflag:s22], $0x80  }
0x189: {  	[sflag:s22] =	ssyncset.done $0x0  }
0x18a: {  	[sflag:s22] =	ssyncadd.s32 $0xFFFFFF80  }
0x18b: {  	_ =	swait.ge [sflag:s22], $0x80  }
0x18c: {  	[sflag:s22] =	ssyncset.done $0x0  }
0x18d: {  	[sflag:s22] =	ssyncadd.s32 $0xFFFFFF80  }
0x18e: {  	_ =	swait.ge [sflag:s22], $0x80  }
0x18f: {  	[sflag:s22] =	ssyncset.done $0x0  }
0x190: {  	[sflag:s22] =	ssyncadd.s32 $0xFFFFFF80  }
.Ltmp0:
0x191: {  	_ =	swait.ge [sflag:s22], $0x80;
	(pc) =	sbr.rel @p1 .LBB2_2-.Ltmp0, $4  }
0x192: {  	[sflag:s22] =	ssyncset.done $0x0  }
0x193: {  	s28 =	sadd.s32 $0x80, s28;
	s26 =	sadd.s32 $0x80, s26;
	[sflag:s22] =	ssyncadd.s32 $0xFFFFFF80  }
0x194: {  	s9 =	sand.u32 $0x1, s1;
	p0 =	seq.s32 s1, $0x61;
	_ =	swait.ge [sflag:s22], $0x80  }
0x195: {  	s1 =	sxor.u32 $0x1, s9;
	s9 =	sshll.u32 s9, $0xA;
	[sflag:s22] =	ssyncset.done $0x0  }
0x196: {  	s1 =	sshll.u32 @!p0 s1, $0xA;
	s10 =	simm.s32 @!p0 $0x0;
	[sflag:s22] =	ssyncadd.s32 $0xFFFFFF80  }
0x197: {  	[tilespmem:s1], [sflag:$0x1] =	stream.linear.gather @!p0 [hbm4b:s28+s10], $0x400, $0x38;
	[tilespmem:$0x5100] =	vst v63  }
0x198: {  	s11 =	sor.u32 @!p0 $0x800, s1  }
0x199: {  	[tilespmem:s11], [sflag:$0x1] =	stream.linear.gather @!p0 [hbm4b:s26+s10], $0x400, $0x38;
	[tilespmem:$0x5100] =	vst v63  }
0x19a: {  	_ =	swait.ge [sflag:s19], $0x80  }
0x19b: {  	[sflag:s19] =	ssyncset.done $0x0  }
0x19c: {  	[sflag:s19] =	ssyncadd.s32 $0xFFFFFF80  }
0x19d: {  	_ =	swait.ge [sflag:s19], $0x80  }
0x19e: {  	[sflag:s19] =	ssyncset.done $0x0  }
0x19f: {  	[sflag:s19] =	ssyncadd.s32 $0xFFFFFF80  }
0x1a0: {  	_ =	swait.ge [sflag:s19], $0x80  }
0x1a1: {  	[sflag:s19] =	ssyncset.done $0x0  }
0x1a2: {  	[sflag:s19] =	ssyncadd.s32 $0xFFFFFF80  }
0x1a3: {  	_ =	swait.ge [sflag:s19], $0x80  }
0x1a4: {  	[sflag:s19] =	ssyncset.done $0x0  }
0x1a5: {  	[sflag:s19] =	ssyncadd.s32 $0xFFFFFF80  }
0x1a6: {  	_ =	swait.ge [sflag:s19], $0x80  }
0x1a7: {  	[sflag:s19] =	ssyncset.done $0x0  }
0x1a8: {  	[sflag:s19] =	ssyncadd.s32 $0xFFFFFF80  }
0x1a9: {  	_ =	swait.ge [sflag:s19], $0x80  }
0x1aa: {  	[sflag:s19] =	ssyncset.done $0x0  }
0x1ab: {  	[sflag:s19] =	ssyncadd.s32 $0xFFFFFF80  }
0x1ac: {  	_ =	swait.ge [sflag:s19], $0x80  }
0x1ad: {  	[sflag:s19] =	ssyncset.done $0x0  }
0x1ae: {  	[sflag:s19] =	ssyncadd.s32 $0xFFFFFF80  }
0x1af: {  	_ =	swait.ge [sflag:s19], $0x80  }
0x1b0: {  	[sflag:s19] =	ssyncset.done $0x0  }
0x1b1: {  	[sflag:s19] =	ssyncadd.s32 $0xFFFFFF80  }
0x1b2: {  	_ =	swait.ge [sflag:s19], $0x80  }
0x1b3: {  	[sflag:s19] =	ssyncset.done $0x0  }
0x1b4: {  	[sflag:s19] =	ssyncadd.s32 $0xFFFFFF80  }
0x1b5: {  	_ =	swait.ge [sflag:s19], $0x80  }
0x1b6: {  	[sflag:s19] =	ssyncset.done $0x0  }
0x1b7: {  	[sflag:s19] =	ssyncadd.s32 $0xFFFFFF80  }
0x1b8: {  	_ =	swait.ge [sflag:s19], $0x80  }
0x1b9: {  	[sflag:s19] =	ssyncset.done $0x0  }
0x1ba: {  	[sflag:s19] =	ssyncadd.s32 $0xFFFFFF80  }
0x1bb: {  	_ =	swait.ge [sflag:s19], $0x80  }
0x1bc: {  	[sflag:s19] =	ssyncset.done $0x0  }
0x1bd: {  	[sflag:s19] =	ssyncadd.s32 $0xFFFFFF80  }
0x1be: {  	_ =	swait.ge [sflag:s19], $0x80  }
0x1bf: {  	[sflag:s19] =	ssyncset.done $0x0  }
0x1c0: {  	[sflag:s19] =	ssyncadd.s32 $0xFFFFFF80  }
0x1c1: {  	_ =	swait.ge [sflag:s19], $0x80  }
0x1c2: {  	[sflag:s19] =	ssyncset.done $0x0  }
0x1c3: {  	[sflag:s19] =	ssyncadd.s32 $0xFFFFFF80  }
0x1c4: {  	_ =	swait.ge [sflag:s19], $0x80  }
0x1c5: {  	[sflag:s19] =	ssyncset.done $0x0  }
0x1c6: {  	[sflag:s19] =	ssyncadd.s32 $0xFFFFFF80  }
0x1c7: {  	_ =	swait.ge [sflag:s19], $0x80  }
0x1c8: {  	[sflag:s19] =	ssyncset.done $0x0  }
0x1c9: {  	s28 =	sor.u32 $0x800, s9;
	s26 =	sor.u32 $0x1000, s9;
	[sflag:s19] =	ssyncadd.s32 $0xFFFFFF80  }
0x1ca: {  	[spmem:s2] =	stream.indirect.scatter.add.f32 [tilespmem:s26], [sflag:$0x3], $0x1, s28, s20, $0xb8;
	[tilespmem:$0x5100] =	vst v63  }
0x1cb: {  	s31 =	sor.u32 $0x1800, s9  }
0x1cc: {  	[spmem:s3] =	stream.indirect.scatter.add.f32 [tilespmem:s31], [sflag:$0x3], $0x1, s28, s20, $0xb8;
	[tilespmem:$0x5100] =	vst v63  }
0x1cd: {  	s12 =	sor.u32 $0x880, s9;
	s11 =	sor.u32 $0x1080, s9  }
0x1ce: {  	[spmem:s2] =	stream.indirect.scatter.add.f32 [tilespmem:s11], [sflag:$0x3], $0x1, s12, s20, $0xb8;
	[tilespmem:$0x5100] =	vst v63  }
0x1cf: {  	s26 =	sor.u32 $0x1880, s9  }
0x1d0: {  	[spmem:s3] =	stream.indirect.scatter.add.f32 [tilespmem:s26], [sflag:$0x3], $0x1, s12, s20, $0xb8;
	[tilespmem:$0x5100] =	vst v63  }
0x1d1: {  	s28 =	sor.u32 $0x1100, s9;
	s31 =	sor.u32 $0x900, s9  }
0x1d2: {  	[spmem:s2] =	stream.indirect.scatter.add.f32 [tilespmem:s28], [sflag:$0x3], $0x1, s31, s20, $0xb8;
	[tilespmem:$0x5100] =	vst v63  }
0x1d3: {  	s12 =	sor.u32 $0x1900, s9  }
0x1d4: {  	[spmem:s3] =	stream.indirect.scatter.add.f32 [tilespmem:s12], [sflag:$0x3], $0x1, s31, s20, $0xb8;
	[tilespmem:$0x5100] =	vst v63  }
0x1d5: {  	s26 =	sor.u32 $0x1180, s9;
	s28 =	sor.u32 $0x980, s9  }
0x1d6: {  	[spmem:s2] =	stream.indirect.scatter.add.f32 [tilespmem:s26], [sflag:$0x3], $0x1, s28, s20, $0xb8;
	[tilespmem:$0x5100] =	vst v63  }
0x1d7: {  	s31 =	sor.u32 $0x1980, s9  }
0x1d8: {  	[spmem:s3] =	stream.indirect.scatter.add.f32 [tilespmem:s31], [sflag:$0x3], $0x1, s28, s20, $0xb8;
	[tilespmem:$0x5100] =	vst v63  }
0x1d9: {  	s11 =	sor.u32 $0x1200, s9;
	s12 =	sor.u32 $0xA00, s9  }
0x1da: {  	[spmem:s2] =	stream.indirect.scatter.add.f32 [tilespmem:s11], [sflag:$0x3], $0x1, s12, s20, $0xb8;
	[tilespmem:$0x5100] =	vst v63  }
0x1db: {  	s26 =	sor.u32 $0x1A00, s9  }
0x1dc: {  	[spmem:s3] =	stream.indirect.scatter.add.f32 [tilespmem:s26], [sflag:$0x3], $0x1, s12, s20, $0xb8;
	[tilespmem:$0x5100] =	vst v63  }
0x1dd: {  	s28 =	sor.u32 $0x1280, s9;
	s31 =	sor.u32 $0xA80, s9  }
0x1de: {  	[spmem:s2] =	stream.indirect.scatter.add.f32 [tilespmem:s28], [sflag:$0x3], $0x1, s31, s20, $0xb8;
	[tilespmem:$0x5100] =	vst v63  }
0x1df: {  	s12 =	sor.u32 $0x1A80, s9  }
0x1e0: {  	[spmem:s3] =	stream.indirect.scatter.add.f32 [tilespmem:s12], [sflag:$0x3], $0x1, s31, s20, $0xb8;
	[tilespmem:$0x5100] =	vst v63  }
0x1e1: {  	s26 =	sor.u32 $0x1300, s9;
	s28 =	sor.u32 $0xB00, s9  }
0x1e2: {  	[spmem:s2] =	stream.indirect.scatter.add.f32 [tilespmem:s26], [sflag:$0x3], $0x1, s28, s20, $0xb8;
	[tilespmem:$0x5100] =	vst v63  }
0x1e3: {  	s31 =	sor.u32 $0x1B00, s9  }
0x1e4: {  	[spmem:s3] =	stream.indirect.scatter.add.f32 [tilespmem:s31], [sflag:$0x3], $0x1, s28, s20, $0xb8;
	[tilespmem:$0x5100] =	vst v63  }
0x1e5: {  	s11 =	sor.u32 $0x1380, s9;
	s12 =	sor.u32 $0xB80, s9  }
0x1e6: {  	[spmem:s2] =	stream.indirect.scatter.add.f32 [tilespmem:s11], [sflag:$0x3], $0x1, s12, s20, $0xb8;
	[tilespmem:$0x5100] =	vst v63  }
0x1e7: {  	s10 =	simm.s32 @!p0 $0x1;
	s26 =	sor.u32 $0x1B80, s9  }
0x1e8: {  	[spmem:s3] =	stream.indirect.scatter.add.f32 [tilespmem:s26], [sflag:$0x3], $0x1, s12, s20, $0xb8;
	[tilespmem:$0x5100] =	vst v63  }
0x1e9: {  	_ =	swait.ge @!p0 [sflag:s10], $0x400  }
0x1ea: {  	[sflag:s10] =	ssyncset.done @!p0 $0x0  }
0x1eb: {  	[sflag:s10] =	ssyncadd.s32 @!p0 $0xFFFFFC00  }
0x1ec: {  	_ =	swait.ge @!p0 [sflag:s10], $0x400  }
0x1ed: {  	[sflag:s10] =	ssyncset.done @!p0 $0x0  }
0x1ee: {  	s9 =	sor.u32 @!p0 $0x1000, s1;
	[sflag:s10] =	ssyncadd.s32 @!p0 $0xFFFFFC00;
	s10 =	simm.s32 @!p0 $0x80  }
0x1ef: {  	[tilespmem:s9], [sflag:$0x2] =	stream.indirect.gather @!p0 [hbm4b:s5+s10], $0x1, s1, s10, $0xb8;
	[tilespmem:$0x5100] =	vst v63  }
0x1f0: {  	s9 =	sor.u32 @!p0 $0x1800, s1  }
0x1f1: {  	[tilespmem:s9], [sflag:$0x2] =	stream.indirect.gather @!p0 [hbm4b:s6+s10], $0x1, s1, s10, $0xb8;
	[tilespmem:$0x5100] =	vst v63  }
0x1f2: {  	s11 =	sor.u32 @!p0 $0x80, s1;
	s9 =	sor.u32 @!p0 $0x1080, s1  }
0x1f3: {  	[tilespmem:s9], [sflag:$0x2] =	stream.indirect.gather @!p0 [hbm4b:s5+s10], $0x1, s11, s10, $0xb8;
	[tilespmem:$0x5100] =	vst v63  }
0x1f4: {  	s9 =	sor.u32 @!p0 $0x1880, s1  }
0x1f5: {  	[tilespmem:s9], [sflag:$0x2] =	stream.indirect.gather @!p0 [hbm4b:s6+s10], $0x1, s11, s10, $0xb8;
	[tilespmem:$0x5100] =	vst v63  }
0x1f6: {  	s9 =	sor.u32 @!p0 $0x1100, s1;
	s11 =	sor.u32 @!p0 $0x100, s1  }
0x1f7: {  	[tilespmem:s9], [sflag:$0x2] =	stream.indirect.gather @!p0 [hbm4b:s5+s10], $0x1, s11, s10, $0xb8;
	[tilespmem:$0x5100] =	vst v63  }
0x1f8: {  	s9 =	sor.u32 @!p0 $0x1900, s1  }
0x1f9: {  	[tilespmem:s9], [sflag:$0x2] =	stream.indirect.gather @!p0 [hbm4b:s6+s10], $0x1, s11, s10, $0xb8;
	[tilespmem:$0x5100] =	vst v63  }
0x1fa: {  	s9 =	sor.u32 @!p0 $0x1180, s1;
	s11 =	sor.u32 @!p0 $0x180, s1  }
0x1fb: {  	[tilespmem:s9], [sflag:$0x2] =	stream.indirect.gather @!p0 [hbm4b:s5+s10], $0x1, s11, s10, $0xb8;
	[tilespmem:$0x5100] =	vst v63  }
0x1fc: {  	s9 =	sor.u32 @!p0 $0x1980, s1  }
0x1fd: {  	[tilespmem:s9], [sflag:$0x2] =	stream.indirect.gather @!p0 [hbm4b:s6+s10], $0x1, s11, s10, $0xb8;
	[tilespmem:$0x5100] =	vst v63  }
0x1fe: {  	s9 =	sor.u32 @!p0 $0x1200, s1;
	s11 =	sor.u32 @!p0 $0x200, s1  }
0x1ff: {  	[tilespmem:s9], [sflag:$0x2] =	stream.indirect.gather @!p0 [hbm4b:s5+s10], $0x1, s11, s10, $0xb8;
	[tilespmem:$0x5100] =	vst v63  }
0x200: {  	s9 =	sor.u32 @!p0 $0x1A00, s1  }
0x201: {  	[tilespmem:s9], [sflag:$0x2] =	stream.indirect.gather @!p0 [hbm4b:s6+s10], $0x1, s11, s10, $0xb8;
	[tilespmem:$0x5100] =	vst v63  }
0x202: {  	s9 =	sor.u32 @!p0 $0x1280, s1;
	s11 =	sor.u32 @!p0 $0x280, s1  }
0x203: {  	[tilespmem:s9], [sflag:$0x2] =	stream.indirect.gather @!p0 [hbm4b:s5+s10], $0x1, s11, s10, $0xb8;
	[tilespmem:$0x5100] =	vst v63  }
0x204: {  	s9 =	sor.u32 @!p0 $0x1A80, s1  }
0x205: {  	[tilespmem:s9], [sflag:$0x2] =	stream.indirect.gather @!p0 [hbm4b:s6+s10], $0x1, s11, s10, $0xb8;
	[tilespmem:$0x5100] =	vst v63  }
0x206: {  	s9 =	sor.u32 @!p0 $0x1300, s1;
	s11 =	sor.u32 @!p0 $0x300, s1  }
0x207: {  	[tilespmem:s9], [sflag:$0x2] =	stream.indirect.gather @!p0 [hbm4b:s5+s10], $0x1, s11, s10, $0xb8;
	[tilespmem:$0x5100] =	vst v63  }
0x208: {  	s9 =	sor.u32 @!p0 $0x1B00, s1  }
0x209: {  	[tilespmem:s9], [sflag:$0x2] =	stream.indirect.gather @!p0 [hbm4b:s6+s10], $0x1, s11, s10, $0xb8;
	[tilespmem:$0x5100] =	vst v63  }
0x20a: {  	s9 =	sor.u32 @!p0 $0x1380, s1;
	s11 =	sor.u32 @!p0 $0x380, s1  }
0x20b: {  	[tilespmem:s9], [sflag:$0x2] =	stream.indirect.gather @!p0 [hbm4b:s5+s10], $0x1, s11, s10, $0xb8;
	[tilespmem:$0x5100] =	vst v63  }
0x20c: {  	s1 =	sor.u32 @!p0 $0x1B80, s1  }
0x20d: {  	[tilespmem:s1], [sflag:$0x2] =	stream.indirect.gather @!p0 [hbm4b:s6+s10], $0x1, s11, s10, $0xb8;
	[tilespmem:$0x5100] =	vst v63  }
0x20e: {  	_ =	swait.ge [sflag:s22], $0x80  }
0x20f: {  	[sflag:s22] =	ssyncset.done $0x0  }
0x210: {  	[sflag:s22] =	ssyncadd.s32 $0xFFFFFF80  }
0x211: {  	_ =	swait.ge [sflag:s22], $0x80  }
0x212: {  	[sflag:s22] =	ssyncset.done $0x0  }
0x213: {  	[sflag:s22] =	ssyncadd.s32 $0xFFFFFF80  }
0x214: {  	_ =	swait.ge [sflag:s22], $0x80  }
0x215: {  	[sflag:s22] =	ssyncset.done $0x0  }
0x216: {  	[sflag:s22] =	ssyncadd.s32 $0xFFFFFF80  }
0x217: {  	_ =	swait.ge [sflag:s22], $0x80  }
0x218: {  	[sflag:s22] =	ssyncset.done $0x0  }
0x219: {  	[sflag:s22] =	ssyncadd.s32 $0xFFFFFF80  }
0x21a: {  	_ =	swait.ge [sflag:s22], $0x80  }
0x21b: {  	[sflag:s22] =	ssyncset.done $0x0  }
0x21c: {  	[sflag:s22] =	ssyncadd.s32 $0xFFFFFF80  }
0x21d: {  	_ =	swait.ge [sflag:s22], $0x80  }
0x21e: {  	[sflag:s22] =	ssyncset.done $0x0  }
0x21f: {  	[sflag:s22] =	ssyncadd.s32 $0xFFFFFF80  }
0x220: {  	_ =	swait.ge [sflag:s22], $0x80  }
0x221: {  	[sflag:s22] =	ssyncset.done $0x0  }
0x222: {  	[sflag:s22] =	ssyncadd.s32 $0xFFFFFF80  }
0x223: {  	_ =	swait.ge [sflag:s22], $0x80  }
0x224: {  	[sflag:s22] =	ssyncset.done $0x0  }
0x225: {  	[sflag:s22] =	ssyncadd.s32 $0xFFFFFF80  }
0x226: {  	_ =	swait.ge [sflag:s22], $0x80  }
0x227: {  	[sflag:s22] =	ssyncset.done $0x0  }
0x228: {  	[sflag:s22] =	ssyncadd.s32 $0xFFFFFF80  }
0x229: {  	_ =	swait.ge [sflag:s22], $0x80  }
0x22a: {  	[sflag:s22] =	ssyncset.done $0x0  }
0x22b: {  	[sflag:s22] =	ssyncadd.s32 $0xFFFFFF80  }
0x22c: {  	_ =	swait.ge [sflag:s22], $0x80  }
0x22d: {  	[sflag:s22] =	ssyncset.done $0x0  }
0x22e: {  	[sflag:s22] =	ssyncadd.s32 $0xFFFFFF80  }
0x22f: {  	_ =	swait.ge [sflag:s22], $0x80  }
0x230: {  	[sflag:s22] =	ssyncset.done $0x0  }
0x231: {  	[sflag:s22] =	ssyncadd.s32 $0xFFFFFF80  }
0x232: {  	_ =	swait.ge [sflag:s22], $0x80  }
0x233: {  	[sflag:s22] =	ssyncset.done $0x0  }
0x234: {  	[sflag:s22] =	ssyncadd.s32 $0xFFFFFF80  }
0x235: {  	_ =	swait.ge [sflag:s22], $0x80  }
0x236: {  	[sflag:s22] =	ssyncset.done $0x0  }
0x237: {  	[sflag:s22] =	ssyncadd.s32 $0xFFFFFF80  }
0x238: {  	_ =	swait.ge [sflag:s22], $0x80  }
0x239: {  	[sflag:s22] =	ssyncset.done $0x0  }
0x23a: {  	[sflag:s22] =	ssyncadd.s32 $0xFFFFFF80  }
0x23b: {  	_ =	swait.ge [sflag:s22], $0x80  }
0x23c: {  	[sflag:s22] =	ssyncset.done $0x0  }
0x23d: {  	[sflag:s22] =	ssyncadd.s32 $0xFFFFFF80  }
0x23e: {  	[bflag:$0x0] =	sbarrier.arrive $0xFFFF  }
0x23f: {  	s28 =	rddreg [dreg:$0x7]  }
0x240: {  	[hbm:s28], [sflag:s8] =	dma.local [spmem:s16], $0x310  }
0x241: {  	s23 =	sadd.s32 $0x1, s23;
	_ =	swait.ge [sflag:s17], $0x310  }
0x242: {  	p0 =	sne.s32 s23, s13;
	[sflag:s17] =	ssyncset.done $0x0  }
.Ltmp1:
0x243: {  	s31 =	rddreg [dreg:$0x8];
	[sflag:s17] =	ssyncadd.s32 $0xFFFFFCF0;
	(pc) =	sbr.rel @p0 .LBB2_1-.Ltmp1, $4  }
0x244: {  	[hbm:s31], [sflag:s8] =	dma.local [spmem:s18], $0x310  }
0x245: {  	_ =	swait.ge [sflag:s17], $0x310  }
0x246: {  	[sflag:s17] =	ssyncset.done $0x0  }
0x247: {  	[sflag:s17] =	ssyncadd.s32 $0xFFFFFCF0  }
0x248: {  	_ =	sfence.sel $0x180000  }
0x249: {  	[bflag:$0x0] =	sbarrier.arrive $0xFFFF  }
0x24a: {  	_ =	strace $0x9000004A  }
0x24b: {  	s0 =	stileid.u32;
	[bflag:$0x2] =	sbarrier.arrive $0xFFFF  }
0x24c: {  	p0 =	sne.s32 s0, $0x0;
	s0 =	rddreg [dreg:$0x4]  }
0x24d: {  	s0 =	sadd.s32 @!p0 $0x100000, s0  }
0x24e: {  	[sflag:s0] =	ssyncadd.tile.s32 @!p0 $0x1;
	_ =	shalt  }
.Lfunc_end2:
_tile_overlayer_lowered:
.L_overlay_start_2:
0x24f: {  	(tag) =	ssettag $0x2  }
0x250: {  	s0 =	rddreg [dreg:$0x0];
	s2 =	stileid.u32  }
0x251: {  	s1 =	rddreg [dreg:$0x1];
	p0 =	sne.s32 s2, $0x0  }
0x252: {  	s3 =	rddreg [dreg:$0x2];
	[bflag:$0x3] =	sbarrier.arrive $0xFFFF;
	s2 =	simm.s32 @!p0 $0x1C04  }
0x253: {  	[timem:s3], [sflag:s2] =	dma.local @!p0 [hbm:s0], s1  }
0x254: {  	s0 =	simm.s32 @!p0 $0x4  }
0x255: {  	_ =	swait.ge @!p0 [sflag:s0], s1  }
0x256: {  	s1 =	ssub.s32 @!p0 $0x0, s1;
	[sflag:s0] =	ssyncset.done @!p0 $0x0  }
0x257: {  	[sflag:s0] =	ssyncadd.s32 @!p0 s1  }
0x258: {  	[bflag:$0x3] =	sbarrier.arrive $0xFFFF  }
0x259: {  	_ =	shalt  }

// kernel: kernel.14.cloned.1.call-start
scs
__scs_entry_jumppad:
0x0: {  	(pc) =	sbr.rel $0x88, $3  }
0x1: {  	(tag) =	ssettag $0x0;
	lr =	simm.s32 $0x1  }
0x2: {  	[smem:$0x3F92] =	sst lr;
	_ =	strace $0xD0000000  }
0x3: {  	_ = 	snop  }
0x4: {  	_ = 	snop  }
0x5: {  	_ = 	snop  }
0x6: {  	_ = 	snop  }
0x7: {  	_ = 	snop  }
__scs_overlays_trampoline_lowered:
0x8: {  	[smem:$0x3FA1] =	sst s0  }
0x9: {  	[smem:$0x3FA2] =	sst s1  }
0xa: {  	[smem:$0x3FA3] =	sst s2  }
0xb: {  	[smem:$0x3FA4] =	sst s3  }
0xc: {  	[smem:$0x3FA5] =	sst s4  }
0xd: {  	[smem:$0x3FA6] =	sst s5  }
0xe: {  	[smem:$0x3FA7] =	sst s6  }
0xf: {  	[smem:$0x3FA8] =	sst s7  }
0x10: {  	[smem:$0x3FA9] =	sst s8  }
0x11: {  	[smem:$0x3FAA] =	sst s9;
	s0 =	simm.s32 @!p0 $0x0  }
0x12: {  	s1 =	sld [smem:$0x3F90];
	s0 =	simm.s32 @p0 $0x1  }
0x13: {  	[smem:$0x3FAB] =	sst s0;
	s0 =	simm.s32 @!p1 $0x0  }
0x14: {  	s2 =	sld [smem:$0x3F8F];
	s0 =	simm.s32 @p1 $0x1  }
0x15: {  	[smem:$0x3FAC] =	sst s0;
	s0 =	simm.s32 @!p2 $0x0  }
0x16: {  	s3 =	sld [smem:$0x3FDB];
	s0 =	simm.s32 @p2 $0x1  }
0x17: {  	s4 =	simm.s32 $0x1BF5;
	[smem:$0x3FAE] =	sst s0  }
0x18: {  	s0 =	sld [smem:$0x3F91];
	_ =	swait.ge [sflag:s4], $0x0  }
0x19: {  	s7 =	sld [smem:$0x3F92]  }
0x1a: {  	s8 =	sadd.s32 $0xFFFFE003, lr  }
0x1b: {  	s9 =	sadd.s32 $0xFFFFFEF7, lr;
	s5 =	simm.s32 $0xFFFFFFFF;
	p2 =	slt.u32 s8, $0xFFFFF086  }
0x1c: {  	p1 =	slt.u32 s9, $0xF7A;
	s5 =	simm.s32 @!p2 $0x0  }
0x1d: {  	s5 =	simm.s32 @p1 $0x1;
	p0 =	seq.s32 s7, s2  }
0x1e: {  	s7 =	smul.u32 @!p0 $0xF7A, s2;
	p2 =	seq.s32 @!p0 s5, $0x0  }
0x1f: {  	s9 =	smul.u32 $0xF7A, s1;
	s8 =	simm.s32 @!p0 $0x1BF5;
	p2 =	por !p2, p0  }
0x20: {  	[sflag:s8] =	ssyncset.s32 @!p0 $0xFFFFF086;
	s6 =	sadd.s32 @!p0 s3, s7;
	s7 =	simm.s32 @!p0 $0x108  }
0x21: {  	s3 =	sadd.s32 s3, s9;
	s6 =	sadd.s32 @!p0 $0x88, s6;
	s7 =	simm.s32 @p2 $0x1082  }
0x22: {  	[simem:s7], [sflag:s8] =	dma.local @!p0 [hbm:s6], $0xF7A  }
0x23: {  	s9 =	sor.u32 $0xD0000000, s2;
	s6 =	simm.s32 $0x108;
	_ =	swait.ge @!p0 [sflag:s8], $0x0  }
0x24: {  	s3 =	sadd.s32 $0x88, s3;
	s6 =	simm.s32 @!p1 $0x1082;
	[sflag:s4] =	ssyncset.s32 $0xFFFFF086  }
0x25: {  	[simem:s6], [sflag:s4] =	dma.local [hbm:s3], $0xF7A  }
0x26: {  	[smem:$0x3F92] =	sst s1;
	(tag) =	ssettag s2;
	_ =	strace s9  }
0x27: {  	s1 =	sld [smem:$0x3FA2]  }
0x28: {  	s2 =	sld [smem:$0x3FA3]  }
0x29: {  	s4 =	sld [smem:$0x3FA5]  }
0x2a: {  	p0 =	seq.s32 s5, $0x0;
	s5 =	sld [smem:$0x3FA6]  }
0x2b: {  	s6 =	sld [smem:$0x3FA7]  }
0x2c: {  	s7 =	sld [smem:$0x3FA8]  }
0x2d: {  	s3 =	simm.s32 $0x108;
	s8 =	sld [smem:$0x3FA9]  }
0x2e: {  	s3 =	simm.s32 @!p0 $0x1082;
	s9 =	sld [smem:$0x3FAA]  }
0x2f: {  	lr =	sadd.s32 s0, s3;
	s0 =	sld [smem:$0x3FA1]  }
0x30: {  	s3 =	sld [smem:$0x3FA4]  }
0x31: {  	[smem:$0x3FAD] =	sst s10  }
0x32: {  	s10 =	sld [smem:$0x3FAB];
	_ =	sdelay $0x3  }
0x33: {  	p0 =	seq.s32 s10, $0x1;
	s10 =	sld [smem:$0x3FAD];
	_ =	sdelay $0x3  }
0x34: {  	[smem:$0x3FAD] =	sst s10  }
0x35: {  	s10 =	sld [smem:$0x3FAC];
	_ =	sdelay $0x3  }
0x36: {  	p1 =	seq.s32 s10, $0x1;
	s10 =	sld [smem:$0x3FAD];
	_ =	sdelay $0x3  }
0x37: {  	[smem:$0x3FAD] =	sst s10  }
0x38: {  	s10 =	sld [smem:$0x3FAE]  }
0x39: {  	_ = 	snop;
	(pc) =	sbr.ind lr, $3  }
0x3a: {  	_ = 	snop  }
0x3b: {  	_ = 	snop  }
0x3c: {  	p2 =	seq.s32 s10, $0x1;
	s10 =	sld [smem:$0x3FAD]  }
0x3d: {  	_ =	shalt  }
0x3e: {  	_ =	shalt  }
0x3f: {  	_ =	shalt  }
0x40: {  	_ =	shalt  }
0x41: {  	_ =	shalt  }
0x42: {  	_ =	shalt  }
0x43: {  	_ =	shalt  }
0x44: {  	_ =	shalt  }
0x45: {  	_ =	shalt  }
0x46: {  	_ =	shalt  }
0x47: {  	_ =	shalt  }
0x48: {  	_ =	shalt  }
0x49: {  	_ =	shalt  }
0x4a: {  	_ =	shalt  }
0x4b: {  	_ =	shalt  }
0x4c: {  	_ =	shalt  }
0x4d: {  	_ =	shalt  }
0x4e: {  	_ =	shalt  }
0x4f: {  	_ =	shalt  }
0x50: {  	_ =	shalt  }
0x51: {  	_ =	shalt  }
0x52: {  	_ =	shalt  }
0x53: {  	_ =	shalt  }
0x54: {  	_ =	shalt  }
0x55: {  	_ =	shalt  }
0x56: {  	_ =	shalt  }
0x57: {  	_ =	shalt  }
0x58: {  	_ =	shalt  }
0x59: {  	_ =	shalt  }
0x5a: {  	_ =	shalt  }
0x5b: {  	_ =	shalt  }
0x5c: {  	_ =	shalt  }
0x5d: {  	_ =	shalt  }
0x5e: {  	_ =	shalt  }
0x5f: {  	_ =	shalt  }
0x60: {  	_ =	shalt  }
0x61: {  	_ =	shalt  }
0x62: {  	_ =	shalt  }
0x63: {  	_ =	shalt  }
0x64: {  	_ =	shalt  }
0x65: {  	_ =	shalt  }
0x66: {  	_ =	shalt  }
0x67: {  	_ =	shalt  }
0x68: {  	_ =	shalt  }
0x69: {  	_ =	shalt  }
0x6a: {  	_ =	shalt  }
0x6b: {  	_ =	shalt  }
0x6c: {  	_ =	shalt  }
0x6d: {  	_ =	shalt  }
0x6e: {  	_ =	shalt  }
0x6f: {  	_ =	shalt  }
0x70: {  	_ =	shalt  }
0x71: {  	_ =	shalt  }
0x72: {  	_ =	shalt  }
0x73: {  	_ =	shalt  }
0x74: {  	_ =	shalt  }
0x75: {  	_ =	shalt  }
0x76: {  	_ =	shalt  }
0x77: {  	_ =	shalt  }
0x78: {  	_ =	shalt  }
0x79: {  	_ =	shalt  }
0x7a: {  	_ =	shalt  }
0x7b: {  	_ =	shalt  }
0x7c: {  	_ =	shalt  }
0x7d: {  	_ =	shalt  }
0x7e: {  	_ =	shalt  }
0x7f: {  	_ =	shalt  }
0x80: {  	_ =	shalt  }
0x81: {  	_ =	shalt  }
0x82: {  	_ =	shalt  }
0x83: {  	_ =	shalt  }
0x84: {  	_ =	shalt  }
0x85: {  	_ =	shalt  }
0x86: {  	_ =	shalt  }
0x87: {  	_ =	shalt  }
.Lfunc_end0:
.L_simem_size_0:
called_computation.2_lowered:
.L_overlay_start_0:
0x88: {  	s2 =	sld [smem:$0x3FD9]  }
0x89: {  	s3 =	sld [smem:$0x3FFE];
	_ =	sdelay $0x1  }
0x8a: {  	s1 =	srdreg.scid  }
0x8b: {  	s0 =	sand.u32 $0x1, s1  }
0x8c: {  	s16 =	sshll.u32 s0, $0xA;
	s2 =	sadd.s32 s3, s2  }
0x8d: {  	s2 =	sadd.s32 s2, s16  }
0x8e: {  	[smem:$0x3FB9] =	sst s2  }
0x8f: {  	_ = 	snop  }
0x90: {  	(tm) =	ssettm $0x1  }
0x91: {  	s17 =	sld [smem:$0x3FFB];
	_ =	sdelay $0x3  }
0x92: {  	_ =	strace s17  }
0x93: {  	s2 =	sld [smem:$0x3FFC];
	_ =	sdelay $0x3  }
0x94: {  	_ =	strace s2  }
0x95: {  	s2 =	sld [smem:$0x3FFD];
	_ =	sdelay $0x3  }
0x96: {  	_ =	strace s2  }
0x97: {  	_ =	strace $0x8FFFFFFF  }
0x98: {  	s18 =	sld [smem:$0x3FDB];
	_ =	sdelay $0x1  }
0x99: {  	s19 =	simm.s32 $_scs_section_size  }
0x9a: {  	s4 =	simm.s32 $_size__tile_overlayer_lowered;
	s5 =	simm.s32 $_tile_overlayer_lowered  }
0x9b: {  	s22 =	simm.s32 $0x1BFF;
	s21 =	sshll.u32 s5, $0x1;
	s2 =	sadd.s32 s19, s18  }
0x9c: {  	s6 =	simm.s32 $0x0;
	s20 =	sshll.u32 s4, $0x1;
	s4 =	sadd.s32 s21, s2  }
0x9d: {  	[timem:s6], [sflag:s22] =	dma.local [hbm:s4], s20  }
0x9e: {  	_ =	swait.ge [sflag:s22], s20  }
0x9f: {  	s3 =	ssub.s32 $0x0, s20;
	[sflag:s22] =	ssyncset.done $0x0  }
0xa0: {  	[sflag:s22] =	ssyncadd.s32 s3;
	_ =	sdelay $0x1  }
0xa1: {  	s23 =	simm.s32 $0x1B8B  }
0xa2: {  	_ =	swait.ge [sflag:s23], $0x1  }
0xa3: {  	[sflag:s23] =	ssyncset.done $0x0  }
0xa4: {  	s25 =	simm.s32 $0x1B8E;
	s24 =	sld [smem:$0x3FFE];
	[sflag:s23] =	ssyncadd.s32 $0xFFFFFFFF  }
0xa5: {  	s26 =	simm.s32 $execute0_lowered;
	[smem:$0x3FD2] =	sst s25  }
0xa6: {  	s4 =	sshll.u32 s26, $0x1;
	_ =	strace $0x8000004C;
	[dreg:$0x1] =	wrdreg $0xFFFFFFFF  }
0xa7: {  	s28 =	simm.s32 $_size_execute0_lowered;
	s2 =	sadd.s32 s2, s4;
	[dreg:$0x0] =	wrdreg $0x0  }
0xa8: {  	s4 =	sshll.u32 s28, $0x1;
	[dreg:$0x2] =	wrdreg s2  }
0xa9: {  	[dreg:$0x3] =	wrdreg s4  }
0xaa: {  	[dreg:$0x4] =	wrdreg $0xC0  }
0xab: {  	_ =	task [dreg:s6], $0x5FFFF  }
0xac: {  	[dreg:$0x1] =	wrdreg $0xFFFFFFFF  }
0xad: {  	[dreg:$0x0] =	wrdreg $0x60  }
0xae: {  	[dreg:$0x2] =	wrdreg s24  }
0xaf: {  	[dreg:$0x3] =	wrdreg $0x9  }
0xb0: {  	_ =	task.clear_ibuf [dreg:s6], $0x4FFFF;
	_ =	strace $0x9000004C  }
0xb1: {  	s29 =	simm.s32 $0x9;
	_ =	strace $0x8000004E  }
0xb2: {  	_ =	swait.ge [sflag:s29], $0x1  }
0xb3: {  	[sflag:s29] =	ssyncadd.s32 $0xFFFFFFFF  }
0xb4: {  	_ =	strace $0x9000004E  }
0xb5: {  	_ =	sfence  }
0xb6: {  	s30 =	sld [smem:$0x0];
	_ =	sdelay $0x2  }
0xb7: {  	s31 =	sshll.u32 s1, $0xD;
	s1 =	sshrl.u32 s1, $0x2  }
0xb8: {  	s3 =	sand.u32 $0x4000, s31;
	s1 =	sadd.s32 s1, s30  }
0xb9: {  	s0 =	sor.u32 s3, s0;
	s1 =	sshll.u32 s1, $0x11  }
0xba: {  	s0 =	sor.u32 s1, s0  }
0xbb: {  	s0 =	sadd.s32 $0x8F2B, s0  }
0xbc: {  	[sflag:s0] =	ssyncadd.remote.s32 $0x1  }
0xbd: {  	_ =	sfence.sel $0xFFFF  }
0xbe: {  	[dreg:$0x0] =	wrdreg $0xFFFFFFFF;
	(pc) =	sbr.abs _section_cstart, $3  }
0xbf: {  	[dreg:$0x1] =	wrdreg $0xFFFFFFFF  }
0xc0: {  	_ =	task.clear_ibuf [dreg:s6], $0x2FFFF;
	_ =	strace $0x9FFFFFFF  }
0xc1: {  	(tm) =	ssettm $0x7FFFFFFF  }
tec
execute0_lowered:
.L_overlay_start_1:
0x0: {  	(tag) =	ssettag $0x1  }
0x1: {  	s0 =	rddreg [dreg:$0x0];
	s2 =	simm.s32 $0x0  }
0x2: {  	s3 =	stileid.u32;
	s1 =	srdreg.scid;
	s12 =	simm.s32 $0x2  }
0x3: {  	s13 =	simm.s32 $0x80;
	s14 =	simm.s32 $0x280;
	s15 =	simm.s32 $0x500  }
0x4: {  	s16 =	simm.s32 $0x300;
	s17 =	simm.s32 $0x580;
	s18 =	simm.s32 $0x100  }
0x5: {  	s19 =	simm.s32 $0x380;
	s20 =	simm.s32 $0x600;
	s21 =	simm.s32 $0x180  }
0x6: {  	s22 =	simm.s32 $0x400;
	s23 =	simm.s32 $0x680;
	s24 =	simm.s32 $0x200  }
0x7: {  	s25 =	simm.s32 $0x480;
	s26 =	simm.s32 $0x700;
	s28 =	simm.s32 $0x1  }
0x8: {  	[smem:$0x7FF] =	sst s2;
	s4 =	smul.u32 $0x320, s3;
	s1 =	sand.u32 $0x1, s1  }
0x9: {  	s3 =	sadd.s32 $0x3E00, s0;
	s5 =	ssub.s32 $0x2, s1;
	s1 =	smul.u32 $0x190, s1  }
0xa: {  	_ =	strace $0x8000004D;
	s6 =	sadd.s32 s4, s0;
	s7 =	sshrl.u32 s5, $0x1  }
0xb: {  	s4 =	sadd.s32 $0x7000, s0;
	s31 =	ssub.s32 s5, s7;
	s1 =	sadd.s32 s1, s6  }
0xc: {  	s0 =	smax.u32 s31, $0x1;
	s6 =	sadd.s32 $0xD7600, s1;
	s7 =	sadd.s32 $0x10600, s1  }
0xd: {  	s8 =	sadd.s32 $0xA200, s1;
	s9 =	sadd.s32 $0xDA800, s1;
	s10 =	sadd.s32 $0xD400, s1  }
0xe: {  	s11 =	sadd.s32 $0x13800, s1;
	s1 =	simm.s32 $0x0;
	[dreg:$0x2] =	wrdreg s0  }
.LBB2_1:
0xf: {  	[dreg:$0x3] =	wrdreg s1;
	s0 =	sadd.s32 $0x0, s6  }
0x10: {  	[tilespmem:s2], [sflag:$0x2] =	stream.linear.gather [hbm4b:s0+s2], $0x280, $0x38;
	[tilespmem:$0x780] =	vst v63  }
0x11: {  	_ =	swait.ge [sflag:s12], $0x280  }
0x12: {  	[sflag:s12] =	ssyncset.done $0x0  }
0x13: {  	[sflag:s12] =	ssyncadd.s32 $0xFFFFFD80  }
0x14: {  	[tilespmem:s14], [sflag:$0x1] =	stream.indirect.gather [hbm4b:s3+s13], $0x1, s2, s13, $0xb8;
	[tilespmem:$0x780] =	vst v63  }
0x15: {  	_ = 	snop  }
0x16: {  	[tilespmem:s15], [sflag:$0x1] =	stream.indirect.gather [hbm4b:s4+s13], $0x1, s2, s13, $0xb8;
	[tilespmem:$0x780] =	vst v63  }
0x17: {  	_ = 	snop  }
0x18: {  	[tilespmem:s16], [sflag:$0x1] =	stream.indirect.gather [hbm4b:s3+s13], $0x1, s13, s13, $0xb8;
	[tilespmem:$0x780] =	vst v63  }
0x19: {  	_ = 	snop  }
0x1a: {  	[tilespmem:s17], [sflag:$0x1] =	stream.indirect.gather [hbm4b:s4+s13], $0x1, s13, s13, $0xb8;
	[tilespmem:$0x780] =	vst v63  }
0x1b: {  	_ = 	snop  }
0x1c: {  	[tilespmem:s19], [sflag:$0x1] =	stream.indirect.gather [hbm4b:s3+s13], $0x1, s18, s13, $0xb8;
	[tilespmem:$0x780] =	vst v63  }
0x1d: {  	_ = 	snop  }
0x1e: {  	[tilespmem:s20], [sflag:$0x1] =	stream.indirect.gather [hbm4b:s4+s13], $0x1, s18, s13, $0xb8;
	[tilespmem:$0x780] =	vst v63  }
0x1f: {  	_ = 	snop  }
0x20: {  	[tilespmem:s22], [sflag:$0x1] =	stream.indirect.gather [hbm4b:s3+s13], $0x1, s21, s13, $0xb8;
	[tilespmem:$0x780] =	vst v63  }
0x21: {  	_ = 	snop  }
0x22: {  	[tilespmem:s23], [sflag:$0x1] =	stream.indirect.gather [hbm4b:s4+s13], $0x1, s21, s13, $0xb8;
	[tilespmem:$0x780] =	vst v63  }
0x23: {  	_ = 	snop  }
0x24: {  	[tilespmem:s25], [sflag:$0x1] =	stream.indirect.gather [hbm4b:s3+s13], $0x1, s24, s13, $0xb8;
	[tilespmem:$0x780] =	vst v63  }
0x25: {  	_ = 	snop  }
0x26: {  	[tilespmem:s26], [sflag:$0x1] =	stream.indirect.gather [hbm4b:s4+s13], $0x1, s24, s13, $0xb8;
	[tilespmem:$0x780] =	vst v63  }
0x27: {  	_ =	swait.ge [sflag:s28], $0x80  }
0x28: {  	[sflag:s28] =	ssyncset.done $0x0  }
0x29: {  	[sflag:s28] =	ssyncadd.s32 $0xFFFFFF80  }
0x2a: {  	_ =	swait.ge [sflag:s28], $0x80  }
0x2b: {  	[sflag:s28] =	ssyncset.done $0x0  }
0x2c: {  	[sflag:s28] =	ssyncadd.s32 $0xFFFFFF80  }
0x2d: {  	_ =	swait.ge [sflag:s28], $0x80  }
0x2e: {  	[sflag:s28] =	ssyncset.done $0x0  }
0x2f: {  	[sflag:s28] =	ssyncadd.s32 $0xFFFFFF80  }
0x30: {  	_ =	swait.ge [sflag:s28], $0x80  }
0x31: {  	[sflag:s28] =	ssyncset.done $0x0  }
0x32: {  	[sflag:s28] =	ssyncadd.s32 $0xFFFFFF80  }
0x33: {  	_ =	swait.ge [sflag:s28], $0x80  }
0x34: {  	[sflag:s28] =	ssyncset.done $0x0  }
0x35: {  	[sflag:s28] =	ssyncadd.s32 $0xFFFFFF80  }
0x36: {  	_ =	swait.ge [sflag:s28], $0x80  }
0x37: {  	[sflag:s28] =	ssyncset.done $0x0  }
0x38: {  	[sflag:s28] =	ssyncadd.s32 $0xFFFFFF80  }
0x39: {  	_ =	swait.ge [sflag:s28], $0x80  }
0x3a: {  	[sflag:s28] =	ssyncset.done $0x0  }
0x3b: {  	[sflag:s28] =	ssyncadd.s32 $0xFFFFFF80  }
0x3c: {  	_ =	swait.ge [sflag:s28], $0x80  }
0x3d: {  	[sflag:s28] =	ssyncset.done $0x0  }
0x3e: {  	[sflag:s28] =	ssyncadd.s32 $0xFFFFFF80  }
0x3f: {  	_ =	swait.ge [sflag:s28], $0x80  }
0x40: {  	[sflag:s28] =	ssyncset.done $0x0  }
0x41: {  	[sflag:s28] =	ssyncadd.s32 $0xFFFFFF80  }
0x42: {  	_ =	swait.ge [sflag:s28], $0x80  }
0x43: {  	[sflag:s28] =	ssyncset.done $0x0  }
0x44: {  	s29 =	sadd.s32 $0x0, s7;
	[sflag:s28] =	ssyncadd.s32 $0xFFFFFF80  }
0x45: {  	[hbm4b:s29+s2] =	stream.linear.scatter [tilespmem:s14], [sflag:$0x2], $0x280, $0x38;
	[tilespmem:$0x780] =	vst v63  }
0x46: {  	_ =	swait.ge [sflag:s12], $0x280  }
0x47: {  	[sflag:s12] =	ssyncset.done $0x0  }
0x48: {  	s30 =	sadd.s32 $0x0, s8;
	[sflag:s12] =	ssyncadd.s32 $0xFFFFFD80  }
0x49: {  	[hbm4b:s30+s2] =	stream.linear.scatter [tilespmem:s15], [sflag:$0x2], $0x280, $0x38;
	[tilespmem:$0x780] =	vst v63  }
0x4a: {  	s31 =	simm.s32 $0x50;
	_ =	swait.ge [sflag:s12], $0x280  }
0x4b: {  	s1 =	sadd.s32 $0x50, s6;
	s0 =	simm.s32 $0xA0;
	[sflag:s12] =	ssyncset.done $0x0  }
.LBB2_2:
0x4c: {  	s29 =	sadd.s32 s0, s6  }
0x4d: {  	s30 =	simm.s32 $0x0;
	[sflag:s12] =	ssyncadd.s32 $0xFFFFFD80;
	s5 =	smov.u32 s0  }
0x4e: {  	[tilespmem:s30], [sflag:$0x2] =	stream.linear.gather [hbm4b:s1+s30], $0x280, $0x38;
	[tilespmem:$0x780] =	vst v63  }
0x4f: {  	p0 =	sne.s32 s0, $0x140;
	s0 =	sadd.s32 $0x50, s0;
	_ =	swait.ge [sflag:s12], $0x280  }
0x50: {  	s1 =	smov.u32 s29;
	[sflag:s12] =	ssyncset.done $0x0  }
0x51: {  	[sflag:s12] =	ssyncadd.s32 $0xFFFFFD80  }
0x52: {  	[tilespmem:s14], [sflag:$0x1] =	stream.indirect.gather [hbm4b:s3+s13], $0x1, s30, s13, $0xb8;
	[tilespmem:$0x780] =	vst v63  }
0x53: {  	_ = 	snop  }
0x54: {  	[tilespmem:s15], [sflag:$0x1] =	stream.indirect.gather [hbm4b:s4+s13], $0x1, s30, s13, $0xb8;
	[tilespmem:$0x780] =	vst v63  }
0x55: {  	_ = 	snop  }
0x56: {  	[tilespmem:s16], [sflag:$0x1] =	stream.indirect.gather [hbm4b:s3+s13], $0x1, s13, s13, $0xb8;
	[tilespmem:$0x780] =	vst v63  }
0x57: {  	_ = 	snop  }
0x58: {  	[tilespmem:s17], [sflag:$0x1] =	stream.indirect.gather [hbm4b:s4+s13], $0x1, s13, s13, $0xb8;
	[tilespmem:$0x780] =	vst v63  }
0x59: {  	_ = 	snop  }
0x5a: {  	[tilespmem:s19], [sflag:$0x1] =	stream.indirect.gather [hbm4b:s3+s13], $0x1, s18, s13, $0xb8;
	[tilespmem:$0x780] =	vst v63  }
0x5b: {  	_ = 	snop  }
0x5c: {  	[tilespmem:s20], [sflag:$0x1] =	stream.indirect.gather [hbm4b:s4+s13], $0x1, s18, s13, $0xb8;
	[tilespmem:$0x780] =	vst v63  }
0x5d: {  	_ = 	snop  }
0x5e: {  	[tilespmem:s22], [sflag:$0x1] =	stream.indirect.gather [hbm4b:s3+s13], $0x1, s21, s13, $0xb8;
	[tilespmem:$0x780] =	vst v63  }
0x5f: {  	_ = 	snop  }
0x60: {  	[tilespmem:s23], [sflag:$0x1] =	stream.indirect.gather [hbm4b:s4+s13], $0x1, s21, s13, $0xb8;
	[tilespmem:$0x780] =	vst v63  }
0x61: {  	_ = 	snop  }
0x62: {  	[tilespmem:s25], [sflag:$0x1] =	stream.indirect.gather [hbm4b:s3+s13], $0x1, s24, s13, $0xb8;
	[tilespmem:$0x780] =	vst v63  }
0x63: {  	_ = 	snop  }
0x64: {  	[tilespmem:s26], [sflag:$0x1] =	stream.indirect.gather [hbm4b:s4+s13], $0x1, s24, s13, $0xb8;
	[tilespmem:$0x780] =	vst v63  }
0x65: {  	_ =	swait.ge [sflag:s28], $0x80  }
0x66: {  	[sflag:s28] =	ssyncset.done $0x0  }
0x67: {  	[sflag:s28] =	ssyncadd.s32 $0xFFFFFF80  }
0x68: {  	_ =	swait.ge [sflag:s28], $0x80  }
0x69: {  	[sflag:s28] =	ssyncset.done $0x0  }
0x6a: {  	[sflag:s28] =	ssyncadd.s32 $0xFFFFFF80  }
0x6b: {  	_ =	swait.ge [sflag:s28], $0x80  }
0x6c: {  	[sflag:s28] =	ssyncset.done $0x0  }
0x6d: {  	[sflag:s28] =	ssyncadd.s32 $0xFFFFFF80  }
0x6e: {  	_ =	swait.ge [sflag:s28], $0x80  }
0x6f: {  	[sflag:s28] =	ssyncset.done $0x0  }
0x70: {  	[sflag:s28] =	ssyncadd.s32 $0xFFFFFF80  }
0x71: {  	_ =	swait.ge [sflag:s28], $0x80  }
0x72: {  	[sflag:s28] =	ssyncset.done $0x0  }
0x73: {  	[sflag:s28] =	ssyncadd.s32 $0xFFFFFF80  }
0x74: {  	_ =	swait.ge [sflag:s28], $0x80  }
0x75: {  	[sflag:s28] =	ssyncset.done $0x0  }
0x76: {  	[sflag:s28] =	ssyncadd.s32 $0xFFFFFF80  }
0x77: {  	_ =	swait.ge [sflag:s28], $0x80  }
0x78: {  	[sflag:s28] =	ssyncset.done $0x0  }
0x79: {  	[sflag:s28] =	ssyncadd.s32 $0xFFFFFF80  }
0x7a: {  	_ =	swait.ge [sflag:s28], $0x80  }
0x7b: {  	[sflag:s28] =	ssyncset.done $0x0  }
0x7c: {  	[sflag:s28] =	ssyncadd.s32 $0xFFFFFF80  }
0x7d: {  	_ =	swait.ge [sflag:s28], $0x80  }
0x7e: {  	[sflag:s28] =	ssyncset.done $0x0  }
0x7f: {  	[sflag:s28] =	ssyncadd.s32 $0xFFFFFF80  }
0x80: {  	_ =	swait.ge [sflag:s28], $0x80  }
0x81: {  	[sflag:s28] =	ssyncset.done $0x0  }
0x82: {  	s29 =	sadd.s32 s31, s7;
	[sflag:s28] =	ssyncadd.s32 $0xFFFFFF80  }
0x83: {  	[hbm4b:s29+s30] =	stream.linear.scatter [tilespmem:s14], [sflag:$0x2], $0x280, $0x38;
	[tilespmem:$0x780] =	vst v63  }
0x84: {  	_ =	swait.ge [sflag:s12], $0x280  }
.Ltmp0:
0x85: {  	[sflag:s12] =	ssyncset.done $0x0;
	(pc) =	sbr.rel @p0 .LBB2_2-.Ltmp0, $4  }
0x86: {  	s29 =	sadd.s32 s31, s8;
	s31 =	smov.u32 s5;
	[sflag:s12] =	ssyncadd.s32 $0xFFFFFD80  }
0x87: {  	[hbm4b:s29+s30] =	stream.linear.scatter [tilespmem:s15], [sflag:$0x2], $0x280, $0x38;
	[tilespmem:$0x780] =	vst v63  }
0x88: {  	_ =	swait.ge [sflag:s12], $0x280  }
0x89: {  	[sflag:s12] =	ssyncset.done $0x0  }
0x8a: {  	[sflag:s12] =	ssyncadd.s32 $0xFFFFFD80  }
0x8b: {  	[tilespmem:s30], [sflag:$0x2] =	stream.linear.gather [hbm4b:s1+s30], $0x280, $0x38;
	[tilespmem:$0x780] =	vst v63  }
0x8c: {  	_ =	swait.ge [sflag:s12], $0x280  }
0x8d: {  	[sflag:s12] =	ssyncset.done $0x0  }
0x8e: {  	[sflag:s12] =	ssyncadd.s32 $0xFFFFFD80  }
0x8f: {  	[tilespmem:s14], [sflag:$0x1] =	stream.indirect.gather [hbm4b:s3+s13], $0x1, s30, s13, $0xb8;
	[tilespmem:$0x780] =	vst v63  }
0x90: {  	_ = 	snop  }
0x91: {  	[tilespmem:s15], [sflag:$0x1] =	stream.indirect.gather [hbm4b:s4+s13], $0x1, s30, s13, $0xb8;
	[tilespmem:$0x780] =	vst v63  }
0x92: {  	_ = 	snop  }
0x93: {  	[tilespmem:s16], [sflag:$0x1] =	stream.indirect.gather [hbm4b:s3+s13], $0x1, s13, s13, $0xb8;
	[tilespmem:$0x780] =	vst v63  }
0x94: {  	_ = 	snop  }
0x95: {  	[tilespmem:s17], [sflag:$0x1] =	stream.indirect.gather [hbm4b:s4+s13], $0x1, s13, s13, $0xb8;
	[tilespmem:$0x780] =	vst v63  }
0x96: {  	_ = 	snop  }
0x97: {  	[tilespmem:s19], [sflag:$0x1] =	stream.indirect.gather [hbm4b:s3+s13], $0x1, s18, s13, $0xb8;
	[tilespmem:$0x780] =	vst v63  }
0x98: {  	_ = 	snop  }
0x99: {  	[tilespmem:s20], [sflag:$0x1] =	stream.indirect.gather [hbm4b:s4+s13], $0x1, s18, s13, $0xb8;
	[tilespmem:$0x780] =	vst v63  }
0x9a: {  	_ = 	snop  }
0x9b: {  	[tilespmem:s22], [sflag:$0x1] =	stream.indirect.gather [hbm4b:s3+s13], $0x1, s21, s13, $0xb8;
	[tilespmem:$0x780] =	vst v63  }
0x9c: {  	_ = 	snop  }
0x9d: {  	[tilespmem:s23], [sflag:$0x1] =	stream.indirect.gather [hbm4b:s4+s13], $0x1, s21, s13, $0xb8;
	[tilespmem:$0x780] =	vst v63  }
0x9e: {  	_ = 	snop  }
0x9f: {  	[tilespmem:s25], [sflag:$0x1] =	stream.indirect.gather [hbm4b:s3+s13], $0x1, s24, s13, $0xb8;
	[tilespmem:$0x780] =	vst v63  }
0xa0: {  	_ = 	snop  }
0xa1: {  	[tilespmem:s26], [sflag:$0x1] =	stream.indirect.gather [hbm4b:s4+s13], $0x1, s24, s13, $0xb8;
	[tilespmem:$0x780] =	vst v63  }
0xa2: {  	_ =	swait.ge [sflag:s28], $0x80  }
0xa3: {  	[sflag:s28] =	ssyncset.done $0x0  }
0xa4: {  	[sflag:s28] =	ssyncadd.s32 $0xFFFFFF80  }
0xa5: {  	_ =	swait.ge [sflag:s28], $0x80  }
0xa6: {  	[sflag:s28] =	ssyncset.done $0x0  }
0xa7: {  	[sflag:s28] =	ssyncadd.s32 $0xFFFFFF80  }
0xa8: {  	_ =	swait.ge [sflag:s28], $0x80  }
0xa9: {  	[sflag:s28] =	ssyncset.done $0x0  }
0xaa: {  	[sflag:s28] =	ssyncadd.s32 $0xFFFFFF80  }
0xab: {  	_ =	swait.ge [sflag:s28], $0x80  }
0xac: {  	[sflag:s28] =	ssyncset.done $0x0  }
0xad: {  	[sflag:s28] =	ssyncadd.s32 $0xFFFFFF80  }
0xae: {  	_ =	swait.ge [sflag:s28], $0x80  }
0xaf: {  	[sflag:s28] =	ssyncset.done $0x0  }
0xb0: {  	[sflag:s28] =	ssyncadd.s32 $0xFFFFFF80  }
0xb1: {  	_ =	swait.ge [sflag:s28], $0x80  }
0xb2: {  	[sflag:s28] =	ssyncset.done $0x0  }
0xb3: {  	[sflag:s28] =	ssyncadd.s32 $0xFFFFFF80  }
0xb4: {  	_ =	swait.ge [sflag:s28], $0x80  }
0xb5: {  	[sflag:s28] =	ssyncset.done $0x0  }
0xb6: {  	[sflag:s28] =	ssyncadd.s32 $0xFFFFFF80  }
0xb7: {  	_ =	swait.ge [sflag:s28], $0x80  }
0xb8: {  	[sflag:s28] =	ssyncset.done $0x0  }
0xb9: {  	[sflag:s28] =	ssyncadd.s32 $0xFFFFFF80  }
0xba: {  	_ =	swait.ge [sflag:s28], $0x80  }
0xbb: {  	[sflag:s28] =	ssyncset.done $0x0  }
0xbc: {  	[sflag:s28] =	ssyncadd.s32 $0xFFFFFF80  }
0xbd: {  	_ =	swait.ge [sflag:s28], $0x80  }
0xbe: {  	[sflag:s28] =	ssyncset.done $0x0  }
0xbf: {  	s0 =	sadd.s32 s31, s7;
	[sflag:s28] =	ssyncadd.s32 $0xFFFFFF80  }
0xc0: {  	[hbm4b:s0+s30] =	stream.linear.scatter [tilespmem:s14], [sflag:$0x2], $0x280, $0x38;
	[tilespmem:$0x780] =	vst v63  }
0xc1: {  	_ =	swait.ge [sflag:s12], $0x280  }
0xc2: {  	p1 =	por $0x1, $0x1;
	[sflag:s12] =	ssyncset.done $0x0  }
.Ltmp1:
0xc3: {  	s29 =	sadd.s32 s31, s8;
	[sflag:s12] =	ssyncadd.s32 $0xFFFFFD80;
	(pc) =	sbr.rel @!p1 .LBB2_8-.Ltmp1, $4  }
0xc4: {  	[hbm4b:s29+s30] =	stream.linear.scatter [tilespmem:s15], [sflag:$0x2], $0x280, $0x38;
	[tilespmem:$0x780] =	vst v63  }
0xc5: {  	_ =	swait.ge [sflag:s12], $0x280  }
0xc6: {  	s31 =	simm.s32 $0x50;
	[sflag:s12] =	ssyncset.done $0x0  }
0xc7: {  	p0 =	por $0x0, $0x0;
	s1 =	rddreg [dreg:$0x3];
	[sflag:s12] =	ssyncadd.s32 $0xFFFFFD80  }
0xc8: {  	s0 =	sadd.s32 $0x0, s9  }
0xc9: {  	[tilespmem:s2], [sflag:$0x2] =	stream.linear.gather [hbm4b:s0+s2], $0x280, $0x38;
	[tilespmem:$0x780] =	vst v63  }
0xca: {  	_ =	swait.ge [sflag:s12], $0x280  }
0xcb: {  	[sflag:s12] =	ssyncset.done $0x0  }
0xcc: {  	[sflag:s12] =	ssyncadd.s32 $0xFFFFFD80  }
0xcd: {  	[tilespmem:s14], [sflag:$0x1] =	stream.indirect.gather [hbm4b:s3+s13], $0x1, s2, s13, $0xb8;
	[tilespmem:$0x780] =	vst v63  }
0xce: {  	_ = 	snop  }
0xcf: {  	[tilespmem:s15], [sflag:$0x1] =	stream.indirect.gather [hbm4b:s4+s13], $0x1, s2, s13, $0xb8;
	[tilespmem:$0x780] =	vst v63  }
0xd0: {  	_ = 	snop  }
0xd1: {  	[tilespmem:s16], [sflag:$0x1] =	stream.indirect.gather [hbm4b:s3+s13], $0x1, s13, s13, $0xb8;
	[tilespmem:$0x780] =	vst v63  }
0xd2: {  	_ = 	snop  }
0xd3: {  	[tilespmem:s17], [sflag:$0x1] =	stream.indirect.gather [hbm4b:s4+s13], $0x1, s13, s13, $0xb8;
	[tilespmem:$0x780] =	vst v63  }
0xd4: {  	_ = 	snop  }
0xd5: {  	[tilespmem:s19], [sflag:$0x1] =	stream.indirect.gather [hbm4b:s3+s13], $0x1, s18, s13, $0xb8;
	[tilespmem:$0x780] =	vst v63  }
0xd6: {  	_ = 	snop  }
0xd7: {  	[tilespmem:s20], [sflag:$0x1] =	stream.indirect.gather [hbm4b:s4+s13], $0x1, s18, s13, $0xb8;
	[tilespmem:$0x780] =	vst v63  }
0xd8: {  	_ = 	snop  }
0xd9: {  	[tilespmem:s22], [sflag:$0x1] =	stream.indirect.gather [hbm4b:s3+s13], $0x1, s21, s13, $0xb8;
	[tilespmem:$0x780] =	vst v63  }
0xda: {  	_ = 	snop  }
0xdb: {  	[tilespmem:s23], [sflag:$0x1] =	stream.indirect.gather [hbm4b:s4+s13], $0x1, s21, s13, $0xb8;
	[tilespmem:$0x780] =	vst v63  }
0xdc: {  	_ = 	snop  }
0xdd: {  	[tilespmem:s25], [sflag:$0x1] =	stream.indirect.gather [hbm4b:s3+s13], $0x1, s24, s13, $0xb8;
	[tilespmem:$0x780] =	vst v63  }
0xde: {  	_ = 	snop  }
0xdf: {  	[tilespmem:s26], [sflag:$0x1] =	stream.indirect.gather [hbm4b:s4+s13], $0x1, s24, s13, $0xb8;
	[tilespmem:$0x780] =	vst v63  }
0xe0: {  	_ =	swait.ge [sflag:s28], $0x80  }
0xe1: {  	[sflag:s28] =	ssyncset.done $0x0  }
0xe2: {  	[sflag:s28] =	ssyncadd.s32 $0xFFFFFF80  }
0xe3: {  	_ =	swait.ge [sflag:s28], $0x80  }
0xe4: {  	[sflag:s28] =	ssyncset.done $0x0  }
0xe5: {  	[sflag:s28] =	ssyncadd.s32 $0xFFFFFF80  }
0xe6: {  	_ =	swait.ge [sflag:s28], $0x80  }
0xe7: {  	[sflag:s28] =	ssyncset.done $0x0  }
0xe8: {  	[sflag:s28] =	ssyncadd.s32 $0xFFFFFF80  }
0xe9: {  	_ =	swait.ge [sflag:s28], $0x80  }
0xea: {  	[sflag:s28] =	ssyncset.done $0x0  }
0xeb: {  	[sflag:s28] =	ssyncadd.s32 $0xFFFFFF80  }
0xec: {  	_ =	swait.ge [sflag:s28], $0x80  }
0xed: {  	[sflag:s28] =	ssyncset.done $0x0  }
0xee: {  	[sflag:s28] =	ssyncadd.s32 $0xFFFFFF80  }
0xef: {  	_ =	swait.ge [sflag:s28], $0x80  }
0xf0: {  	[sflag:s28] =	ssyncset.done $0x0  }
0xf1: {  	[sflag:s28] =	ssyncadd.s32 $0xFFFFFF80  }
0xf2: {  	_ =	swait.ge [sflag:s28], $0x80  }
0xf3: {  	[sflag:s28] =	ssyncset.done $0x0  }
0xf4: {  	[sflag:s28] =	ssyncadd.s32 $0xFFFFFF80  }
0xf5: {  	_ =	swait.ge [sflag:s28], $0x80  }
0xf6: {  	[sflag:s28] =	ssyncset.done $0x0  }
0xf7: {  	[sflag:s28] =	ssyncadd.s32 $0xFFFFFF80  }
0xf8: {  	_ =	swait.ge [sflag:s28], $0x80  }
0xf9: {  	[sflag:s28] =	ssyncset.done $0x0  }
0xfa: {  	[sflag:s28] =	ssyncadd.s32 $0xFFFFFF80  }
0xfb: {  	_ =	swait.ge [sflag:s28], $0x80  }
0xfc: {  	[sflag:s28] =	ssyncset.done $0x0  }
0xfd: {  	s29 =	sadd.s32 $0x0, s11;
	[sflag:s28] =	ssyncadd.s32 $0xFFFFFF80  }
0xfe: {  	[hbm4b:s29+s2] =	stream.linear.scatter [tilespmem:s14], [sflag:$0x2], $0x280, $0x38;
	[tilespmem:$0x780] =	vst v63  }
0xff: {  	p1 =	por $0x1, $0x1;
	_ =	swait.ge [sflag:s12], $0x280  }
.Ltmp2:
0x100: {  	[sflag:s12] =	ssyncset.done $0x0;
	(pc) =	sbr.rel @!p1 .LBB2_5-.Ltmp2, $4  }
0x101: {  	s30 =	sadd.s32 $0x0, s10;
	[sflag:s12] =	ssyncadd.s32 $0xFFFFFD80  }
0x102: {  	[hbm4b:s30+s2] =	stream.linear.scatter [tilespmem:s15], [sflag:$0x2], $0x280, $0x38;
	[tilespmem:$0x780] =	vst v63  }
0x103: {  	_ =	swait.ge [sflag:s12], $0x280  }
0x104: {  	s5 =	simm.s32 $0xA0;
	p0 =	por $0x1, $0x1;
	[sflag:s12] =	ssyncset.done $0x0  }
.LBB2_6:
0x105: {  	s29 =	sadd.s32 s31, s9  }
0x106: {  	[sflag:s12] =	ssyncadd.s32 $0xFFFFFD80;
	s1 =	smov.u32 s5;
	s0 =	sadd.s32 $0x50, s5  }
0x107: {  	[tilespmem:s2], [sflag:$0x2] =	stream.linear.gather [hbm4b:s29+s2], $0x280, $0x38;
	[tilespmem:$0x780] =	vst v63  }
0x108: {  	p1 =	sne.s32 s5, $0x140;
	_ =	swait.ge [sflag:s12], $0x280  }
0x109: {  	[sflag:s12] =	ssyncset.done $0x0  }
0x10a: {  	[sflag:s12] =	ssyncadd.s32 $0xFFFFFD80  }
0x10b: {  	[tilespmem:s14], [sflag:$0x1] =	stream.indirect.gather [hbm4b:s3+s13], $0x1, s2, s13, $0xb8;
	[tilespmem:$0x780] =	vst v63  }
0x10c: {  	_ = 	snop  }
0x10d: {  	[tilespmem:s15], [sflag:$0x1] =	stream.indirect.gather [hbm4b:s4+s13], $0x1, s2, s13, $0xb8;
	[tilespmem:$0x780] =	vst v63  }
0x10e: {  	_ = 	snop  }
0x10f: {  	[tilespmem:s16], [sflag:$0x1] =	stream.indirect.gather [hbm4b:s3+s13], $0x1, s13, s13, $0xb8;
	[tilespmem:$0x780] =	vst v63  }
0x110: {  	_ = 	snop  }
0x111: {  	[tilespmem:s17], [sflag:$0x1] =	stream.indirect.gather [hbm4b:s4+s13], $0x1, s13, s13, $0xb8;
	[tilespmem:$0x780] =	vst v63  }
0x112: {  	_ = 	snop  }
0x113: {  	[tilespmem:s19], [sflag:$0x1] =	stream.indirect.gather [hbm4b:s3+s13], $0x1, s18, s13, $0xb8;
	[tilespmem:$0x780] =	vst v63  }
0x114: {  	_ = 	snop  }
0x115: {  	[tilespmem:s20], [sflag:$0x1] =	stream.indirect.gather [hbm4b:s4+s13], $0x1, s18, s13, $0xb8;
	[tilespmem:$0x780] =	vst v63  }
0x116: {  	_ = 	snop  }
0x117: {  	[tilespmem:s22], [sflag:$0x1] =	stream.indirect.gather [hbm4b:s3+s13], $0x1, s21, s13, $0xb8;
	[tilespmem:$0x780] =	vst v63  }
0x118: {  	_ = 	snop  }
0x119: {  	[tilespmem:s23], [sflag:$0x1] =	stream.indirect.gather [hbm4b:s4+s13], $0x1, s21, s13, $0xb8;
	[tilespmem:$0x780] =	vst v63  }
0x11a: {  	_ = 	snop  }
0x11b: {  	[tilespmem:s25], [sflag:$0x1] =	stream.indirect.gather [hbm4b:s3+s13], $0x1, s24, s13, $0xb8;
	[tilespmem:$0x780] =	vst v63  }
0x11c: {  	_ = 	snop  }
0x11d: {  	[tilespmem:s26], [sflag:$0x1] =	stream.indirect.gather [hbm4b:s4+s13], $0x1, s24, s13, $0xb8;
	[tilespmem:$0x780] =	vst v63  }
0x11e: {  	_ =	swait.ge [sflag:s28], $0x80  }
0x11f: {  	[sflag:s28] =	ssyncset.done $0x0  }
0x120: {  	[sflag:s28] =	ssyncadd.s32 $0xFFFFFF80  }
0x121: {  	_ =	swait.ge [sflag:s28], $0x80  }
0x122: {  	[sflag:s28] =	ssyncset.done $0x0  }
0x123: {  	[sflag:s28] =	ssyncadd.s32 $0xFFFFFF80  }
0x124: {  	_ =	swait.ge [sflag:s28], $0x80  }
0x125: {  	[sflag:s28] =	ssyncset.done $0x0  }
0x126: {  	[sflag:s28] =	ssyncadd.s32 $0xFFFFFF80  }
0x127: {  	_ =	swait.ge [sflag:s28], $0x80  }
0x128: {  	[sflag:s28] =	ssyncset.done $0x0  }
0x129: {  	[sflag:s28] =	ssyncadd.s32 $0xFFFFFF80  }
0x12a: {  	_ =	swait.ge [sflag:s28], $0x80  }
0x12b: {  	[sflag:s28] =	ssyncset.done $0x0  }
0x12c: {  	[sflag:s28] =	ssyncadd.s32 $0xFFFFFF80  }
0x12d: {  	_ =	swait.ge [sflag:s28], $0x80  }
0x12e: {  	[sflag:s28] =	ssyncset.done $0x0  }
0x12f: {  	[sflag:s28] =	ssyncadd.s32 $0xFFFFFF80  }
0x130: {  	_ =	swait.ge [sflag:s28], $0x80  }
0x131: {  	[sflag:s28] =	ssyncset.done $0x0  }
0x132: {  	[sflag:s28] =	ssyncadd.s32 $0xFFFFFF80  }
0x133: {  	_ =	swait.ge [sflag:s28], $0x80  }
0x134: {  	[sflag:s28] =	ssyncset.done $0x0  }
0x135: {  	[sflag:s28] =	ssyncadd.s32 $0xFFFFFF80  }
0x136: {  	_ =	swait.ge [sflag:s28], $0x80  }
0x137: {  	[sflag:s28] =	ssyncset.done $0x0  }
0x138: {  	[sflag:s28] =	ssyncadd.s32 $0xFFFFFF80  }
0x139: {  	_ =	swait.ge [sflag:s28], $0x80  }
0x13a: {  	[sflag:s28] =	ssyncset.done $0x0  }
0x13b: {  	s5 =	sadd.s32 s31, s11;
	[sflag:s28] =	ssyncadd.s32 $0xFFFFFF80  }
0x13c: {  	[hbm4b:s5+s2] =	stream.linear.scatter [tilespmem:s14], [sflag:$0x2], $0x280, $0x38;
	[tilespmem:$0x780] =	vst v63  }
0x13d: {  	_ =	swait.ge [sflag:s12], $0x280  }
.Ltmp3:
0x13e: {  	[sflag:s12] =	ssyncset.done $0x0;
	(pc) =	sbr.rel @p1 .LBB2_6-.Ltmp3, $4  }
0x13f: {  	s5 =	sadd.s32 s31, s10;
	s31 =	smov.u32 s1;
	[sflag:s12] =	ssyncadd.s32 $0xFFFFFD80  }
0x140: {  	[hbm4b:s5+s2] =	stream.linear.scatter [tilespmem:s15], [sflag:$0x2], $0x280, $0x38;
	[tilespmem:$0x780] =	vst v63  }
0x141: {  	_ =	swait.ge [sflag:s12], $0x280  }
0x142: {  	s5 =	smov.u32 s0;
	[sflag:s12] =	ssyncset.done $0x0  }
0x143: {  	s30 =	smov.u32 s31;
	s1 =	rddreg [dreg:$0x3]  }
.LBB2_8:
0x144: {  	s0 =	sadd.s32 s30, s9;
	[sflag:s12] =	ssyncadd.s32 @p0 $0xFFFFFD80  }
0x145: {  	[tilespmem:s2], [sflag:$0x2] =	stream.linear.gather [hbm4b:s0+s2], $0x280, $0x38;
	[tilespmem:$0x780] =	vst v63  }
0x146: {  	_ =	swait.ge [sflag:s12], $0x280  }
0x147: {  	[sflag:s12] =	ssyncset.done $0x0  }
0x148: {  	[sflag:s12] =	ssyncadd.s32 $0xFFFFFD80  }
0x149: {  	[tilespmem:s14], [sflag:$0x1] =	stream.indirect.gather [hbm4b:s3+s13], $0x1, s2, s13, $0xb8;
	[tilespmem:$0x780] =	vst v63  }
0x14a: {  	_ = 	snop  }
0x14b: {  	[tilespmem:s15], [sflag:$0x1] =	stream.indirect.gather [hbm4b:s4+s13], $0x1, s2, s13, $0xb8;
	[tilespmem:$0x780] =	vst v63  }
0x14c: {  	_ = 	snop  }
0x14d: {  	[tilespmem:s16], [sflag:$0x1] =	stream.indirect.gather [hbm4b:s3+s13], $0x1, s13, s13, $0xb8;
	[tilespmem:$0x780] =	vst v63  }
0x14e: {  	_ = 	snop  }
0x14f: {  	[tilespmem:s17], [sflag:$0x1] =	stream.indirect.gather [hbm4b:s4+s13], $0x1, s13, s13, $0xb8;
	[tilespmem:$0x780] =	vst v63  }
0x150: {  	_ = 	snop  }
0x151: {  	[tilespmem:s19], [sflag:$0x1] =	stream.indirect.gather [hbm4b:s3+s13], $0x1, s18, s13, $0xb8;
	[tilespmem:$0x780] =	vst v63  }
0x152: {  	_ = 	snop  }
0x153: {  	[tilespmem:s20], [sflag:$0x1] =	stream.indirect.gather [hbm4b:s4+s13], $0x1, s18, s13, $0xb8;
	[tilespmem:$0x780] =	vst v63  }
0x154: {  	_ = 	snop  }
0x155: {  	[tilespmem:s22], [sflag:$0x1] =	stream.indirect.gather [hbm4b:s3+s13], $0x1, s21, s13, $0xb8;
	[tilespmem:$0x780] =	vst v63  }
0x156: {  	_ = 	snop  }
0x157: {  	[tilespmem:s23], [sflag:$0x1] =	stream.indirect.gather [hbm4b:s4+s13], $0x1, s21, s13, $0xb8;
	[tilespmem:$0x780] =	vst v63  }
0x158: {  	_ = 	snop  }
0x159: {  	[tilespmem:s25], [sflag:$0x1] =	stream.indirect.gather [hbm4b:s3+s13], $0x1, s24, s13, $0xb8;
	[tilespmem:$0x780] =	vst v63  }
0x15a: {  	_ = 	snop  }
0x15b: {  	[tilespmem:s26], [sflag:$0x1] =	stream.indirect.gather [hbm4b:s4+s13], $0x1, s24, s13, $0xb8;
	[tilespmem:$0x780] =	vst v63  }
0x15c: {  	_ =	swait.ge [sflag:s28], $0x80  }
0x15d: {  	[sflag:s28] =	ssyncset.done $0x0  }
0x15e: {  	[sflag:s28] =	ssyncadd.s32 $0xFFFFFF80  }
0x15f: {  	_ =	swait.ge [sflag:s28], $0x80  }
0x160: {  	[sflag:s28] =	ssyncset.done $0x0  }
0x161: {  	[sflag:s28] =	ssyncadd.s32 $0xFFFFFF80  }
0x162: {  	_ =	swait.ge [sflag:s28], $0x80  }
0x163: {  	[sflag:s28] =	ssyncset.done $0x0  }
0x164: {  	[sflag:s28] =	ssyncadd.s32 $0xFFFFFF80  }
0x165: {  	_ =	swait.ge [sflag:s28], $0x80  }
0x166: {  	[sflag:s28] =	ssyncset.done $0x0  }
0x167: {  	[sflag:s28] =	ssyncadd.s32 $0xFFFFFF80  }
0x168: {  	_ =	swait.ge [sflag:s28], $0x80  }
0x169: {  	[sflag:s28] =	ssyncset.done $0x0  }
0x16a: {  	[sflag:s28] =	ssyncadd.s32 $0xFFFFFF80  }
0x16b: {  	_ =	swait.ge [sflag:s28], $0x80  }
0x16c: {  	[sflag:s28] =	ssyncset.done $0x0  }
0x16d: {  	[sflag:s28] =	ssyncadd.s32 $0xFFFFFF80  }
0x16e: {  	_ =	swait.ge [sflag:s28], $0x80  }
0x16f: {  	[sflag:s28] =	ssyncset.done $0x0  }
0x170: {  	[sflag:s28] =	ssyncadd.s32 $0xFFFFFF80  }
0x171: {  	_ =	swait.ge [sflag:s28], $0x80  }
0x172: {  	[sflag:s28] =	ssyncset.done $0x0  }
0x173: {  	[sflag:s28] =	ssyncadd.s32 $0xFFFFFF80  }
0x174: {  	_ =	swait.ge [sflag:s28], $0x80  }
0x175: {  	[sflag:s28] =	ssyncset.done $0x0  }
0x176: {  	[sflag:s28] =	ssyncadd.s32 $0xFFFFFF80  }
0x177: {  	_ =	swait.ge [sflag:s28], $0x80  }
0x178: {  	[sflag:s28] =	ssyncset.done $0x0  }
0x179: {  	s29 =	sadd.s32 s30, s11;
	[sflag:s28] =	ssyncadd.s32 $0xFFFFFF80  }
0x17a: {  	[hbm4b:s29+s2] =	stream.linear.scatter [tilespmem:s14], [sflag:$0x2], $0x280, $0x38;
	[tilespmem:$0x780] =	vst v63  }
0x17b: {  	_ =	swait.ge [sflag:s12], $0x280  }
0x17c: {  	[sflag:s12] =	ssyncset.done $0x0  }
0x17d: {  	s30 =	sadd.s32 s30, s10;
	[sflag:s12] =	ssyncadd.s32 $0xFFFFFD80  }
0x17e: {  	[hbm4b:s30+s2] =	stream.linear.scatter [tilespmem:s15], [sflag:$0x2], $0x280, $0x38;
	[tilespmem:$0x780] =	vst v63  }
0x17f: {  	_ =	swait.ge [sflag:s12], $0x280  }
0x180: {  	s1 =	sadd.s32 $0x1, s1;
	s31 =	rddreg [dreg:$0x2]  }
0x181: {  	p0 =	sne.s32 s1, s31  }
.Ltmp4:
0x182: {  	_ = 	snop;
	(pc) =	sbr.rel @p0 .LBB2_1-.Ltmp4, $4  }
.Ltmp5:
0x183: {  	_ = 	snop;
	(pc) =	sbr.rel @!p0 .LBB2_9-.Ltmp5, $4  }
0x184: {  	_ = 	snop  }
0x185: {  	[sflag:s12] =	ssyncset.done $0x0  }
0x186: {  	[sflag:s12] =	ssyncadd.s32 $0xFFFFFD80  }
0x187: {  	_ = 	snop  }
.LBB2_5:
.Ltmp6:
0x188: {  	(pc) =	sbr.rel .LBB2_8-.Ltmp6, $2  }
0x189: {  	_ =	sdelay $0x2  }
0x18a: {  	s30 =	simm.s32 $0x50;
	s1 =	rddreg [dreg:$0x3]  }
.LBB2_9:
0x18b: {  	_ =	sfence.sel $0x180000  }
0x18c: {  	[bflag:$0x0] =	sbarrier.arrive $0xFFFF  }
0x18d: {  	_ =	strace $0x9000004D  }
0x18e: {  	s0 =	stileid.u32;
	[bflag:$0x2] =	sbarrier.arrive $0xFFFF  }
0x18f: {  	p0 =	sne.s32 s0, $0x0;
	s0 =	rddreg [dreg:$0x1]  }
0x190: {  	s0 =	sadd.s32 @!p0 $0x100000, s0  }
0x191: {  	[sflag:s0] =	ssyncadd.tile.s32 @!p0 $0x1;
	_ =	shalt  }
.Lfunc_end2:
_tile_overlayer_lowered:
.L_overlay_start_2:
0x192: {  	(tag) =	ssettag $0x2  }
0x193: {  	s0 =	rddreg [dreg:$0x0];
	s2 =	stileid.u32  }
0x194: {  	s1 =	rddreg [dreg:$0x1];
	p0 =	sne.s32 s2, $0x0  }
0x195: {  	s3 =	rddreg [dreg:$0x2];
	[bflag:$0x3] =	sbarrier.arrive $0xFFFF;
	s2 =	simm.s32 @!p0 $0x1C02  }
0x196: {  	[timem:s3], [sflag:s2] =	dma.local @!p0 [hbm:s0], s1  }
0x197: {  	s0 =	simm.s32 @!p0 $0x2  }
0x198: {  	_ =	swait.ge @!p0 [sflag:s0], s1  }
0x199: {  	s1 =	ssub.s32 @!p0 $0x0, s1;
	[sflag:s0] =	ssyncset.done @!p0 $0x0  }
0x19a: {  	[sflag:s0] =	ssyncadd.s32 @!p0 s1  }
0x19b: {  	[bflag:$0x3] =	sbarrier.arrive $0xFFFF  }
0x19c: {  	_ =	shalt  }

// kernel: kernel.8.cloned.1.call-start
scs
__scs_entry_jumppad:
0x0: {  	(pc) =	sbr.rel $0x88, $3  }
0x1: {  	(tag) =	ssettag $0x0;
	lr =	simm.s32 $0x1  }
0x2: {  	[smem:$0x3F92] =	sst lr;
	_ =	strace $0xD0000000  }
0x3: {  	_ = 	snop  }
0x4: {  	_ = 	snop  }
0x5: {  	_ = 	snop  }
0x6: {  	_ = 	snop  }
0x7: {  	_ = 	snop  }
__scs_overlays_trampoline_lowered:
0x8: {  	[smem:$0x3FA1] =	sst s0  }
0x9: {  	[smem:$0x3FA2] =	sst s1  }
0xa: {  	[smem:$0x3FA3] =	sst s2  }
0xb: {  	[smem:$0x3FA4] =	sst s3  }
0xc: {  	[smem:$0x3FA5] =	sst s4  }
0xd: {  	[smem:$0x3FA6] =	sst s5  }
0xe: {  	[smem:$0x3FA7] =	sst s6  }
0xf: {  	[smem:$0x3FA8] =	sst s7  }
0x10: {  	[smem:$0x3FA9] =	sst s8  }
0x11: {  	[smem:$0x3FAA] =	sst s9;
	s0 =	simm.s32 @!p0 $0x0  }
0x12: {  	s1 =	sld [smem:$0x3F90];
	s0 =	simm.s32 @p0 $0x1  }
0x13: {  	[smem:$0x3FAB] =	sst s0;
	s0 =	simm.s32 @!p1 $0x0  }
0x14: {  	s2 =	sld [smem:$0x3F8F];
	s0 =	simm.s32 @p1 $0x1  }
0x15: {  	[smem:$0x3FAC] =	sst s0;
	s0 =	simm.s32 @!p2 $0x0  }
0x16: {  	s3 =	sld [smem:$0x3FDB];
	s0 =	simm.s32 @p2 $0x1  }
0x17: {  	s4 =	simm.s32 $0x1BF5;
	[smem:$0x3FAE] =	sst s0  }
0x18: {  	s0 =	sld [smem:$0x3F91];
	_ =	swait.ge [sflag:s4], $0x0  }
0x19: {  	s7 =	sld [smem:$0x3F92]  }
0x1a: {  	s8 =	sadd.s32 $0xFFFFE003, lr  }
0x1b: {  	s9 =	sadd.s32 $0xFFFFFEF7, lr;
	s5 =	simm.s32 $0xFFFFFFFF;
	p2 =	slt.u32 s8, $0xFFFFF086  }
0x1c: {  	p1 =	slt.u32 s9, $0xF7A;
	s5 =	simm.s32 @!p2 $0x0  }
0x1d: {  	s5 =	simm.s32 @p1 $0x1;
	p0 =	seq.s32 s7, s2  }
0x1e: {  	s7 =	smul.u32 @!p0 $0xF7A, s2;
	p2 =	seq.s32 @!p0 s5, $0x0  }
0x1f: {  	s9 =	smul.u32 $0xF7A, s1;
	s8 =	simm.s32 @!p0 $0x1BF5;
	p2 =	por !p2, p0  }
0x20: {  	[sflag:s8] =	ssyncset.s32 @!p0 $0xFFFFF086;
	s6 =	sadd.s32 @!p0 s3, s7;
	s7 =	simm.s32 @!p0 $0x108  }
0x21: {  	s3 =	sadd.s32 s3, s9;
	s6 =	sadd.s32 @!p0 $0x88, s6;
	s7 =	simm.s32 @p2 $0x1082  }
0x22: {  	[simem:s7], [sflag:s8] =	dma.local @!p0 [hbm:s6], $0xF7A  }
0x23: {  	s9 =	sor.u32 $0xD0000000, s2;
	s6 =	simm.s32 $0x108;
	_ =	swait.ge @!p0 [sflag:s8], $0x0  }
0x24: {  	s3 =	sadd.s32 $0x88, s3;
	s6 =	simm.s32 @!p1 $0x1082;
	[sflag:s4] =	ssyncset.s32 $0xFFFFF086  }
0x25: {  	[simem:s6], [sflag:s4] =	dma.local [hbm:s3], $0xF7A  }
0x26: {  	[smem:$0x3F92] =	sst s1;
	(tag) =	ssettag s2;
	_ =	strace s9  }
0x27: {  	s1 =	sld [smem:$0x3FA2]  }
0x28: {  	s2 =	sld [smem:$0x3FA3]  }
0x29: {  	s4 =	sld [smem:$0x3FA5]  }
0x2a: {  	p0 =	seq.s32 s5, $0x0;
	s5 =	sld [smem:$0x3FA6]  }
0x2b: {  	s6 =	sld [smem:$0x3FA7]  }
0x2c: {  	s7 =	sld [smem:$0x3FA8]  }
0x2d: {  	s3 =	simm.s32 $0x108;
	s8 =	sld [smem:$0x3FA9]  }
0x2e: {  	s3 =	simm.s32 @!p0 $0x1082;
	s9 =	sld [smem:$0x3FAA]  }
0x2f: {  	lr =	sadd.s32 s0, s3;
	s0 =	sld [smem:$0x3FA1]  }
0x30: {  	s3 =	sld [smem:$0x3FA4]  }
0x31: {  	[smem:$0x3FAD] =	sst s10  }
0x32: {  	s10 =	sld [smem:$0x3FAB];
	_ =	sdelay $0x3  }
0x33: {  	p0 =	seq.s32 s10, $0x1;
	s10 =	sld [smem:$0x3FAD];
	_ =	sdelay $0x3  }
0x34: {  	[smem:$0x3FAD] =	sst s10  }
0x35: {  	s10 =	sld [smem:$0x3FAC];
	_ =	sdelay $0x3  }
0x36: {  	p1 =	seq.s32 s10, $0x1;
	s10 =	sld [smem:$0x3FAD];
	_ =	sdelay $0x3  }
0x37: {  	[smem:$0x3FAD] =	sst s10  }
0x38: {  	s10 =	sld [smem:$0x3FAE]  }
0x39: {  	_ = 	snop;
	(pc) =	sbr.ind lr, $3  }
0x3a: {  	_ = 	snop  }
0x3b: {  	_ = 	snop  }
0x3c: {  	p2 =	seq.s32 s10, $0x1;
	s10 =	sld [smem:$0x3FAD]  }
0x3d: {  	_ =	shalt  }
0x3e: {  	_ =	shalt  }
0x3f: {  	_ =	shalt  }
0x40: {  	_ =	shalt  }
0x41: {  	_ =	shalt  }
0x42: {  	_ =	shalt  }
0x43: {  	_ =	shalt  }
0x44: {  	_ =	shalt  }
0x45: {  	_ =	shalt  }
0x46: {  	_ =	shalt  }
0x47: {  	_ =	shalt  }
0x48: {  	_ =	shalt  }
0x49: {  	_ =	shalt  }
0x4a: {  	_ =	shalt  }
0x4b: {  	_ =	shalt  }
0x4c: {  	_ =	shalt  }
0x4d: {  	_ =	shalt  }
0x4e: {  	_ =	shalt  }
0x4f: {  	_ =	shalt  }
0x50: {  	_ =	shalt  }
0x51: {  	_ =	shalt  }
0x52: {  	_ =	shalt  }
0x53: {  	_ =	shalt  }
0x54: {  	_ =	shalt  }
0x55: {  	_ =	shalt  }
0x56: {  	_ =	shalt  }
0x57: {  	_ =	shalt  }
0x58: {  	_ =	shalt  }
0x59: {  	_ =	shalt  }
0x5a: {  	_ =	shalt  }
0x5b: {  	_ =	shalt  }
0x5c: {  	_ =	shalt  }
0x5d: {  	_ =	shalt  }
0x5e: {  	_ =	shalt  }
0x5f: {  	_ =	shalt  }
0x60: {  	_ =	shalt  }
0x61: {  	_ =	shalt  }
0x62: {  	_ =	shalt  }
0x63: {  	_ =	shalt  }
0x64: {  	_ =	shalt  }
0x65: {  	_ =	shalt  }
0x66: {  	_ =	shalt  }
0x67: {  	_ =	shalt  }
0x68: {  	_ =	shalt  }
0x69: {  	_ =	shalt  }
0x6a: {  	_ =	shalt  }
0x6b: {  	_ =	shalt  }
0x6c: {  	_ =	shalt  }
0x6d: {  	_ =	shalt  }
0x6e: {  	_ =	shalt  }
0x6f: {  	_ =	shalt  }
0x70: {  	_ =	shalt  }
0x71: {  	_ =	shalt  }
0x72: {  	_ =	shalt  }
0x73: {  	_ =	shalt  }
0x74: {  	_ =	shalt  }
0x75: {  	_ =	shalt  }
0x76: {  	_ =	shalt  }
0x77: {  	_ =	shalt  }
0x78: {  	_ =	shalt  }
0x79: {  	_ =	shalt  }
0x7a: {  	_ =	shalt  }
0x7b: {  	_ =	shalt  }
0x7c: {  	_ =	shalt  }
0x7d: {  	_ =	shalt  }
0x7e: {  	_ =	shalt  }
0x7f: {  	_ =	shalt  }
0x80: {  	_ =	shalt  }
0x81: {  	_ =	shalt  }
0x82: {  	_ =	shalt  }
0x83: {  	_ =	shalt  }
0x84: {  	_ =	shalt  }
0x85: {  	_ =	shalt  }
0x86: {  	_ =	shalt  }
0x87: {  	_ =	shalt  }
.Lfunc_end0:
.L_simem_size_0:
called_computation_lowered:
.L_overlay_start_0:
0x88: {  	s2 =	sld [smem:$0x3FD9]  }
0x89: {  	s3 =	sld [smem:$0x3FFE];
	_ =	sdelay $0x1  }
0x8a: {  	s1 =	srdreg.scid  }
0x8b: {  	s0 =	sand.u32 $0x1, s1  }
0x8c: {  	s14 =	sshll.u32 s0, $0xA;
	s2 =	sadd.s32 s3, s2  }
0x8d: {  	s2 =	sadd.s32 s2, s14  }
0x8e: {  	[smem:$0x3FB9] =	sst s2  }
0x8f: {  	_ = 	snop  }
0x90: {  	s2 =	sld [smem:$0x3FD0];
	_ =	sdelay $0x2  }
0x91: {  	s15 =	simm.s32 $0xA;
	s4 =	simm.s32 $0x10  }
0x92: {  	[smem:s4], [sflag:s15] =	dma.local [hbm:s2], $0x1  }
0x93: {  	_ =	swait.eq [sflag:s15], $0x1  }
0x94: {  	[sflag:s15] =	ssyncset.done $0x0  }
0x95: {  	[sflag:s15] =	ssyncadd.s32 $0xFFFFFFFF  }
0x96: {  	s16 =	sld [smem:$0x11];
	(tm) =	ssettm $0x1  }
0x97: {  	s17 =	sld [smem:$0x3FFB];
	_ =	sdelay $0x3  }
0x98: {  	_ =	strace s17  }
0x99: {  	s3 =	sld [smem:$0x3FFC];
	_ =	sdelay $0x3  }
0x9a: {  	_ =	strace s3  }
0x9b: {  	s3 =	sld [smem:$0x3FFD];
	_ =	sdelay $0x3  }
0x9c: {  	_ =	strace s3  }
0x9d: {  	_ =	strace $0x8FFFFFFF  }
0x9e: {  	s18 =	sld [smem:$0x3FDB];
	_ =	sdelay $0x1  }
0x9f: {  	s19 =	simm.s32 $_scs_section_size  }
0xa0: {  	s5 =	simm.s32 $_size__tile_overlayer_lowered;
	s6 =	simm.s32 $_tile_overlayer_lowered  }
0xa1: {  	s22 =	simm.s32 $0x1BFF;
	s21 =	sshll.u32 s6, $0x1;
	s3 =	sadd.s32 s19, s18  }
0xa2: {  	s7 =	simm.s32 $0x0;
	s20 =	sshll.u32 s5, $0x1;
	s5 =	sadd.s32 s21, s3  }
0xa3: {  	[timem:s7], [sflag:s22] =	dma.local [hbm:s5], s20  }
0xa4: {  	_ =	swait.ge [sflag:s22], s20  }
0xa5: {  	s4 =	ssub.s32 $0x0, s20;
	[sflag:s22] =	ssyncset.done $0x0  }
0xa6: {  	[sflag:s22] =	ssyncadd.s32 s4;
	_ =	sdelay $0x1  }
0xa7: {  	s23 =	simm.s32 $0x1B8B  }
0xa8: {  	_ =	swait.ge [sflag:s23], $0x1  }
0xa9: {  	[sflag:s23] =	ssyncset.done $0x0  }
0xaa: {  	s25 =	simm.s32 $0x1B8E;
	s24 =	sld [smem:$0x3FFE];
	[sflag:s23] =	ssyncadd.s32 $0xFFFFFFFF  }
0xab: {  	s26 =	simm.s32 $execute0_lowered;
	[smem:$0x3FD2] =	sst s25  }
0xac: {  	s5 =	sshll.u32 s26, $0x1;
	_ =	strace $0x80000046;
	[dreg:$0x1] =	wrdreg $0xFFFFFFFF  }
0xad: {  	s28 =	simm.s32 $_size_execute0_lowered;
	s3 =	sadd.s32 s3, s5;
	[dreg:$0x0] =	wrdreg $0x0  }
0xae: {  	s5 =	sshll.u32 s28, $0x1;
	[dreg:$0x2] =	wrdreg s3  }
0xaf: {  	[dreg:$0x3] =	wrdreg s5  }
0xb0: {  	[dreg:$0x4] =	wrdreg $0xC0  }
0xb1: {  	_ =	task [dreg:s7], $0x5FFFF  }
0xb2: {  	[dreg:$0x1] =	wrdreg $0xFFFFFFFF  }
0xb3: {  	[dreg:$0x0] =	wrdreg $0x60  }
0xb4: {  	[dreg:$0x2] =	wrdreg s24  }
0xb5: {  	[dreg:$0x3] =	wrdreg s16  }
0xb6: {  	[dreg:$0x4] =	wrdreg $0x8800  }
0xb7: {  	[dreg:$0x5] =	wrdreg $0x9  }
0xb8: {  	_ =	task.clear_ibuf [dreg:s7], $0x6FFFF;
	_ =	strace $0x90000046  }
0xb9: {  	s29 =	simm.s32 $0x9;
	_ =	strace $0x80000048  }
0xba: {  	_ =	swait.ge [sflag:s29], $0x1  }
0xbb: {  	[sflag:s29] =	ssyncadd.s32 $0xFFFFFFFF  }
0xbc: {  	_ =	strace $0x90000048  }
0xbd: {  	_ =	sfence  }
0xbe: {  	s30 =	sld [smem:$0x0];
	_ =	sdelay $0x2  }
0xbf: {  	s31 =	sshll.u32 s1, $0xD;
	s1 =	sshrl.u32 s1, $0x2  }
0xc0: {  	s3 =	sand.u32 $0x4000, s31;
	s1 =	sadd.s32 s1, s30  }
0xc1: {  	s0 =	sor.u32 s3, s0;
	s1 =	sshll.u32 s1, $0x11  }
0xc2: {  	s0 =	sor.u32 s1, s0  }
0xc3: {  	s0 =	sadd.s32 $0x8F2B, s0  }
0xc4: {  	[sflag:s0] =	ssyncadd.remote.s32 $0x1  }
0xc5: {  	_ =	sfence.sel $0xFFFF  }
0xc6: {  	[dreg:$0x0] =	wrdreg $0xFFFFFFFF;
	(pc) =	sbr.abs _section_cstart, $3  }
0xc7: {  	[dreg:$0x1] =	wrdreg $0xFFFFFFFF  }
0xc8: {  	_ =	task.clear_ibuf [dreg:s7], $0x2FFFF;
	_ =	strace $0x9FFFFFFF  }
0xc9: {  	(tm) =	ssettm $0x7FFFFFFF  }
tec
execute0_lowered:
.L_overlay_start_1:
0x0: {  	(tag) =	ssettag $0x1  }
0x1: {  	s4 =	rddreg [dreg:$0x0]  }
0x2: {  	s7 =	rddreg [dreg:$0x1]  }
0x3: {  	s2 =	rddreg [dreg:$0x2]  }
0x4: {  	s0 =	rddreg [dreg:$0x3];
	s3 =	simm.s32 $0x0  }
0x5: {  	s1 =	stileid.u32;
	s5 =	srdreg.scid;
	s15 =	simm.s32 $0x2  }
0x6: {  	s16 =	simm.s32 $0x400;
	s17 =	simm.s32 $0x480;
	s18 =	simm.s32 $0x500  }
0x7: {  	s19 =	simm.s32 $0x580;
	s20 =	simm.s32 $0x600;
	s21 =	simm.s32 $0x680  }
0x8: {  	s22 =	simm.s32 $0x700;
	s23 =	simm.s32 $0x780;
	s24 =	simm.s32 $0x0  }
0x9: {  	[smem:$0x7FF] =	sst s3;
	s6 =	smul.u32 $0x1880, s1;
	s5 =	sand.u32 $0x1, s5  }
0xa: {  	s9 =	sadd.s32 $0x3E00, s4;
	s30 =	sshll.u32 s1, $0x1;
	s12 =	smul.u32 $0x31000, s1  }
0xb: {  	s13 =	sshll.u32 s1, $0x6;
	_ =	strace $0x80000047;
	s10 =	ssub.s32 $0x2, s5  }
0xc: {  	s11 =	smul.u32 $0x18800, s5;
	s5 =	sor.u32 s5, s30;
	s8 =	sshrl.u32 s6, $0x3  }
0xd: {  	s29 =	sshrl.u32 s10, $0x1;
	s31 =	sadd.s32 s6, s2;
	s14 =	smul.u32 $0x3100, s5  }
0xe: {  	s5 =	sor.u32 $0x1C03, s13;
	s13 =	simm.s32 $0x800;
	s4 =	sadd.s32 s8, s4  }
0xf: {  	s8 =	ssub.s32 s10, s29;
	s12 =	sadd.s32 s11, s12;
	s11 =	sadd.s32 s6, s11  }
0x10: {  	s10 =	sshrl.u32 s31, $0x3;
	s4 =	sadd.s32 $0xC7E00, s4;
	s12 =	sor.u32 $0x400, s12  }
0x11: {  	s6 =	sadd.s32 s9, s14;
	s11 =	sshrl.u32 s11, $0x3;
	s8 =	smax.u32 s8, $0x1  }
0x12: {  	s14 =	simm.s32 $0x1;
	s12 =	sshrl.u32 s12, $0x3;
	s7 =	sadd.s32 s7, s11  }
0x13: {  	v0 =	vimm.f32 $1.000000000e+00;
	s11 =	simm.s32 $0x3;
	s9 =	sadd.s32 s12, s9;
	s12 =	simm.s32 $0x80  }
.LBB2_1:
0x14: {  	[tilespmem:$0x800] =	vst v0  }
0x15: {  	[tilespmem:$0x810] =	vst v0  }
0x16: {  	[tilespmem:$0x820] =	vst v0  }
0x17: {  	[tilespmem:$0x830] =	vst v0  }
0x18: {  	[tilespmem:$0x840] =	vst v0  }
0x19: {  	[tilespmem:$0x850] =	vst v0  }
0x1a: {  	[tilespmem:$0x860] =	vst v0  }
0x1b: {  	[tilespmem:$0x870] =	vst v0  }
0x1c: {  	[spmem:s10], [sflag:s5] =	dma.local [hbm:s4], $0x310  }
0x1d: {  	_ =	swait.ge [sflag:s11], $0x310  }
0x1e: {  	[sflag:s11] =	ssyncset.done $0x0  }
0x1f: {  	[sflag:s11] =	ssyncadd.s32 $0xFFFFFCF0  }
0x20: {  	[bflag:$0x0] =	sbarrier.arrive $0xFFFF  }
0x21: {  	[tilespmem:s3], [sflag:$0x3] =	stream.linear.gather [hbm4b:s6+s3], $0x400, $0x38;
	[tilespmem:$0x2100] =	vst v63  }
0x22: {  	s25 =	simm.s32 $0x0;
	_ =	swait.ge [sflag:s11], $0x400  }
0x23: {  	s25 =	sand.u32 $0x400, s25;
	[sflag:s11] =	ssyncset.done $0x0  }
0x24: {  	s26 =	sxor.u32 $0x400, s25;
	[sflag:s11] =	ssyncadd.s32 $0xFFFFFC00  }
0x25: {  	[tilespmem:s26], [sflag:$0x1] =	stream.linear.gather [hbm4b:s9+s3], $0x400, $0x38;
	[tilespmem:$0x2100] =	vst v63  }
0x26: {  	_ = 	snop  }
0x27: {  	[spmem:s2] =	stream.indirect.scatter.add.f32 [tilespmem:s13], [sflag:$0x2], $0x1, s25, s12, $0xb8;
	[tilespmem:$0x2100] =	vst v63  }
0x28: {  	s31 =	sor.u32 $0x80, s25  }
0x29: {  	[spmem:s2] =	stream.indirect.scatter.add.f32 [tilespmem:s13], [sflag:$0x2], $0x1, s31, s12, $0xb8;
	[tilespmem:$0x2100] =	vst v63  }
0x2a: {  	s28 =	sor.u32 $0x100, s25  }
0x2b: {  	[spmem:s2] =	stream.indirect.scatter.add.f32 [tilespmem:s13], [sflag:$0x2], $0x1, s28, s12, $0xb8;
	[tilespmem:$0x2100] =	vst v63  }
0x2c: {  	s31 =	sor.u32 $0x180, s25  }
0x2d: {  	[spmem:s2] =	stream.indirect.scatter.add.f32 [tilespmem:s13], [sflag:$0x2], $0x1, s31, s12, $0xb8;
	[tilespmem:$0x2100] =	vst v63  }
0x2e: {  	s28 =	sor.u32 $0x200, s25  }
0x2f: {  	[spmem:s2] =	stream.indirect.scatter.add.f32 [tilespmem:s13], [sflag:$0x2], $0x1, s28, s12, $0xb8;
	[tilespmem:$0x2100] =	vst v63  }
0x30: {  	s31 =	sor.u32 $0x280, s25  }
0x31: {  	[spmem:s2] =	stream.indirect.scatter.add.f32 [tilespmem:s13], [sflag:$0x2], $0x1, s31, s12, $0xb8;
	[tilespmem:$0x2100] =	vst v63  }
0x32: {  	s28 =	sor.u32 $0x300, s25  }
0x33: {  	[spmem:s2] =	stream.indirect.scatter.add.f32 [tilespmem:s13], [sflag:$0x2], $0x1, s28, s12, $0xb8;
	[tilespmem:$0x2100] =	vst v63  }
0x34: {  	s25 =	sor.u32 $0x380, s25  }
0x35: {  	[spmem:s2] =	stream.indirect.scatter.add.f32 [tilespmem:s13], [sflag:$0x2], $0x1, s25, s12, $0xb8;
	[tilespmem:$0x2100] =	vst v63  }
0x36: {  	_ =	swait.ge [sflag:s14], $0x400  }
0x37: {  	[sflag:s14] =	ssyncset.done $0x0  }
0x38: {  	[sflag:s14] =	ssyncadd.s32 $0xFFFFFC00  }
0x39: {  	_ =	swait.ge [sflag:s15], $0x80  }
0x3a: {  	[sflag:s15] =	ssyncset.done $0x0  }
0x3b: {  	[sflag:s15] =	ssyncadd.s32 $0xFFFFFF80  }
0x3c: {  	_ =	swait.ge [sflag:s15], $0x80  }
0x3d: {  	[sflag:s15] =	ssyncset.done $0x0  }
0x3e: {  	[sflag:s15] =	ssyncadd.s32 $0xFFFFFF80  }
0x3f: {  	_ =	swait.ge [sflag:s15], $0x80  }
0x40: {  	[sflag:s15] =	ssyncset.done $0x0  }
0x41: {  	[sflag:s15] =	ssyncadd.s32 $0xFFFFFF80  }
0x42: {  	_ =	swait.ge [sflag:s15], $0x80  }
0x43: {  	[sflag:s15] =	ssyncset.done $0x0  }
0x44: {  	[sflag:s15] =	ssyncadd.s32 $0xFFFFFF80  }
0x45: {  	_ =	swait.ge [sflag:s15], $0x80  }
0x46: {  	[sflag:s15] =	ssyncset.done $0x0  }
0x47: {  	[sflag:s15] =	ssyncadd.s32 $0xFFFFFF80  }
0x48: {  	_ =	swait.ge [sflag:s15], $0x80  }
0x49: {  	[sflag:s15] =	ssyncset.done $0x0  }
0x4a: {  	[sflag:s15] =	ssyncadd.s32 $0xFFFFFF80  }
0x4b: {  	_ =	swait.ge [sflag:s15], $0x80  }
0x4c: {  	[sflag:s15] =	ssyncset.done $0x0  }
0x4d: {  	[sflag:s15] =	ssyncadd.s32 $0xFFFFFF80  }
0x4e: {  	s30 =	simm.s32 $0x2;
	s31 =	simm.s32 $0x400;
	_ =	swait.ge [sflag:s15], $0x80  }
0x4f: {  	s29 =	sand.u32 $0x400, s31;
	s25 =	sadd.s32 $0x80, s9;
	[sflag:s15] =	ssyncset.done $0x0  }
.LBB2_2:
0x50: {  	s31 =	sxor.u32 $0x400, s29  }
0x51: {  	[sflag:s15] =	ssyncadd.s32 $0xFFFFFF80;
	s28 =	smov.u32 s30;
	s26 =	sadd.s32 $0x1, s30  }
0x52: {  	[tilespmem:s31], [sflag:$0x1] =	stream.linear.gather [hbm4b:s25+s3], $0x400, $0x38;
	[tilespmem:$0x2100] =	vst v63  }
0x53: {  	p0 =	sne.s32 s30, $0x60  }
0x54: {  	[spmem:s2] =	stream.indirect.scatter.add.f32 [tilespmem:s13], [sflag:$0x2], $0x1, s29, s12, $0xb8;
	[tilespmem:$0x2100] =	vst v63  }
0x55: {  	s30 =	sor.u32 $0x80, s29  }
0x56: {  	[spmem:s2] =	stream.indirect.scatter.add.f32 [tilespmem:s13], [sflag:$0x2], $0x1, s30, s12, $0xb8;
	[tilespmem:$0x2100] =	vst v63  }
0x57: {  	s30 =	sor.u32 $0x100, s29  }
0x58: {  	[spmem:s2] =	stream.indirect.scatter.add.f32 [tilespmem:s13], [sflag:$0x2], $0x1, s30, s12, $0xb8;
	[tilespmem:$0x2100] =	vst v63  }
0x59: {  	s30 =	sor.u32 $0x180, s29  }
0x5a: {  	[spmem:s2] =	stream.indirect.scatter.add.f32 [tilespmem:s13], [sflag:$0x2], $0x1, s30, s12, $0xb8;
	[tilespmem:$0x2100] =	vst v63  }
0x5b: {  	s30 =	sor.u32 $0x200, s29  }
0x5c: {  	[spmem:s2] =	stream.indirect.scatter.add.f32 [tilespmem:s13], [sflag:$0x2], $0x1, s30, s12, $0xb8;
	[tilespmem:$0x2100] =	vst v63  }
0x5d: {  	s30 =	sor.u32 $0x280, s29  }
0x5e: {  	[spmem:s2] =	stream.indirect.scatter.add.f32 [tilespmem:s13], [sflag:$0x2], $0x1, s30, s12, $0xb8;
	[tilespmem:$0x2100] =	vst v63  }
0x5f: {  	s30 =	sor.u32 $0x300, s29  }
0x60: {  	[spmem:s2] =	stream.indirect.scatter.add.f32 [tilespmem:s13], [sflag:$0x2], $0x1, s30, s12, $0xb8;
	[tilespmem:$0x2100] =	vst v63  }
0x61: {  	s29 =	sor.u32 $0x380, s29  }
0x62: {  	[spmem:s2] =	stream.indirect.scatter.add.f32 [tilespmem:s13], [sflag:$0x2], $0x1, s29, s12, $0xb8;
	[tilespmem:$0x2100] =	vst v63  }
0x63: {  	_ =	swait.ge [sflag:s14], $0x400  }
0x64: {  	[sflag:s14] =	ssyncset.done $0x0  }
0x65: {  	[sflag:s14] =	ssyncadd.s32 $0xFFFFFC00  }
0x66: {  	_ =	swait.ge [sflag:s15], $0x80  }
0x67: {  	[sflag:s15] =	ssyncset.done $0x0  }
0x68: {  	[sflag:s15] =	ssyncadd.s32 $0xFFFFFF80  }
0x69: {  	_ =	swait.ge [sflag:s15], $0x80  }
0x6a: {  	[sflag:s15] =	ssyncset.done $0x0  }
0x6b: {  	[sflag:s15] =	ssyncadd.s32 $0xFFFFFF80  }
0x6c: {  	_ =	swait.ge [sflag:s15], $0x80  }
0x6d: {  	[sflag:s15] =	ssyncset.done $0x0  }
0x6e: {  	[sflag:s15] =	ssyncadd.s32 $0xFFFFFF80  }
0x6f: {  	_ =	swait.ge [sflag:s15], $0x80  }
0x70: {  	[sflag:s15] =	ssyncset.done $0x0  }
0x71: {  	[sflag:s15] =	ssyncadd.s32 $0xFFFFFF80  }
0x72: {  	_ =	swait.ge [sflag:s15], $0x80  }
0x73: {  	[sflag:s15] =	ssyncset.done $0x0  }
0x74: {  	[sflag:s15] =	ssyncadd.s32 $0xFFFFFF80  }
0x75: {  	_ =	swait.ge [sflag:s15], $0x80  }
0x76: {  	[sflag:s15] =	ssyncset.done $0x0  }
0x77: {  	[sflag:s15] =	ssyncadd.s32 $0xFFFFFF80  }
.Ltmp0:
0x78: {  	_ =	swait.ge [sflag:s15], $0x80;
	(pc) =	sbr.rel @p0 .LBB2_2-.Ltmp0, $4  }
0x79: {  	[sflag:s15] =	ssyncset.done $0x0  }
0x7a: {  	[sflag:s15] =	ssyncadd.s32 $0xFFFFFF80  }
0x7b: {  	s28 =	sshll.u32 s28, $0xA;
	s25 =	sadd.s32 $0x80, s25;
	_ =	swait.ge [sflag:s15], $0x80  }
0x7c: {  	s30 =	smov.u32 s26;
	s29 =	sand.u32 $0x400, s28;
	[sflag:s15] =	ssyncset.done $0x0  }
0x7d: {  	s26 =	sxor.u32 $0x400, s29;
	[sflag:s15] =	ssyncadd.s32 $0xFFFFFF80  }
0x7e: {  	[tilespmem:s26], [sflag:$0x1] =	stream.linear.gather [hbm4b:s25+s3], $0x400, $0x38;
	[tilespmem:$0x2100] =	vst v63  }
0x7f: {  	_ = 	snop  }
0x80: {  	[spmem:s2] =	stream.indirect.scatter.add.f32 [tilespmem:s13], [sflag:$0x2], $0x1, s29, s12, $0xb8;
	[tilespmem:$0x2100] =	vst v63  }
0x81: {  	s28 =	sor.u32 $0x80, s29  }
0x82: {  	[spmem:s2] =	stream.indirect.scatter.add.f32 [tilespmem:s13], [sflag:$0x2], $0x1, s28, s12, $0xb8;
	[tilespmem:$0x2100] =	vst v63  }
0x83: {  	s30 =	sor.u32 $0x100, s29  }
0x84: {  	[spmem:s2] =	stream.indirect.scatter.add.f32 [tilespmem:s13], [sflag:$0x2], $0x1, s30, s12, $0xb8;
	[tilespmem:$0x2100] =	vst v63  }
0x85: {  	s31 =	sor.u32 $0x180, s29  }
0x86: {  	[spmem:s2] =	stream.indirect.scatter.add.f32 [tilespmem:s13], [sflag:$0x2], $0x1, s31, s12, $0xb8;
	[tilespmem:$0x2100] =	vst v63  }
0x87: {  	s26 =	sor.u32 $0x200, s29  }
0x88: {  	[spmem:s2] =	stream.indirect.scatter.add.f32 [tilespmem:s13], [sflag:$0x2], $0x1, s26, s12, $0xb8;
	[tilespmem:$0x2100] =	vst v63  }
0x89: {  	s28 =	sor.u32 $0x280, s29  }
0x8a: {  	[spmem:s2] =	stream.indirect.scatter.add.f32 [tilespmem:s13], [sflag:$0x2], $0x1, s28, s12, $0xb8;
	[tilespmem:$0x2100] =	vst v63  }
0x8b: {  	s30 =	sor.u32 $0x300, s29  }
0x8c: {  	[spmem:s2] =	stream.indirect.scatter.add.f32 [tilespmem:s13], [sflag:$0x2], $0x1, s30, s12, $0xb8;
	[tilespmem:$0x2100] =	vst v63  }
0x8d: {  	s31 =	sor.u32 $0x380, s29  }
0x8e: {  	[spmem:s2] =	stream.indirect.scatter.add.f32 [tilespmem:s13], [sflag:$0x2], $0x1, s31, s12, $0xb8;
	[tilespmem:$0x2100] =	vst v63  }
0x8f: {  	_ =	swait.ge [sflag:s14], $0x400  }
0x90: {  	[sflag:s14] =	ssyncset.done $0x0  }
0x91: {  	[sflag:s14] =	ssyncadd.s32 $0xFFFFFC00  }
0x92: {  	_ =	swait.ge [sflag:s15], $0x80  }
0x93: {  	[sflag:s15] =	ssyncset.done $0x0  }
0x94: {  	[sflag:s15] =	ssyncadd.s32 $0xFFFFFF80  }
0x95: {  	_ =	swait.ge [sflag:s15], $0x80  }
0x96: {  	[sflag:s15] =	ssyncset.done $0x0  }
0x97: {  	[sflag:s15] =	ssyncadd.s32 $0xFFFFFF80  }
0x98: {  	_ =	swait.ge [sflag:s15], $0x80  }
0x99: {  	[sflag:s15] =	ssyncset.done $0x0  }
0x9a: {  	[sflag:s15] =	ssyncadd.s32 $0xFFFFFF80  }
0x9b: {  	_ =	swait.ge [sflag:s15], $0x80  }
0x9c: {  	[sflag:s15] =	ssyncset.done $0x0  }
0x9d: {  	[sflag:s15] =	ssyncadd.s32 $0xFFFFFF80  }
0x9e: {  	_ =	swait.ge [sflag:s15], $0x80  }
0x9f: {  	[sflag:s15] =	ssyncset.done $0x0  }
0xa0: {  	[sflag:s15] =	ssyncadd.s32 $0xFFFFFF80  }
0xa1: {  	_ =	swait.ge [sflag:s15], $0x80  }
0xa2: {  	[sflag:s15] =	ssyncset.done $0x0  }
0xa3: {  	[sflag:s15] =	ssyncadd.s32 $0xFFFFFF80  }
0xa4: {  	_ =	swait.ge [sflag:s15], $0x80  }
0xa5: {  	[sflag:s15] =	ssyncset.done $0x0  }
0xa6: {  	[sflag:s15] =	ssyncadd.s32 $0xFFFFFF80  }
0xa7: {  	_ =	swait.ge [sflag:s15], $0x80  }
0xa8: {  	[sflag:s15] =	ssyncset.done $0x0  }
0xa9: {  	[sflag:s15] =	ssyncadd.s32 $0xFFFFFF80  }
0xaa: {  	[spmem:s2] =	stream.indirect.scatter.add.f32 [tilespmem:s13], [sflag:$0x2], $0x1, s16, s12, $0xb8;
	[tilespmem:$0x2100] =	vst v63  }
0xab: {  	_ = 	snop  }
0xac: {  	[spmem:s2] =	stream.indirect.scatter.add.f32 [tilespmem:s13], [sflag:$0x2], $0x1, s17, s12, $0xb8;
	[tilespmem:$0x2100] =	vst v63  }
0xad: {  	_ = 	snop  }
0xae: {  	[spmem:s2] =	stream.indirect.scatter.add.f32 [tilespmem:s13], [sflag:$0x2], $0x1, s18, s12, $0xb8;
	[tilespmem:$0x2100] =	vst v63  }
0xaf: {  	_ = 	snop  }
0xb0: {  	[spmem:s2] =	stream.indirect.scatter.add.f32 [tilespmem:s13], [sflag:$0x2], $0x1, s19, s12, $0xb8;
	[tilespmem:$0x2100] =	vst v63  }
0xb1: {  	_ = 	snop  }
0xb2: {  	[spmem:s2] =	stream.indirect.scatter.add.f32 [tilespmem:s13], [sflag:$0x2], $0x1, s20, s12, $0xb8;
	[tilespmem:$0x2100] =	vst v63  }
0xb3: {  	_ = 	snop  }
0xb4: {  	[spmem:s2] =	stream.indirect.scatter.add.f32 [tilespmem:s13], [sflag:$0x2], $0x1, s21, s12, $0xb8;
	[tilespmem:$0x2100] =	vst v63  }
0xb5: {  	_ = 	snop  }
0xb6: {  	[spmem:s2] =	stream.indirect.scatter.add.f32 [tilespmem:s13], [sflag:$0x2], $0x1, s22, s12, $0xb8;
	[tilespmem:$0x2100] =	vst v63  }
0xb7: {  	_ = 	snop  }
0xb8: {  	[spmem:s2] =	stream.indirect.scatter.add.f32 [tilespmem:s13], [sflag:$0x2], $0x1, s23, s12, $0xb8;
	[tilespmem:$0x2100] =	vst v63  }
0xb9: {  	_ =	swait.ge [sflag:s15], $0x80  }
0xba: {  	[sflag:s15] =	ssyncset.done $0x0  }
0xbb: {  	[sflag:s15] =	ssyncadd.s32 $0xFFFFFF80  }
0xbc: {  	_ =	swait.ge [sflag:s15], $0x80  }
0xbd: {  	[sflag:s15] =	ssyncset.done $0x0  }
0xbe: {  	[sflag:s15] =	ssyncadd.s32 $0xFFFFFF80  }
0xbf: {  	_ =	swait.ge [sflag:s15], $0x80  }
0xc0: {  	[sflag:s15] =	ssyncset.done $0x0  }
0xc1: {  	[sflag:s15] =	ssyncadd.s32 $0xFFFFFF80  }
0xc2: {  	_ =	swait.ge [sflag:s15], $0x80  }
0xc3: {  	[sflag:s15] =	ssyncset.done $0x0  }
0xc4: {  	[sflag:s15] =	ssyncadd.s32 $0xFFFFFF80  }
0xc5: {  	_ =	swait.ge [sflag:s15], $0x80  }
0xc6: {  	[sflag:s15] =	ssyncset.done $0x0  }
0xc7: {  	[sflag:s15] =	ssyncadd.s32 $0xFFFFFF80  }
0xc8: {  	_ =	swait.ge [sflag:s15], $0x80  }
0xc9: {  	[sflag:s15] =	ssyncset.done $0x0  }
0xca: {  	[sflag:s15] =	ssyncadd.s32 $0xFFFFFF80  }
0xcb: {  	_ =	swait.ge [sflag:s15], $0x80  }
0xcc: {  	[sflag:s15] =	ssyncset.done $0x0  }
0xcd: {  	[sflag:s15] =	ssyncadd.s32 $0xFFFFFF80  }
0xce: {  	_ =	swait.ge [sflag:s15], $0x80  }
0xcf: {  	s24 =	sadd.s32 $0x1, s24;
	[sflag:s15] =	ssyncset.done $0x0  }
0xd0: {  	p0 =	sne.s32 s24, s8;
	[sflag:s15] =	ssyncadd.s32 $0xFFFFFF80  }
.Ltmp1:
0xd1: {  	[bflag:$0x0] =	sbarrier.arrive $0xFFFF;
	(pc) =	sbr.rel @p0 .LBB2_1-.Ltmp1, $4  }
0xd2: {  	[hbm:s7], [sflag:s5] =	dma.local [spmem:s10], $0x310  }
0xd3: {  	_ =	swait.ge [sflag:s11], $0x310  }
0xd4: {  	[sflag:s11] =	ssyncset.done $0x0  }
0xd5: {  	[sflag:s11] =	ssyncadd.s32 $0xFFFFFCF0  }
0xd6: {  	_ =	sfence.sel $0x180000  }
0xd7: {  	[bflag:$0x0] =	sbarrier.arrive $0xFFFF  }
0xd8: {  	p0 =	sne.s32 s1, $0x0;
	_ =	strace $0x90000047  }
0xd9: {  	s0 =	sadd.s32 @!p0 $0x100000, s0;
	[bflag:$0x2] =	sbarrier.arrive $0xFFFF  }
0xda: {  	[sflag:s0] =	ssyncadd.tile.s32 @!p0 $0x1;
	_ =	shalt  }
.Lfunc_end2:
_tile_overlayer_lowered:
.L_overlay_start_2:
0xdb: {  	(tag) =	ssettag $0x2  }
0xdc: {  	s0 =	rddreg [dreg:$0x0];
	s2 =	stileid.u32  }
0xdd: {  	s1 =	rddreg [dreg:$0x1];
	p0 =	sne.s32 s2, $0x0  }
0xde: {  	s3 =	rddreg [dreg:$0x2];
	[bflag:$0x3] =	sbarrier.arrive $0xFFFF;
	s2 =	simm.s32 @!p0 $0x1C03  }
0xdf: {  	[timem:s3], [sflag:s2] =	dma.local @!p0 [hbm:s0], s1  }
0xe0: {  	s0 =	simm.s32 @!p0 $0x3  }
0xe1: {  	_ =	swait.ge @!p0 [sflag:s0], s1  }
0xe2: {  	s1 =	ssub.s32 @!p0 $0x0, s1;
	[sflag:s0] =	ssyncset.done @!p0 $0x0  }
0xe3: {  	[sflag:s0] =	ssyncadd.s32 @!p0 s1  }
0xe4: {  	[bflag:$0x3] =	sbarrier.arrive $0xFFFF  }
0xe5: {  	_ =	shalt  }

</sc_bundles>
